<compile_context>
chip_gen: v7x
topology: tpu7x:2x2x1
jax: 0.10.2.dev20260603
libtpu: 0.0.44.dev20260713+nightly
codegen_flags: <defaults>
</compile_context>

<pallas_src>
import functools

import jax
import jax.numpy as jnp
from jax import lax
from jax.experimental import pallas as pl
from jax.experimental.pallas import tpu as pltpu
from jax.experimental.pallas import tpu_sc as plsc

E = 8
K = 2
T = 2
D = 768
F = 768
N = 2048

BN = 2048

_NEG_INF = float("-inf")


def _logits_body(x_ref, wg_ref, out_ref):
    lg = jnp.dot(x_ref[...], wg_ref[...], preferred_element_type=jnp.float32)
    out_ref[...] = lg.T


def _logits(x, Wg2):
    return pl.pallas_call(
        _logits_body,
        out_shape=jax.ShapeDtypeStruct((T * E, N), jnp.float32),
    )(x, Wg2)


_NW = 16
_CHUNK = N // _NW
_L = 16


def _route_body(lt_hbm, gates_hbm, lt_v, gv):
    wid = lax.axis_index("s") * 2 + lax.axis_index("c")
    base = wid * _CHUNK
    pltpu.sync_copy(lt_hbm.at[:, pl.ds(base, _CHUNK)], lt_v)
    for j in range(_CHUNK // _L):
        for t in range(T):
            v = [lt_v[t * E + e, pl.ds(j * _L, _L)] for e in range(E)]
            m1 = v[0]
            for e in range(1, E):
                m1 = jnp.maximum(m1, v[e])
            i1 = jnp.full((_L,), E, jnp.int32)
            for e in range(E - 1, -1, -1):
                i1 = jnp.where(v[e] == m1, e, i1)
            m2 = jnp.full((_L,), _NEG_INF, jnp.float32)
            for e in range(E):
                m2 = jnp.where(i1 == e, m2, jnp.maximum(m2, v[e]))
            i2 = jnp.full((_L,), E, jnp.int32)
            for e in range(E - 1, -1, -1):
                i2 = jnp.where((v[e] == m2) & (i1 != e), e, i2)
            d = jnp.exp(m2 - m1)
            g1 = 1.0 / (1.0 + d)
            g2 = d * g1
            for e in range(E):
                ge = jnp.where(i1 == e, g1, jnp.where(i2 == e, g2, 0.0))
                gv[t * E + e, pl.ds(j * _L, _L)] = ge
    pltpu.sync_copy(gv, gates_hbm.at[:, pl.ds(base, _CHUNK)])


def _route(logitsT):
    mesh = plsc.VectorSubcoreMesh(core_axis_name="c", subcore_axis_name="s")
    body = functools.partial(
        pl.kernel,
        out_type=jax.ShapeDtypeStruct((T * E, N), jnp.float32),
        mesh=mesh,
        scratch_types=[
            pltpu.VMEM((T * E, _CHUNK), jnp.float32),
            pltpu.VMEM((T * E, _CHUNK), jnp.float32),
        ],
    )

    @body
    def routed(lt_hbm, gates_hbm, lt_v, gv):
        wid = lax.axis_index("s") * 2 + lax.axis_index("c")

        @pl.when(wid < _NW)
        def _():
            _route_body(lt_hbm, gates_hbm, lt_v, gv)

    return routed(logitsT)


def _ffn_body(x_ref, g_ref, w1_ref, w2_ref, out_ref):
    e = pl.program_id(1)
    xb = x_ref[...].astype(jnp.bfloat16)
    h = jnp.dot(xb, w1_ref[0].astype(jnp.bfloat16),
                preferred_element_type=jnp.float32)
    h = jnp.maximum(h, 0.01 * h)
    y = jnp.dot(h.astype(jnp.bfloat16), w2_ref[0].astype(jnp.bfloat16),
                preferred_element_type=jnp.float32)

    col = lax.broadcasted_iota(jnp.int32, (T * E, T), 0)
    sel = (col == (lax.broadcasted_iota(jnp.int32, (T * E, T), 1) * E + e))
    gcols = lax.dot_general(
        g_ref[...], sel.astype(jnp.float32),
        dimension_numbers=(((0,), (0,)), ((), ())),
        preferred_element_type=jnp.float32)

    @pl.when(e == 0)
    def _first():
        for t in range(T):
            out_ref[t] = gcols[:, t:t + 1] * y

    @pl.when(e != 0)
    def _rest():
        for t in range(T):
            out_ref[t] += gcols[:, t:t + 1] * y


def _ffn(x, gatesT, W1, W2):
    grid = (N // BN, E)
    return pl.pallas_call(
        _ffn_body,
        grid=grid,
        in_specs=[
            pl.BlockSpec((BN, D), lambda i, e: (i, 0)),
            pl.BlockSpec((T * E, BN), lambda i, e: (0, i)),
            pl.BlockSpec((1, D, F), lambda i, e: (e, 0, 0)),
            pl.BlockSpec((1, F, D), lambda i, e: (e, 0, 0)),
        ],
        out_specs=pl.BlockSpec((T, BN, D), lambda i, e: (0, i, 0)),
        out_shape=jax.ShapeDtypeStruct((T, N, D), jnp.float32),
    )(x, gatesT, W1, W2)


def kernel(x, Wg, W1, W2):
    Wg2 = Wg.transpose(1, 0, 2).reshape(D, T * E)
    logitsT = _logits(x, Wg2)
    gatesT = _route(logitsT)
    return _ffn(x, gatesT, W1, W2)

# --- scband reference (transcript-rebuilt; emitter-appended) ---
"""Pipeline reference for scband-mmo-e-29351806501293 (READ-ONLY COPY).

The authoritative reference and input builder live on the scoring server;
editing this copy changes nothing except your own understanding.
"""

import jax, jax.numpy as jnp
import numpy as np

E = 8      # num_experts
K = 2      # top_k
T = 2      # num_tasks (MMoE: one gate per task, shared experts)
D = 768    # d_model
F = 768    # d_ff
N = 2048   # tokens = batch(1) * seq_len(2048)


def setup_inputs(seed: int = 0) -> dict:
    key = jax.random.key(seed)
    ks = jax.random.split(key, 4)
    x = jax.random.normal(ks[0], (N, D), dtype=jnp.float32)
    # learned params sized per init_kwargs
    Wg = jax.random.normal(ks[1], (T, D, E), dtype=jnp.float32) * 0.02  # per-task gate
    W1 = jax.random.normal(ks[2], (E, D, F), dtype=jnp.float32) * 0.02  # expert up-proj
    W2 = jax.random.normal(ks[3], (E, F, D), dtype=jnp.float32) * 0.02  # expert down-proj
    return {"x": x, "Wg": Wg, "W1": W1, "W2": W2}


def _noisy_topk_gates(x, Wg_t):
    # noisy top-k gating (eval mode: noise omitted), as in the torch
    # SparseDispatcher-based MMoE: keep only top-k expert logits per token,
    # softmax over them, scatter back into a sparse [N, E] gate matrix.
    logits = x @ Wg_t                                  # [N, E]
    topv, topi = jax.lax.top_k(logits, K)              # [N, K]
    topg = jax.nn.softmax(topv, axis=-1)               # [N, K]
    rows = jnp.arange(logits.shape[0])[:, None]
    gates = jnp.zeros_like(logits).at[rows, topi].set(topg)  # sparse scatter
    return gates


def reference(x, Wg, W1, W2):
    # shared experts (leaky_relu matches the torch model's LeakyReLU)
    h = jnp.einsum('nd,edf->enf', x, W1)
    h = jax.nn.leaky_relu(h, negative_slope=0.01)
    expert_out = jnp.einsum('enf,efd->end', h, W2)     # [E, N, D]
    outs = []
    for t in range(T):
        gates = _noisy_topk_gates(x, Wg[t])            # [N, E], K nonzero per row
        # dispatch/combine: mathematically identical to SparseDispatcher's
        # gather-by-nonzero-gate + gate-weighted scatter-add combine
        outs.append(jnp.einsum('ne,end->nd', gates, expert_out))
    return jnp.stack(outs, axis=0)                     # [T, N, D]

if __name__ == "__main__":
    import jax
    _d = setup_inputs()
    print(jax.jit(kernel)(*tuple(_d.values())))

</pallas_src>

<mosaic_0001>
#map = affine_map<(d0, d1) -> (0, 0)>
module attributes {stable_mosaic.version = 14 : i64} {
  func.func @routed(%arg0: i32, %arg1: i32, %arg2: memref<16x2048xf32, #tpu.memory_space<hbm>>, %arg3: memref<16x2048xf32, #tpu.memory_space<hbm>>, %arg4: memref<16x128xf32, #tpu.memory_space<vmem>>, %arg5: memref<16x128xf32, #tpu.memory_space<vmem>>) attributes {dimension_semantics = [#tpu.dimension_semantics<core_parallel>, #tpu.dimension_semantics<subcore_parallel>], iteration_bounds = array<i64: 2, 16>, scalar_prefetch = 0 : i64, scratch_operands = 2 : i64, tpu.core_type = #tpu.core_type<sc_vector_subcore>, window_params = [{transform_indices = #map}, {transform_indices = #map}]} {
    %mul3A = arith.constant 2 : i32
    %mul3A_0 = arith.muli %arg1, %mul3A : i32
    %add3A = arith.addi %mul3A_0, %arg0 : i32
    %lt3A = arith.constant 16 : i32
    %lt3A_1 = arith.cmpi slt, %add3A, %lt3A : i32
    %convert_element_type3A = arith.extui %lt3A_1 : i1 to i32
    %cond3A = arith.constant 0 : i32
    %cond3A_2 = arith.cmpi ne, %convert_element_type3A, %cond3A : i32
    scf.if %cond3A_2 {
      %mul3A_3 = arith.constant 2 : i32
      %mul3A_4 = arith.muli %arg1, %mul3A_3 : i32
      %add3A_5 = arith.addi %mul3A_4, %arg0 : i32
      %mul3A_6 = arith.constant 128 : i32
      %mul3A_7 = arith.muli %add3A_5, %mul3A_6 : i32
      "tpu.region"() ({
        %run_scoped3A = tpu.sem_alloc : memref<!tpu.dma_semaphore, #tpu.memory_space<semaphore_mem>>
        %dma_start3A = arith.constant 0 : i32
        %dma_start3A_5212 = tpu.memref_slice %arg2[%dma_start3A, %mul3A_7] : memref<16x2048xf32, #tpu.memory_space<hbm>> -> memref<16x128xf32, #tpu.memory_space<hbm>>
        %dma_start3A_5213 = arith.constant 0 : i32
        %dma_start3A_5214 = tpu.memref_slice %arg2[%dma_start3A_5213, %mul3A_7] : memref<16x2048xf32, #tpu.memory_space<hbm>> -> memref<16x128xf32, #tpu.memory_space<hbm>>
        tpu.enqueue_dma source(%dma_start3A_5214 : memref<16x128xf32, #tpu.memory_space<hbm>>) target(%arg4 : memref<16x128xf32, #tpu.memory_space<vmem>>) target_semaphore(%run_scoped3A : memref<!tpu.dma_semaphore, #tpu.memory_space<semaphore_mem>>)
        %dma_wait3A = arith.constant 0 : i32
        %dma_wait3A_5215 = tpu.memref_slice %arg2[%dma_wait3A, %mul3A_7] : memref<16x2048xf32, #tpu.memory_space<hbm>> -> memref<16x128xf32, #tpu.memory_space<hbm>>
        %dma_wait3A_5216 = arith.constant 0 : i32
        %dma_wait3A_5217 = tpu.memref_slice %arg2[%dma_wait3A_5216, %mul3A_7] : memref<16x2048xf32, #tpu.memory_space<hbm>> -> memref<16x128xf32, #tpu.memory_space<hbm>>
        tpu.wait_dma2 semaphore(%run_scoped3A : memref<!tpu.dma_semaphore, #tpu.memory_space<semaphore_mem>>) src(%dma_wait3A_5217 : memref<16x128xf32, #tpu.memory_space<hbm>>) dst(%arg4 : memref<16x128xf32, #tpu.memory_space<vmem>>)
        tpu.yield
      }) : () -> ()
      %get3A = arith.constant 0 : i32
      %get3A_8 = arith.index_cast %get3A : i32 to index
      %get3A_9 = arith.constant 0 : index
      %get3A_10 = tpu.vector_load %arg4[%get3A_8, %get3A_9] {strides = array<i32>} : memref<16x128xf32, #tpu.memory_space<vmem>>, vector<1x16xf32>,
      %get3A_11 = vector.shape_cast %get3A_10 : vector<1x16xf32> to vector<16xf32>
      %get3A_12 = arith.constant 1 : i32
      %get3A_13 = arith.index_cast %get3A_12 : i32 to index
      %get3A_14 = arith.constant 0 : index
      %get3A_15 = tpu.vector_load %arg4[%get3A_13, %get3A_14] {strides = array<i32>} : memref<16x128xf32, #tpu.memory_space<vmem>>, vector<1x16xf32>,
      %get3A_16 = vector.shape_cast %get3A_15 : vector<1x16xf32> to vector<16xf32>
      %get3A_17 = arith.constant 2 : i32
      %get3A_18 = arith.index_cast %get3A_17 : i32 to index
      %get3A_19 = arith.constant 0 : index
      %get3A_20 = tpu.vector_load %arg4[%get3A_18, %get3A_19] {strides = array<i32>} : memref<16x128xf32, #tpu.memory_space<vmem>>, vector<1x16xf32>,
      %get3A_21 = vector.shape_cast %get3A_20 : vector<1x16xf32> to vector<16xf32>
      %get3A_22 = arith.constant 3 : i32
      %get3A_23 = arith.index_cast %get3A_22 : i32 to index
      %get3A_24 = arith.constant 0 : index
      %get3A_25 = tpu.vector_load %arg4[%get3A_23, %get3A_24] {strides = array<i32>} : memref<16x128xf32, #tpu.memory_space<vmem>>, vector<1x16xf32>,
      %get3A_26 = vector.shape_cast %get3A_25 : vector<1x16xf32> to vector<16xf32>
      %get3A_27 = arith.constant 4 : i32
      %get3A_28 = arith.index_cast %get3A_27 : i32 to index
      %get3A_29 = arith.constant 0 : index
      %get3A_30 = tpu.vector_load %arg4[%get3A_28, %get3A_29] {strides = array<i32>} : memref<16x128xf32, #tpu.memory_space<vmem>>, vector<1x16xf32>,
      %get3A_31 = vector.shape_cast %get3A_30 : vector<1x16xf32> to vector<16xf32>
      %get3A_32 = arith.constant 5 : i32
      %get3A_33 = arith.index_cast %get3A_32 : i32 to index
      %get3A_34 = arith.constant 0 : index
      %get3A_35 = tpu.vector_load %arg4[%get3A_33, %get3A_34] {strides = array<i32>} : memref<16x128xf32, #tpu.memory_space<vmem>>, vector<1x16xf32>,
      %get3A_36 = vector.shape_cast %get3A_35 : vector<1x16xf32> to vector<16xf32>
      %get3A_37 = arith.constant 6 : i32
      %get3A_38 = arith.index_cast %get3A_37 : i32 to index
      %get3A_39 = arith.constant 0 : index
      %get3A_40 = tpu.vector_load %arg4[%get3A_38, %get3A_39] {strides = array<i32>} : memref<16x128xf32, #tpu.memory_space<vmem>>, vector<1x16xf32>,
      %get3A_41 = vector.shape_cast %get3A_40 : vector<1x16xf32> to vector<16xf32>
      %get3A_42 = arith.constant 7 : i32
      %get3A_43 = arith.index_cast %get3A_42 : i32 to index
      %get3A_44 = arith.constant 0 : index
      %get3A_45 = tpu.vector_load %arg4[%get3A_43, %get3A_44] {strides = array<i32>} : memref<16x128xf32, #tpu.memory_space<vmem>>, vector<1x16xf32>,
      %get3A_46 = vector.shape_cast %get3A_45 : vector<1x16xf32> to vector<16xf32>
      %max3A = arith.maximumf %get3A_11, %get3A_16 : vector<16xf32>
      %max3A_47 = arith.maximumf %max3A, %get3A_21 : vector<16xf32>
      %max3A_48 = arith.maximumf %max3A_47, %get3A_26 : vector<16xf32>
      %max3A_49 = arith.maximumf %max3A_48, %get3A_31 : vector<16xf32>
      %max3A_50 = arith.maximumf %max3A_49, %get3A_36 : vector<16xf32>
      %max3A_51 = arith.maximumf %max3A_50, %get3A_41 : vector<16xf32>
      %max3A_52 = arith.maximumf %max3A_51, %get3A_46 : vector<16xf32>
      %broadcast_in_dim3A = arith.constant 8 : i32
      %broadcast_in_dim3A_53 = vector.broadcast %broadcast_in_dim3A : i32 to vector<16xi32>
      %eq3A = arith.cmpf oeq, %get3A_46, %max3A_52 : vector<16xf32>
      %jit3A = arith.constant 7 : i32
      %broadcast_in_dim3A_54 = vector.broadcast %jit3A : i32 to vector<16xi32>
      %select_n3A = arith.select %eq3A, %broadcast_in_dim3A_54, %broadcast_in_dim3A_53 : vector<16xi1>, vector<16xi32>
      %eq3A_55 = arith.cmpf oeq, %get3A_41, %max3A_52 : vector<16xf32>
      %jit3A_56 = arith.constant 6 : i32
      %broadcast_in_dim3A_57 = vector.broadcast %jit3A_56 : i32 to vector<16xi32>
      %select_n3A_58 = arith.select %eq3A_55, %broadcast_in_dim3A_57, %select_n3A : vector<16xi1>, vector<16xi32>
      %eq3A_59 = arith.cmpf oeq, %get3A_36, %max3A_52 : vector<16xf32>
      %jit3A_60 = arith.constant 5 : i32
      %broadcast_in_dim3A_61 = vector.broadcast %jit3A_60 : i32 to vector<16xi32>
      %select_n3A_62 = arith.select %eq3A_59, %broadcast_in_dim3A_61, %select_n3A_58 : vector<16xi1>, vector<16xi32>
      %eq3A_63 = arith.cmpf oeq, %get3A_31, %max3A_52 : vector<16xf32>
      %jit3A_64 = arith.constant 4 : i32
      %broadcast_in_dim3A_65 = vector.broadcast %jit3A_64 : i32 to vector<16xi32>
      %select_n3A_66 = arith.select %eq3A_63, %broadcast_in_dim3A_65, %select_n3A_62 : vector<16xi1>, vector<16xi32>
      %eq3A_67 = arith.cmpf oeq, %get3A_26, %max3A_52 : vector<16xf32>
      %jit3A_68 = arith.constant 3 : i32
      %broadcast_in_dim3A_69 = vector.broadcast %jit3A_68 : i32 to vector<16xi32>
      %select_n3A_70 = arith.select %eq3A_67, %broadcast_in_dim3A_69, %select_n3A_66 : vector<16xi1>, vector<16xi32>
      %eq3A_71 = arith.cmpf oeq, %get3A_21, %max3A_52 : vector<16xf32>
      %jit3A_72 = arith.constant 2 : i32
      %broadcast_in_dim3A_73 = vector.broadcast %jit3A_72 : i32 to vector<16xi32>
      %select_n3A_74 = arith.select %eq3A_71, %broadcast_in_dim3A_73, %select_n3A_70 : vector<16xi1>, vector<16xi32>
      %eq3A_75 = arith.cmpf oeq, %get3A_16, %max3A_52 : vector<16xf32>
      %jit3A_76 = arith.constant 1 : i32
      %broadcast_in_dim3A_77 = vector.broadcast %jit3A_76 : i32 to vector<16xi32>
      %select_n3A_78 = arith.select %eq3A_75, %broadcast_in_dim3A_77, %select_n3A_74 : vector<16xi1>, vector<16xi32>
      %eq3A_79 = arith.cmpf oeq, %get3A_11, %max3A_52 : vector<16xf32>
      %jit3A_80 = arith.constant 0 : i32
      %broadcast_in_dim3A_81 = vector.broadcast %jit3A_80 : i32 to vector<16xi32>
      %select_n3A_82 = arith.select %eq3A_79, %broadcast_in_dim3A_81, %select_n3A_78 : vector<16xi1>, vector<16xi32>
      %broadcast_in_dim3A_83 = arith.constant 0xFF800000 : f32
      %broadcast_in_dim3A_84 = vector.broadcast %broadcast_in_dim3A_83 : f32 to vector<16xf32>
      %eq3A_85 = arith.constant 0 : i32
      %eq3A_86 = vector.broadcast %eq3A_85 : i32 to vector<16xi32>
      %eq3A_87 = arith.cmpi eq, %select_n3A_82, %eq3A_86 : vector<16xi32>
      %max3A_88 = arith.maximumf %broadcast_in_dim3A_84, %get3A_11 : vector<16xf32>
      %select_n3A_89 = arith.select %eq3A_87, %broadcast_in_dim3A_84, %max3A_88 : vector<16xi1>, vector<16xf32>
      %eq3A_90 = arith.constant 1 : i32
      %eq3A_91 = vector.broadcast %eq3A_90 : i32 to vector<16xi32>
      %eq3A_92 = arith.cmpi eq, %select_n3A_82, %eq3A_91 : vector<16xi32>
      %max3A_93 = arith.maximumf %select_n3A_89, %get3A_16 : vector<16xf32>
      %select_n3A_94 = arith.select %eq3A_92, %select_n3A_89, %max3A_93 : vector<16xi1>, vector<16xf32>
      %eq3A_95 = arith.constant 2 : i32
      %eq3A_96 = vector.broadcast %eq3A_95 : i32 to vector<16xi32>
      %eq3A_97 = arith.cmpi eq, %select_n3A_82, %eq3A_96 : vector<16xi32>
      %max3A_98 = arith.maximumf %select_n3A_94, %get3A_21 : vector<16xf32>
      %select_n3A_99 = arith.select %eq3A_97, %select_n3A_94, %max3A_98 : vector<16xi1>, vector<16xf32>
      %eq3A_100 = arith.constant 3 : i32
      %eq3A_101 = vector.broadcast %eq3A_100 : i32 to vector<16xi32>
      %eq3A_102 = arith.cmpi eq, %select_n3A_82, %eq3A_101 : vector<16xi32>
      %max3A_103 = arith.maximumf %select_n3A_99, %get3A_26 : vector<16xf32>
      %select_n3A_104 = arith.select %eq3A_102, %select_n3A_99, %max3A_103 : vector<16xi1>, vector<16xf32>
      %eq3A_105 = arith.constant 4 : i32
      %eq3A_106 = vector.broadcast %eq3A_105 : i32 to vector<16xi32>
      %eq3A_107 = arith.cmpi eq, %select_n3A_82, %eq3A_106 : vector<16xi32>
      %max3A_108 = arith.maximumf %select_n3A_104, %get3A_31 : vector<16xf32>
      %select_n3A_109 = arith.select %eq3A_107, %select_n3A_104, %max3A_108 : vector<16xi1>, vector<16xf32>
      %eq3A_110 = arith.constant 5 : i32
      %eq3A_111 = vector.broadcast %eq3A_110 : i32 to vector<16xi32>
      %eq3A_112 = arith.cmpi eq, %select_n3A_82, %eq3A_111 : vector<16xi32>
      %max3A_113 = arith.maximumf %select_n3A_109, %get3A_36 : vector<16xf32>
      %select_n3A_114 = arith.select %eq3A_112, %select_n3A_109, %max3A_113 : vector<16xi1>, vector<16xf32>
      %eq3A_115 = arith.constant 6 : i32
      %eq3A_116 = vector.broadcast %eq3A_115 : i32 to vector<16xi32>
      %eq3A_117 = arith.cmpi eq, %select_n3A_82, %eq3A_116 : vector<16xi32>
      %max3A_118 = arith.maximumf %select_n3A_114, %get3A_41 : vector<16xf32>
      %select_n3A_119 = arith.select %eq3A_117, %select_n3A_114, %max3A_118 : vector<16xi1>, vector<16xf32>
      %eq3A_120 = arith.constant 7 : i32
      %eq3A_121 = vector.broadcast %eq3A_120 : i32 to vector<16xi32>
      %eq3A_122 = arith.cmpi eq, %select_n3A_82, %eq3A_121 : vector<16xi32>
      %max3A_123 = arith.maximumf %select_n3A_119, %get3A_46 : vector<16xf32>
      %select_n3A_124 = arith.select %eq3A_122, %select_n3A_119, %max3A_123 : vector<16xi1>, vector<16xf32>
      %broadcast_in_dim3A_125 = arith.constant 8 : i32
      %broadcast_in_dim3A_126 = vector.broadcast %broadcast_in_dim3A_125 : i32 to vector<16xi32>
      %eq3A_127 = arith.cmpf oeq, %get3A_46, %select_n3A_124 : vector<16xf32>
      %ne3A = arith.constant 7 : i32
      %ne3A_128 = vector.broadcast %ne3A : i32 to vector<16xi32>
      %ne3A_129 = arith.cmpi ne, %select_n3A_82, %ne3A_128 : vector<16xi32>
      %and3A = arith.andi %eq3A_127, %ne3A_129 : vector<16xi1>
      %jit3A_130 = arith.constant 7 : i32
      %broadcast_in_dim3A_131 = vector.broadcast %jit3A_130 : i32 to vector<16xi32>
      %select_n3A_132 = arith.select %and3A, %broadcast_in_dim3A_131, %broadcast_in_dim3A_126 : vector<16xi1>, vector<16xi32>
      %eq3A_133 = arith.cmpf oeq, %get3A_41, %select_n3A_124 : vector<16xf32>
      %ne3A_134 = arith.constant 6 : i32
      %ne3A_135 = vector.broadcast %ne3A_134 : i32 to vector<16xi32>
      %ne3A_136 = arith.cmpi ne, %select_n3A_82, %ne3A_135 : vector<16xi32>
      %and3A_137 = arith.andi %eq3A_133, %ne3A_136 : vector<16xi1>
      %jit3A_138 = arith.constant 6 : i32
      %broadcast_in_dim3A_139 = vector.broadcast %jit3A_138 : i32 to vector<16xi32>
      %select_n3A_140 = arith.select %and3A_137, %broadcast_in_dim3A_139, %select_n3A_132 : vector<16xi1>, vector<16xi32>
      %eq3A_141 = arith.cmpf oeq, %get3A_36, %select_n3A_124 : vector<16xf32>
      %ne3A_142 = arith.constant 5 : i32
      %ne3A_143 = vector.broadcast %ne3A_142 : i32 to vector<16xi32>
      %ne3A_144 = arith.cmpi ne, %select_n3A_82, %ne3A_143 : vector<16xi32>
      %and3A_145 = arith.andi %eq3A_141, %ne3A_144 : vector<16xi1>
      %jit3A_146 = arith.constant 5 : i32
      %broadcast_in_dim3A_147 = vector.broadcast %jit3A_146 : i32 to vector<16xi32>
      %select_n3A_148 = arith.select %and3A_145, %broadcast_in_dim3A_147, %select_n3A_140 : vector<16xi1>, vector<16xi32>
      %eq3A_149 = arith.cmpf oeq, %get3A_31, %select_n3A_124 : vector<16xf32>
      %ne3A_150 = arith.constant 4 : i32
      %ne3A_151 = vector.broadcast %ne3A_150 : i32 to vector<16xi32>
      %ne3A_152 = arith.cmpi ne, %select_n3A_82, %ne3A_151 : vector<16xi32>
      %and3A_153 = arith.andi %eq3A_149, %ne3A_152 : vector<16xi1>
      %jit3A_154 = arith.constant 4 : i32
      %broadcast_in_dim3A_155 = vector.broadcast %jit3A_154 : i32 to vector<16xi32>
      %select_n3A_156 = arith.select %and3A_153, %broadcast_in_dim3A_155, %select_n3A_148 : vector<16xi1>, vector<16xi32>
      %eq3A_157 = arith.cmpf oeq, %get3A_26, %select_n3A_124 : vector<16xf32>
      %ne3A_158 = arith.constant 3 : i32
      %ne3A_159 = vector.broadcast %ne3A_158 : i32 to vector<16xi32>
      %ne3A_160 = arith.cmpi ne, %select_n3A_82, %ne3A_159 : vector<16xi32>
      %and3A_161 = arith.andi %eq3A_157, %ne3A_160 : vector<16xi1>
      %jit3A_162 = arith.constant 3 : i32
      %broadcast_in_dim3A_163 = vector.broadcast %jit3A_162 : i32 to vector<16xi32>
      %select_n3A_164 = arith.select %and3A_161, %broadcast_in_dim3A_163, %select_n3A_156 : vector<16xi1>, vector<16xi32>
      %eq3A_165 = arith.cmpf oeq, %get3A_21, %select_n3A_124 : vector<16xf32>
      %ne3A_166 = arith.constant 2 : i32
      %ne3A_167 = vector.broadcast %ne3A_166 : i32 to vector<16xi32>
      %ne3A_168 = arith.cmpi ne, %select_n3A_82, %ne3A_167 : vector<16xi32>
      %and3A_169 = arith.andi %eq3A_165, %ne3A_168 : vector<16xi1>
      %jit3A_170 = arith.constant 2 : i32
      %broadcast_in_dim3A_171 = vector.broadcast %jit3A_170 : i32 to vector<16xi32>
      %select_n3A_172 = arith.select %and3A_169, %broadcast_in_dim3A_171, %select_n3A_164 : vector<16xi1>, vector<16xi32>
      %eq3A_173 = arith.cmpf oeq, %get3A_16, %select_n3A_124 : vector<16xf32>
      %ne3A_174 = arith.constant 1 : i32
      %ne3A_175 = vector.broadcast %ne3A_174 : i32 to vector<16xi32>
      %ne3A_176 = arith.cmpi ne, %select_n3A_82, %ne3A_175 : vector<16xi32>
      %and3A_177 = arith.andi %eq3A_173, %ne3A_176 : vector<16xi1>
      %jit3A_178 = arith.constant 1 : i32
      %broadcast_in_dim3A_179 = vector.broadcast %jit3A_178 : i32 to vector<16xi32>
      %select_n3A_180 = arith.select %and3A_177, %broadcast_in_dim3A_179, %select_n3A_172 : vector<16xi1>, vector<16xi32>
      %eq3A_181 = arith.cmpf oeq, %get3A_11, %select_n3A_124 : vector<16xf32>
      %ne3A_182 = arith.constant 0 : i32
      %ne3A_183 = vector.broadcast %ne3A_182 : i32 to vector<16xi32>
      %ne3A_184 = arith.cmpi ne, %select_n3A_82, %ne3A_183 : vector<16xi32>
      %and3A_185 = arith.andi %eq3A_181, %ne3A_184 : vector<16xi1>
      %jit3A_186 = arith.constant 0 : i32
      %broadcast_in_dim3A_187 = vector.broadcast %jit3A_186 : i32 to vector<16xi32>
      %select_n3A_188 = arith.select %and3A_185, %broadcast_in_dim3A_187, %select_n3A_180 : vector<16xi1>, vector<16xi32>
      %sub3A = arith.subf %select_n3A_124, %max3A_52 : vector<16xf32>
      %exp3A = math.exp %sub3A : vector<16xf32>
      %add3A_189 = arith.constant 1.000000e+00 : f32
      %add3A_190 = vector.broadcast %add3A_189 : f32 to vector<16xf32>
      %add3A_191 = arith.addf %add3A_190, %exp3A : vector<16xf32>
      %div3A = arith.constant 1.000000e+00 : f32
      %div3A_192 = vector.broadcast %div3A : f32 to vector<16xf32>
      %div3A_193 = arith.divf %div3A_192, %add3A_191 : vector<16xf32>
      %mul3A_194 = arith.mulf %exp3A, %div3A_193 : vector<16xf32>
      %eq3A_195 = arith.constant 0 : i32
      %eq3A_196 = vector.broadcast %eq3A_195 : i32 to vector<16xi32>
      %eq3A_197 = arith.cmpi eq, %select_n3A_82, %eq3A_196 : vector<16xi32>
      %eq3A_198 = arith.constant 0 : i32
      %eq3A_199 = vector.broadcast %eq3A_198 : i32 to vector<16xi32>
      %eq3A_200 = arith.cmpi eq, %select_n3A_188, %eq3A_199 : vector<16xi32>
      %jit3A_201 = arith.constant 0.000000e+00 : f32
      %broadcast_in_dim3A_202 = vector.broadcast %jit3A_201 : f32 to vector<16xf32>
      %select_n3A_203 = arith.select %eq3A_200, %mul3A_194, %broadcast_in_dim3A_202 : vector<16xi1>, vector<16xf32>
      %select_n3A_204 = arith.select %eq3A_197, %div3A_193, %select_n3A_203 : vector<16xi1>, vector<16xf32>
      %swap3A = arith.constant 0 : i32
      %swap3A_205 = arith.index_cast %swap3A : i32 to index
      %swap3A_206 = arith.constant 0 : index
      %swap3A_207 = tpu.vector_load %arg5[%swap3A_205, %swap3A_206] {strides = array<i32>} : memref<16x128xf32, #tpu.memory_space<vmem>>, vector<1x16xf32>,
      %swap3A_208 = vector.shape_cast %swap3A_207 : vector<1x16xf32> to vector<16xf32>
      %swap3A_209 = vector.shape_cast %select_n3A_204 : vector<16xf32> to vector<1x16xf32>
      tpu.vector_store %arg5[%swap3A_205, %swap3A_206], %swap3A_209 {strides = array<i32>} : memref<16x128xf32, #tpu.memory_space<vmem>>, vector<1x16xf32>,
      %eq3A_210 = arith.constant 1 : i32
      %eq3A_211 = vector.broadcast %eq3A_210 : i32 to vector<16xi32>
      %eq3A_212 = arith.cmpi eq, %select_n3A_82, %eq3A_211 : vector<16xi32>
      %eq3A_213 = arith.constant 1 : i32
      %eq3A_214 = vector.broadcast %eq3A_213 : i32 to vector<16xi32>
      %eq3A_215 = arith.cmpi eq, %select_n3A_188, %eq3A_214 : vector<16xi32>
      %jit3A_216 = arith.constant 0.000000e+00 : f32
      %broadcast_in_dim3A_217 = vector.broadcast %jit3A_216 : f32 to vector<16xf32>
      %select_n3A_218 = arith.select %eq3A_215, %mul3A_194, %broadcast_in_dim3A_217 : vector<16xi1>, vector<16xf32>
      %select_n3A_219 = arith.select %eq3A_212, %div3A_193, %select_n3A_218 : vector<16xi1>, vector<16xf32>
      %swap3A_220 = arith.constant 1 : i32
      %swap3A_221 = arith.index_cast %swap3A_220 : i32 to index
      %swap3A_222 = arith.constant 0 : index
      %swap3A_223 = tpu.vector_load %arg5[%swap3A_221, %swap3A_222] {strides = array<i32>} : memref<16x128xf32, #tpu.memory_space<vmem>>, vector<1x16xf32>,
      %swap3A_224 = vector.shape_cast %swap3A_223 : vector<1x16xf32> to vector<16xf32>
      %swap3A_225 = vector.shape_cast %select_n3A_219 : vector<16xf32> to vector<1x16xf32>
      tpu.vector_store %arg5[%swap3A_221, %swap3A_222], %swap3A_225 {strides = array<i32>} : memref<16x128xf32, #tpu.memory_space<vmem>>, vector<1x16xf32>,
      %eq3A_226 = arith.constant 2 : i32
      %eq3A_227 = vector.broadcast %eq3A_226 : i32 to vector<16xi32>
      %eq3A_228 = arith.cmpi eq, %select_n3A_82, %eq3A_227 : vector<16xi32>
      %eq3A_229 = arith.constant 2 : i32
      %eq3A_230 = vector.broadcast %eq3A_229 : i32 to vector<16xi32>
      %eq3A_231 = arith.cmpi eq, %select_n3A_188, %eq3A_230 : vector<16xi32>
      %jit3A_232 = arith.constant 0.000000e+00 : f32
      %broadcast_in_dim3A_233 = vector.broadcast %jit3A_232 : f32 to vector<16xf32>
      %select_n3A_234 = arith.select %eq3A_231, %mul3A_194, %broadcast_in_dim3A_233 : vector<16xi1>, vector<16xf32>
      %select_n3A_235 = arith.select %eq3A_228, %div3A_193, %select_n3A_234 : vector<16xi1>, vector<16xf32>
      %swap3A_236 = arith.constant 2 : i32
      %swap3A_237 = arith.index_cast %swap3A_236 : i32 to index
      %swap3A_238 = arith.constant 0 : index
      %swap3A_239 = tpu.vector_load %arg5[%swap3A_237, %swap3A_238] {strides = array<i32>} : memref<16x128xf32, #tpu.memory_space<vmem>>, vector<1x16xf32>,
      %swap3A_240 = vector.shape_cast %swap3A_239 : vector<1x16xf32> to vector<16xf32>
      %swap3A_241 = vector.shape_cast %select_n3A_235 : vector<16xf32> to vector<1x16xf32>
      tpu.vector_store %arg5[%swap3A_237, %swap3A_238], %swap3A_241 {strides = array<i32>} : memref<16x128xf32, #tpu.memory_space<vmem>>, vector<1x16xf32>,
      %eq3A_242 = arith.constant 3 : i32
      %eq3A_243 = vector.broadcast %eq3A_242 : i32 to vector<16xi32>
      %eq3A_244 = arith.cmpi eq, %select_n3A_82, %eq3A_243 : vector<16xi32>
      %eq3A_245 = arith.constant 3 : i32
      %eq3A_246 = vector.broadcast %eq3A_245 : i32 to vector<16xi32>
      %eq3A_247 = arith.cmpi eq, %select_n3A_188, %eq3A_246 : vector<16xi32>
      %jit3A_248 = arith.constant 0.000000e+00 : f32
      %broadcast_in_dim3A_249 = vector.broadcast %jit3A_248 : f32 to vector<16xf32>
      %select_n3A_250 = arith.select %eq3A_247, %mul3A_194, %broadcast_in_dim3A_249 : vector<16xi1>, vector<16xf32>
      %select_n3A_251 = arith.select %eq3A_244, %div3A_193, %select_n3A_250 : vector<16xi1>, vector<16xf32>
      %swap3A_252 = arith.constant 3 : i32
      %swap3A_253 = arith.index_cast %swap3A_252 : i32 to index
      %swap3A_254 = arith.constant 0 : index
      %swap3A_255 = tpu.vector_load %arg5[%swap3A_253, %swap3A_254] {strides = array<i32>} : memref<16x128xf32, #tpu.memory_space<vmem>>, vector<1x16xf32>,
      %swap3A_256 = vector.shape_cast %swap3A_255 : vector<1x16xf32> to vector<16xf32>
      %swap3A_257 = vector.shape_cast %select_n3A_251 : vector<16xf32> to vector<1x16xf32>
      tpu.vector_store %arg5[%swap3A_253, %swap3A_254], %swap3A_257 {strides = array<i32>} : memref<16x128xf32, #tpu.memory_space<vmem>>, vector<1x16xf32>,
      %eq3A_258 = arith.constant 4 : i32
      %eq3A_259 = vector.broadcast %eq3A_258 : i32 to vector<16xi32>
      %eq3A_260 = arith.cmpi eq, %select_n3A_82, %eq3A_259 : vector<16xi32>
      %eq3A_261 = arith.constant 4 : i32
      %eq3A_262 = vector.broadcast %eq3A_261 : i32 to vector<16xi32>
      %eq3A_263 = arith.cmpi eq, %select_n3A_188, %eq3A_262 : vector<16xi32>
      %jit3A_264 = arith.constant 0.000000e+00 : f32
      %broadcast_in_dim3A_265 = vector.broadcast %jit3A_264 : f32 to vector<16xf32>
      %select_n3A_266 = arith.select %eq3A_263, %mul3A_194, %broadcast_in_dim3A_265 : vector<16xi1>, vector<16xf32>
      %select_n3A_267 = arith.select %eq3A_260, %div3A_193, %select_n3A_266 : vector<16xi1>, vector<16xf32>
      %swap3A_268 = arith.constant 4 : i32
      %swap3A_269 = arith.index_cast %swap3A_268 : i32 to index
      %swap3A_270 = arith.constant 0 : index
      %swap3A_271 = tpu.vector_load %arg5[%swap3A_269, %swap3A_270] {strides = array<i32>} : memref<16x128xf32, #tpu.memory_space<vmem>>, vector<1x16xf32>,
      %swap3A_272 = vector.shape_cast %swap3A_271 : vector<1x16xf32> to vector<16xf32>
      %swap3A_273 = vector.shape_cast %select_n3A_267 : vector<16xf32> to vector<1x16xf32>
      tpu.vector_store %arg5[%swap3A_269, %swap3A_270], %swap3A_273 {strides = array<i32>} : memref<16x128xf32, #tpu.memory_space<vmem>>, vector<1x16xf32>,
      %eq3A_274 = arith.constant 5 : i32
      %eq3A_275 = vector.broadcast %eq3A_274 : i32 to vector<16xi32>
      %eq3A_276 = arith.cmpi eq, %select_n3A_82, %eq3A_275 : vector<16xi32>
      %eq3A_277 = arith.constant 5 : i32
      %eq3A_278 = vector.broadcast %eq3A_277 : i32 to vector<16xi32>
      %eq3A_279 = arith.cmpi eq, %select_n3A_188, %eq3A_278 : vector<16xi32>
      %jit3A_280 = arith.constant 0.000000e+00 : f32
      %broadcast_in_dim3A_281 = vector.broadcast %jit3A_280 : f32 to vector<16xf32>
      %select_n3A_282 = arith.select %eq3A_279, %mul3A_194, %broadcast_in_dim3A_281 : vector<16xi1>, vector<16xf32>
      %select_n3A_283 = arith.select %eq3A_276, %div3A_193, %select_n3A_282 : vector<16xi1>, vector<16xf32>
      %swap3A_284 = arith.constant 5 : i32
      %swap3A_285 = arith.index_cast %swap3A_284 : i32 to index
      %swap3A_286 = arith.constant 0 : index
      %swap3A_287 = tpu.vector_load %arg5[%swap3A_285, %swap3A_286] {strides = array<i32>} : memref<16x128xf32, #tpu.memory_space<vmem>>, vector<1x16xf32>,
      %swap3A_288 = vector.shape_cast %swap3A_287 : vector<1x16xf32> to vector<16xf32>
      %swap3A_289 = vector.shape_cast %select_n3A_283 : vector<16xf32> to vector<1x16xf32>
      tpu.vector_store %arg5[%swap3A_285, %swap3A_286], %swap3A_289 {strides = array<i32>} : memref<16x128xf32, #tpu.memory_space<vmem>>, vector<1x16xf32>,
      %eq3A_290 = arith.constant 6 : i32
      %eq3A_291 = vector.broadcast %eq3A_290 : i32 to vector<16xi32>
      %eq3A_292 = arith.cmpi eq, %select_n3A_82, %eq3A_291 : vector<16xi32>
      %eq3A_293 = arith.constant 6 : i32
      %eq3A_294 = vector.broadcast %eq3A_293 : i32 to vector<16xi32>
      %eq3A_295 = arith.cmpi eq, %select_n3A_188, %eq3A_294 : vector<16xi32>
      %jit3A_296 = arith.constant 0.000000e+00 : f32
      %broadcast_in_dim3A_297 = vector.broadcast %jit3A_296 : f32 to vector<16xf32>
      %select_n3A_298 = arith.select %eq3A_295, %mul3A_194, %broadcast_in_dim3A_297 : vector<16xi1>, vector<16xf32>
      %select_n3A_299 = arith.select %eq3A_292, %div3A_193, %select_n3A_298 : vector<16xi1>, vector<16xf32>
      %swap3A_300 = arith.constant 6 : i32
      %swap3A_301 = arith.index_cast %swap3A_300 : i32 to index
      %swap3A_302 = arith.constant 0 : index
      %swap3A_303 = tpu.vector_load %arg5[%swap3A_301, %swap3A_302] {strides = array<i32>} : memref<16x128xf32, #tpu.memory_space<vmem>>, vector<1x16xf32>,
      %swap3A_304 = vector.shape_cast %swap3A_303 : vector<1x16xf32> to vector<16xf32>
      %swap3A_305 = vector.shape_cast %select_n3A_299 : vector<16xf32> to vector<1x16xf32>
      tpu.vector_store %arg5[%swap3A_301, %swap3A_302], %swap3A_305 {strides = array<i32>} : memref<16x128xf32, #tpu.memory_space<vmem>>, vector<1x16xf32>,
      %eq3A_306 = arith.constant 7 : i32
      %eq3A_307 = vector.broadcast %eq3A_306 : i32 to vector<16xi32>
      %eq3A_308 = arith.cmpi eq, %select_n3A_82, %eq3A_307 : vector<16xi32>
      %eq3A_309 = arith.constant 7 : i32
      %eq3A_310 = vector.broadcast %eq3A_309 : i32 to vector<16xi32>
      %eq3A_311 = arith.cmpi eq, %select_n3A_188, %eq3A_310 : vector<16xi32>
      %jit3A_312 = arith.constant 0.000000e+00 : f32
      %broadcast_in_dim3A_313 = vector.broadcast %jit3A_312 : f32 to vector<16xf32>
      %select_n3A_314 = arith.select %eq3A_311, %mul3A_194, %broadcast_in_dim3A_313 : vector<16xi1>, vector<16xf32>
      %select_n3A_315 = arith.select %eq3A_308, %div3A_193, %select_n3A_314 : vector<16xi1>, vector<16xf32>
      %swap3A_316 = arith.constant 7 : i32
      %swap3A_317 = arith.index_cast %swap3A_316 : i32 to index
      %swap3A_318 = arith.constant 0 : index
      %swap3A_319 = tpu.vector_load %arg5[%swap3A_317, %swap3A_318] {strides = array<i32>} : memref<16x128xf32, #tpu.memory_space<vmem>>, vector<1x16xf32>,
      %swap3A_320 = vector.shape_cast %swap3A_319 : vector<1x16xf32> to vector<16xf32>
      %swap3A_321 = vector.shape_cast %select_n3A_315 : vector<16xf32> to vector<1x16xf32>
      tpu.vector_store %arg5[%swap3A_317, %swap3A_318], %swap3A_321 {strides = array<i32>} : memref<16x128xf32, #tpu.memory_space<vmem>>, vector<1x16xf32>,
      %get3A_322 = arith.constant 8 : i32
      %get3A_323 = arith.index_cast %get3A_322 : i32 to index
      %get3A_324 = arith.constant 0 : index
      %get3A_325 = tpu.vector_load %arg4[%get3A_323, %get3A_324] {strides = array<i32>} : memref<16x128xf32, #tpu.memory_space<vmem>>, vector<1x16xf32>,
      %get3A_326 = vector.shape_cast %get3A_325 : vector<1x16xf32> to vector<16xf32>
      %get3A_327 = arith.constant 9 : i32
      %get3A_328 = arith.index_cast %get3A_327 : i32 to index
      %get3A_329 = arith.constant 0 : index
      %get3A_330 = tpu.vector_load %arg4[%get3A_328, %get3A_329] {strides = array<i32>} : memref<16x128xf32, #tpu.memory_space<vmem>>, vector<1x16xf32>,
      %get3A_331 = vector.shape_cast %get3A_330 : vector<1x16xf32> to vector<16xf32>
      %get3A_332 = arith.constant 10 : i32
      %get3A_333 = arith.index_cast %get3A_332 : i32 to index
      %get3A_334 = arith.constant 0 : index
      %get3A_335 = tpu.vector_load %arg4[%get3A_333, %get3A_334] {strides = array<i32>} : memref<16x128xf32, #tpu.memory_space<vmem>>, vector<1x16xf32>,
      %get3A_336 = vector.shape_cast %get3A_335 : vector<1x16xf32> to vector<16xf32>
      %get3A_337 = arith.constant 11 : i32
      %get3A_338 = arith.index_cast %get3A_337 : i32 to index
      %get3A_339 = arith.constant 0 : index
      %get3A_340 = tpu.vector_load %arg4[%get3A_338, %get3A_339] {strides = array<i32>} : memref<16x128xf32, #tpu.memory_space<vmem>>, vector<1x16xf32>,
      %get3A_341 = vector.shape_cast %get3A_340 : vector<1x16xf32> to vector<16xf32>
      %get3A_342 = arith.constant 12 : i32
      %get3A_343 = arith.index_cast %get3A_342 : i32 to index
      %get3A_344 = arith.constant 0 : index
      %get3A_345 = tpu.vector_load %arg4[%get3A_343, %get3A_344] {strides = array<i32>} : memref<16x128xf32, #tpu.memory_space<vmem>>, vector<1x16xf32>,
      %get3A_346 = vector.shape_cast %get3A_345 : vector<1x16xf32> to vector<16xf32>
      %get3A_347 = arith.constant 13 : i32
      %get3A_348 = arith.index_cast %get3A_347 : i32 to index
      %get3A_349 = arith.constant 0 : index
      %get3A_350 = tpu.vector_load %arg4[%get3A_348, %get3A_349] {strides = array<i32>} : memref<16x128xf32, #tpu.memory_space<vmem>>, vector<1x16xf32>,
      %get3A_351 = vector.shape_cast %get3A_350 : vector<1x16xf32> to vector<16xf32>
      %get3A_352 = arith.constant 14 : i32
      %get3A_353 = arith.index_cast %get3A_352 : i32 to index
      %get3A_354 = arith.constant 0 : index
      %get3A_355 = tpu.vector_load %arg4[%get3A_353, %get3A_354] {strides = array<i32>} : memref<16x128xf32, #tpu.memory_space<vmem>>, vector<1x16xf32>,
      %get3A_356 = vector.shape_cast %get3A_355 : vector<1x16xf32> to vector<16xf32>
      %get3A_357 = arith.constant 15 : i32
      %get3A_358 = arith.index_cast %get3A_357 : i32 to index
      %get3A_359 = arith.constant 0 : index
      %get3A_360 = tpu.vector_load %arg4[%get3A_358, %get3A_359] {strides = array<i32>} : memref<16x128xf32, #tpu.memory_space<vmem>>, vector<1x16xf32>,
      %get3A_361 = vector.shape_cast %get3A_360 : vector<1x16xf32> to vector<16xf32>
      %max3A_362 = arith.maximumf %get3A_326, %get3A_331 : vector<16xf32>
      %max3A_363 = arith.maximumf %max3A_362, %get3A_336 : vector<16xf32>
      %max3A_364 = arith.maximumf %max3A_363, %get3A_341 : vector<16xf32>
      %max3A_365 = arith.maximumf %max3A_364, %get3A_346 : vector<16xf32>
      %max3A_366 = arith.maximumf %max3A_365, %get3A_351 : vector<16xf32>
      %max3A_367 = arith.maximumf %max3A_366, %get3A_356 : vector<16xf32>
      %max3A_368 = arith.maximumf %max3A_367, %get3A_361 : vector<16xf32>
      %broadcast_in_dim3A_369 = arith.constant 8 : i32
      %broadcast_in_dim3A_370 = vector.broadcast %broadcast_in_dim3A_369 : i32 to vector<16xi32>
      %eq3A_371 = arith.cmpf oeq, %get3A_361, %max3A_368 : vector<16xf32>
      %jit3A_372 = arith.constant 7 : i32
      %broadcast_in_dim3A_373 = vector.broadcast %jit3A_372 : i32 to vector<16xi32>
      %select_n3A_374 = arith.select %eq3A_371, %broadcast_in_dim3A_373, %broadcast_in_dim3A_370 : vector<16xi1>, vector<16xi32>
      %eq3A_375 = arith.cmpf oeq, %get3A_356, %max3A_368 : vector<16xf32>
      %jit3A_376 = arith.constant 6 : i32
      %broadcast_in_dim3A_377 = vector.broadcast %jit3A_376 : i32 to vector<16xi32>
      %select_n3A_378 = arith.select %eq3A_375, %broadcast_in_dim3A_377, %select_n3A_374 : vector<16xi1>, vector<16xi32>
      %eq3A_379 = arith.cmpf oeq, %get3A_351, %max3A_368 : vector<16xf32>
      %jit3A_380 = arith.constant 5 : i32
      %broadcast_in_dim3A_381 = vector.broadcast %jit3A_380 : i32 to vector<16xi32>
      %select_n3A_382 = arith.select %eq3A_379, %broadcast_in_dim3A_381, %select_n3A_378 : vector<16xi1>, vector<16xi32>
      %eq3A_383 = arith.cmpf oeq, %get3A_346, %max3A_368 : vector<16xf32>
      %jit3A_384 = arith.constant 4 : i32
      %broadcast_in_dim3A_385 = vector.broadcast %jit3A_384 : i32 to vector<16xi32>
      %select_n3A_386 = arith.select %eq3A_383, %broadcast_in_dim3A_385, %select_n3A_382 : vector<16xi1>, vector<16xi32>
      %eq3A_387 = arith.cmpf oeq, %get3A_341, %max3A_368 : vector<16xf32>
      %jit3A_388 = arith.constant 3 : i32
      %broadcast_in_dim3A_389 = vector.broadcast %jit3A_388 : i32 to vector<16xi32>
      %select_n3A_390 = arith.select %eq3A_387, %broadcast_in_dim3A_389, %select_n3A_386 : vector<16xi1>, vector<16xi32>
      %eq3A_391 = arith.cmpf oeq, %get3A_336, %max3A_368 : vector<16xf32>
      %jit3A_392 = arith.constant 2 : i32
      %broadcast_in_dim3A_393 = vector.broadcast %jit3A_392 : i32 to vector<16xi32>
      %select_n3A_394 = arith.select %eq3A_391, %broadcast_in_dim3A_393, %select_n3A_390 : vector<16xi1>, vector<16xi32>
      %eq3A_395 = arith.cmpf oeq, %get3A_331, %max3A_368 : vector<16xf32>
      %jit3A_396 = arith.constant 1 : i32
      %broadcast_in_dim3A_397 = vector.broadcast %jit3A_396 : i32 to vector<16xi32>
      %select_n3A_398 = arith.select %eq3A_395, %broadcast_in_dim3A_397, %select_n3A_394 : vector<16xi1>, vector<16xi32>
      %eq3A_399 = arith.cmpf oeq, %get3A_326, %max3A_368 : vector<16xf32>
      %jit3A_400 = arith.constant 0 : i32
      %broadcast_in_dim3A_401 = vector.broadcast %jit3A_400 : i32 to vector<16xi32>
      %select_n3A_402 = arith.select %eq3A_399, %broadcast_in_dim3A_401, %select_n3A_398 : vector<16xi1>, vector<16xi32>
      %broadcast_in_dim3A_403 = arith.constant 0xFF800000 : f32
      %broadcast_in_dim3A_404 = vector.broadcast %broadcast_in_dim3A_403 : f32 to vector<16xf32>
      %eq3A_405 = arith.constant 0 : i32
      %eq3A_406 = vector.broadcast %eq3A_405 : i32 to vector<16xi32>
      %eq3A_407 = arith.cmpi eq, %select_n3A_402, %eq3A_406 : vector<16xi32>
      %max3A_408 = arith.maximumf %broadcast_in_dim3A_404, %get3A_326 : vector<16xf32>
      %select_n3A_409 = arith.select %eq3A_407, %broadcast_in_dim3A_404, %max3A_408 : vector<16xi1>, vector<16xf32>
      %eq3A_410 = arith.constant 1 : i32
      %eq3A_411 = vector.broadcast %eq3A_410 : i32 to vector<16xi32>
      %eq3A_412 = arith.cmpi eq, %select_n3A_402, %eq3A_411 : vector<16xi32>
      %max3A_413 = arith.maximumf %select_n3A_409, %get3A_331 : vector<16xf32>
      %select_n3A_414 = arith.select %eq3A_412, %select_n3A_409, %max3A_413 : vector<16xi1>, vector<16xf32>
      %eq3A_415 = arith.constant 2 : i32
      %eq3A_416 = vector.broadcast %eq3A_415 : i32 to vector<16xi32>
      %eq3A_417 = arith.cmpi eq, %select_n3A_402, %eq3A_416 : vector<16xi32>
      %max3A_418 = arith.maximumf %select_n3A_414, %get3A_336 : vector<16xf32>
      %select_n3A_419 = arith.select %eq3A_417, %select_n3A_414, %max3A_418 : vector<16xi1>, vector<16xf32>
      %eq3A_420 = arith.constant 3 : i32
      %eq3A_421 = vector.broadcast %eq3A_420 : i32 to vector<16xi32>
      %eq3A_422 = arith.cmpi eq, %select_n3A_402, %eq3A_421 : vector<16xi32>
      %max3A_423 = arith.maximumf %select_n3A_419, %get3A_341 : vector<16xf32>
      %select_n3A_424 = arith.select %eq3A_422, %select_n3A_419, %max3A_423 : vector<16xi1>, vector<16xf32>
      %eq3A_425 = arith.constant 4 : i32
      %eq3A_426 = vector.broadcast %eq3A_425 : i32 to vector<16xi32>
      %eq3A_427 = arith.cmpi eq, %select_n3A_402, %eq3A_426 : vector<16xi32>
      %max3A_428 = arith.maximumf %select_n3A_424, %get3A_346 : vector<16xf32>
      %select_n3A_429 = arith.select %eq3A_427, %select_n3A_424, %max3A_428 : vector<16xi1>, vector<16xf32>
      %eq3A_430 = arith.constant 5 : i32
      %eq3A_431 = vector.broadcast %eq3A_430 : i32 to vector<16xi32>
      %eq3A_432 = arith.cmpi eq, %select_n3A_402, %eq3A_431 : vector<16xi32>
      %max3A_433 = arith.maximumf %select_n3A_429, %get3A_351 : vector<16xf32>
      %select_n3A_434 = arith.select %eq3A_432, %select_n3A_429, %max3A_433 : vector<16xi1>, vector<16xf32>
      %eq3A_435 = arith.constant 6 : i32
      %eq3A_436 = vector.broadcast %eq3A_435 : i32 to vector<16xi32>
      %eq3A_437 = arith.cmpi eq, %select_n3A_402, %eq3A_436 : vector<16xi32>
      %max3A_438 = arith.maximumf %select_n3A_434, %get3A_356 : vector<16xf32>
      %select_n3A_439 = arith.select %eq3A_437, %select_n3A_434, %max3A_438 : vector<16xi1>, vector<16xf32>
      %eq3A_440 = arith.constant 7 : i32
      %eq3A_441 = vector.broadcast %eq3A_440 : i32 to vector<16xi32>
      %eq3A_442 = arith.cmpi eq, %select_n3A_402, %eq3A_441 : vector<16xi32>
      %max3A_443 = arith.maximumf %select_n3A_439, %get3A_361 : vector<16xf32>
      %select_n3A_444 = arith.select %eq3A_442, %select_n3A_439, %max3A_443 : vector<16xi1>, vector<16xf32>
      %broadcast_in_dim3A_445 = arith.constant 8 : i32
      %broadcast_in_dim3A_446 = vector.broadcast %broadcast_in_dim3A_445 : i32 to vector<16xi32>
      %eq3A_447 = arith.cmpf oeq, %get3A_361, %select_n3A_444 : vector<16xf32>
      %ne3A_448 = arith.constant 7 : i32
      %ne3A_449 = vector.broadcast %ne3A_448 : i32 to vector<16xi32>
      %ne3A_450 = arith.cmpi ne, %select_n3A_402, %ne3A_449 : vector<16xi32>
      %and3A_451 = arith.andi %eq3A_447, %ne3A_450 : vector<16xi1>
      %jit3A_452 = arith.constant 7 : i32
      %broadcast_in_dim3A_453 = vector.broadcast %jit3A_452 : i32 to vector<16xi32>
      %select_n3A_454 = arith.select %and3A_451, %broadcast_in_dim3A_453, %broadcast_in_dim3A_446 : vector<16xi1>, vector<16xi32>
      %eq3A_455 = arith.cmpf oeq, %get3A_356, %select_n3A_444 : vector<16xf32>
      %ne3A_456 = arith.constant 6 : i32
      %ne3A_457 = vector.broadcast %ne3A_456 : i32 to vector<16xi32>
      %ne3A_458 = arith.cmpi ne, %select_n3A_402, %ne3A_457 : vector<16xi32>
      %and3A_459 = arith.andi %eq3A_455, %ne3A_458 : vector<16xi1>
      %jit3A_460 = arith.constant 6 : i32
      %broadcast_in_dim3A_461 = vector.broadcast %jit3A_460 : i32 to vector<16xi32>
      %select_n3A_462 = arith.select %and3A_459, %broadcast_in_dim3A_461, %select_n3A_454 : vector<16xi1>, vector<16xi32>
      %eq3A_463 = arith.cmpf oeq, %get3A_351, %select_n3A_444 : vector<16xf32>
      %ne3A_464 = arith.constant 5 : i32
      %ne3A_465 = vector.broadcast %ne3A_464 : i32 to vector<16xi32>
      %ne3A_466 = arith.cmpi ne, %select_n3A_402, %ne3A_465 : vector<16xi32>
      %and3A_467 = arith.andi %eq3A_463, %ne3A_466 : vector<16xi1>
      %jit3A_468 = arith.constant 5 : i32
      %broadcast_in_dim3A_469 = vector.broadcast %jit3A_468 : i32 to vector<16xi32>
      %select_n3A_470 = arith.select %and3A_467, %broadcast_in_dim3A_469, %select_n3A_462 : vector<16xi1>, vector<16xi32>
      %eq3A_471 = arith.cmpf oeq, %get3A_346, %select_n3A_444 : vector<16xf32>
      %ne3A_472 = arith.constant 4 : i32
      %ne3A_473 = vector.broadcast %ne3A_472 : i32 to vector<16xi32>
      %ne3A_474 = arith.cmpi ne, %select_n3A_402, %ne3A_473 : vector<16xi32>
      %and3A_475 = arith.andi %eq3A_471, %ne3A_474 : vector<16xi1>
      %jit3A_476 = arith.constant 4 : i32
      %broadcast_in_dim3A_477 = vector.broadcast %jit3A_476 : i32 to vector<16xi32>
      %select_n3A_478 = arith.select %and3A_475, %broadcast_in_dim3A_477, %select_n3A_470 : vector<16xi1>, vector<16xi32>
      %eq3A_479 = arith.cmpf oeq, %get3A_341, %select_n3A_444 : vector<16xf32>
      %ne3A_480 = arith.constant 3 : i32
      %ne3A_481 = vector.broadcast %ne3A_480 : i32 to vector<16xi32>
      %ne3A_482 = arith.cmpi ne, %select_n3A_402, %ne3A_481 : vector<16xi32>
      %and3A_483 = arith.andi %eq3A_479, %ne3A_482 : vector<16xi1>
      %jit3A_484 = arith.constant 3 : i32
      %broadcast_in_dim3A_485 = vector.broadcast %jit3A_484 : i32 to vector<16xi32>
      %select_n3A_486 = arith.select %and3A_483, %broadcast_in_dim3A_485, %select_n3A_478 : vector<16xi1>, vector<16xi32>
      %eq3A_487 = arith.cmpf oeq, %get3A_336, %select_n3A_444 : vector<16xf32>
      %ne3A_488 = arith.constant 2 : i32
      %ne3A_489 = vector.broadcast %ne3A_488 : i32 to vector<16xi32>
      %ne3A_490 = arith.cmpi ne, %select_n3A_402, %ne3A_489 : vector<16xi32>
      %and3A_491 = arith.andi %eq3A_487, %ne3A_490 : vector<16xi1>
      %jit3A_492 = arith.constant 2 : i32
      %broadcast_in_dim3A_493 = vector.broadcast %jit3A_492 : i32 to vector<16xi32>
      %select_n3A_494 = arith.select %and3A_491, %broadcast_in_dim3A_493, %select_n3A_486 : vector<16xi1>, vector<16xi32>
      %eq3A_495 = arith.cmpf oeq, %get3A_331, %select_n3A_444 : vector<16xf32>
      %ne3A_496 = arith.constant 1 : i32
      %ne3A_497 = vector.broadcast %ne3A_496 : i32 to vector<16xi32>
      %ne3A_498 = arith.cmpi ne, %select_n3A_402, %ne3A_497 : vector<16xi32>
      %and3A_499 = arith.andi %eq3A_495, %ne3A_498 : vector<16xi1>
      %jit3A_500 = arith.constant 1 : i32
      %broadcast_in_dim3A_501 = vector.broadcast %jit3A_500 : i32 to vector<16xi32>
      %select_n3A_502 = arith.select %and3A_499, %broadcast_in_dim3A_501, %select_n3A_494 : vector<16xi1>, vector<16xi32>
      %eq3A_503 = arith.cmpf oeq, %get3A_326, %select_n3A_444 : vector<16xf32>
      %ne3A_504 = arith.constant 0 : i32
      %ne3A_505 = vector.broadcast %ne3A_504 : i32 to vector<16xi32>
      %ne3A_506 = arith.cmpi ne, %select_n3A_402, %ne3A_505 : vector<16xi32>
      %and3A_507 = arith.andi %eq3A_503, %ne3A_506 : vector<16xi1>
      %jit3A_508 = arith.constant 0 : i32
      %broadcast_in_dim3A_509 = vector.broadcast %jit3A_508 : i32 to vector<16xi32>
      %select_n3A_510 = arith.select %and3A_507, %broadcast_in_dim3A_509, %select_n3A_502 : vector<16xi1>, vector<16xi32>
      %sub3A_511 = arith.subf %select_n3A_444, %max3A_368 : vector<16xf32>
      %exp3A_512 = math.exp %sub3A_511 : vector<16xf32>
      %add3A_513 = arith.constant 1.000000e+00 : f32
      %add3A_514 = vector.broadcast %add3A_513 : f32 to vector<16xf32>
      %add3A_515 = arith.addf %add3A_514, %exp3A_512 : vector<16xf32>
      %div3A_516 = arith.constant 1.000000e+00 : f32
      %div3A_517 = vector.broadcast %div3A_516 : f32 to vector<16xf32>
      %div3A_518 = arith.divf %div3A_517, %add3A_515 : vector<16xf32>
      %mul3A_519 = arith.mulf %exp3A_512, %div3A_518 : vector<16xf32>
      %eq3A_520 = arith.constant 0 : i32
      %eq3A_521 = vector.broadcast %eq3A_520 : i32 to vector<16xi32>
      %eq3A_522 = arith.cmpi eq, %select_n3A_402, %eq3A_521 : vector<16xi32>
      %eq3A_523 = arith.constant 0 : i32
      %eq3A_524 = vector.broadcast %eq3A_523 : i32 to vector<16xi32>
      %eq3A_525 = arith.cmpi eq, %select_n3A_510, %eq3A_524 : vector<16xi32>
      %jit3A_526 = arith.constant 0.000000e+00 : f32
      %broadcast_in_dim3A_527 = vector.broadcast %jit3A_526 : f32 to vector<16xf32>
      %select_n3A_528 = arith.select %eq3A_525, %mul3A_519, %broadcast_in_dim3A_527 : vector<16xi1>, vector<16xf32>
      %select_n3A_529 = arith.select %eq3A_522, %div3A_518, %select_n3A_528 : vector<16xi1>, vector<16xf32>
      %swap3A_530 = arith.constant 8 : i32
      %swap3A_531 = arith.index_cast %swap3A_530 : i32 to index
      %swap3A_532 = arith.constant 0 : index
      %swap3A_533 = tpu.vector_load %arg5[%swap3A_531, %swap3A_532] {strides = array<i32>} : memref<16x128xf32, #tpu.memory_space<vmem>>, vector<1x16xf32>,
      %swap3A_534 = vector.shape_cast %swap3A_533 : vector<1x16xf32> to vector<16xf32>
      %swap3A_535 = vector.shape_cast %select_n3A_529 : vector<16xf32> to vector<1x16xf32>
      tpu.vector_store %arg5[%swap3A_531, %swap3A_532], %swap3A_535 {strides = array<i32>} : memref<16x128xf32, #tpu.memory_space<vmem>>, vector<1x16xf32>,
      %eq3A_536 = arith.constant 1 : i32
      %eq3A_537 = vector.broadcast %eq3A_536 : i32 to vector<16xi32>
      %eq3A_538 = arith.cmpi eq, %select_n3A_402, %eq3A_537 : vector<16xi32>
      %eq3A_539 = arith.constant 1 : i32
      %eq3A_540 = vector.broadcast %eq3A_539 : i32 to vector<16xi32>
      %eq3A_541 = arith.cmpi eq, %select_n3A_510, %eq3A_540 : vector<16xi32>
      %jit3A_542 = arith.constant 0.000000e+00 : f32
      %broadcast_in_dim3A_543 = vector.broadcast %jit3A_542 : f32 to vector<16xf32>
      %select_n3A_544 = arith.select %eq3A_541, %mul3A_519, %broadcast_in_dim3A_543 : vector<16xi1>, vector<16xf32>
      %select_n3A_545 = arith.select %eq3A_538, %div3A_518, %select_n3A_544 : vector<16xi1>, vector<16xf32>
      %swap3A_546 = arith.constant 9 : i32
      %swap3A_547 = arith.index_cast %swap3A_546 : i32 to index
      %swap3A_548 = arith.constant 0 : index
      %swap3A_549 = tpu.vector_load %arg5[%swap3A_547, %swap3A_548] {strides = array<i32>} : memref<16x128xf32, #tpu.memory_space<vmem>>, vector<1x16xf32>,
      %swap3A_550 = vector.shape_cast %swap3A_549 : vector<1x16xf32> to vector<16xf32>
      %swap3A_551 = vector.shape_cast %select_n3A_545 : vector<16xf32> to vector<1x16xf32>
      tpu.vector_store %arg5[%swap3A_547, %swap3A_548], %swap3A_551 {strides = array<i32>} : memref<16x128xf32, #tpu.memory_space<vmem>>, vector<1x16xf32>,
      %eq3A_552 = arith.constant 2 : i32
      %eq3A_553 = vector.broadcast %eq3A_552 : i32 to vector<16xi32>
      %eq3A_554 = arith.cmpi eq, %select_n3A_402, %eq3A_553 : vector<16xi32>
      %eq3A_555 = arith.constant 2 : i32
      %eq3A_556 = vector.broadcast %eq3A_555 : i32 to vector<16xi32>
      %eq3A_557 = arith.cmpi eq, %select_n3A_510, %eq3A_556 : vector<16xi32>
      %jit3A_558 = arith.constant 0.000000e+00 : f32
      %broadcast_in_dim3A_559 = vector.broadcast %jit3A_558 : f32 to vector<16xf32>
      %select_n3A_560 = arith.select %eq3A_557, %mul3A_519, %broadcast_in_dim3A_559 : vector<16xi1>, vector<16xf32>
      %select_n3A_561 = arith.select %eq3A_554, %div3A_518, %select_n3A_560 : vector<16xi1>, vector<16xf32>
      %swap3A_562 = arith.constant 10 : i32
      %swap3A_563 = arith.index_cast %swap3A_562 : i32 to index
      %swap3A_564 = arith.constant 0 : index
      %swap3A_565 = tpu.vector_load %arg5[%swap3A_563, %swap3A_564] {strides = array<i32>} : memref<16x128xf32, #tpu.memory_space<vmem>>, vector<1x16xf32>,
      %swap3A_566 = vector.shape_cast %swap3A_565 : vector<1x16xf32> to vector<16xf32>
      %swap3A_567 = vector.shape_cast %select_n3A_561 : vector<16xf32> to vector<1x16xf32>
      tpu.vector_store %arg5[%swap3A_563, %swap3A_564], %swap3A_567 {strides = array<i32>} : memref<16x128xf32, #tpu.memory_space<vmem>>, vector<1x16xf32>,
      %eq3A_568 = arith.constant 3 : i32
      %eq3A_569 = vector.broadcast %eq3A_568 : i32 to vector<16xi32>
      %eq3A_570 = arith.cmpi eq, %select_n3A_402, %eq3A_569 : vector<16xi32>
      %eq3A_571 = arith.constant 3 : i32
      %eq3A_572 = vector.broadcast %eq3A_571 : i32 to vector<16xi32>
      %eq3A_573 = arith.cmpi eq, %select_n3A_510, %eq3A_572 : vector<16xi32>
      %jit3A_574 = arith.constant 0.000000e+00 : f32
      %broadcast_in_dim3A_575 = vector.broadcast %jit3A_574 : f32 to vector<16xf32>
      %select_n3A_576 = arith.select %eq3A_573, %mul3A_519, %broadcast_in_dim3A_575 : vector<16xi1>, vector<16xf32>
      %select_n3A_577 = arith.select %eq3A_570, %div3A_518, %select_n3A_576 : vector<16xi1>, vector<16xf32>
      %swap3A_578 = arith.constant 11 : i32
      %swap3A_579 = arith.index_cast %swap3A_578 : i32 to index
      %swap3A_580 = arith.constant 0 : index
      %swap3A_581 = tpu.vector_load %arg5[%swap3A_579, %swap3A_580] {strides = array<i32>} : memref<16x128xf32, #tpu.memory_space<vmem>>, vector<1x16xf32>,
      %swap3A_582 = vector.shape_cast %swap3A_581 : vector<1x16xf32> to vector<16xf32>
      %swap3A_583 = vector.shape_cast %select_n3A_577 : vector<16xf32> to vector<1x16xf32>
      tpu.vector_store %arg5[%swap3A_579, %swap3A_580], %swap3A_583 {strides = array<i32>} : memref<16x128xf32, #tpu.memory_space<vmem>>, vector<1x16xf32>,
      %eq3A_584 = arith.constant 4 : i32
      %eq3A_585 = vector.broadcast %eq3A_584 : i32 to vector<16xi32>
      %eq3A_586 = arith.cmpi eq, %select_n3A_402, %eq3A_585 : vector<16xi32>
      %eq3A_587 = arith.constant 4 : i32
      %eq3A_588 = vector.broadcast %eq3A_587 : i32 to vector<16xi32>
      %eq3A_589 = arith.cmpi eq, %select_n3A_510, %eq3A_588 : vector<16xi32>
      %jit3A_590 = arith.constant 0.000000e+00 : f32
      %broadcast_in_dim3A_591 = vector.broadcast %jit3A_590 : f32 to vector<16xf32>
      %select_n3A_592 = arith.select %eq3A_589, %mul3A_519, %broadcast_in_dim3A_591 : vector<16xi1>, vector<16xf32>
      %select_n3A_593 = arith.select %eq3A_586, %div3A_518, %select_n3A_592 : vector<16xi1>, vector<16xf32>
      %swap3A_594 = arith.constant 12 : i32
      %swap3A_595 = arith.index_cast %swap3A_594 : i32 to index
      %swap3A_596 = arith.constant 0 : index
      %swap3A_597 = tpu.vector_load %arg5[%swap3A_595, %swap3A_596] {strides = array<i32>} : memref<16x128xf32, #tpu.memory_space<vmem>>, vector<1x16xf32>,
      %swap3A_598 = vector.shape_cast %swap3A_597 : vector<1x16xf32> to vector<16xf32>
      %swap3A_599 = vector.shape_cast %select_n3A_593 : vector<16xf32> to vector<1x16xf32>
      tpu.vector_store %arg5[%swap3A_595, %swap3A_596], %swap3A_599 {strides = array<i32>} : memref<16x128xf32, #tpu.memory_space<vmem>>, vector<1x16xf32>,
      %eq3A_600 = arith.constant 5 : i32
      %eq3A_601 = vector.broadcast %eq3A_600 : i32 to vector<16xi32>
      %eq3A_602 = arith.cmpi eq, %select_n3A_402, %eq3A_601 : vector<16xi32>
      %eq3A_603 = arith.constant 5 : i32
      %eq3A_604 = vector.broadcast %eq3A_603 : i32 to vector<16xi32>
      %eq3A_605 = arith.cmpi eq, %select_n3A_510, %eq3A_604 : vector<16xi32>
      %jit3A_606 = arith.constant 0.000000e+00 : f32
      %broadcast_in_dim3A_607 = vector.broadcast %jit3A_606 : f32 to vector<16xf32>
      %select_n3A_608 = arith.select %eq3A_605, %mul3A_519, %broadcast_in_dim3A_607 : vector<16xi1>, vector<16xf32>
      %select_n3A_609 = arith.select %eq3A_602, %div3A_518, %select_n3A_608 : vector<16xi1>, vector<16xf32>
      %swap3A_610 = arith.constant 13 : i32
      %swap3A_611 = arith.index_cast %swap3A_610 : i32 to index
      %swap3A_612 = arith.constant 0 : index
      %swap3A_613 = tpu.vector_load %arg5[%swap3A_611, %swap3A_612] {strides = array<i32>} : memref<16x128xf32, #tpu.memory_space<vmem>>, vector<1x16xf32>,
      %swap3A_614 = vector.shape_cast %swap3A_613 : vector<1x16xf32> to vector<16xf32>
      %swap3A_615 = vector.shape_cast %select_n3A_609 : vector<16xf32> to vector<1x16xf32>
      tpu.vector_store %arg5[%swap3A_611, %swap3A_612], %swap3A_615 {strides = array<i32>} : memref<16x128xf32, #tpu.memory_space<vmem>>, vector<1x16xf32>,
      %eq3A_616 = arith.constant 6 : i32
      %eq3A_617 = vector.broadcast %eq3A_616 : i32 to vector<16xi32>
      %eq3A_618 = arith.cmpi eq, %select_n3A_402, %eq3A_617 : vector<16xi32>
      %eq3A_619 = arith.constant 6 : i32
      %eq3A_620 = vector.broadcast %eq3A_619 : i32 to vector<16xi32>
      %eq3A_621 = arith.cmpi eq, %select_n3A_510, %eq3A_620 : vector<16xi32>
      %jit3A_622 = arith.constant 0.000000e+00 : f32
      %broadcast_in_dim3A_623 = vector.broadcast %jit3A_622 : f32 to vector<16xf32>
      %select_n3A_624 = arith.select %eq3A_621, %mul3A_519, %broadcast_in_dim3A_623 : vector<16xi1>, vector<16xf32>
      %select_n3A_625 = arith.select %eq3A_618, %div3A_518, %select_n3A_624 : vector<16xi1>, vector<16xf32>
      %swap3A_626 = arith.constant 14 : i32
      %swap3A_627 = arith.index_cast %swap3A_626 : i32 to index
      %swap3A_628 = arith.constant 0 : index
      %swap3A_629 = tpu.vector_load %arg5[%swap3A_627, %swap3A_628] {strides = array<i32>} : memref<16x128xf32, #tpu.memory_space<vmem>>, vector<1x16xf32>,
      %swap3A_630 = vector.shape_cast %swap3A_629 : vector<1x16xf32> to vector<16xf32>
      %swap3A_631 = vector.shape_cast %select_n3A_625 : vector<16xf32> to vector<1x16xf32>
      tpu.vector_store %arg5[%swap3A_627, %swap3A_628], %swap3A_631 {strides = array<i32>} : memref<16x128xf32, #tpu.memory_space<vmem>>, vector<1x16xf32>,
      %eq3A_632 = arith.constant 7 : i32
      %eq3A_633 = vector.broadcast %eq3A_632 : i32 to vector<16xi32>
      %eq3A_634 = arith.cmpi eq, %select_n3A_402, %eq3A_633 : vector<16xi32>
      %eq3A_635 = arith.constant 7 : i32
      %eq3A_636 = vector.broadcast %eq3A_635 : i32 to vector<16xi32>
      %eq3A_637 = arith.cmpi eq, %select_n3A_510, %eq3A_636 : vector<16xi32>
      %jit3A_638 = arith.constant 0.000000e+00 : f32
      %broadcast_in_dim3A_639 = vector.broadcast %jit3A_638 : f32 to vector<16xf32>
      %select_n3A_640 = arith.select %eq3A_637, %mul3A_519, %broadcast_in_dim3A_639 : vector<16xi1>, vector<16xf32>
      %select_n3A_641 = arith.select %eq3A_634, %div3A_518, %select_n3A_640 : vector<16xi1>, vector<16xf32>
      %swap3A_642 = arith.constant 15 : i32
      %swap3A_643 = arith.index_cast %swap3A_642 : i32 to index
      %swap3A_644 = arith.constant 0 : index
      %swap3A_645 = tpu.vector_load %arg5[%swap3A_643, %swap3A_644] {strides = array<i32>} : memref<16x128xf32, #tpu.memory_space<vmem>>, vector<1x16xf32>,
      %swap3A_646 = vector.shape_cast %swap3A_645 : vector<1x16xf32> to vector<16xf32>
      %swap3A_647 = vector.shape_cast %select_n3A_641 : vector<16xf32> to vector<1x16xf32>
      tpu.vector_store %arg5[%swap3A_643, %swap3A_644], %swap3A_647 {strides = array<i32>} : memref<16x128xf32, #tpu.memory_space<vmem>>, vector<1x16xf32>,
      %get3A_648 = arith.constant 0 : i32
      %get3A_649 = arith.index_cast %get3A_648 : i32 to index
      %get3A_650 = arith.constant 16 : index
      %get3A_651 = tpu.vector_load %arg4[%get3A_649, %get3A_650] {strides = array<i32>} : memref<16x128xf32, #tpu.memory_space<vmem>>, vector<1x16xf32>,
      %get3A_652 = vector.shape_cast %get3A_651 : vector<1x16xf32> to vector<16xf32>
      %get3A_653 = arith.constant 1 : i32
      %get3A_654 = arith.index_cast %get3A_653 : i32 to index
      %get3A_655 = arith.constant 16 : index
      %get3A_656 = tpu.vector_load %arg4[%get3A_654, %get3A_655] {strides = array<i32>} : memref<16x128xf32, #tpu.memory_space<vmem>>, vector<1x16xf32>,
      %get3A_657 = vector.shape_cast %get3A_656 : vector<1x16xf32> to vector<16xf32>
      %get3A_658 = arith.constant 2 : i32
      %get3A_659 = arith.index_cast %get3A_658 : i32 to index
      %get3A_660 = arith.constant 16 : index
      %get3A_661 = tpu.vector_load %arg4[%get3A_659, %get3A_660] {strides = array<i32>} : memref<16x128xf32, #tpu.memory_space<vmem>>, vector<1x16xf32>,
      %get3A_662 = vector.shape_cast %get3A_661 : vector<1x16xf32> to vector<16xf32>
      %get3A_663 = arith.constant 3 : i32
      %get3A_664 = arith.index_cast %get3A_663 : i32 to index
      %get3A_665 = arith.constant 16 : index
      %get3A_666 = tpu.vector_load %arg4[%get3A_664, %get3A_665] {strides = array<i32>} : memref<16x128xf32, #tpu.memory_space<vmem>>, vector<1x16xf32>,
      %get3A_667 = vector.shape_cast %get3A_666 : vector<1x16xf32> to vector<16xf32>
      %get3A_668 = arith.constant 4 : i32
      %get3A_669 = arith.index_cast %get3A_668 : i32 to index
      %get3A_670 = arith.constant 16 : index
      %get3A_671 = tpu.vector_load %arg4[%get3A_669, %get3A_670] {strides = array<i32>} : memref<16x128xf32, #tpu.memory_space<vmem>>, vector<1x16xf32>,
      %get3A_672 = vector.shape_cast %get3A_671 : vector<1x16xf32> to vector<16xf32>
      %get3A_673 = arith.constant 5 : i32
      %get3A_674 = arith.index_cast %get3A_673 : i32 to index
      %get3A_675 = arith.constant 16 : index
      %get3A_676 = tpu.vector_load %arg4[%get3A_674, %get3A_675] {strides = array<i32>} : memref<16x128xf32, #tpu.memory_space<vmem>>, vector<1x16xf32>,
      %get3A_677 = vector.shape_cast %get3A_676 : vector<1x16xf32> to vector<16xf32>
      %get3A_678 = arith.constant 6 : i32
      %get3A_679 = arith.index_cast %get3A_678 : i32 to index
      %get3A_680 = arith.constant 16 : index
      %get3A_681 = tpu.vector_load %arg4[%get3A_679, %get3A_680] {strides = array<i32>} : memref<16x128xf32, #tpu.memory_space<vmem>>, vector<1x16xf32>,
      %get3A_682 = vector.shape_cast %get3A_681 : vector<1x16xf32> to vector<16xf32>
      %get3A_683 = arith.constant 7 : i32
      %get3A_684 = arith.index_cast %get3A_683 : i32 to index
      %get3A_685 = arith.constant 16 : index
      %get3A_686 = tpu.vector_load %arg4[%get3A_684, %get3A_685] {strides = array<i32>} : memref<16x128xf32, #tpu.memory_space<vmem>>, vector<1x16xf32>,
      %get3A_687 = vector.shape_cast %get3A_686 : vector<1x16xf32> to vector<16xf32>
      %max3A_688 = arith.maximumf %get3A_652, %get3A_657 : vector<16xf32>
      %max3A_689 = arith.maximumf %max3A_688, %get3A_662 : vector<16xf32>
      %max3A_690 = arith.maximumf %max3A_689, %get3A_667 : vector<16xf32>
      %max3A_691 = arith.maximumf %max3A_690, %get3A_672 : vector<16xf32>
      %max3A_692 = arith.maximumf %max3A_691, %get3A_677 : vector<16xf32>
      %max3A_693 = arith.maximumf %max3A_692, %get3A_682 : vector<16xf32>
      %max3A_694 = arith.maximumf %max3A_693, %get3A_687 : vector<16xf32>
      %broadcast_in_dim3A_695 = arith.constant 8 : i32
      %broadcast_in_dim3A_696 = vector.broadcast %broadcast_in_dim3A_695 : i32 to vector<16xi32>
      %eq3A_697 = arith.cmpf oeq, %get3A_687, %max3A_694 : vector<16xf32>
      %jit3A_698 = arith.constant 7 : i32
      %broadcast_in_dim3A_699 = vector.broadcast %jit3A_698 : i32 to vector<16xi32>
      %select_n3A_700 = arith.select %eq3A_697, %broadcast_in_dim3A_699, %broadcast_in_dim3A_696 : vector<16xi1>, vector<16xi32>
      %eq3A_701 = arith.cmpf oeq, %get3A_682, %max3A_694 : vector<16xf32>
      %jit3A_702 = arith.constant 6 : i32
      %broadcast_in_dim3A_703 = vector.broadcast %jit3A_702 : i32 to vector<16xi32>
      %select_n3A_704 = arith.select %eq3A_701, %broadcast_in_dim3A_703, %select_n3A_700 : vector<16xi1>, vector<16xi32>
      %eq3A_705 = arith.cmpf oeq, %get3A_677, %max3A_694 : vector<16xf32>
      %jit3A_706 = arith.constant 5 : i32
      %broadcast_in_dim3A_707 = vector.broadcast %jit3A_706 : i32 to vector<16xi32>
      %select_n3A_708 = arith.select %eq3A_705, %broadcast_in_dim3A_707, %select_n3A_704 : vector<16xi1>, vector<16xi32>
      %eq3A_709 = arith.cmpf oeq, %get3A_672, %max3A_694 : vector<16xf32>
      %jit3A_710 = arith.constant 4 : i32
      %broadcast_in_dim3A_711 = vector.broadcast %jit3A_710 : i32 to vector<16xi32>
      %select_n3A_712 = arith.select %eq3A_709, %broadcast_in_dim3A_711, %select_n3A_708 : vector<16xi1>, vector<16xi32>
      %eq3A_713 = arith.cmpf oeq, %get3A_667, %max3A_694 : vector<16xf32>
      %jit3A_714 = arith.constant 3 : i32
      %broadcast_in_dim3A_715 = vector.broadcast %jit3A_714 : i32 to vector<16xi32>
      %select_n3A_716 = arith.select %eq3A_713, %broadcast_in_dim3A_715, %select_n3A_712 : vector<16xi1>, vector<16xi32>
      %eq3A_717 = arith.cmpf oeq, %get3A_662, %max3A_694 : vector<16xf32>
      %jit3A_718 = arith.constant 2 : i32
      %broadcast_in_dim3A_719 = vector.broadcast %jit3A_718 : i32 to vector<16xi32>
      %select_n3A_720 = arith.select %eq3A_717, %broadcast_in_dim3A_719, %select_n3A_716 : vector<16xi1>, vector<16xi32>
      %eq3A_721 = arith.cmpf oeq, %get3A_657, %max3A_694 : vector<16xf32>
      %jit3A_722 = arith.constant 1 : i32
      %broadcast_in_dim3A_723 = vector.broadcast %jit3A_722 : i32 to vector<16xi32>
      %select_n3A_724 = arith.select %eq3A_721, %broadcast_in_dim3A_723, %select_n3A_720 : vector<16xi1>, vector<16xi32>
      %eq3A_725 = arith.cmpf oeq, %get3A_652, %max3A_694 : vector<16xf32>
      %jit3A_726 = arith.constant 0 : i32
      %broadcast_in_dim3A_727 = vector.broadcast %jit3A_726 : i32 to vector<16xi32>
      %select_n3A_728 = arith.select %eq3A_725, %broadcast_in_dim3A_727, %select_n3A_724 : vector<16xi1>, vector<16xi32>
      %broadcast_in_dim3A_729 = arith.constant 0xFF800000 : f32
      %broadcast_in_dim3A_730 = vector.broadcast %broadcast_in_dim3A_729 : f32 to vector<16xf32>
      %eq3A_731 = arith.constant 0 : i32
      %eq3A_732 = vector.broadcast %eq3A_731 : i32 to vector<16xi32>
      %eq3A_733 = arith.cmpi eq, %select_n3A_728, %eq3A_732 : vector<16xi32>
      %max3A_734 = arith.maximumf %broadcast_in_dim3A_730, %get3A_652 : vector<16xf32>
      %select_n3A_735 = arith.select %eq3A_733, %broadcast_in_dim3A_730, %max3A_734 : vector<16xi1>, vector<16xf32>
      %eq3A_736 = arith.constant 1 : i32
      %eq3A_737 = vector.broadcast %eq3A_736 : i32 to vector<16xi32>
      %eq3A_738 = arith.cmpi eq, %select_n3A_728, %eq3A_737 : vector<16xi32>
      %max3A_739 = arith.maximumf %select_n3A_735, %get3A_657 : vector<16xf32>
      %select_n3A_740 = arith.select %eq3A_738, %select_n3A_735, %max3A_739 : vector<16xi1>, vector<16xf32>
      %eq3A_741 = arith.constant 2 : i32
      %eq3A_742 = vector.broadcast %eq3A_741 : i32 to vector<16xi32>
      %eq3A_743 = arith.cmpi eq, %select_n3A_728, %eq3A_742 : vector<16xi32>
      %max3A_744 = arith.maximumf %select_n3A_740, %get3A_662 : vector<16xf32>
      %select_n3A_745 = arith.select %eq3A_743, %select_n3A_740, %max3A_744 : vector<16xi1>, vector<16xf32>
      %eq3A_746 = arith.constant 3 : i32
      %eq3A_747 = vector.broadcast %eq3A_746 : i32 to vector<16xi32>
      %eq3A_748 = arith.cmpi eq, %select_n3A_728, %eq3A_747 : vector<16xi32>
      %max3A_749 = arith.maximumf %select_n3A_745, %get3A_667 : vector<16xf32>
      %select_n3A_750 = arith.select %eq3A_748, %select_n3A_745, %max3A_749 : vector<16xi1>, vector<16xf32>
      %eq3A_751 = arith.constant 4 : i32
      %eq3A_752 = vector.broadcast %eq3A_751 : i32 to vector<16xi32>
      %eq3A_753 = arith.cmpi eq, %select_n3A_728, %eq3A_752 : vector<16xi32>
      %max3A_754 = arith.maximumf %select_n3A_750, %get3A_672 : vector<16xf32>
      %select_n3A_755 = arith.select %eq3A_753, %select_n3A_750, %max3A_754 : vector<16xi1>, vector<16xf32>
      %eq3A_756 = arith.constant 5 : i32
      %eq3A_757 = vector.broadcast %eq3A_756 : i32 to vector<16xi32>
      %eq3A_758 = arith.cmpi eq, %select_n3A_728, %eq3A_757 : vector<16xi32>
      %max3A_759 = arith.maximumf %select_n3A_755, %get3A_677 : vector<16xf32>
      %select_n3A_760 = arith.select %eq3A_758, %select_n3A_755, %max3A_759 : vector<16xi1>, vector<16xf32>
      %eq3A_761 = arith.constant 6 : i32
      %eq3A_762 = vector.broadcast %eq3A_761 : i32 to vector<16xi32>
      %eq3A_763 = arith.cmpi eq, %select_n3A_728, %eq3A_762 : vector<16xi32>
      %max3A_764 = arith.maximumf %select_n3A_760, %get3A_682 : vector<16xf32>
      %select_n3A_765 = arith.select %eq3A_763, %select_n3A_760, %max3A_764 : vector<16xi1>, vector<16xf32>
      %eq3A_766 = arith.constant 7 : i32
      %eq3A_767 = vector.broadcast %eq3A_766 : i32 to vector<16xi32>
      %eq3A_768 = arith.cmpi eq, %select_n3A_728, %eq3A_767 : vector<16xi32>
      %max3A_769 = arith.maximumf %select_n3A_765, %get3A_687 : vector<16xf32>
      %select_n3A_770 = arith.select %eq3A_768, %select_n3A_765, %max3A_769 : vector<16xi1>, vector<16xf32>
      %broadcast_in_dim3A_771 = arith.constant 8 : i32
      %broadcast_in_dim3A_772 = vector.broadcast %broadcast_in_dim3A_771 : i32 to vector<16xi32>
      %eq3A_773 = arith.cmpf oeq, %get3A_687, %select_n3A_770 : vector<16xf32>
      %ne3A_774 = arith.constant 7 : i32
      %ne3A_775 = vector.broadcast %ne3A_774 : i32 to vector<16xi32>
      %ne3A_776 = arith.cmpi ne, %select_n3A_728, %ne3A_775 : vector<16xi32>
      %and3A_777 = arith.andi %eq3A_773, %ne3A_776 : vector<16xi1>
      %jit3A_778 = arith.constant 7 : i32
      %broadcast_in_dim3A_779 = vector.broadcast %jit3A_778 : i32 to vector<16xi32>
      %select_n3A_780 = arith.select %and3A_777, %broadcast_in_dim3A_779, %broadcast_in_dim3A_772 : vector<16xi1>, vector<16xi32>
      %eq3A_781 = arith.cmpf oeq, %get3A_682, %select_n3A_770 : vector<16xf32>
      %ne3A_782 = arith.constant 6 : i32
      %ne3A_783 = vector.broadcast %ne3A_782 : i32 to vector<16xi32>
      %ne3A_784 = arith.cmpi ne, %select_n3A_728, %ne3A_783 : vector<16xi32>
      %and3A_785 = arith.andi %eq3A_781, %ne3A_784 : vector<16xi1>
      %jit3A_786 = arith.constant 6 : i32
      %broadcast_in_dim3A_787 = vector.broadcast %jit3A_786 : i32 to vector<16xi32>
      %select_n3A_788 = arith.select %and3A_785, %broadcast_in_dim3A_787, %select_n3A_780 : vector<16xi1>, vector<16xi32>
      %eq3A_789 = arith.cmpf oeq, %get3A_677, %select_n3A_770 : vector<16xf32>
      %ne3A_790 = arith.constant 5 : i32
      %ne3A_791 = vector.broadcast %ne3A_790 : i32 to vector<16xi32>
      %ne3A_792 = arith.cmpi ne, %select_n3A_728, %ne3A_791 : vector<16xi32>
      %and3A_793 = arith.andi %eq3A_789, %ne3A_792 : vector<16xi1>
      %jit3A_794 = arith.constant 5 : i32
      %broadcast_in_dim3A_795 = vector.broadcast %jit3A_794 : i32 to vector<16xi32>
      %select_n3A_796 = arith.select %and3A_793, %broadcast_in_dim3A_795, %select_n3A_788 : vector<16xi1>, vector<16xi32>
      %eq3A_797 = arith.cmpf oeq, %get3A_672, %select_n3A_770 : vector<16xf32>
      %ne3A_798 = arith.constant 4 : i32
      %ne3A_799 = vector.broadcast %ne3A_798 : i32 to vector<16xi32>
      %ne3A_800 = arith.cmpi ne, %select_n3A_728, %ne3A_799 : vector<16xi32>
      %and3A_801 = arith.andi %eq3A_797, %ne3A_800 : vector<16xi1>
      %jit3A_802 = arith.constant 4 : i32
      %broadcast_in_dim3A_803 = vector.broadcast %jit3A_802 : i32 to vector<16xi32>
      %select_n3A_804 = arith.select %and3A_801, %broadcast_in_dim3A_803, %select_n3A_796 : vector<16xi1>, vector<16xi32>
      %eq3A_805 = arith.cmpf oeq, %get3A_667, %select_n3A_770 : vector<16xf32>
      %ne3A_806 = arith.constant 3 : i32
      %ne3A_807 = vector.broadcast %ne3A_806 : i32 to vector<16xi32>
      %ne3A_808 = arith.cmpi ne, %select_n3A_728, %ne3A_807 : vector<16xi32>
      %and3A_809 = arith.andi %eq3A_805, %ne3A_808 : vector<16xi1>
      %jit3A_810 = arith.constant 3 : i32
      %broadcast_in_dim3A_811 = vector.broadcast %jit3A_810 : i32 to vector<16xi32>
      %select_n3A_812 = arith.select %and3A_809, %broadcast_in_dim3A_811, %select_n3A_804 : vector<16xi1>, vector<16xi32>
      %eq3A_813 = arith.cmpf oeq, %get3A_662, %select_n3A_770 : vector<16xf32>
      %ne3A_814 = arith.constant 2 : i32
      %ne3A_815 = vector.broadcast %ne3A_814 : i32 to vector<16xi32>
      %ne3A_816 = arith.cmpi ne, %select_n3A_728, %ne3A_815 : vector<16xi32>
      %and3A_817 = arith.andi %eq3A_813, %ne3A_816 : vector<16xi1>
      %jit3A_818 = arith.constant 2 : i32
      %broadcast_in_dim3A_819 = vector.broadcast %jit3A_818 : i32 to vector<16xi32>
      %select_n3A_820 = arith.select %and3A_817, %broadcast_in_dim3A_819, %select_n3A_812 : vector<16xi1>, vector<16xi32>
      %eq3A_821 = arith.cmpf oeq, %get3A_657, %select_n3A_770 : vector<16xf32>
      %ne3A_822 = arith.constant 1 : i32
      %ne3A_823 = vector.broadcast %ne3A_822 : i32 to vector<16xi32>
      %ne3A_824 = arith.cmpi ne, %select_n3A_728, %ne3A_823 : vector<16xi32>
      %and3A_825 = arith.andi %eq3A_821, %ne3A_824 : vector<16xi1>
      %jit3A_826 = arith.constant 1 : i32
      %broadcast_in_dim3A_827 = vector.broadcast %jit3A_826 : i32 to vector<16xi32>
      %select_n3A_828 = arith.select %and3A_825, %broadcast_in_dim3A_827, %select_n3A_820 : vector<16xi1>, vector<16xi32>
      %eq3A_829 = arith.cmpf oeq, %get3A_652, %select_n3A_770 : vector<16xf32>
      %ne3A_830 = arith.constant 0 : i32
      %ne3A_831 = vector.broadcast %ne3A_830 : i32 to vector<16xi32>
      %ne3A_832 = arith.cmpi ne, %select_n3A_728, %ne3A_831 : vector<16xi32>
      %and3A_833 = arith.andi %eq3A_829, %ne3A_832 : vector<16xi1>
      %jit3A_834 = arith.constant 0 : i32
      %broadcast_in_dim3A_835 = vector.broadcast %jit3A_834 : i32 to vector<16xi32>
      %select_n3A_836 = arith.select %and3A_833, %broadcast_in_dim3A_835, %select_n3A_828 : vector<16xi1>, vector<16xi32>
      %sub3A_837 = arith.subf %select_n3A_770, %max3A_694 : vector<16xf32>
      %exp3A_838 = math.exp %sub3A_837 : vector<16xf32>
      %add3A_839 = arith.constant 1.000000e+00 : f32
      %add3A_840 = vector.broadcast %add3A_839 : f32 to vector<16xf32>
      %add3A_841 = arith.addf %add3A_840, %exp3A_838 : vector<16xf32>
      %div3A_842 = arith.constant 1.000000e+00 : f32
      %div3A_843 = vector.broadcast %div3A_842 : f32 to vector<16xf32>
      %div3A_844 = arith.divf %div3A_843, %add3A_841 : vector<16xf32>
      %mul3A_845 = arith.mulf %exp3A_838, %div3A_844 : vector<16xf32>
      %eq3A_846 = arith.constant 0 : i32
      %eq3A_847 = vector.broadcast %eq3A_846 : i32 to vector<16xi32>
      %eq3A_848 = arith.cmpi eq, %select_n3A_728, %eq3A_847 : vector<16xi32>
      %eq3A_849 = arith.constant 0 : i32
      %eq3A_850 = vector.broadcast %eq3A_849 : i32 to vector<16xi32>
      %eq3A_851 = arith.cmpi eq, %select_n3A_836, %eq3A_850 : vector<16xi32>
      %jit3A_852 = arith.constant 0.000000e+00 : f32
      %broadcast_in_dim3A_853 = vector.broadcast %jit3A_852 : f32 to vector<16xf32>
      %select_n3A_854 = arith.select %eq3A_851, %mul3A_845, %broadcast_in_dim3A_853 : vector<16xi1>, vector<16xf32>
      %select_n3A_855 = arith.select %eq3A_848, %div3A_844, %select_n3A_854 : vector<16xi1>, vector<16xf32>
      %swap3A_856 = arith.constant 0 : i32
      %swap3A_857 = arith.index_cast %swap3A_856 : i32 to index
      %swap3A_858 = arith.constant 16 : index
      %swap3A_859 = tpu.vector_load %arg5[%swap3A_857, %swap3A_858] {strides = array<i32>} : memref<16x128xf32, #tpu.memory_space<vmem>>, vector<1x16xf32>,
      %swap3A_860 = vector.shape_cast %swap3A_859 : vector<1x16xf32> to vector<16xf32>
      %swap3A_861 = vector.shape_cast %select_n3A_855 : vector<16xf32> to vector<1x16xf32>
      tpu.vector_store %arg5[%swap3A_857, %swap3A_858], %swap3A_861 {strides = array<i32>} : memref<16x128xf32, #tpu.memory_space<vmem>>, vector<1x16xf32>,
      %eq3A_862 = arith.constant 1 : i32
      %eq3A_863 = vector.broadcast %eq3A_862 : i32 to vector<16xi32>
      %eq3A_864 = arith.cmpi eq, %select_n3A_728, %eq3A_863 : vector<16xi32>
      %eq3A_865 = arith.constant 1 : i32
      %eq3A_866 = vector.broadcast %eq3A_865 : i32 to vector<16xi32>
      %eq3A_867 = arith.cmpi eq, %select_n3A_836, %eq3A_866 : vector<16xi32>
      %jit3A_868 = arith.constant 0.000000e+00 : f32
      %broadcast_in_dim3A_869 = vector.broadcast %jit3A_868 : f32 to vector<16xf32>
      %select_n3A_870 = arith.select %eq3A_867, %mul3A_845, %broadcast_in_dim3A_869 : vector<16xi1>, vector<16xf32>
      %select_n3A_871 = arith.select %eq3A_864, %div3A_844, %select_n3A_870 : vector<16xi1>, vector<16xf32>
      %swap3A_872 = arith.constant 1 : i32
      %swap3A_873 = arith.index_cast %swap3A_872 : i32 to index
      %swap3A_874 = arith.constant 16 : index
      %swap3A_875 = tpu.vector_load %arg5[%swap3A_873, %swap3A_874] {strides = array<i32>} : memref<16x128xf32, #tpu.memory_space<vmem>>, vector<1x16xf32>,
      %swap3A_876 = vector.shape_cast %swap3A_875 : vector<1x16xf32> to vector<16xf32>
      %swap3A_877 = vector.shape_cast %select_n3A_871 : vector<16xf32> to vector<1x16xf32>
      tpu.vector_store %arg5[%swap3A_873, %swap3A_874], %swap3A_877 {strides = array<i32>} : memref<16x128xf32, #tpu.memory_space<vmem>>, vector<1x16xf32>,
      %eq3A_878 = arith.constant 2 : i32
      %eq3A_879 = vector.broadcast %eq3A_878 : i32 to vector<16xi32>
      %eq3A_880 = arith.cmpi eq, %select_n3A_728, %eq3A_879 : vector<16xi32>
      %eq3A_881 = arith.constant 2 : i32
      %eq3A_882 = vector.broadcast %eq3A_881 : i32 to vector<16xi32>
      %eq3A_883 = arith.cmpi eq, %select_n3A_836, %eq3A_882 : vector<16xi32>
      %jit3A_884 = arith.constant 0.000000e+00 : f32
      %broadcast_in_dim3A_885 = vector.broadcast %jit3A_884 : f32 to vector<16xf32>
      %select_n3A_886 = arith.select %eq3A_883, %mul3A_845, %broadcast_in_dim3A_885 : vector<16xi1>, vector<16xf32>
      %select_n3A_887 = arith.select %eq3A_880, %div3A_844, %select_n3A_886 : vector<16xi1>, vector<16xf32>
      %swap3A_888 = arith.constant 2 : i32
      %swap3A_889 = arith.index_cast %swap3A_888 : i32 to index
      %swap3A_890 = arith.constant 16 : index
      %swap3A_891 = tpu.vector_load %arg5[%swap3A_889, %swap3A_890] {strides = array<i32>} : memref<16x128xf32, #tpu.memory_space<vmem>>, vector<1x16xf32>,
      %swap3A_892 = vector.shape_cast %swap3A_891 : vector<1x16xf32> to vector<16xf32>
      %swap3A_893 = vector.shape_cast %select_n3A_887 : vector<16xf32> to vector<1x16xf32>
      tpu.vector_store %arg5[%swap3A_889, %swap3A_890], %swap3A_893 {strides = array<i32>} : memref<16x128xf32, #tpu.memory_space<vmem>>, vector<1x16xf32>,
      %eq3A_894 = arith.constant 3 : i32
      %eq3A_895 = vector.broadcast %eq3A_894 : i32 to vector<16xi32>
      %eq3A_896 = arith.cmpi eq, %select_n3A_728, %eq3A_895 : vector<16xi32>
      %eq3A_897 = arith.constant 3 : i32
      %eq3A_898 = vector.broadcast %eq3A_897 : i32 to vector<16xi32>
      %eq3A_899 = arith.cmpi eq, %select_n3A_836, %eq3A_898 : vector<16xi32>
      %jit3A_900 = arith.constant 0.000000e+00 : f32
      %broadcast_in_dim3A_901 = vector.broadcast %jit3A_900 : f32 to vector<16xf32>
      %select_n3A_902 = arith.select %eq3A_899, %mul3A_845, %broadcast_in_dim3A_901 : vector<16xi1>, vector<16xf32>
      %select_n3A_903 = arith.select %eq3A_896, %div3A_844, %select_n3A_902 : vector<16xi1>, vector<16xf32>
      %swap3A_904 = arith.constant 3 : i32
      %swap3A_905 = arith.index_cast %swap3A_904 : i32 to index
      %swap3A_906 = arith.constant 16 : index
      %swap3A_907 = tpu.vector_load %arg5[%swap3A_905, %swap3A_906] {strides = array<i32>} : memref<16x128xf32, #tpu.memory_space<vmem>>, vector<1x16xf32>,
      %swap3A_908 = vector.shape_cast %swap3A_907 : vector<1x16xf32> to vector<16xf32>
      %swap3A_909 = vector.shape_cast %select_n3A_903 : vector<16xf32> to vector<1x16xf32>
      tpu.vector_store %arg5[%swap3A_905, %swap3A_906], %swap3A_909 {strides = array<i32>} : memref<16x128xf32, #tpu.memory_space<vmem>>, vector<1x16xf32>,
      %eq3A_910 = arith.constant 4 : i32
      %eq3A_911 = vector.broadcast %eq3A_910 : i32 to vector<16xi32>
      %eq3A_912 = arith.cmpi eq, %select_n3A_728, %eq3A_911 : vector<16xi32>
      %eq3A_913 = arith.constant 4 : i32
      %eq3A_914 = vector.broadcast %eq3A_913 : i32 to vector<16xi32>
      %eq3A_915 = arith.cmpi eq, %select_n3A_836, %eq3A_914 : vector<16xi32>
      %jit3A_916 = arith.constant 0.000000e+00 : f32
      %broadcast_in_dim3A_917 = vector.broadcast %jit3A_916 : f32 to vector<16xf32>
      %select_n3A_918 = arith.select %eq3A_915, %mul3A_845, %broadcast_in_dim3A_917 : vector<16xi1>, vector<16xf32>
      %select_n3A_919 = arith.select %eq3A_912, %div3A_844, %select_n3A_918 : vector<16xi1>, vector<16xf32>
      %swap3A_920 = arith.constant 4 : i32
      %swap3A_921 = arith.index_cast %swap3A_920 : i32 to index
      %swap3A_922 = arith.constant 16 : index
      %swap3A_923 = tpu.vector_load %arg5[%swap3A_921, %swap3A_922] {strides = array<i32>} : memref<16x128xf32, #tpu.memory_space<vmem>>, vector<1x16xf32>,
      %swap3A_924 = vector.shape_cast %swap3A_923 : vector<1x16xf32> to vector<16xf32>
      %swap3A_925 = vector.shape_cast %select_n3A_919 : vector<16xf32> to vector<1x16xf32>
      tpu.vector_store %arg5[%swap3A_921, %swap3A_922], %swap3A_925 {strides = array<i32>} : memref<16x128xf32, #tpu.memory_space<vmem>>, vector<1x16xf32>,
      %eq3A_926 = arith.constant 5 : i32
      %eq3A_927 = vector.broadcast %eq3A_926 : i32 to vector<16xi32>
      %eq3A_928 = arith.cmpi eq, %select_n3A_728, %eq3A_927 : vector<16xi32>
      %eq3A_929 = arith.constant 5 : i32
      %eq3A_930 = vector.broadcast %eq3A_929 : i32 to vector<16xi32>
      %eq3A_931 = arith.cmpi eq, %select_n3A_836, %eq3A_930 : vector<16xi32>
      %jit3A_932 = arith.constant 0.000000e+00 : f32
      %broadcast_in_dim3A_933 = vector.broadcast %jit3A_932 : f32 to vector<16xf32>
      %select_n3A_934 = arith.select %eq3A_931, %mul3A_845, %broadcast_in_dim3A_933 : vector<16xi1>, vector<16xf32>
      %select_n3A_935 = arith.select %eq3A_928, %div3A_844, %select_n3A_934 : vector<16xi1>, vector<16xf32>
      %swap3A_936 = arith.constant 5 : i32
      %swap3A_937 = arith.index_cast %swap3A_936 : i32 to index
      %swap3A_938 = arith.constant 16 : index
      %swap3A_939 = tpu.vector_load %arg5[%swap3A_937, %swap3A_938] {strides = array<i32>} : memref<16x128xf32, #tpu.memory_space<vmem>>, vector<1x16xf32>,
      %swap3A_940 = vector.shape_cast %swap3A_939 : vector<1x16xf32> to vector<16xf32>
      %swap3A_941 = vector.shape_cast %select_n3A_935 : vector<16xf32> to vector<1x16xf32>
      tpu.vector_store %arg5[%swap3A_937, %swap3A_938], %swap3A_941 {strides = array<i32>} : memref<16x128xf32, #tpu.memory_space<vmem>>, vector<1x16xf32>,
      %eq3A_942 = arith.constant 6 : i32
      %eq3A_943 = vector.broadcast %eq3A_942 : i32 to vector<16xi32>
      %eq3A_944 = arith.cmpi eq, %select_n3A_728, %eq3A_943 : vector<16xi32>
      %eq3A_945 = arith.constant 6 : i32
      %eq3A_946 = vector.broadcast %eq3A_945 : i32 to vector<16xi32>
      %eq3A_947 = arith.cmpi eq, %select_n3A_836, %eq3A_946 : vector<16xi32>
      %jit3A_948 = arith.constant 0.000000e+00 : f32
      %broadcast_in_dim3A_949 = vector.broadcast %jit3A_948 : f32 to vector<16xf32>
      %select_n3A_950 = arith.select %eq3A_947, %mul3A_845, %broadcast_in_dim3A_949 : vector<16xi1>, vector<16xf32>
      %select_n3A_951 = arith.select %eq3A_944, %div3A_844, %select_n3A_950 : vector<16xi1>, vector<16xf32>
      %swap3A_952 = arith.constant 6 : i32
      %swap3A_953 = arith.index_cast %swap3A_952 : i32 to index
      %swap3A_954 = arith.constant 16 : index
      %swap3A_955 = tpu.vector_load %arg5[%swap3A_953, %swap3A_954] {strides = array<i32>} : memref<16x128xf32, #tpu.memory_space<vmem>>, vector<1x16xf32>,
      %swap3A_956 = vector.shape_cast %swap3A_955 : vector<1x16xf32> to vector<16xf32>
      %swap3A_957 = vector.shape_cast %select_n3A_951 : vector<16xf32> to vector<1x16xf32>
      tpu.vector_store %arg5[%swap3A_953, %swap3A_954], %swap3A_957 {strides = array<i32>} : memref<16x128xf32, #tpu.memory_space<vmem>>, vector<1x16xf32>,
      %eq3A_958 = arith.constant 7 : i32
      %eq3A_959 = vector.broadcast %eq3A_958 : i32 to vector<16xi32>
      %eq3A_960 = arith.cmpi eq, %select_n3A_728, %eq3A_959 : vector<16xi32>
      %eq3A_961 = arith.constant 7 : i32
      %eq3A_962 = vector.broadcast %eq3A_961 : i32 to vector<16xi32>
      %eq3A_963 = arith.cmpi eq, %select_n3A_836, %eq3A_962 : vector<16xi32>
      %jit3A_964 = arith.constant 0.000000e+00 : f32
      %broadcast_in_dim3A_965 = vector.broadcast %jit3A_964 : f32 to vector<16xf32>
      %select_n3A_966 = arith.select %eq3A_963, %mul3A_845, %broadcast_in_dim3A_965 : vector<16xi1>, vector<16xf32>
      %select_n3A_967 = arith.select %eq3A_960, %div3A_844, %select_n3A_966 : vector<16xi1>, vector<16xf32>
      %swap3A_968 = arith.constant 7 : i32
      %swap3A_969 = arith.index_cast %swap3A_968 : i32 to index
      %swap3A_970 = arith.constant 16 : index
      %swap3A_971 = tpu.vector_load %arg5[%swap3A_969, %swap3A_970] {strides = array<i32>} : memref<16x128xf32, #tpu.memory_space<vmem>>, vector<1x16xf32>,
      %swap3A_972 = vector.shape_cast %swap3A_971 : vector<1x16xf32> to vector<16xf32>
      %swap3A_973 = vector.shape_cast %select_n3A_967 : vector<16xf32> to vector<1x16xf32>
      tpu.vector_store %arg5[%swap3A_969, %swap3A_970], %swap3A_973 {strides = array<i32>} : memref<16x128xf32, #tpu.memory_space<vmem>>, vector<1x16xf32>,
      %get3A_974 = arith.constant 8 : i32
      %get3A_975 = arith.index_cast %get3A_974 : i32 to index
      %get3A_976 = arith.constant 16 : index
      %get3A_977 = tpu.vector_load %arg4[%get3A_975, %get3A_976] {strides = array<i32>} : memref<16x128xf32, #tpu.memory_space<vmem>>, vector<1x16xf32>,
      %get3A_978 = vector.shape_cast %get3A_977 : vector<1x16xf32> to vector<16xf32>
      %get3A_979 = arith.constant 9 : i32
      %get3A_980 = arith.index_cast %get3A_979 : i32 to index
      %get3A_981 = arith.constant 16 : index
      %get3A_982 = tpu.vector_load %arg4[%get3A_980, %get3A_981] {strides = array<i32>} : memref<16x128xf32, #tpu.memory_space<vmem>>, vector<1x16xf32>,
      %get3A_983 = vector.shape_cast %get3A_982 : vector<1x16xf32> to vector<16xf32>
      %get3A_984 = arith.constant 10 : i32
      %get3A_985 = arith.index_cast %get3A_984 : i32 to index
      %get3A_986 = arith.constant 16 : index
      %get3A_987 = tpu.vector_load %arg4[%get3A_985, %get3A_986] {strides = array<i32>} : memref<16x128xf32, #tpu.memory_space<vmem>>, vector<1x16xf32>,
      %get3A_988 = vector.shape_cast %get3A_987 : vector<1x16xf32> to vector<16xf32>
      %get3A_989 = arith.constant 11 : i32
      %get3A_990 = arith.index_cast %get3A_989 : i32 to index
      %get3A_991 = arith.constant 16 : index
      %get3A_992 = tpu.vector_load %arg4[%get3A_990, %get3A_991] {strides = array<i32>} : memref<16x128xf32, #tpu.memory_space<vmem>>, vector<1x16xf32>,
      %get3A_993 = vector.shape_cast %get3A_992 : vector<1x16xf32> to vector<16xf32>
      %get3A_994 = arith.constant 12 : i32
      %get3A_995 = arith.index_cast %get3A_994 : i32 to index
      %get3A_996 = arith.constant 16 : index
      %get3A_997 = tpu.vector_load %arg4[%get3A_995, %get3A_996] {strides = array<i32>} : memref<16x128xf32, #tpu.memory_space<vmem>>, vector<1x16xf32>,
      %get3A_998 = vector.shape_cast %get3A_997 : vector<1x16xf32> to vector<16xf32>
      %get3A_999 = arith.constant 13 : i32
      %get3A_1000 = arith.index_cast %get3A_999 : i32 to index
      %get3A_1001 = arith.constant 16 : index
      %get3A_1002 = tpu.vector_load %arg4[%get3A_1000, %get3A_1001] {strides = array<i32>} : memref<16x128xf32, #tpu.memory_space<vmem>>, vector<1x16xf32>,
      %get3A_1003 = vector.shape_cast %get3A_1002 : vector<1x16xf32> to vector<16xf32>
      %get3A_1004 = arith.constant 14 : i32
      %get3A_1005 = arith.index_cast %get3A_1004 : i32 to index
      %get3A_1006 = arith.constant 16 : index
      %get3A_1007 = tpu.vector_load %arg4[%get3A_1005, %get3A_1006] {strides = array<i32>} : memref<16x128xf32, #tpu.memory_space<vmem>>, vector<1x16xf32>,
      %get3A_1008 = vector.shape_cast %get3A_1007 : vector<1x16xf32> to vector<16xf32>
      %get3A_1009 = arith.constant 15 : i32
      %get3A_1010 = arith.index_cast %get3A_1009 : i32 to index
      %get3A_1011 = arith.constant 16 : index
      %get3A_1012 = tpu.vector_load %arg4[%get3A_1010, %get3A_1011] {strides = array<i32>} : memref<16x128xf32, #tpu.memory_space<vmem>>, vector<1x16xf32>,
      %get3A_1013 = vector.shape_cast %get3A_1012 : vector<1x16xf32> to vector<16xf32>
      %max3A_1014 = arith.maximumf %get3A_978, %get3A_983 : vector<16xf32>
      %max3A_1015 = arith.maximumf %max3A_1014, %get3A_988 : vector<16xf32>
      %max3A_1016 = arith.maximumf %max3A_1015, %get3A_993 : vector<16xf32>
      %max3A_1017 = arith.maximumf %max3A_1016, %get3A_998 : vector<16xf32>
      %max3A_1018 = arith.maximumf %max3A_1017, %get3A_1003 : vector<16xf32>
      %max3A_1019 = arith.maximumf %max3A_1018, %get3A_1008 : vector<16xf32>
      %max3A_1020 = arith.maximumf %max3A_1019, %get3A_1013 : vector<16xf32>
      %broadcast_in_dim3A_1021 = arith.constant 8 : i32
      %broadcast_in_dim3A_1022 = vector.broadcast %broadcast_in_dim3A_1021 : i32 to vector<16xi32>
      %eq3A_1023 = arith.cmpf oeq, %get3A_1013, %max3A_1020 : vector<16xf32>
      %jit3A_1024 = arith.constant 7 : i32
      %broadcast_in_dim3A_1025 = vector.broadcast %jit3A_1024 : i32 to vector<16xi32>
      %select_n3A_1026 = arith.select %eq3A_1023, %broadcast_in_dim3A_1025, %broadcast_in_dim3A_1022 : vector<16xi1>, vector<16xi32>
      %eq3A_1027 = arith.cmpf oeq, %get3A_1008, %max3A_1020 : vector<16xf32>
      %jit3A_1028 = arith.constant 6 : i32
      %broadcast_in_dim3A_1029 = vector.broadcast %jit3A_1028 : i32 to vector<16xi32>
      %select_n3A_1030 = arith.select %eq3A_1027, %broadcast_in_dim3A_1029, %select_n3A_1026 : vector<16xi1>, vector<16xi32>
      %eq3A_1031 = arith.cmpf oeq, %get3A_1003, %max3A_1020 : vector<16xf32>
      %jit3A_1032 = arith.constant 5 : i32
      %broadcast_in_dim3A_1033 = vector.broadcast %jit3A_1032 : i32 to vector<16xi32>
      %select_n3A_1034 = arith.select %eq3A_1031, %broadcast_in_dim3A_1033, %select_n3A_1030 : vector<16xi1>, vector<16xi32>
      %eq3A_1035 = arith.cmpf oeq, %get3A_998, %max3A_1020 : vector<16xf32>
      %jit3A_1036 = arith.constant 4 : i32
      %broadcast_in_dim3A_1037 = vector.broadcast %jit3A_1036 : i32 to vector<16xi32>
      %select_n3A_1038 = arith.select %eq3A_1035, %broadcast_in_dim3A_1037, %select_n3A_1034 : vector<16xi1>, vector<16xi32>
      %eq3A_1039 = arith.cmpf oeq, %get3A_993, %max3A_1020 : vector<16xf32>
      %jit3A_1040 = arith.constant 3 : i32
      %broadcast_in_dim3A_1041 = vector.broadcast %jit3A_1040 : i32 to vector<16xi32>
      %select_n3A_1042 = arith.select %eq3A_1039, %broadcast_in_dim3A_1041, %select_n3A_1038 : vector<16xi1>, vector<16xi32>
      %eq3A_1043 = arith.cmpf oeq, %get3A_988, %max3A_1020 : vector<16xf32>
      %jit3A_1044 = arith.constant 2 : i32
      %broadcast_in_dim3A_1045 = vector.broadcast %jit3A_1044 : i32 to vector<16xi32>
      %select_n3A_1046 = arith.select %eq3A_1043, %broadcast_in_dim3A_1045, %select_n3A_1042 : vector<16xi1>, vector<16xi32>
      %eq3A_1047 = arith.cmpf oeq, %get3A_983, %max3A_1020 : vector<16xf32>
      %jit3A_1048 = arith.constant 1 : i32
      %broadcast_in_dim3A_1049 = vector.broadcast %jit3A_1048 : i32 to vector<16xi32>
      %select_n3A_1050 = arith.select %eq3A_1047, %broadcast_in_dim3A_1049, %select_n3A_1046 : vector<16xi1>, vector<16xi32>
      %eq3A_1051 = arith.cmpf oeq, %get3A_978, %max3A_1020 : vector<16xf32>
      %jit3A_1052 = arith.constant 0 : i32
      %broadcast_in_dim3A_1053 = vector.broadcast %jit3A_1052 : i32 to vector<16xi32>
      %select_n3A_1054 = arith.select %eq3A_1051, %broadcast_in_dim3A_1053, %select_n3A_1050 : vector<16xi1>, vector<16xi32>
      %broadcast_in_dim3A_1055 = arith.constant 0xFF800000 : f32
      %broadcast_in_dim3A_1056 = vector.broadcast %broadcast_in_dim3A_1055 : f32 to vector<16xf32>
      %eq3A_1057 = arith.constant 0 : i32
      %eq3A_1058 = vector.broadcast %eq3A_1057 : i32 to vector<16xi32>
      %eq3A_1059 = arith.cmpi eq, %select_n3A_1054, %eq3A_1058 : vector<16xi32>
      %max3A_1060 = arith.maximumf %broadcast_in_dim3A_1056, %get3A_978 : vector<16xf32>
      %select_n3A_1061 = arith.select %eq3A_1059, %broadcast_in_dim3A_1056, %max3A_1060 : vector<16xi1>, vector<16xf32>
      %eq3A_1062 = arith.constant 1 : i32
      %eq3A_1063 = vector.broadcast %eq3A_1062 : i32 to vector<16xi32>
      %eq3A_1064 = arith.cmpi eq, %select_n3A_1054, %eq3A_1063 : vector<16xi32>
      %max3A_1065 = arith.maximumf %select_n3A_1061, %get3A_983 : vector<16xf32>
      %select_n3A_1066 = arith.select %eq3A_1064, %select_n3A_1061, %max3A_1065 : vector<16xi1>, vector<16xf32>
      %eq3A_1067 = arith.constant 2 : i32
      %eq3A_1068 = vector.broadcast %eq3A_1067 : i32 to vector<16xi32>
      %eq3A_1069 = arith.cmpi eq, %select_n3A_1054, %eq3A_1068 : vector<16xi32>
      %max3A_1070 = arith.maximumf %select_n3A_1066, %get3A_988 : vector<16xf32>
      %select_n3A_1071 = arith.select %eq3A_1069, %select_n3A_1066, %max3A_1070 : vector<16xi1>, vector<16xf32>
      %eq3A_1072 = arith.constant 3 : i32
      %eq3A_1073 = vector.broadcast %eq3A_1072 : i32 to vector<16xi32>
      %eq3A_1074 = arith.cmpi eq, %select_n3A_1054, %eq3A_1073 : vector<16xi32>
      %max3A_1075 = arith.maximumf %select_n3A_1071, %get3A_993 : vector<16xf32>
      %select_n3A_1076 = arith.select %eq3A_1074, %select_n3A_1071, %max3A_1075 : vector<16xi1>, vector<16xf32>
      %eq3A_1077 = arith.constant 4 : i32
      %eq3A_1078 = vector.broadcast %eq3A_1077 : i32 to vector<16xi32>
      %eq3A_1079 = arith.cmpi eq, %select_n3A_1054, %eq3A_1078 : vector<16xi32>
      %max3A_1080 = arith.maximumf %select_n3A_1076, %get3A_998 : vector<16xf32>
      %select_n3A_1081 = arith.select %eq3A_1079, %select_n3A_1076, %max3A_1080 : vector<16xi1>, vector<16xf32>
      %eq3A_1082 = arith.constant 5 : i32
      %eq3A_1083 = vector.broadcast %eq3A_1082 : i32 to vector<16xi32>
      %eq3A_1084 = arith.cmpi eq, %select_n3A_1054, %eq3A_1083 : vector<16xi32>
      %max3A_1085 = arith.maximumf %select_n3A_1081, %get3A_1003 : vector<16xf32>
      %select_n3A_1086 = arith.select %eq3A_1084, %select_n3A_1081, %max3A_1085 : vector<16xi1>, vector<16xf32>
      %eq3A_1087 = arith.constant 6 : i32
      %eq3A_1088 = vector.broadcast %eq3A_1087 : i32 to vector<16xi32>
      %eq3A_1089 = arith.cmpi eq, %select_n3A_1054, %eq3A_1088 : vector<16xi32>
      %max3A_1090 = arith.maximumf %select_n3A_1086, %get3A_1008 : vector<16xf32>
      %select_n3A_1091 = arith.select %eq3A_1089, %select_n3A_1086, %max3A_1090 : vector<16xi1>, vector<16xf32>
      %eq3A_1092 = arith.constant 7 : i32
      %eq3A_1093 = vector.broadcast %eq3A_1092 : i32 to vector<16xi32>
      %eq3A_1094 = arith.cmpi eq, %select_n3A_1054, %eq3A_1093 : vector<16xi32>
      %max3A_1095 = arith.maximumf %select_n3A_1091, %get3A_1013 : vector<16xf32>
      %select_n3A_1096 = arith.select %eq3A_1094, %select_n3A_1091, %max3A_1095 : vector<16xi1>, vector<16xf32>
      %broadcast_in_dim3A_1097 = arith.constant 8 : i32
      %broadcast_in_dim3A_1098 = vector.broadcast %broadcast_in_dim3A_1097 : i32 to vector<16xi32>
      %eq3A_1099 = arith.cmpf oeq, %get3A_1013, %select_n3A_1096 : vector<16xf32>
      %ne3A_1100 = arith.constant 7 : i32
      %ne3A_1101 = vector.broadcast %ne3A_1100 : i32 to vector<16xi32>
      %ne3A_1102 = arith.cmpi ne, %select_n3A_1054, %ne3A_1101 : vector<16xi32>
      %and3A_1103 = arith.andi %eq3A_1099, %ne3A_1102 : vector<16xi1>
      %jit3A_1104 = arith.constant 7 : i32
      %broadcast_in_dim3A_1105 = vector.broadcast %jit3A_1104 : i32 to vector<16xi32>
      %select_n3A_1106 = arith.select %and3A_1103, %broadcast_in_dim3A_1105, %broadcast_in_dim3A_1098 : vector<16xi1>, vector<16xi32>
      %eq3A_1107 = arith.cmpf oeq, %get3A_1008, %select_n3A_1096 : vector<16xf32>
      %ne3A_1108 = arith.constant 6 : i32
      %ne3A_1109 = vector.broadcast %ne3A_1108 : i32 to vector<16xi32>
      %ne3A_1110 = arith.cmpi ne, %select_n3A_1054, %ne3A_1109 : vector<16xi32>
      %and3A_1111 = arith.andi %eq3A_1107, %ne3A_1110 : vector<16xi1>
      %jit3A_1112 = arith.constant 6 : i32
      %broadcast_in_dim3A_1113 = vector.broadcast %jit3A_1112 : i32 to vector<16xi32>
      %select_n3A_1114 = arith.select %and3A_1111, %broadcast_in_dim3A_1113, %select_n3A_1106 : vector<16xi1>, vector<16xi32>
      %eq3A_1115 = arith.cmpf oeq, %get3A_1003, %select_n3A_1096 : vector<16xf32>
      %ne3A_1116 = arith.constant 5 : i32
      %ne3A_1117 = vector.broadcast %ne3A_1116 : i32 to vector<16xi32>
      %ne3A_1118 = arith.cmpi ne, %select_n3A_1054, %ne3A_1117 : vector<16xi32>
      %and3A_1119 = arith.andi %eq3A_1115, %ne3A_1118 : vector<16xi1>
      %jit3A_1120 = arith.constant 5 : i32
      %broadcast_in_dim3A_1121 = vector.broadcast %jit3A_1120 : i32 to vector<16xi32>
      %select_n3A_1122 = arith.select %and3A_1119, %broadcast_in_dim3A_1121, %select_n3A_1114 : vector<16xi1>, vector<16xi32>
      %eq3A_1123 = arith.cmpf oeq, %get3A_998, %select_n3A_1096 : vector<16xf32>
      %ne3A_1124 = arith.constant 4 : i32
      %ne3A_1125 = vector.broadcast %ne3A_1124 : i32 to vector<16xi32>
      %ne3A_1126 = arith.cmpi ne, %select_n3A_1054, %ne3A_1125 : vector<16xi32>
      %and3A_1127 = arith.andi %eq3A_1123, %ne3A_1126 : vector<16xi1>
      %jit3A_1128 = arith.constant 4 : i32
      %broadcast_in_dim3A_1129 = vector.broadcast %jit3A_1128 : i32 to vector<16xi32>
      %select_n3A_1130 = arith.select %and3A_1127, %broadcast_in_dim3A_1129, %select_n3A_1122 : vector<16xi1>, vector<16xi32>
      %eq3A_1131 = arith.cmpf oeq, %get3A_993, %select_n3A_1096 : vector<16xf32>
      %ne3A_1132 = arith.constant 3 : i32
      %ne3A_1133 = vector.broadcast %ne3A_1132 : i32 to vector<16xi32>
      %ne3A_1134 = arith.cmpi ne, %select_n3A_1054, %ne3A_1133 : vector<16xi32>
      %and3A_1135 = arith.andi %eq3A_1131, %ne3A_1134 : vector<16xi1>
      %jit3A_1136 = arith.constant 3 : i32
      %broadcast_in_dim3A_1137 = vector.broadcast %jit3A_1136 : i32 to vector<16xi32>
      %select_n3A_1138 = arith.select %and3A_1135, %broadcast_in_dim3A_1137, %select_n3A_1130 : vector<16xi1>, vector<16xi32>
      %eq3A_1139 = arith.cmpf oeq, %get3A_988, %select_n3A_1096 : vector<16xf32>
      %ne3A_1140 = arith.constant 2 : i32
      %ne3A_1141 = vector.broadcast %ne3A_1140 : i32 to vector<16xi32>
      %ne3A_1142 = arith.cmpi ne, %select_n3A_1054, %ne3A_1141 : vector<16xi32>
      %and3A_1143 = arith.andi %eq3A_1139, %ne3A_1142 : vector<16xi1>
      %jit3A_1144 = arith.constant 2 : i32
      %broadcast_in_dim3A_1145 = vector.broadcast %jit3A_1144 : i32 to vector<16xi32>
      %select_n3A_1146 = arith.select %and3A_1143, %broadcast_in_dim3A_1145, %select_n3A_1138 : vector<16xi1>, vector<16xi32>
      %eq3A_1147 = arith.cmpf oeq, %get3A_983, %select_n3A_1096 : vector<16xf32>
      %ne3A_1148 = arith.constant 1 : i32
      %ne3A_1149 = vector.broadcast %ne3A_1148 : i32 to vector<16xi32>
      %ne3A_1150 = arith.cmpi ne, %select_n3A_1054, %ne3A_1149 : vector<16xi32>
      %and3A_1151 = arith.andi %eq3A_1147, %ne3A_1150 : vector<16xi1>
      %jit3A_1152 = arith.constant 1 : i32
      %broadcast_in_dim3A_1153 = vector.broadcast %jit3A_1152 : i32 to vector<16xi32>
      %select_n3A_1154 = arith.select %and3A_1151, %broadcast_in_dim3A_1153, %select_n3A_1146 : vector<16xi1>, vector<16xi32>
      %eq3A_1155 = arith.cmpf oeq, %get3A_978, %select_n3A_1096 : vector<16xf32>
      %ne3A_1156 = arith.constant 0 : i32
      %ne3A_1157 = vector.broadcast %ne3A_1156 : i32 to vector<16xi32>
      %ne3A_1158 = arith.cmpi ne, %select_n3A_1054, %ne3A_1157 : vector<16xi32>
      %and3A_1159 = arith.andi %eq3A_1155, %ne3A_1158 : vector<16xi1>
      %jit3A_1160 = arith.constant 0 : i32
      %broadcast_in_dim3A_1161 = vector.broadcast %jit3A_1160 : i32 to vector<16xi32>
      %select_n3A_1162 = arith.select %and3A_1159, %broadcast_in_dim3A_1161, %select_n3A_1154 : vector<16xi1>, vector<16xi32>
      %sub3A_1163 = arith.subf %select_n3A_1096, %max3A_1020 : vector<16xf32>
      %exp3A_1164 = math.exp %sub3A_1163 : vector<16xf32>
      %add3A_1165 = arith.constant 1.000000e+00 : f32
      %add3A_1166 = vector.broadcast %add3A_1165 : f32 to vector<16xf32>
      %add3A_1167 = arith.addf %add3A_1166, %exp3A_1164 : vector<16xf32>
      %div3A_1168 = arith.constant 1.000000e+00 : f32
      %div3A_1169 = vector.broadcast %div3A_1168 : f32 to vector<16xf32>
      %div3A_1170 = arith.divf %div3A_1169, %add3A_1167 : vector<16xf32>
      %mul3A_1171 = arith.mulf %exp3A_1164, %div3A_1170 : vector<16xf32>
      %eq3A_1172 = arith.constant 0 : i32
      %eq3A_1173 = vector.broadcast %eq3A_1172 : i32 to vector<16xi32>
      %eq3A_1174 = arith.cmpi eq, %select_n3A_1054, %eq3A_1173 : vector<16xi32>
      %eq3A_1175 = arith.constant 0 : i32
      %eq3A_1176 = vector.broadcast %eq3A_1175 : i32 to vector<16xi32>
      %eq3A_1177 = arith.cmpi eq, %select_n3A_1162, %eq3A_1176 : vector<16xi32>
      %jit3A_1178 = arith.constant 0.000000e+00 : f32
      %broadcast_in_dim3A_1179 = vector.broadcast %jit3A_1178 : f32 to vector<16xf32>
      %select_n3A_1180 = arith.select %eq3A_1177, %mul3A_1171, %broadcast_in_dim3A_1179 : vector<16xi1>, vector<16xf32>
      %select_n3A_1181 = arith.select %eq3A_1174, %div3A_1170, %select_n3A_1180 : vector<16xi1>, vector<16xf32>
      %swap3A_1182 = arith.constant 8 : i32
      %swap3A_1183 = arith.index_cast %swap3A_1182 : i32 to index
      %swap3A_1184 = arith.constant 16 : index
      %swap3A_1185 = tpu.vector_load %arg5[%swap3A_1183, %swap3A_1184] {strides = array<i32>} : memref<16x128xf32, #tpu.memory_space<vmem>>, vector<1x16xf32>,
      %swap3A_1186 = vector.shape_cast %swap3A_1185 : vector<1x16xf32> to vector<16xf32>
      %swap3A_1187 = vector.shape_cast %select_n3A_1181 : vector<16xf32> to vector<1x16xf32>
      tpu.vector_store %arg5[%swap3A_1183, %swap3A_1184], %swap3A_1187 {strides = array<i32>} : memref<16x128xf32, #tpu.memory_space<vmem>>, vector<1x16xf32>,
      %eq3A_1188 = arith.constant 1 : i32
      %eq3A_1189 = vector.broadcast %eq3A_1188 : i32 to vector<16xi32>
      %eq3A_1190 = arith.cmpi eq, %select_n3A_1054, %eq3A_1189 : vector<16xi32>
      %eq3A_1191 = arith.constant 1 : i32
      %eq3A_1192 = vector.broadcast %eq3A_1191 : i32 to vector<16xi32>
      %eq3A_1193 = arith.cmpi eq, %select_n3A_1162, %eq3A_1192 : vector<16xi32>
      %jit3A_1194 = arith.constant 0.000000e+00 : f32
      %broadcast_in_dim3A_1195 = vector.broadcast %jit3A_1194 : f32 to vector<16xf32>
      %select_n3A_1196 = arith.select %eq3A_1193, %mul3A_1171, %broadcast_in_dim3A_1195 : vector<16xi1>, vector<16xf32>
      %select_n3A_1197 = arith.select %eq3A_1190, %div3A_1170, %select_n3A_1196 : vector<16xi1>, vector<16xf32>
      %swap3A_1198 = arith.constant 9 : i32
      %swap3A_1199 = arith.index_cast %swap3A_1198 : i32 to index
      %swap3A_1200 = arith.constant 16 : index
      %swap3A_1201 = tpu.vector_load %arg5[%swap3A_1199, %swap3A_1200] {strides = array<i32>} : memref<16x128xf32, #tpu.memory_space<vmem>>, vector<1x16xf32>,
      %swap3A_1202 = vector.shape_cast %swap3A_1201 : vector<1x16xf32> to vector<16xf32>
      %swap3A_1203 = vector.shape_cast %select_n3A_1197 : vector<16xf32> to vector<1x16xf32>
      tpu.vector_store %arg5[%swap3A_1199, %swap3A_1200], %swap3A_1203 {strides = array<i32>} : memref<16x128xf32, #tpu.memory_space<vmem>>, vector<1x16xf32>,
      %eq3A_1204 = arith.constant 2 : i32
      %eq3A_1205 = vector.broadcast %eq3A_1204 : i32 to vector<16xi32>
      %eq3A_1206 = arith.cmpi eq, %select_n3A_1054, %eq3A_1205 : vector<16xi32>
      %eq3A_1207 = arith.constant 2 : i32
      %eq3A_1208 = vector.broadcast %eq3A_1207 : i32 to vector<16xi32>
      %eq3A_1209 = arith.cmpi eq, %select_n3A_1162, %eq3A_1208 : vector<16xi32>
      %jit3A_1210 = arith.constant 0.000000e+00 : f32
      %broadcast_in_dim3A_1211 = vector.broadcast %jit3A_1210 : f32 to vector<16xf32>
      %select_n3A_1212 = arith.select %eq3A_1209, %mul3A_1171, %broadcast_in_dim3A_1211 : vector<16xi1>, vector<16xf32>
      %select_n3A_1213 = arith.select %eq3A_1206, %div3A_1170, %select_n3A_1212 : vector<16xi1>, vector<16xf32>
      %swap3A_1214 = arith.constant 10 : i32
      %swap3A_1215 = arith.index_cast %swap3A_1214 : i32 to index
      %swap3A_1216 = arith.constant 16 : index
      %swap3A_1217 = tpu.vector_load %arg5[%swap3A_1215, %swap3A_1216] {strides = array<i32>} : memref<16x128xf32, #tpu.memory_space<vmem>>, vector<1x16xf32>,
      %swap3A_1218 = vector.shape_cast %swap3A_1217 : vector<1x16xf32> to vector<16xf32>
      %swap3A_1219 = vector.shape_cast %select_n3A_1213 : vector<16xf32> to vector<1x16xf32>
      tpu.vector_store %arg5[%swap3A_1215, %swap3A_1216], %swap3A_1219 {strides = array<i32>} : memref<16x128xf32, #tpu.memory_space<vmem>>, vector<1x16xf32>,
      %eq3A_1220 = arith.constant 3 : i32
      %eq3A_1221 = vector.broadcast %eq3A_1220 : i32 to vector<16xi32>
      %eq3A_1222 = arith.cmpi eq, %select_n3A_1054, %eq3A_1221 : vector<16xi32>
      %eq3A_1223 = arith.constant 3 : i32
      %eq3A_1224 = vector.broadcast %eq3A_1223 : i32 to vector<16xi32>
      %eq3A_1225 = arith.cmpi eq, %select_n3A_1162, %eq3A_1224 : vector<16xi32>
      %jit3A_1226 = arith.constant 0.000000e+00 : f32
      %broadcast_in_dim3A_1227 = vector.broadcast %jit3A_1226 : f32 to vector<16xf32>
      %select_n3A_1228 = arith.select %eq3A_1225, %mul3A_1171, %broadcast_in_dim3A_1227 : vector<16xi1>, vector<16xf32>
      %select_n3A_1229 = arith.select %eq3A_1222, %div3A_1170, %select_n3A_1228 : vector<16xi1>, vector<16xf32>
      %swap3A_1230 = arith.constant 11 : i32
      %swap3A_1231 = arith.index_cast %swap3A_1230 : i32 to index
      %swap3A_1232 = arith.constant 16 : index
      %swap3A_1233 = tpu.vector_load %arg5[%swap3A_1231, %swap3A_1232] {strides = array<i32>} : memref<16x128xf32, #tpu.memory_space<vmem>>, vector<1x16xf32>,
      %swap3A_1234 = vector.shape_cast %swap3A_1233 : vector<1x16xf32> to vector<16xf32>
      %swap3A_1235 = vector.shape_cast %select_n3A_1229 : vector<16xf32> to vector<1x16xf32>
      tpu.vector_store %arg5[%swap3A_1231, %swap3A_1232], %swap3A_1235 {strides = array<i32>} : memref<16x128xf32, #tpu.memory_space<vmem>>, vector<1x16xf32>,
      %eq3A_1236 = arith.constant 4 : i32
      %eq3A_1237 = vector.broadcast %eq3A_1236 : i32 to vector<16xi32>
      %eq3A_1238 = arith.cmpi eq, %select_n3A_1054, %eq3A_1237 : vector<16xi32>
      %eq3A_1239 = arith.constant 4 : i32
      %eq3A_1240 = vector.broadcast %eq3A_1239 : i32 to vector<16xi32>
      %eq3A_1241 = arith.cmpi eq, %select_n3A_1162, %eq3A_1240 : vector<16xi32>
      %jit3A_1242 = arith.constant 0.000000e+00 : f32
      %broadcast_in_dim3A_1243 = vector.broadcast %jit3A_1242 : f32 to vector<16xf32>
      %select_n3A_1244 = arith.select %eq3A_1241, %mul3A_1171, %broadcast_in_dim3A_1243 : vector<16xi1>, vector<16xf32>
      %select_n3A_1245 = arith.select %eq3A_1238, %div3A_1170, %select_n3A_1244 : vector<16xi1>, vector<16xf32>
      %swap3A_1246 = arith.constant 12 : i32
      %swap3A_1247 = arith.index_cast %swap3A_1246 : i32 to index
      %swap3A_1248 = arith.constant 16 : index
      %swap3A_1249 = tpu.vector_load %arg5[%swap3A_1247, %swap3A_1248] {strides = array<i32>} : memref<16x128xf32, #tpu.memory_space<vmem>>, vector<1x16xf32>,
      %swap3A_1250 = vector.shape_cast %swap3A_1249 : vector<1x16xf32> to vector<16xf32>
      %swap3A_1251 = vector.shape_cast %select_n3A_1245 : vector<16xf32> to vector<1x16xf32>
      tpu.vector_store %arg5[%swap3A_1247, %swap3A_1248], %swap3A_1251 {strides = array<i32>} : memref<16x128xf32, #tpu.memory_space<vmem>>, vector<1x16xf32>,
      %eq3A_1252 = arith.constant 5 : i32
      %eq3A_1253 = vector.broadcast %eq3A_1252 : i32 to vector<16xi32>
      %eq3A_1254 = arith.cmpi eq, %select_n3A_1054, %eq3A_1253 : vector<16xi32>
      %eq3A_1255 = arith.constant 5 : i32
      %eq3A_1256 = vector.broadcast %eq3A_1255 : i32 to vector<16xi32>
      %eq3A_1257 = arith.cmpi eq, %select_n3A_1162, %eq3A_1256 : vector<16xi32>
      %jit3A_1258 = arith.constant 0.000000e+00 : f32
      %broadcast_in_dim3A_1259 = vector.broadcast %jit3A_1258 : f32 to vector<16xf32>
      %select_n3A_1260 = arith.select %eq3A_1257, %mul3A_1171, %broadcast_in_dim3A_1259 : vector<16xi1>, vector<16xf32>
      %select_n3A_1261 = arith.select %eq3A_1254, %div3A_1170, %select_n3A_1260 : vector<16xi1>, vector<16xf32>
      %swap3A_1262 = arith.constant 13 : i32
      %swap3A_1263 = arith.index_cast %swap3A_1262 : i32 to index
      %swap3A_1264 = arith.constant 16 : index
      %swap3A_1265 = tpu.vector_load %arg5[%swap3A_1263, %swap3A_1264] {strides = array<i32>} : memref<16x128xf32, #tpu.memory_space<vmem>>, vector<1x16xf32>,
      %swap3A_1266 = vector.shape_cast %swap3A_1265 : vector<1x16xf32> to vector<16xf32>
      %swap3A_1267 = vector.shape_cast %select_n3A_1261 : vector<16xf32> to vector<1x16xf32>
      tpu.vector_store %arg5[%swap3A_1263, %swap3A_1264], %swap3A_1267 {strides = array<i32>} : memref<16x128xf32, #tpu.memory_space<vmem>>, vector<1x16xf32>,
      %eq3A_1268 = arith.constant 6 : i32
      %eq3A_1269 = vector.broadcast %eq3A_1268 : i32 to vector<16xi32>
      %eq3A_1270 = arith.cmpi eq, %select_n3A_1054, %eq3A_1269 : vector<16xi32>
      %eq3A_1271 = arith.constant 6 : i32
      %eq3A_1272 = vector.broadcast %eq3A_1271 : i32 to vector<16xi32>
      %eq3A_1273 = arith.cmpi eq, %select_n3A_1162, %eq3A_1272 : vector<16xi32>
      %jit3A_1274 = arith.constant 0.000000e+00 : f32
      %broadcast_in_dim3A_1275 = vector.broadcast %jit3A_1274 : f32 to vector<16xf32>
      %select_n3A_1276 = arith.select %eq3A_1273, %mul3A_1171, %broadcast_in_dim3A_1275 : vector<16xi1>, vector<16xf32>
      %select_n3A_1277 = arith.select %eq3A_1270, %div3A_1170, %select_n3A_1276 : vector<16xi1>, vector<16xf32>
      %swap3A_1278 = arith.constant 14 : i32
      %swap3A_1279 = arith.index_cast %swap3A_1278 : i32 to index
      %swap3A_1280 = arith.constant 16 : index
      %swap3A_1281 = tpu.vector_load %arg5[%swap3A_1279, %swap3A_1280] {strides = array<i32>} : memref<16x128xf32, #tpu.memory_space<vmem>>, vector<1x16xf32>,
      %swap3A_1282 = vector.shape_cast %swap3A_1281 : vector<1x16xf32> to vector<16xf32>
      %swap3A_1283 = vector.shape_cast %select_n3A_1277 : vector<16xf32> to vector<1x16xf32>
      tpu.vector_store %arg5[%swap3A_1279, %swap3A_1280], %swap3A_1283 {strides = array<i32>} : memref<16x128xf32, #tpu.memory_space<vmem>>, vector<1x16xf32>,
      %eq3A_1284 = arith.constant 7 : i32
      %eq3A_1285 = vector.broadcast %eq3A_1284 : i32 to vector<16xi32>
      %eq3A_1286 = arith.cmpi eq, %select_n3A_1054, %eq3A_1285 : vector<16xi32>
      %eq3A_1287 = arith.constant 7 : i32
      %eq3A_1288 = vector.broadcast %eq3A_1287 : i32 to vector<16xi32>
      %eq3A_1289 = arith.cmpi eq, %select_n3A_1162, %eq3A_1288 : vector<16xi32>
      %jit3A_1290 = arith.constant 0.000000e+00 : f32
      %broadcast_in_dim3A_1291 = vector.broadcast %jit3A_1290 : f32 to vector<16xf32>
      %select_n3A_1292 = arith.select %eq3A_1289, %mul3A_1171, %broadcast_in_dim3A_1291 : vector<16xi1>, vector<16xf32>
      %select_n3A_1293 = arith.select %eq3A_1286, %div3A_1170, %select_n3A_1292 : vector<16xi1>, vector<16xf32>
      %swap3A_1294 = arith.constant 15 : i32
      %swap3A_1295 = arith.index_cast %swap3A_1294 : i32 to index
      %swap3A_1296 = arith.constant 16 : index
      %swap3A_1297 = tpu.vector_load %arg5[%swap3A_1295, %swap3A_1296] {strides = array<i32>} : memref<16x128xf32, #tpu.memory_space<vmem>>, vector<1x16xf32>,
      %swap3A_1298 = vector.shape_cast %swap3A_1297 : vector<1x16xf32> to vector<16xf32>
      %swap3A_1299 = vector.shape_cast %select_n3A_1293 : vector<16xf32> to vector<1x16xf32>
      tpu.vector_store %arg5[%swap3A_1295, %swap3A_1296], %swap3A_1299 {strides = array<i32>} : memref<16x128xf32, #tpu.memory_space<vmem>>, vector<1x16xf32>,
      %get3A_1300 = arith.constant 0 : i32
      %get3A_1301 = arith.index_cast %get3A_1300 : i32 to index
      %get3A_1302 = arith.constant 32 : index
      %get3A_1303 = tpu.vector_load %arg4[%get3A_1301, %get3A_1302] {strides = array<i32>} : memref<16x128xf32, #tpu.memory_space<vmem>>, vector<1x16xf32>,
      %get3A_1304 = vector.shape_cast %get3A_1303 : vector<1x16xf32> to vector<16xf32>
      %get3A_1305 = arith.constant 1 : i32
      %get3A_1306 = arith.index_cast %get3A_1305 : i32 to index
      %get3A_1307 = arith.constant 32 : index
      %get3A_1308 = tpu.vector_load %arg4[%get3A_1306, %get3A_1307] {strides = array<i32>} : memref<16x128xf32, #tpu.memory_space<vmem>>, vector<1x16xf32>,
      %get3A_1309 = vector.shape_cast %get3A_1308 : vector<1x16xf32> to vector<16xf32>
      %get3A_1310 = arith.constant 2 : i32
      %get3A_1311 = arith.index_cast %get3A_1310 : i32 to index
      %get3A_1312 = arith.constant 32 : index
      %get3A_1313 = tpu.vector_load %arg4[%get3A_1311, %get3A_1312] {strides = array<i32>} : memref<16x128xf32, #tpu.memory_space<vmem>>, vector<1x16xf32>,
      %get3A_1314 = vector.shape_cast %get3A_1313 : vector<1x16xf32> to vector<16xf32>
      %get3A_1315 = arith.constant 3 : i32
      %get3A_1316 = arith.index_cast %get3A_1315 : i32 to index
      %get3A_1317 = arith.constant 32 : index
      %get3A_1318 = tpu.vector_load %arg4[%get3A_1316, %get3A_1317] {strides = array<i32>} : memref<16x128xf32, #tpu.memory_space<vmem>>, vector<1x16xf32>,
      %get3A_1319 = vector.shape_cast %get3A_1318 : vector<1x16xf32> to vector<16xf32>
      %get3A_1320 = arith.constant 4 : i32
      %get3A_1321 = arith.index_cast %get3A_1320 : i32 to index
      %get3A_1322 = arith.constant 32 : index
      %get3A_1323 = tpu.vector_load %arg4[%get3A_1321, %get3A_1322] {strides = array<i32>} : memref<16x128xf32, #tpu.memory_space<vmem>>, vector<1x16xf32>,
      %get3A_1324 = vector.shape_cast %get3A_1323 : vector<1x16xf32> to vector<16xf32>
      %get3A_1325 = arith.constant 5 : i32
      %get3A_1326 = arith.index_cast %get3A_1325 : i32 to index
      %get3A_1327 = arith.constant 32 : index
      %get3A_1328 = tpu.vector_load %arg4[%get3A_1326, %get3A_1327] {strides = array<i32>} : memref<16x128xf32, #tpu.memory_space<vmem>>, vector<1x16xf32>,
      %get3A_1329 = vector.shape_cast %get3A_1328 : vector<1x16xf32> to vector<16xf32>
      %get3A_1330 = arith.constant 6 : i32
      %get3A_1331 = arith.index_cast %get3A_1330 : i32 to index
      %get3A_1332 = arith.constant 32 : index
      %get3A_1333 = tpu.vector_load %arg4[%get3A_1331, %get3A_1332] {strides = array<i32>} : memref<16x128xf32, #tpu.memory_space<vmem>>, vector<1x16xf32>,
      %get3A_1334 = vector.shape_cast %get3A_1333 : vector<1x16xf32> to vector<16xf32>
      %get3A_1335 = arith.constant 7 : i32
      %get3A_1336 = arith.index_cast %get3A_1335 : i32 to index
      %get3A_1337 = arith.constant 32 : index
      %get3A_1338 = tpu.vector_load %arg4[%get3A_1336, %get3A_1337] {strides = array<i32>} : memref<16x128xf32, #tpu.memory_space<vmem>>, vector<1x16xf32>,
      %get3A_1339 = vector.shape_cast %get3A_1338 : vector<1x16xf32> to vector<16xf32>
      %max3A_1340 = arith.maximumf %get3A_1304, %get3A_1309 : vector<16xf32>
      %max3A_1341 = arith.maximumf %max3A_1340, %get3A_1314 : vector<16xf32>
      %max3A_1342 = arith.maximumf %max3A_1341, %get3A_1319 : vector<16xf32>
      %max3A_1343 = arith.maximumf %max3A_1342, %get3A_1324 : vector<16xf32>
      %max3A_1344 = arith.maximumf %max3A_1343, %get3A_1329 : vector<16xf32>
      %max3A_1345 = arith.maximumf %max3A_1344, %get3A_1334 : vector<16xf32>
      %max3A_1346 = arith.maximumf %max3A_1345, %get3A_1339 : vector<16xf32>
      %broadcast_in_dim3A_1347 = arith.constant 8 : i32
      %broadcast_in_dim3A_1348 = vector.broadcast %broadcast_in_dim3A_1347 : i32 to vector<16xi32>
      %eq3A_1349 = arith.cmpf oeq, %get3A_1339, %max3A_1346 : vector<16xf32>
      %jit3A_1350 = arith.constant 7 : i32
      %broadcast_in_dim3A_1351 = vector.broadcast %jit3A_1350 : i32 to vector<16xi32>
      %select_n3A_1352 = arith.select %eq3A_1349, %broadcast_in_dim3A_1351, %broadcast_in_dim3A_1348 : vector<16xi1>, vector<16xi32>
      %eq3A_1353 = arith.cmpf oeq, %get3A_1334, %max3A_1346 : vector<16xf32>
      %jit3A_1354 = arith.constant 6 : i32
      %broadcast_in_dim3A_1355 = vector.broadcast %jit3A_1354 : i32 to vector<16xi32>
      %select_n3A_1356 = arith.select %eq3A_1353, %broadcast_in_dim3A_1355, %select_n3A_1352 : vector<16xi1>, vector<16xi32>
      %eq3A_1357 = arith.cmpf oeq, %get3A_1329, %max3A_1346 : vector<16xf32>
      %jit3A_1358 = arith.constant 5 : i32
      %broadcast_in_dim3A_1359 = vector.broadcast %jit3A_1358 : i32 to vector<16xi32>
      %select_n3A_1360 = arith.select %eq3A_1357, %broadcast_in_dim3A_1359, %select_n3A_1356 : vector<16xi1>, vector<16xi32>
      %eq3A_1361 = arith.cmpf oeq, %get3A_1324, %max3A_1346 : vector<16xf32>
      %jit3A_1362 = arith.constant 4 : i32
      %broadcast_in_dim3A_1363 = vector.broadcast %jit3A_1362 : i32 to vector<16xi32>
      %select_n3A_1364 = arith.select %eq3A_1361, %broadcast_in_dim3A_1363, %select_n3A_1360 : vector<16xi1>, vector<16xi32>
      %eq3A_1365 = arith.cmpf oeq, %get3A_1319, %max3A_1346 : vector<16xf32>
      %jit3A_1366 = arith.constant 3 : i32
      %broadcast_in_dim3A_1367 = vector.broadcast %jit3A_1366 : i32 to vector<16xi32>
      %select_n3A_1368 = arith.select %eq3A_1365, %broadcast_in_dim3A_1367, %select_n3A_1364 : vector<16xi1>, vector<16xi32>
      %eq3A_1369 = arith.cmpf oeq, %get3A_1314, %max3A_1346 : vector<16xf32>
      %jit3A_1370 = arith.constant 2 : i32
      %broadcast_in_dim3A_1371 = vector.broadcast %jit3A_1370 : i32 to vector<16xi32>
      %select_n3A_1372 = arith.select %eq3A_1369, %broadcast_in_dim3A_1371, %select_n3A_1368 : vector<16xi1>, vector<16xi32>
      %eq3A_1373 = arith.cmpf oeq, %get3A_1309, %max3A_1346 : vector<16xf32>
      %jit3A_1374 = arith.constant 1 : i32
      %broadcast_in_dim3A_1375 = vector.broadcast %jit3A_1374 : i32 to vector<16xi32>
      %select_n3A_1376 = arith.select %eq3A_1373, %broadcast_in_dim3A_1375, %select_n3A_1372 : vector<16xi1>, vector<16xi32>
      %eq3A_1377 = arith.cmpf oeq, %get3A_1304, %max3A_1346 : vector<16xf32>
      %jit3A_1378 = arith.constant 0 : i32
      %broadcast_in_dim3A_1379 = vector.broadcast %jit3A_1378 : i32 to vector<16xi32>
      %select_n3A_1380 = arith.select %eq3A_1377, %broadcast_in_dim3A_1379, %select_n3A_1376 : vector<16xi1>, vector<16xi32>
      %broadcast_in_dim3A_1381 = arith.constant 0xFF800000 : f32
      %broadcast_in_dim3A_1382 = vector.broadcast %broadcast_in_dim3A_1381 : f32 to vector<16xf32>
      %eq3A_1383 = arith.constant 0 : i32
      %eq3A_1384 = vector.broadcast %eq3A_1383 : i32 to vector<16xi32>
      %eq3A_1385 = arith.cmpi eq, %select_n3A_1380, %eq3A_1384 : vector<16xi32>
      %max3A_1386 = arith.maximumf %broadcast_in_dim3A_1382, %get3A_1304 : vector<16xf32>
      %select_n3A_1387 = arith.select %eq3A_1385, %broadcast_in_dim3A_1382, %max3A_1386 : vector<16xi1>, vector<16xf32>
      %eq3A_1388 = arith.constant 1 : i32
      %eq3A_1389 = vector.broadcast %eq3A_1388 : i32 to vector<16xi32>
      %eq3A_1390 = arith.cmpi eq, %select_n3A_1380, %eq3A_1389 : vector<16xi32>
      %max3A_1391 = arith.maximumf %select_n3A_1387, %get3A_1309 : vector<16xf32>
      %select_n3A_1392 = arith.select %eq3A_1390, %select_n3A_1387, %max3A_1391 : vector<16xi1>, vector<16xf32>
      %eq3A_1393 = arith.constant 2 : i32
      %eq3A_1394 = vector.broadcast %eq3A_1393 : i32 to vector<16xi32>
      %eq3A_1395 = arith.cmpi eq, %select_n3A_1380, %eq3A_1394 : vector<16xi32>
      %max3A_1396 = arith.maximumf %select_n3A_1392, %get3A_1314 : vector<16xf32>
      %select_n3A_1397 = arith.select %eq3A_1395, %select_n3A_1392, %max3A_1396 : vector<16xi1>, vector<16xf32>
      %eq3A_1398 = arith.constant 3 : i32
      %eq3A_1399 = vector.broadcast %eq3A_1398 : i32 to vector<16xi32>
      %eq3A_1400 = arith.cmpi eq, %select_n3A_1380, %eq3A_1399 : vector<16xi32>
      %max3A_1401 = arith.maximumf %select_n3A_1397, %get3A_1319 : vector<16xf32>
      %select_n3A_1402 = arith.select %eq3A_1400, %select_n3A_1397, %max3A_1401 : vector<16xi1>, vector<16xf32>
      %eq3A_1403 = arith.constant 4 : i32
      %eq3A_1404 = vector.broadcast %eq3A_1403 : i32 to vector<16xi32>
      %eq3A_1405 = arith.cmpi eq, %select_n3A_1380, %eq3A_1404 : vector<16xi32>
      %max3A_1406 = arith.maximumf %select_n3A_1402, %get3A_1324 : vector<16xf32>
      %select_n3A_1407 = arith.select %eq3A_1405, %select_n3A_1402, %max3A_1406 : vector<16xi1>, vector<16xf32>
      %eq3A_1408 = arith.constant 5 : i32
      %eq3A_1409 = vector.broadcast %eq3A_1408 : i32 to vector<16xi32>
      %eq3A_1410 = arith.cmpi eq, %select_n3A_1380, %eq3A_1409 : vector<16xi32>
      %max3A_1411 = arith.maximumf %select_n3A_1407, %get3A_1329 : vector<16xf32>
      %select_n3A_1412 = arith.select %eq3A_1410, %select_n3A_1407, %max3A_1411 : vector<16xi1>, vector<16xf32>
      %eq3A_1413 = arith.constant 6 : i32
      %eq3A_1414 = vector.broadcast %eq3A_1413 : i32 to vector<16xi32>
      %eq3A_1415 = arith.cmpi eq, %select_n3A_1380, %eq3A_1414 : vector<16xi32>
      %max3A_1416 = arith.maximumf %select_n3A_1412, %get3A_1334 : vector<16xf32>
      %select_n3A_1417 = arith.select %eq3A_1415, %select_n3A_1412, %max3A_1416 : vector<16xi1>, vector<16xf32>
      %eq3A_1418 = arith.constant 7 : i32
      %eq3A_1419 = vector.broadcast %eq3A_1418 : i32 to vector<16xi32>
      %eq3A_1420 = arith.cmpi eq, %select_n3A_1380, %eq3A_1419 : vector<16xi32>
      %max3A_1421 = arith.maximumf %select_n3A_1417, %get3A_1339 : vector<16xf32>
      %select_n3A_1422 = arith.select %eq3A_1420, %select_n3A_1417, %max3A_1421 : vector<16xi1>, vector<16xf32>
      %broadcast_in_dim3A_1423 = arith.constant 8 : i32
      %broadcast_in_dim3A_1424 = vector.broadcast %broadcast_in_dim3A_1423 : i32 to vector<16xi32>
      %eq3A_1425 = arith.cmpf oeq, %get3A_1339, %select_n3A_1422 : vector<16xf32>
      %ne3A_1426 = arith.constant 7 : i32
      %ne3A_1427 = vector.broadcast %ne3A_1426 : i32 to vector<16xi32>
      %ne3A_1428 = arith.cmpi ne, %select_n3A_1380, %ne3A_1427 : vector<16xi32>
      %and3A_1429 = arith.andi %eq3A_1425, %ne3A_1428 : vector<16xi1>
      %jit3A_1430 = arith.constant 7 : i32
      %broadcast_in_dim3A_1431 = vector.broadcast %jit3A_1430 : i32 to vector<16xi32>
      %select_n3A_1432 = arith.select %and3A_1429, %broadcast_in_dim3A_1431, %broadcast_in_dim3A_1424 : vector<16xi1>, vector<16xi32>
      %eq3A_1433 = arith.cmpf oeq, %get3A_1334, %select_n3A_1422 : vector<16xf32>
      %ne3A_1434 = arith.constant 6 : i32
      %ne3A_1435 = vector.broadcast %ne3A_1434 : i32 to vector<16xi32>
      %ne3A_1436 = arith.cmpi ne, %select_n3A_1380, %ne3A_1435 : vector<16xi32>
      %and3A_1437 = arith.andi %eq3A_1433, %ne3A_1436 : vector<16xi1>
      %jit3A_1438 = arith.constant 6 : i32
      %broadcast_in_dim3A_1439 = vector.broadcast %jit3A_1438 : i32 to vector<16xi32>
      %select_n3A_1440 = arith.select %and3A_1437, %broadcast_in_dim3A_1439, %select_n3A_1432 : vector<16xi1>, vector<16xi32>
      %eq3A_1441 = arith.cmpf oeq, %get3A_1329, %select_n3A_1422 : vector<16xf32>
      %ne3A_1442 = arith.constant 5 : i32
      %ne3A_1443 = vector.broadcast %ne3A_1442 : i32 to vector<16xi32>
      %ne3A_1444 = arith.cmpi ne, %select_n3A_1380, %ne3A_1443 : vector<16xi32>
      %and3A_1445 = arith.andi %eq3A_1441, %ne3A_1444 : vector<16xi1>
      %jit3A_1446 = arith.constant 5 : i32
      %broadcast_in_dim3A_1447 = vector.broadcast %jit3A_1446 : i32 to vector<16xi32>
      %select_n3A_1448 = arith.select %and3A_1445, %broadcast_in_dim3A_1447, %select_n3A_1440 : vector<16xi1>, vector<16xi32>
      %eq3A_1449 = arith.cmpf oeq, %get3A_1324, %select_n3A_1422 : vector<16xf32>
      %ne3A_1450 = arith.constant 4 : i32
      %ne3A_1451 = vector.broadcast %ne3A_1450 : i32 to vector<16xi32>
      %ne3A_1452 = arith.cmpi ne, %select_n3A_1380, %ne3A_1451 : vector<16xi32>
      %and3A_1453 = arith.andi %eq3A_1449, %ne3A_1452 : vector<16xi1>
      %jit3A_1454 = arith.constant 4 : i32
      %broadcast_in_dim3A_1455 = vector.broadcast %jit3A_1454 : i32 to vector<16xi32>
      %select_n3A_1456 = arith.select %and3A_1453, %broadcast_in_dim3A_1455, %select_n3A_1448 : vector<16xi1>, vector<16xi32>
      %eq3A_1457 = arith.cmpf oeq, %get3A_1319, %select_n3A_1422 : vector<16xf32>
      %ne3A_1458 = arith.constant 3 : i32
      %ne3A_1459 = vector.broadcast %ne3A_1458 : i32 to vector<16xi32>
      %ne3A_1460 = arith.cmpi ne, %select_n3A_1380, %ne3A_1459 : vector<16xi32>
      %and3A_1461 = arith.andi %eq3A_1457, %ne3A_1460 : vector<16xi1>
      %jit3A_1462 = arith.constant 3 : i32
      %broadcast_in_dim3A_1463 = vector.broadcast %jit3A_1462 : i32 to vector<16xi32>
      %select_n3A_1464 = arith.select %and3A_1461, %broadcast_in_dim3A_1463, %select_n3A_1456 : vector<16xi1>, vector<16xi32>
      %eq3A_1465 = arith.cmpf oeq, %get3A_1314, %select_n3A_1422 : vector<16xf32>
      %ne3A_1466 = arith.constant 2 : i32
      %ne3A_1467 = vector.broadcast %ne3A_1466 : i32 to vector<16xi32>
      %ne3A_1468 = arith.cmpi ne, %select_n3A_1380, %ne3A_1467 : vector<16xi32>
      %and3A_1469 = arith.andi %eq3A_1465, %ne3A_1468 : vector<16xi1>
      %jit3A_1470 = arith.constant 2 : i32
      %broadcast_in_dim3A_1471 = vector.broadcast %jit3A_1470 : i32 to vector<16xi32>
      %select_n3A_1472 = arith.select %and3A_1469, %broadcast_in_dim3A_1471, %select_n3A_1464 : vector<16xi1>, vector<16xi32>
      %eq3A_1473 = arith.cmpf oeq, %get3A_1309, %select_n3A_1422 : vector<16xf32>
      %ne3A_1474 = arith.constant 1 : i32
      %ne3A_1475 = vector.broadcast %ne3A_1474 : i32 to vector<16xi32>
      %ne3A_1476 = arith.cmpi ne, %select_n3A_1380, %ne3A_1475 : vector<16xi32>
      %and3A_1477 = arith.andi %eq3A_1473, %ne3A_1476 : vector<16xi1>
      %jit3A_1478 = arith.constant 1 : i32
      %broadcast_in_dim3A_1479 = vector.broadcast %jit3A_1478 : i32 to vector<16xi32>
      %select_n3A_1480 = arith.select %and3A_1477, %broadcast_in_dim3A_1479, %select_n3A_1472 : vector<16xi1>, vector<16xi32>
      %eq3A_1481 = arith.cmpf oeq, %get3A_1304, %select_n3A_1422 : vector<16xf32>
      %ne3A_1482 = arith.constant 0 : i32
      %ne3A_1483 = vector.broadcast %ne3A_1482 : i32 to vector<16xi32>
      %ne3A_1484 = arith.cmpi ne, %select_n3A_1380, %ne3A_1483 : vector<16xi32>
      %and3A_1485 = arith.andi %eq3A_1481, %ne3A_1484 : vector<16xi1>
      %jit3A_1486 = arith.constant 0 : i32
      %broadcast_in_dim3A_1487 = vector.broadcast %jit3A_1486 : i32 to vector<16xi32>
      %select_n3A_1488 = arith.select %and3A_1485, %broadcast_in_dim3A_1487, %select_n3A_1480 : vector<16xi1>, vector<16xi32>
      %sub3A_1489 = arith.subf %select_n3A_1422, %max3A_1346 : vector<16xf32>
      %exp3A_1490 = math.exp %sub3A_1489 : vector<16xf32>
      %add3A_1491 = arith.constant 1.000000e+00 : f32
      %add3A_1492 = vector.broadcast %add3A_1491 : f32 to vector<16xf32>
      %add3A_1493 = arith.addf %add3A_1492, %exp3A_1490 : vector<16xf32>
      %div3A_1494 = arith.constant 1.000000e+00 : f32
      %div3A_1495 = vector.broadcast %div3A_1494 : f32 to vector<16xf32>
      %div3A_1496 = arith.divf %div3A_1495, %add3A_1493 : vector<16xf32>
      %mul3A_1497 = arith.mulf %exp3A_1490, %div3A_1496 : vector<16xf32>
      %eq3A_1498 = arith.constant 0 : i32
      %eq3A_1499 = vector.broadcast %eq3A_1498 : i32 to vector<16xi32>
      %eq3A_1500 = arith.cmpi eq, %select_n3A_1380, %eq3A_1499 : vector<16xi32>
      %eq3A_1501 = arith.constant 0 : i32
      %eq3A_1502 = vector.broadcast %eq3A_1501 : i32 to vector<16xi32>
      %eq3A_1503 = arith.cmpi eq, %select_n3A_1488, %eq3A_1502 : vector<16xi32>
      %jit3A_1504 = arith.constant 0.000000e+00 : f32
      %broadcast_in_dim3A_1505 = vector.broadcast %jit3A_1504 : f32 to vector<16xf32>
      %select_n3A_1506 = arith.select %eq3A_1503, %mul3A_1497, %broadcast_in_dim3A_1505 : vector<16xi1>, vector<16xf32>
      %select_n3A_1507 = arith.select %eq3A_1500, %div3A_1496, %select_n3A_1506 : vector<16xi1>, vector<16xf32>
      %swap3A_1508 = arith.constant 0 : i32
      %swap3A_1509 = arith.index_cast %swap3A_1508 : i32 to index
      %swap3A_1510 = arith.constant 32 : index
      %swap3A_1511 = tpu.vector_load %arg5[%swap3A_1509, %swap3A_1510] {strides = array<i32>} : memref<16x128xf32, #tpu.memory_space<vmem>>, vector<1x16xf32>,
      %swap3A_1512 = vector.shape_cast %swap3A_1511 : vector<1x16xf32> to vector<16xf32>
      %swap3A_1513 = vector.shape_cast %select_n3A_1507 : vector<16xf32> to vector<1x16xf32>
      tpu.vector_store %arg5[%swap3A_1509, %swap3A_1510], %swap3A_1513 {strides = array<i32>} : memref<16x128xf32, #tpu.memory_space<vmem>>, vector<1x16xf32>,
      %eq3A_1514 = arith.constant 1 : i32
      %eq3A_1515 = vector.broadcast %eq3A_1514 : i32 to vector<16xi32>
      %eq3A_1516 = arith.cmpi eq, %select_n3A_1380, %eq3A_1515 : vector<16xi32>
      %eq3A_1517 = arith.constant 1 : i32
      %eq3A_1518 = vector.broadcast %eq3A_1517 : i32 to vector<16xi32>
      %eq3A_1519 = arith.cmpi eq, %select_n3A_1488, %eq3A_1518 : vector<16xi32>
      %jit3A_1520 = arith.constant 0.000000e+00 : f32
      %broadcast_in_dim3A_1521 = vector.broadcast %jit3A_1520 : f32 to vector<16xf32>
      %select_n3A_1522 = arith.select %eq3A_1519, %mul3A_1497, %broadcast_in_dim3A_1521 : vector<16xi1>, vector<16xf32>
      %select_n3A_1523 = arith.select %eq3A_1516, %div3A_1496, %select_n3A_1522 : vector<16xi1>, vector<16xf32>
      %swap3A_1524 = arith.constant 1 : i32
      %swap3A_1525 = arith.index_cast %swap3A_1524 : i32 to index
      %swap3A_1526 = arith.constant 32 : index
      %swap3A_1527 = tpu.vector_load %arg5[%swap3A_1525, %swap3A_1526] {strides = array<i32>} : memref<16x128xf32, #tpu.memory_space<vmem>>, vector<1x16xf32>,
      %swap3A_1528 = vector.shape_cast %swap3A_1527 : vector<1x16xf32> to vector<16xf32>
      %swap3A_1529 = vector.shape_cast %select_n3A_1523 : vector<16xf32> to vector<1x16xf32>
      tpu.vector_store %arg5[%swap3A_1525, %swap3A_1526], %swap3A_1529 {strides = array<i32>} : memref<16x128xf32, #tpu.memory_space<vmem>>, vector<1x16xf32>,
      %eq3A_1530 = arith.constant 2 : i32
      %eq3A_1531 = vector.broadcast %eq3A_1530 : i32 to vector<16xi32>
      %eq3A_1532 = arith.cmpi eq, %select_n3A_1380, %eq3A_1531 : vector<16xi32>
      %eq3A_1533 = arith.constant 2 : i32
      %eq3A_1534 = vector.broadcast %eq3A_1533 : i32 to vector<16xi32>
      %eq3A_1535 = arith.cmpi eq, %select_n3A_1488, %eq3A_1534 : vector<16xi32>
      %jit3A_1536 = arith.constant 0.000000e+00 : f32
      %broadcast_in_dim3A_1537 = vector.broadcast %jit3A_1536 : f32 to vector<16xf32>
      %select_n3A_1538 = arith.select %eq3A_1535, %mul3A_1497, %broadcast_in_dim3A_1537 : vector<16xi1>, vector<16xf32>
      %select_n3A_1539 = arith.select %eq3A_1532, %div3A_1496, %select_n3A_1538 : vector<16xi1>, vector<16xf32>
      %swap3A_1540 = arith.constant 2 : i32
      %swap3A_1541 = arith.index_cast %swap3A_1540 : i32 to index
      %swap3A_1542 = arith.constant 32 : index
      %swap3A_1543 = tpu.vector_load %arg5[%swap3A_1541, %swap3A_1542] {strides = array<i32>} : memref<16x128xf32, #tpu.memory_space<vmem>>, vector<1x16xf32>,
      %swap3A_1544 = vector.shape_cast %swap3A_1543 : vector<1x16xf32> to vector<16xf32>
      %swap3A_1545 = vector.shape_cast %select_n3A_1539 : vector<16xf32> to vector<1x16xf32>
      tpu.vector_store %arg5[%swap3A_1541, %swap3A_1542], %swap3A_1545 {strides = array<i32>} : memref<16x128xf32, #tpu.memory_space<vmem>>, vector<1x16xf32>,
      %eq3A_1546 = arith.constant 3 : i32
      %eq3A_1547 = vector.broadcast %eq3A_1546 : i32 to vector<16xi32>
      %eq3A_1548 = arith.cmpi eq, %select_n3A_1380, %eq3A_1547 : vector<16xi32>
      %eq3A_1549 = arith.constant 3 : i32
      %eq3A_1550 = vector.broadcast %eq3A_1549 : i32 to vector<16xi32>
      %eq3A_1551 = arith.cmpi eq, %select_n3A_1488, %eq3A_1550 : vector<16xi32>
      %jit3A_1552 = arith.constant 0.000000e+00 : f32
      %broadcast_in_dim3A_1553 = vector.broadcast %jit3A_1552 : f32 to vector<16xf32>
      %select_n3A_1554 = arith.select %eq3A_1551, %mul3A_1497, %broadcast_in_dim3A_1553 : vector<16xi1>, vector<16xf32>
      %select_n3A_1555 = arith.select %eq3A_1548, %div3A_1496, %select_n3A_1554 : vector<16xi1>, vector<16xf32>
      %swap3A_1556 = arith.constant 3 : i32
      %swap3A_1557 = arith.index_cast %swap3A_1556 : i32 to index
      %swap3A_1558 = arith.constant 32 : index
      %swap3A_1559 = tpu.vector_load %arg5[%swap3A_1557, %swap3A_1558] {strides = array<i32>} : memref<16x128xf32, #tpu.memory_space<vmem>>, vector<1x16xf32>,
      %swap3A_1560 = vector.shape_cast %swap3A_1559 : vector<1x16xf32> to vector<16xf32>
      %swap3A_1561 = vector.shape_cast %select_n3A_1555 : vector<16xf32> to vector<1x16xf32>
      tpu.vector_store %arg5[%swap3A_1557, %swap3A_1558], %swap3A_1561 {strides = array<i32>} : memref<16x128xf32, #tpu.memory_space<vmem>>, vector<1x16xf32>,
      %eq3A_1562 = arith.constant 4 : i32
      %eq3A_1563 = vector.broadcast %eq3A_1562 : i32 to vector<16xi32>
      %eq3A_1564 = arith.cmpi eq, %select_n3A_1380, %eq3A_1563 : vector<16xi32>
      %eq3A_1565 = arith.constant 4 : i32
      %eq3A_1566 = vector.broadcast %eq3A_1565 : i32 to vector<16xi32>
      %eq3A_1567 = arith.cmpi eq, %select_n3A_1488, %eq3A_1566 : vector<16xi32>
      %jit3A_1568 = arith.constant 0.000000e+00 : f32
      %broadcast_in_dim3A_1569 = vector.broadcast %jit3A_1568 : f32 to vector<16xf32>
      %select_n3A_1570 = arith.select %eq3A_1567, %mul3A_1497, %broadcast_in_dim3A_1569 : vector<16xi1>, vector<16xf32>
      %select_n3A_1571 = arith.select %eq3A_1564, %div3A_1496, %select_n3A_1570 : vector<16xi1>, vector<16xf32>
      %swap3A_1572 = arith.constant 4 : i32
      %swap3A_1573 = arith.index_cast %swap3A_1572 : i32 to index
      %swap3A_1574 = arith.constant 32 : index
      %swap3A_1575 = tpu.vector_load %arg5[%swap3A_1573, %swap3A_1574] {strides = array<i32>} : memref<16x128xf32, #tpu.memory_space<vmem>>, vector<1x16xf32>,
      %swap3A_1576 = vector.shape_cast %swap3A_1575 : vector<1x16xf32> to vector<16xf32>
      %swap3A_1577 = vector.shape_cast %select_n3A_1571 : vector<16xf32> to vector<1x16xf32>
      tpu.vector_store %arg5[%swap3A_1573, %swap3A_1574], %swap3A_1577 {strides = array<i32>} : memref<16x128xf32, #tpu.memory_space<vmem>>, vector<1x16xf32>,
      %eq3A_1578 = arith.constant 5 : i32
      %eq3A_1579 = vector.broadcast %eq3A_1578 : i32 to vector<16xi32>
      %eq3A_1580 = arith.cmpi eq, %select_n3A_1380, %eq3A_1579 : vector<16xi32>
      %eq3A_1581 = arith.constant 5 : i32
      %eq3A_1582 = vector.broadcast %eq3A_1581 : i32 to vector<16xi32>
      %eq3A_1583 = arith.cmpi eq, %select_n3A_1488, %eq3A_1582 : vector<16xi32>
      %jit3A_1584 = arith.constant 0.000000e+00 : f32
      %broadcast_in_dim3A_1585 = vector.broadcast %jit3A_1584 : f32 to vector<16xf32>
      %select_n3A_1586 = arith.select %eq3A_1583, %mul3A_1497, %broadcast_in_dim3A_1585 : vector<16xi1>, vector<16xf32>
      %select_n3A_1587 = arith.select %eq3A_1580, %div3A_1496, %select_n3A_1586 : vector<16xi1>, vector<16xf32>
      %swap3A_1588 = arith.constant 5 : i32
      %swap3A_1589 = arith.index_cast %swap3A_1588 : i32 to index
      %swap3A_1590 = arith.constant 32 : index
      %swap3A_1591 = tpu.vector_load %arg5[%swap3A_1589, %swap3A_1590] {strides = array<i32>} : memref<16x128xf32, #tpu.memory_space<vmem>>, vector<1x16xf32>,
      %swap3A_1592 = vector.shape_cast %swap3A_1591 : vector<1x16xf32> to vector<16xf32>
      %swap3A_1593 = vector.shape_cast %select_n3A_1587 : vector<16xf32> to vector<1x16xf32>
      tpu.vector_store %arg5[%swap3A_1589, %swap3A_1590], %swap3A_1593 {strides = array<i32>} : memref<16x128xf32, #tpu.memory_space<vmem>>, vector<1x16xf32>,
      %eq3A_1594 = arith.constant 6 : i32
      %eq3A_1595 = vector.broadcast %eq3A_1594 : i32 to vector<16xi32>
      %eq3A_1596 = arith.cmpi eq, %select_n3A_1380, %eq3A_1595 : vector<16xi32>
      %eq3A_1597 = arith.constant 6 : i32
      %eq3A_1598 = vector.broadcast %eq3A_1597 : i32 to vector<16xi32>
      %eq3A_1599 = arith.cmpi eq, %select_n3A_1488, %eq3A_1598 : vector<16xi32>
      %jit3A_1600 = arith.constant 0.000000e+00 : f32
      %broadcast_in_dim3A_1601 = vector.broadcast %jit3A_1600 : f32 to vector<16xf32>
      %select_n3A_1602 = arith.select %eq3A_1599, %mul3A_1497, %broadcast_in_dim3A_1601 : vector<16xi1>, vector<16xf32>
      %select_n3A_1603 = arith.select %eq3A_1596, %div3A_1496, %select_n3A_1602 : vector<16xi1>, vector<16xf32>
      %swap3A_1604 = arith.constant 6 : i32
      %swap3A_1605 = arith.index_cast %swap3A_1604 : i32 to index
      %swap3A_1606 = arith.constant 32 : index
      %swap3A_1607 = tpu.vector_load %arg5[%swap3A_1605, %swap3A_1606] {strides = array<i32>} : memref<16x128xf32, #tpu.memory_space<vmem>>, vector<1x16xf32>,
      %swap3A_1608 = vector.shape_cast %swap3A_1607 : vector<1x16xf32> to vector<16xf32>
      %swap3A_1609 = vector.shape_cast %select_n3A_1603 : vector<16xf32> to vector<1x16xf32>
      tpu.vector_store %arg5[%swap3A_1605, %swap3A_1606], %swap3A_1609 {strides = array<i32>} : memref<16x128xf32, #tpu.memory_space<vmem>>, vector<1x16xf32>,
      %eq3A_1610 = arith.constant 7 : i32
      %eq3A_1611 = vector.broadcast %eq3A_1610 : i32 to vector<16xi32>
      %eq3A_1612 = arith.cmpi eq, %select_n3A_1380, %eq3A_1611 : vector<16xi32>
      %eq3A_1613 = arith.constant 7 : i32
      %eq3A_1614 = vector.broadcast %eq3A_1613 : i32 to vector<16xi32>
      %eq3A_1615 = arith.cmpi eq, %select_n3A_1488, %eq3A_1614 : vector<16xi32>
      %jit3A_1616 = arith.constant 0.000000e+00 : f32
      %broadcast_in_dim3A_1617 = vector.broadcast %jit3A_1616 : f32 to vector<16xf32>
      %select_n3A_1618 = arith.select %eq3A_1615, %mul3A_1497, %broadcast_in_dim3A_1617 : vector<16xi1>, vector<16xf32>
      %select_n3A_1619 = arith.select %eq3A_1612, %div3A_1496, %select_n3A_1618 : vector<16xi1>, vector<16xf32>
      %swap3A_1620 = arith.constant 7 : i32
      %swap3A_1621 = arith.index_cast %swap3A_1620 : i32 to index
      %swap3A_1622 = arith.constant 32 : index
      %swap3A_1623 = tpu.vector_load %arg5[%swap3A_1621, %swap3A_1622] {strides = array<i32>} : memref<16x128xf32, #tpu.memory_space<vmem>>, vector<1x16xf32>,
      %swap3A_1624 = vector.shape_cast %swap3A_1623 : vector<1x16xf32> to vector<16xf32>
      %swap3A_1625 = vector.shape_cast %select_n3A_1619 : vector<16xf32> to vector<1x16xf32>
      tpu.vector_store %arg5[%swap3A_1621, %swap3A_1622], %swap3A_1625 {strides = array<i32>} : memref<16x128xf32, #tpu.memory_space<vmem>>, vector<1x16xf32>,
      %get3A_1626 = arith.constant 8 : i32
      %get3A_1627 = arith.index_cast %get3A_1626 : i32 to index
      %get3A_1628 = arith.constant 32 : index
      %get3A_1629 = tpu.vector_load %arg4[%get3A_1627, %get3A_1628] {strides = array<i32>} : memref<16x128xf32, #tpu.memory_space<vmem>>, vector<1x16xf32>,
      %get3A_1630 = vector.shape_cast %get3A_1629 : vector<1x16xf32> to vector<16xf32>
      %get3A_1631 = arith.constant 9 : i32
      %get3A_1632 = arith.index_cast %get3A_1631 : i32 to index
      %get3A_1633 = arith.constant 32 : index
      %get3A_1634 = tpu.vector_load %arg4[%get3A_1632, %get3A_1633] {strides = array<i32>} : memref<16x128xf32, #tpu.memory_space<vmem>>, vector<1x16xf32>,
      %get3A_1635 = vector.shape_cast %get3A_1634 : vector<1x16xf32> to vector<16xf32>
      %get3A_1636 = arith.constant 10 : i32
      %get3A_1637 = arith.index_cast %get3A_1636 : i32 to index
      %get3A_1638 = arith.constant 32 : index
      %get3A_1639 = tpu.vector_load %arg4[%get3A_1637, %get3A_1638] {strides = array<i32>} : memref<16x128xf32, #tpu.memory_space<vmem>>, vector<1x16xf32>,
      %get3A_1640 = vector.shape_cast %get3A_1639 : vector<1x16xf32> to vector<16xf32>
      %get3A_1641 = arith.constant 11 : i32
      %get3A_1642 = arith.index_cast %get3A_1641 : i32 to index
      %get3A_1643 = arith.constant 32 : index
      %get3A_1644 = tpu.vector_load %arg4[%get3A_1642, %get3A_1643] {strides = array<i32>} : memref<16x128xf32, #tpu.memory_space<vmem>>, vector<1x16xf32>,
      %get3A_1645 = vector.shape_cast %get3A_1644 : vector<1x16xf32> to vector<16xf32>
      %get3A_1646 = arith.constant 12 : i32
      %get3A_1647 = arith.index_cast %get3A_1646 : i32 to index
      %get3A_1648 = arith.constant 32 : index
      %get3A_1649 = tpu.vector_load %arg4[%get3A_1647, %get3A_1648] {strides = array<i32>} : memref<16x128xf32, #tpu.memory_space<vmem>>, vector<1x16xf32>,
      %get3A_1650 = vector.shape_cast %get3A_1649 : vector<1x16xf32> to vector<16xf32>
      %get3A_1651 = arith.constant 13 : i32
      %get3A_1652 = arith.index_cast %get3A_1651 : i32 to index
      %get3A_1653 = arith.constant 32 : index
      %get3A_1654 = tpu.vector_load %arg4[%get3A_1652, %get3A_1653] {strides = array<i32>} : memref<16x128xf32, #tpu.memory_space<vmem>>, vector<1x16xf32>,
      %get3A_1655 = vector.shape_cast %get3A_1654 : vector<1x16xf32> to vector<16xf32>
      %get3A_1656 = arith.constant 14 : i32
      %get3A_1657 = arith.index_cast %get3A_1656 : i32 to index
      %get3A_1658 = arith.constant 32 : index
      %get3A_1659 = tpu.vector_load %arg4[%get3A_1657, %get3A_1658] {strides = array<i32>} : memref<16x128xf32, #tpu.memory_space<vmem>>, vector<1x16xf32>,
      %get3A_1660 = vector.shape_cast %get3A_1659 : vector<1x16xf32> to vector<16xf32>
      %get3A_1661 = arith.constant 15 : i32
      %get3A_1662 = arith.index_cast %get3A_1661 : i32 to index
      %get3A_1663 = arith.constant 32 : index
      %get3A_1664 = tpu.vector_load %arg4[%get3A_1662, %get3A_1663] {strides = array<i32>} : memref<16x128xf32, #tpu.memory_space<vmem>>, vector<1x16xf32>,
      %get3A_1665 = vector.shape_cast %get3A_1664 : vector<1x16xf32> to vector<16xf32>
      %max3A_1666 = arith.maximumf %get3A_1630, %get3A_1635 : vector<16xf32>
      %max3A_1667 = arith.maximumf %max3A_1666, %get3A_1640 : vector<16xf32>
      %max3A_1668 = arith.maximumf %max3A_1667, %get3A_1645 : vector<16xf32>
      %max3A_1669 = arith.maximumf %max3A_1668, %get3A_1650 : vector<16xf32>
      %max3A_1670 = arith.maximumf %max3A_1669, %get3A_1655 : vector<16xf32>
      %max3A_1671 = arith.maximumf %max3A_1670, %get3A_1660 : vector<16xf32>
      %max3A_1672 = arith.maximumf %max3A_1671, %get3A_1665 : vector<16xf32>
      %broadcast_in_dim3A_1673 = arith.constant 8 : i32
      %broadcast_in_dim3A_1674 = vector.broadcast %broadcast_in_dim3A_1673 : i32 to vector<16xi32>
      %eq3A_1675 = arith.cmpf oeq, %get3A_1665, %max3A_1672 : vector<16xf32>
      %jit3A_1676 = arith.constant 7 : i32
      %broadcast_in_dim3A_1677 = vector.broadcast %jit3A_1676 : i32 to vector<16xi32>
      %select_n3A_1678 = arith.select %eq3A_1675, %broadcast_in_dim3A_1677, %broadcast_in_dim3A_1674 : vector<16xi1>, vector<16xi32>
      %eq3A_1679 = arith.cmpf oeq, %get3A_1660, %max3A_1672 : vector<16xf32>
      %jit3A_1680 = arith.constant 6 : i32
      %broadcast_in_dim3A_1681 = vector.broadcast %jit3A_1680 : i32 to vector<16xi32>
      %select_n3A_1682 = arith.select %eq3A_1679, %broadcast_in_dim3A_1681, %select_n3A_1678 : vector<16xi1>, vector<16xi32>
      %eq3A_1683 = arith.cmpf oeq, %get3A_1655, %max3A_1672 : vector<16xf32>
      %jit3A_1684 = arith.constant 5 : i32
      %broadcast_in_dim3A_1685 = vector.broadcast %jit3A_1684 : i32 to vector<16xi32>
      %select_n3A_1686 = arith.select %eq3A_1683, %broadcast_in_dim3A_1685, %select_n3A_1682 : vector<16xi1>, vector<16xi32>
      %eq3A_1687 = arith.cmpf oeq, %get3A_1650, %max3A_1672 : vector<16xf32>
      %jit3A_1688 = arith.constant 4 : i32
      %broadcast_in_dim3A_1689 = vector.broadcast %jit3A_1688 : i32 to vector<16xi32>
      %select_n3A_1690 = arith.select %eq3A_1687, %broadcast_in_dim3A_1689, %select_n3A_1686 : vector<16xi1>, vector<16xi32>
      %eq3A_1691 = arith.cmpf oeq, %get3A_1645, %max3A_1672 : vector<16xf32>
      %jit3A_1692 = arith.constant 3 : i32
      %broadcast_in_dim3A_1693 = vector.broadcast %jit3A_1692 : i32 to vector<16xi32>
      %select_n3A_1694 = arith.select %eq3A_1691, %broadcast_in_dim3A_1693, %select_n3A_1690 : vector<16xi1>, vector<16xi32>
      %eq3A_1695 = arith.cmpf oeq, %get3A_1640, %max3A_1672 : vector<16xf32>
      %jit3A_1696 = arith.constant 2 : i32
      %broadcast_in_dim3A_1697 = vector.broadcast %jit3A_1696 : i32 to vector<16xi32>
      %select_n3A_1698 = arith.select %eq3A_1695, %broadcast_in_dim3A_1697, %select_n3A_1694 : vector<16xi1>, vector<16xi32>
      %eq3A_1699 = arith.cmpf oeq, %get3A_1635, %max3A_1672 : vector<16xf32>
      %jit3A_1700 = arith.constant 1 : i32
      %broadcast_in_dim3A_1701 = vector.broadcast %jit3A_1700 : i32 to vector<16xi32>
      %select_n3A_1702 = arith.select %eq3A_1699, %broadcast_in_dim3A_1701, %select_n3A_1698 : vector<16xi1>, vector<16xi32>
      %eq3A_1703 = arith.cmpf oeq, %get3A_1630, %max3A_1672 : vector<16xf32>
      %jit3A_1704 = arith.constant 0 : i32
      %broadcast_in_dim3A_1705 = vector.broadcast %jit3A_1704 : i32 to vector<16xi32>
      %select_n3A_1706 = arith.select %eq3A_1703, %broadcast_in_dim3A_1705, %select_n3A_1702 : vector<16xi1>, vector<16xi32>
      %broadcast_in_dim3A_1707 = arith.constant 0xFF800000 : f32
      %broadcast_in_dim3A_1708 = vector.broadcast %broadcast_in_dim3A_1707 : f32 to vector<16xf32>
      %eq3A_1709 = arith.constant 0 : i32
      %eq3A_1710 = vector.broadcast %eq3A_1709 : i32 to vector<16xi32>
      %eq3A_1711 = arith.cmpi eq, %select_n3A_1706, %eq3A_1710 : vector<16xi32>
      %max3A_1712 = arith.maximumf %broadcast_in_dim3A_1708, %get3A_1630 : vector<16xf32>
      %select_n3A_1713 = arith.select %eq3A_1711, %broadcast_in_dim3A_1708, %max3A_1712 : vector<16xi1>, vector<16xf32>
      %eq3A_1714 = arith.constant 1 : i32
      %eq3A_1715 = vector.broadcast %eq3A_1714 : i32 to vector<16xi32>
      %eq3A_1716 = arith.cmpi eq, %select_n3A_1706, %eq3A_1715 : vector<16xi32>
      %max3A_1717 = arith.maximumf %select_n3A_1713, %get3A_1635 : vector<16xf32>
      %select_n3A_1718 = arith.select %eq3A_1716, %select_n3A_1713, %max3A_1717 : vector<16xi1>, vector<16xf32>
      %eq3A_1719 = arith.constant 2 : i32
      %eq3A_1720 = vector.broadcast %eq3A_1719 : i32 to vector<16xi32>
      %eq3A_1721 = arith.cmpi eq, %select_n3A_1706, %eq3A_1720 : vector<16xi32>
      %max3A_1722 = arith.maximumf %select_n3A_1718, %get3A_1640 : vector<16xf32>
      %select_n3A_1723 = arith.select %eq3A_1721, %select_n3A_1718, %max3A_1722 : vector<16xi1>, vector<16xf32>
      %eq3A_1724 = arith.constant 3 : i32
      %eq3A_1725 = vector.broadcast %eq3A_1724 : i32 to vector<16xi32>
      %eq3A_1726 = arith.cmpi eq, %select_n3A_1706, %eq3A_1725 : vector<16xi32>
      %max3A_1727 = arith.maximumf %select_n3A_1723, %get3A_1645 : vector<16xf32>
      %select_n3A_1728 = arith.select %eq3A_1726, %select_n3A_1723, %max3A_1727 : vector<16xi1>, vector<16xf32>
      %eq3A_1729 = arith.constant 4 : i32
      %eq3A_1730 = vector.broadcast %eq3A_1729 : i32 to vector<16xi32>
      %eq3A_1731 = arith.cmpi eq, %select_n3A_1706, %eq3A_1730 : vector<16xi32>
      %max3A_1732 = arith.maximumf %select_n3A_1728, %get3A_1650 : vector<16xf32>
      %select_n3A_1733 = arith.select %eq3A_1731, %select_n3A_1728, %max3A_1732 : vector<16xi1>, vector<16xf32>
      %eq3A_1734 = arith.constant 5 : i32
      %eq3A_1735 = vector.broadcast %eq3A_1734 : i32 to vector<16xi32>
      %eq3A_1736 = arith.cmpi eq, %select_n3A_1706, %eq3A_1735 : vector<16xi32>
      %max3A_1737 = arith.maximumf %select_n3A_1733, %get3A_1655 : vector<16xf32>
      %select_n3A_1738 = arith.select %eq3A_1736, %select_n3A_1733, %max3A_1737 : vector<16xi1>, vector<16xf32>
      %eq3A_1739 = arith.constant 6 : i32
      %eq3A_1740 = vector.broadcast %eq3A_1739 : i32 to vector<16xi32>
      %eq3A_1741 = arith.cmpi eq, %select_n3A_1706, %eq3A_1740 : vector<16xi32>
      %max3A_1742 = arith.maximumf %select_n3A_1738, %get3A_1660 : vector<16xf32>
      %select_n3A_1743 = arith.select %eq3A_1741, %select_n3A_1738, %max3A_1742 : vector<16xi1>, vector<16xf32>
      %eq3A_1744 = arith.constant 7 : i32
      %eq3A_1745 = vector.broadcast %eq3A_1744 : i32 to vector<16xi32>
      %eq3A_1746 = arith.cmpi eq, %select_n3A_1706, %eq3A_1745 : vector<16xi32>
      %max3A_1747 = arith.maximumf %select_n3A_1743, %get3A_1665 : vector<16xf32>
      %select_n3A_1748 = arith.select %eq3A_1746, %select_n3A_1743, %max3A_1747 : vector<16xi1>, vector<16xf32>
      %broadcast_in_dim3A_1749 = arith.constant 8 : i32
      %broadcast_in_dim3A_1750 = vector.broadcast %broadcast_in_dim3A_1749 : i32 to vector<16xi32>
      %eq3A_1751 = arith.cmpf oeq, %get3A_1665, %select_n3A_1748 : vector<16xf32>
      %ne3A_1752 = arith.constant 7 : i32
      %ne3A_1753 = vector.broadcast %ne3A_1752 : i32 to vector<16xi32>
      %ne3A_1754 = arith.cmpi ne, %select_n3A_1706, %ne3A_1753 : vector<16xi32>
      %and3A_1755 = arith.andi %eq3A_1751, %ne3A_1754 : vector<16xi1>
      %jit3A_1756 = arith.constant 7 : i32
      %broadcast_in_dim3A_1757 = vector.broadcast %jit3A_1756 : i32 to vector<16xi32>
      %select_n3A_1758 = arith.select %and3A_1755, %broadcast_in_dim3A_1757, %broadcast_in_dim3A_1750 : vector<16xi1>, vector<16xi32>
      %eq3A_1759 = arith.cmpf oeq, %get3A_1660, %select_n3A_1748 : vector<16xf32>
      %ne3A_1760 = arith.constant 6 : i32
      %ne3A_1761 = vector.broadcast %ne3A_1760 : i32 to vector<16xi32>
      %ne3A_1762 = arith.cmpi ne, %select_n3A_1706, %ne3A_1761 : vector<16xi32>
      %and3A_1763 = arith.andi %eq3A_1759, %ne3A_1762 : vector<16xi1>
      %jit3A_1764 = arith.constant 6 : i32
      %broadcast_in_dim3A_1765 = vector.broadcast %jit3A_1764 : i32 to vector<16xi32>
      %select_n3A_1766 = arith.select %and3A_1763, %broadcast_in_dim3A_1765, %select_n3A_1758 : vector<16xi1>, vector<16xi32>
      %eq3A_1767 = arith.cmpf oeq, %get3A_1655, %select_n3A_1748 : vector<16xf32>
      %ne3A_1768 = arith.constant 5 : i32
      %ne3A_1769 = vector.broadcast %ne3A_1768 : i32 to vector<16xi32>
      %ne3A_1770 = arith.cmpi ne, %select_n3A_1706, %ne3A_1769 : vector<16xi32>
      %and3A_1771 = arith.andi %eq3A_1767, %ne3A_1770 : vector<16xi1>
      %jit3A_1772 = arith.constant 5 : i32
      %broadcast_in_dim3A_1773 = vector.broadcast %jit3A_1772 : i32 to vector<16xi32>
      %select_n3A_1774 = arith.select %and3A_1771, %broadcast_in_dim3A_1773, %select_n3A_1766 : vector<16xi1>, vector<16xi32>
      %eq3A_1775 = arith.cmpf oeq, %get3A_1650, %select_n3A_1748 : vector<16xf32>
      %ne3A_1776 = arith.constant 4 : i32
      %ne3A_1777 = vector.broadcast %ne3A_1776 : i32 to vector<16xi32>
      %ne3A_1778 = arith.cmpi ne, %select_n3A_1706, %ne3A_1777 : vector<16xi32>
      %and3A_1779 = arith.andi %eq3A_1775, %ne3A_1778 : vector<16xi1>
      %jit3A_1780 = arith.constant 4 : i32
      %broadcast_in_dim3A_1781 = vector.broadcast %jit3A_1780 : i32 to vector<16xi32>
      %select_n3A_1782 = arith.select %and3A_1779, %broadcast_in_dim3A_1781, %select_n3A_1774 : vector<16xi1>, vector<16xi32>
      %eq3A_1783 = arith.cmpf oeq, %get3A_1645, %select_n3A_1748 : vector<16xf32>
      %ne3A_1784 = arith.constant 3 : i32
      %ne3A_1785 = vector.broadcast %ne3A_1784 : i32 to vector<16xi32>
      %ne3A_1786 = arith.cmpi ne, %select_n3A_1706, %ne3A_1785 : vector<16xi32>
      %and3A_1787 = arith.andi %eq3A_1783, %ne3A_1786 : vector<16xi1>
      %jit3A_1788 = arith.constant 3 : i32
      %broadcast_in_dim3A_1789 = vector.broadcast %jit3A_1788 : i32 to vector<16xi32>
      %select_n3A_1790 = arith.select %and3A_1787, %broadcast_in_dim3A_1789, %select_n3A_1782 : vector<16xi1>, vector<16xi32>
      %eq3A_1791 = arith.cmpf oeq, %get3A_1640, %select_n3A_1748 : vector<16xf32>
      %ne3A_1792 = arith.constant 2 : i32
      %ne3A_1793 = vector.broadcast %ne3A_1792 : i32 to vector<16xi32>
      %ne3A_1794 = arith.cmpi ne, %select_n3A_1706, %ne3A_1793 : vector<16xi32>
      %and3A_1795 = arith.andi %eq3A_1791, %ne3A_1794 : vector<16xi1>
      %jit3A_1796 = arith.constant 2 : i32
      %broadcast_in_dim3A_1797 = vector.broadcast %jit3A_1796 : i32 to vector<16xi32>
      %select_n3A_1798 = arith.select %and3A_1795, %broadcast_in_dim3A_1797, %select_n3A_1790 : vector<16xi1>, vector<16xi32>
      %eq3A_1799 = arith.cmpf oeq, %get3A_1635, %select_n3A_1748 : vector<16xf32>
      %ne3A_1800 = arith.constant 1 : i32
      %ne3A_1801 = vector.broadcast %ne3A_1800 : i32 to vector<16xi32>
      %ne3A_1802 = arith.cmpi ne, %select_n3A_1706, %ne3A_1801 : vector<16xi32>
      %and3A_1803 = arith.andi %eq3A_1799, %ne3A_1802 : vector<16xi1>
      %jit3A_1804 = arith.constant 1 : i32
      %broadcast_in_dim3A_1805 = vector.broadcast %jit3A_1804 : i32 to vector<16xi32>
      %select_n3A_1806 = arith.select %and3A_1803, %broadcast_in_dim3A_1805, %select_n3A_1798 : vector<16xi1>, vector<16xi32>
      %eq3A_1807 = arith.cmpf oeq, %get3A_1630, %select_n3A_1748 : vector<16xf32>
      %ne3A_1808 = arith.constant 0 : i32
      %ne3A_1809 = vector.broadcast %ne3A_1808 : i32 to vector<16xi32>
      %ne3A_1810 = arith.cmpi ne, %select_n3A_1706, %ne3A_1809 : vector<16xi32>
      %and3A_1811 = arith.andi %eq3A_1807, %ne3A_1810 : vector<16xi1>
      %jit3A_1812 = arith.constant 0 : i32
      %broadcast_in_dim3A_1813 = vector.broadcast %jit3A_1812 : i32 to vector<16xi32>
      %select_n3A_1814 = arith.select %and3A_1811, %broadcast_in_dim3A_1813, %select_n3A_1806 : vector<16xi1>, vector<16xi32>
      %sub3A_1815 = arith.subf %select_n3A_1748, %max3A_1672 : vector<16xf32>
      %exp3A_1816 = math.exp %sub3A_1815 : vector<16xf32>
      %add3A_1817 = arith.constant 1.000000e+00 : f32
      %add3A_1818 = vector.broadcast %add3A_1817 : f32 to vector<16xf32>
      %add3A_1819 = arith.addf %add3A_1818, %exp3A_1816 : vector<16xf32>
      %div3A_1820 = arith.constant 1.000000e+00 : f32
      %div3A_1821 = vector.broadcast %div3A_1820 : f32 to vector<16xf32>
      %div3A_1822 = arith.divf %div3A_1821, %add3A_1819 : vector<16xf32>
      %mul3A_1823 = arith.mulf %exp3A_1816, %div3A_1822 : vector<16xf32>
      %eq3A_1824 = arith.constant 0 : i32
      %eq3A_1825 = vector.broadcast %eq3A_1824 : i32 to vector<16xi32>
      %eq3A_1826 = arith.cmpi eq, %select_n3A_1706, %eq3A_1825 : vector<16xi32>
      %eq3A_1827 = arith.constant 0 : i32
      %eq3A_1828 = vector.broadcast %eq3A_1827 : i32 to vector<16xi32>
      %eq3A_1829 = arith.cmpi eq, %select_n3A_1814, %eq3A_1828 : vector<16xi32>
      %jit3A_1830 = arith.constant 0.000000e+00 : f32
      %broadcast_in_dim3A_1831 = vector.broadcast %jit3A_1830 : f32 to vector<16xf32>
      %select_n3A_1832 = arith.select %eq3A_1829, %mul3A_1823, %broadcast_in_dim3A_1831 : vector<16xi1>, vector<16xf32>
      %select_n3A_1833 = arith.select %eq3A_1826, %div3A_1822, %select_n3A_1832 : vector<16xi1>, vector<16xf32>
      %swap3A_1834 = arith.constant 8 : i32
      %swap3A_1835 = arith.index_cast %swap3A_1834 : i32 to index
      %swap3A_1836 = arith.constant 32 : index
      %swap3A_1837 = tpu.vector_load %arg5[%swap3A_1835, %swap3A_1836] {strides = array<i32>} : memref<16x128xf32, #tpu.memory_space<vmem>>, vector<1x16xf32>,
      %swap3A_1838 = vector.shape_cast %swap3A_1837 : vector<1x16xf32> to vector<16xf32>
      %swap3A_1839 = vector.shape_cast %select_n3A_1833 : vector<16xf32> to vector<1x16xf32>
      tpu.vector_store %arg5[%swap3A_1835, %swap3A_1836], %swap3A_1839 {strides = array<i32>} : memref<16x128xf32, #tpu.memory_space<vmem>>, vector<1x16xf32>,
      %eq3A_1840 = arith.constant 1 : i32
      %eq3A_1841 = vector.broadcast %eq3A_1840 : i32 to vector<16xi32>
      %eq3A_1842 = arith.cmpi eq, %select_n3A_1706, %eq3A_1841 : vector<16xi32>
      %eq3A_1843 = arith.constant 1 : i32
      %eq3A_1844 = vector.broadcast %eq3A_1843 : i32 to vector<16xi32>
      %eq3A_1845 = arith.cmpi eq, %select_n3A_1814, %eq3A_1844 : vector<16xi32>
      %jit3A_1846 = arith.constant 0.000000e+00 : f32
      %broadcast_in_dim3A_1847 = vector.broadcast %jit3A_1846 : f32 to vector<16xf32>
      %select_n3A_1848 = arith.select %eq3A_1845, %mul3A_1823, %broadcast_in_dim3A_1847 : vector<16xi1>, vector<16xf32>
      %select_n3A_1849 = arith.select %eq3A_1842, %div3A_1822, %select_n3A_1848 : vector<16xi1>, vector<16xf32>
      %swap3A_1850 = arith.constant 9 : i32
      %swap3A_1851 = arith.index_cast %swap3A_1850 : i32 to index
      %swap3A_1852 = arith.constant 32 : index
      %swap3A_1853 = tpu.vector_load %arg5[%swap3A_1851, %swap3A_1852] {strides = array<i32>} : memref<16x128xf32, #tpu.memory_space<vmem>>, vector<1x16xf32>,
      %swap3A_1854 = vector.shape_cast %swap3A_1853 : vector<1x16xf32> to vector<16xf32>
      %swap3A_1855 = vector.shape_cast %select_n3A_1849 : vector<16xf32> to vector<1x16xf32>
      tpu.vector_store %arg5[%swap3A_1851, %swap3A_1852], %swap3A_1855 {strides = array<i32>} : memref<16x128xf32, #tpu.memory_space<vmem>>, vector<1x16xf32>,
      %eq3A_1856 = arith.constant 2 : i32
      %eq3A_1857 = vector.broadcast %eq3A_1856 : i32 to vector<16xi32>
      %eq3A_1858 = arith.cmpi eq, %select_n3A_1706, %eq3A_1857 : vector<16xi32>
      %eq3A_1859 = arith.constant 2 : i32
      %eq3A_1860 = vector.broadcast %eq3A_1859 : i32 to vector<16xi32>
      %eq3A_1861 = arith.cmpi eq, %select_n3A_1814, %eq3A_1860 : vector<16xi32>
      %jit3A_1862 = arith.constant 0.000000e+00 : f32
      %broadcast_in_dim3A_1863 = vector.broadcast %jit3A_1862 : f32 to vector<16xf32>
      %select_n3A_1864 = arith.select %eq3A_1861, %mul3A_1823, %broadcast_in_dim3A_1863 : vector<16xi1>, vector<16xf32>
      %select_n3A_1865 = arith.select %eq3A_1858, %div3A_1822, %select_n3A_1864 : vector<16xi1>, vector<16xf32>
      %swap3A_1866 = arith.constant 10 : i32
      %swap3A_1867 = arith.index_cast %swap3A_1866 : i32 to index
      %swap3A_1868 = arith.constant 32 : index
      %swap3A_1869 = tpu.vector_load %arg5[%swap3A_1867, %swap3A_1868] {strides = array<i32>} : memref<16x128xf32, #tpu.memory_space<vmem>>, vector<1x16xf32>,
      %swap3A_1870 = vector.shape_cast %swap3A_1869 : vector<1x16xf32> to vector<16xf32>
      %swap3A_1871 = vector.shape_cast %select_n3A_1865 : vector<16xf32> to vector<1x16xf32>
      tpu.vector_store %arg5[%swap3A_1867, %swap3A_1868], %swap3A_1871 {strides = array<i32>} : memref<16x128xf32, #tpu.memory_space<vmem>>, vector<1x16xf32>,
      %eq3A_1872 = arith.constant 3 : i32
      %eq3A_1873 = vector.broadcast %eq3A_1872 : i32 to vector<16xi32>
      %eq3A_1874 = arith.cmpi eq, %select_n3A_1706, %eq3A_1873 : vector<16xi32>
      %eq3A_1875 = arith.constant 3 : i32
      %eq3A_1876 = vector.broadcast %eq3A_1875 : i32 to vector<16xi32>
      %eq3A_1877 = arith.cmpi eq, %select_n3A_1814, %eq3A_1876 : vector<16xi32>
      %jit3A_1878 = arith.constant 0.000000e+00 : f32
      %broadcast_in_dim3A_1879 = vector.broadcast %jit3A_1878 : f32 to vector<16xf32>
      %select_n3A_1880 = arith.select %eq3A_1877, %mul3A_1823, %broadcast_in_dim3A_1879 : vector<16xi1>, vector<16xf32>
      %select_n3A_1881 = arith.select %eq3A_1874, %div3A_1822, %select_n3A_1880 : vector<16xi1>, vector<16xf32>
      %swap3A_1882 = arith.constant 11 : i32
      %swap3A_1883 = arith.index_cast %swap3A_1882 : i32 to index
      %swap3A_1884 = arith.constant 32 : index
      %swap3A_1885 = tpu.vector_load %arg5[%swap3A_1883, %swap3A_1884] {strides = array<i32>} : memref<16x128xf32, #tpu.memory_space<vmem>>, vector<1x16xf32>,
      %swap3A_1886 = vector.shape_cast %swap3A_1885 : vector<1x16xf32> to vector<16xf32>
      %swap3A_1887 = vector.shape_cast %select_n3A_1881 : vector<16xf32> to vector<1x16xf32>
      tpu.vector_store %arg5[%swap3A_1883, %swap3A_1884], %swap3A_1887 {strides = array<i32>} : memref<16x128xf32, #tpu.memory_space<vmem>>, vector<1x16xf32>,
      %eq3A_1888 = arith.constant 4 : i32
      %eq3A_1889 = vector.broadcast %eq3A_1888 : i32 to vector<16xi32>
      %eq3A_1890 = arith.cmpi eq, %select_n3A_1706, %eq3A_1889 : vector<16xi32>
      %eq3A_1891 = arith.constant 4 : i32
      %eq3A_1892 = vector.broadcast %eq3A_1891 : i32 to vector<16xi32>
      %eq3A_1893 = arith.cmpi eq, %select_n3A_1814, %eq3A_1892 : vector<16xi32>
      %jit3A_1894 = arith.constant 0.000000e+00 : f32
      %broadcast_in_dim3A_1895 = vector.broadcast %jit3A_1894 : f32 to vector<16xf32>
      %select_n3A_1896 = arith.select %eq3A_1893, %mul3A_1823, %broadcast_in_dim3A_1895 : vector<16xi1>, vector<16xf32>
      %select_n3A_1897 = arith.select %eq3A_1890, %div3A_1822, %select_n3A_1896 : vector<16xi1>, vector<16xf32>
      %swap3A_1898 = arith.constant 12 : i32
      %swap3A_1899 = arith.index_cast %swap3A_1898 : i32 to index
      %swap3A_1900 = arith.constant 32 : index
      %swap3A_1901 = tpu.vector_load %arg5[%swap3A_1899, %swap3A_1900] {strides = array<i32>} : memref<16x128xf32, #tpu.memory_space<vmem>>, vector<1x16xf32>,
      %swap3A_1902 = vector.shape_cast %swap3A_1901 : vector<1x16xf32> to vector<16xf32>
      %swap3A_1903 = vector.shape_cast %select_n3A_1897 : vector<16xf32> to vector<1x16xf32>
      tpu.vector_store %arg5[%swap3A_1899, %swap3A_1900], %swap3A_1903 {strides = array<i32>} : memref<16x128xf32, #tpu.memory_space<vmem>>, vector<1x16xf32>,
      %eq3A_1904 = arith.constant 5 : i32
      %eq3A_1905 = vector.broadcast %eq3A_1904 : i32 to vector<16xi32>
      %eq3A_1906 = arith.cmpi eq, %select_n3A_1706, %eq3A_1905 : vector<16xi32>
      %eq3A_1907 = arith.constant 5 : i32
      %eq3A_1908 = vector.broadcast %eq3A_1907 : i32 to vector<16xi32>
      %eq3A_1909 = arith.cmpi eq, %select_n3A_1814, %eq3A_1908 : vector<16xi32>
      %jit3A_1910 = arith.constant 0.000000e+00 : f32
      %broadcast_in_dim3A_1911 = vector.broadcast %jit3A_1910 : f32 to vector<16xf32>
      %select_n3A_1912 = arith.select %eq3A_1909, %mul3A_1823, %broadcast_in_dim3A_1911 : vector<16xi1>, vector<16xf32>
      %select_n3A_1913 = arith.select %eq3A_1906, %div3A_1822, %select_n3A_1912 : vector<16xi1>, vector<16xf32>
      %swap3A_1914 = arith.constant 13 : i32
      %swap3A_1915 = arith.index_cast %swap3A_1914 : i32 to index
      %swap3A_1916 = arith.constant 32 : index
      %swap3A_1917 = tpu.vector_load %arg5[%swap3A_1915, %swap3A_1916] {strides = array<i32>} : memref<16x128xf32, #tpu.memory_space<vmem>>, vector<1x16xf32>,
      %swap3A_1918 = vector.shape_cast %swap3A_1917 : vector<1x16xf32> to vector<16xf32>
      %swap3A_1919 = vector.shape_cast %select_n3A_1913 : vector<16xf32> to vector<1x16xf32>
      tpu.vector_store %arg5[%swap3A_1915, %swap3A_1916], %swap3A_1919 {strides = array<i32>} : memref<16x128xf32, #tpu.memory_space<vmem>>, vector<1x16xf32>,
      %eq3A_1920 = arith.constant 6 : i32
      %eq3A_1921 = vector.broadcast %eq3A_1920 : i32 to vector<16xi32>
      %eq3A_1922 = arith.cmpi eq, %select_n3A_1706, %eq3A_1921 : vector<16xi32>
      %eq3A_1923 = arith.constant 6 : i32
      %eq3A_1924 = vector.broadcast %eq3A_1923 : i32 to vector<16xi32>
      %eq3A_1925 = arith.cmpi eq, %select_n3A_1814, %eq3A_1924 : vector<16xi32>
      %jit3A_1926 = arith.constant 0.000000e+00 : f32
      %broadcast_in_dim3A_1927 = vector.broadcast %jit3A_1926 : f32 to vector<16xf32>
      %select_n3A_1928 = arith.select %eq3A_1925, %mul3A_1823, %broadcast_in_dim3A_1927 : vector<16xi1>, vector<16xf32>
      %select_n3A_1929 = arith.select %eq3A_1922, %div3A_1822, %select_n3A_1928 : vector<16xi1>, vector<16xf32>
      %swap3A_1930 = arith.constant 14 : i32
      %swap3A_1931 = arith.index_cast %swap3A_1930 : i32 to index
      %swap3A_1932 = arith.constant 32 : index
      %swap3A_1933 = tpu.vector_load %arg5[%swap3A_1931, %swap3A_1932] {strides = array<i32>} : memref<16x128xf32, #tpu.memory_space<vmem>>, vector<1x16xf32>,
      %swap3A_1934 = vector.shape_cast %swap3A_1933 : vector<1x16xf32> to vector<16xf32>
      %swap3A_1935 = vector.shape_cast %select_n3A_1929 : vector<16xf32> to vector<1x16xf32>
      tpu.vector_store %arg5[%swap3A_1931, %swap3A_1932], %swap3A_1935 {strides = array<i32>} : memref<16x128xf32, #tpu.memory_space<vmem>>, vector<1x16xf32>,
      %eq3A_1936 = arith.constant 7 : i32
      %eq3A_1937 = vector.broadcast %eq3A_1936 : i32 to vector<16xi32>
      %eq3A_1938 = arith.cmpi eq, %select_n3A_1706, %eq3A_1937 : vector<16xi32>
      %eq3A_1939 = arith.constant 7 : i32
      %eq3A_1940 = vector.broadcast %eq3A_1939 : i32 to vector<16xi32>
      %eq3A_1941 = arith.cmpi eq, %select_n3A_1814, %eq3A_1940 : vector<16xi32>
      %jit3A_1942 = arith.constant 0.000000e+00 : f32
      %broadcast_in_dim3A_1943 = vector.broadcast %jit3A_1942 : f32 to vector<16xf32>
      %select_n3A_1944 = arith.select %eq3A_1941, %mul3A_1823, %broadcast_in_dim3A_1943 : vector<16xi1>, vector<16xf32>
      %select_n3A_1945 = arith.select %eq3A_1938, %div3A_1822, %select_n3A_1944 : vector<16xi1>, vector<16xf32>
      %swap3A_1946 = arith.constant 15 : i32
      %swap3A_1947 = arith.index_cast %swap3A_1946 : i32 to index
      %swap3A_1948 = arith.constant 32 : index
      %swap3A_1949 = tpu.vector_load %arg5[%swap3A_1947, %swap3A_1948] {strides = array<i32>} : memref<16x128xf32, #tpu.memory_space<vmem>>, vector<1x16xf32>,
      %swap3A_1950 = vector.shape_cast %swap3A_1949 : vector<1x16xf32> to vector<16xf32>
      %swap3A_1951 = vector.shape_cast %select_n3A_1945 : vector<16xf32> to vector<1x16xf32>
      tpu.vector_store %arg5[%swap3A_1947, %swap3A_1948], %swap3A_1951 {strides = array<i32>} : memref<16x128xf32, #tpu.memory_space<vmem>>, vector<1x16xf32>,
      %get3A_1952 = arith.constant 0 : i32
      %get3A_1953 = arith.index_cast %get3A_1952 : i32 to index
      %get3A_1954 = arith.constant 48 : index
      %get3A_1955 = tpu.vector_load %arg4[%get3A_1953, %get3A_1954] {strides = array<i32>} : memref<16x128xf32, #tpu.memory_space<vmem>>, vector<1x16xf32>,
      %get3A_1956 = vector.shape_cast %get3A_1955 : vector<1x16xf32> to vector<16xf32>
      %get3A_1957 = arith.constant 1 : i32
      %get3A_1958 = arith.index_cast %get3A_1957 : i32 to index
      %get3A_1959 = arith.constant 48 : index
      %get3A_1960 = tpu.vector_load %arg4[%get3A_1958, %get3A_1959] {strides = array<i32>} : memref<16x128xf32, #tpu.memory_space<vmem>>, vector<1x16xf32>,
      %get3A_1961 = vector.shape_cast %get3A_1960 : vector<1x16xf32> to vector<16xf32>
      %get3A_1962 = arith.constant 2 : i32
      %get3A_1963 = arith.index_cast %get3A_1962 : i32 to index
      %get3A_1964 = arith.constant 48 : index
      %get3A_1965 = tpu.vector_load %arg4[%get3A_1963, %get3A_1964] {strides = array<i32>} : memref<16x128xf32, #tpu.memory_space<vmem>>, vector<1x16xf32>,
      %get3A_1966 = vector.shape_cast %get3A_1965 : vector<1x16xf32> to vector<16xf32>
      %get3A_1967 = arith.constant 3 : i32
      %get3A_1968 = arith.index_cast %get3A_1967 : i32 to index
      %get3A_1969 = arith.constant 48 : index
      %get3A_1970 = tpu.vector_load %arg4[%get3A_1968, %get3A_1969] {strides = array<i32>} : memref<16x128xf32, #tpu.memory_space<vmem>>, vector<1x16xf32>,
      %get3A_1971 = vector.shape_cast %get3A_1970 : vector<1x16xf32> to vector<16xf32>
      %get3A_1972 = arith.constant 4 : i32
      %get3A_1973 = arith.index_cast %get3A_1972 : i32 to index
      %get3A_1974 = arith.constant 48 : index
      %get3A_1975 = tpu.vector_load %arg4[%get3A_1973, %get3A_1974] {strides = array<i32>} : memref<16x128xf32, #tpu.memory_space<vmem>>, vector<1x16xf32>,
      %get3A_1976 = vector.shape_cast %get3A_1975 : vector<1x16xf32> to vector<16xf32>
      %get3A_1977 = arith.constant 5 : i32
      %get3A_1978 = arith.index_cast %get3A_1977 : i32 to index
      %get3A_1979 = arith.constant 48 : index
      %get3A_1980 = tpu.vector_load %arg4[%get3A_1978, %get3A_1979] {strides = array<i32>} : memref<16x128xf32, #tpu.memory_space<vmem>>, vector<1x16xf32>,
      %get3A_1981 = vector.shape_cast %get3A_1980 : vector<1x16xf32> to vector<16xf32>
      %get3A_1982 = arith.constant 6 : i32
      %get3A_1983 = arith.index_cast %get3A_1982 : i32 to index
      %get3A_1984 = arith.constant 48 : index
      %get3A_1985 = tpu.vector_load %arg4[%get3A_1983, %get3A_1984] {strides = array<i32>} : memref<16x128xf32, #tpu.memory_space<vmem>>, vector<1x16xf32>,
      %get3A_1986 = vector.shape_cast %get3A_1985 : vector<1x16xf32> to vector<16xf32>
      %get3A_1987 = arith.constant 7 : i32
      %get3A_1988 = arith.index_cast %get3A_1987 : i32 to index
      %get3A_1989 = arith.constant 48 : index
      %get3A_1990 = tpu.vector_load %arg4[%get3A_1988, %get3A_1989] {strides = array<i32>} : memref<16x128xf32, #tpu.memory_space<vmem>>, vector<1x16xf32>,
      %get3A_1991 = vector.shape_cast %get3A_1990 : vector<1x16xf32> to vector<16xf32>
      %max3A_1992 = arith.maximumf %get3A_1956, %get3A_1961 : vector<16xf32>
      %max3A_1993 = arith.maximumf %max3A_1992, %get3A_1966 : vector<16xf32>
      %max3A_1994 = arith.maximumf %max3A_1993, %get3A_1971 : vector<16xf32>
      %max3A_1995 = arith.maximumf %max3A_1994, %get3A_1976 : vector<16xf32>
      %max3A_1996 = arith.maximumf %max3A_1995, %get3A_1981 : vector<16xf32>
      %max3A_1997 = arith.maximumf %max3A_1996, %get3A_1986 : vector<16xf32>
      %max3A_1998 = arith.maximumf %max3A_1997, %get3A_1991 : vector<16xf32>
      %broadcast_in_dim3A_1999 = arith.constant 8 : i32
      %broadcast_in_dim3A_2000 = vector.broadcast %broadcast_in_dim3A_1999 : i32 to vector<16xi32>
      %eq3A_2001 = arith.cmpf oeq, %get3A_1991, %max3A_1998 : vector<16xf32>
      %jit3A_2002 = arith.constant 7 : i32
      %broadcast_in_dim3A_2003 = vector.broadcast %jit3A_2002 : i32 to vector<16xi32>
      %select_n3A_2004 = arith.select %eq3A_2001, %broadcast_in_dim3A_2003, %broadcast_in_dim3A_2000 : vector<16xi1>, vector<16xi32>
      %eq3A_2005 = arith.cmpf oeq, %get3A_1986, %max3A_1998 : vector<16xf32>
      %jit3A_2006 = arith.constant 6 : i32
      %broadcast_in_dim3A_2007 = vector.broadcast %jit3A_2006 : i32 to vector<16xi32>
      %select_n3A_2008 = arith.select %eq3A_2005, %broadcast_in_dim3A_2007, %select_n3A_2004 : vector<16xi1>, vector<16xi32>
      %eq3A_2009 = arith.cmpf oeq, %get3A_1981, %max3A_1998 : vector<16xf32>
      %jit3A_2010 = arith.constant 5 : i32
      %broadcast_in_dim3A_2011 = vector.broadcast %jit3A_2010 : i32 to vector<16xi32>
      %select_n3A_2012 = arith.select %eq3A_2009, %broadcast_in_dim3A_2011, %select_n3A_2008 : vector<16xi1>, vector<16xi32>
      %eq3A_2013 = arith.cmpf oeq, %get3A_1976, %max3A_1998 : vector<16xf32>
      %jit3A_2014 = arith.constant 4 : i32
      %broadcast_in_dim3A_2015 = vector.broadcast %jit3A_2014 : i32 to vector<16xi32>
      %select_n3A_2016 = arith.select %eq3A_2013, %broadcast_in_dim3A_2015, %select_n3A_2012 : vector<16xi1>, vector<16xi32>
      %eq3A_2017 = arith.cmpf oeq, %get3A_1971, %max3A_1998 : vector<16xf32>
      %jit3A_2018 = arith.constant 3 : i32
      %broadcast_in_dim3A_2019 = vector.broadcast %jit3A_2018 : i32 to vector<16xi32>
      %select_n3A_2020 = arith.select %eq3A_2017, %broadcast_in_dim3A_2019, %select_n3A_2016 : vector<16xi1>, vector<16xi32>
      %eq3A_2021 = arith.cmpf oeq, %get3A_1966, %max3A_1998 : vector<16xf32>
      %jit3A_2022 = arith.constant 2 : i32
      %broadcast_in_dim3A_2023 = vector.broadcast %jit3A_2022 : i32 to vector<16xi32>
      %select_n3A_2024 = arith.select %eq3A_2021, %broadcast_in_dim3A_2023, %select_n3A_2020 : vector<16xi1>, vector<16xi32>
      %eq3A_2025 = arith.cmpf oeq, %get3A_1961, %max3A_1998 : vector<16xf32>
      %jit3A_2026 = arith.constant 1 : i32
      %broadcast_in_dim3A_2027 = vector.broadcast %jit3A_2026 : i32 to vector<16xi32>
      %select_n3A_2028 = arith.select %eq3A_2025, %broadcast_in_dim3A_2027, %select_n3A_2024 : vector<16xi1>, vector<16xi32>
      %eq3A_2029 = arith.cmpf oeq, %get3A_1956, %max3A_1998 : vector<16xf32>
      %jit3A_2030 = arith.constant 0 : i32
      %broadcast_in_dim3A_2031 = vector.broadcast %jit3A_2030 : i32 to vector<16xi32>
      %select_n3A_2032 = arith.select %eq3A_2029, %broadcast_in_dim3A_2031, %select_n3A_2028 : vector<16xi1>, vector<16xi32>
      %broadcast_in_dim3A_2033 = arith.constant 0xFF800000 : f32
      %broadcast_in_dim3A_2034 = vector.broadcast %broadcast_in_dim3A_2033 : f32 to vector<16xf32>
      %eq3A_2035 = arith.constant 0 : i32
      %eq3A_2036 = vector.broadcast %eq3A_2035 : i32 to vector<16xi32>
      %eq3A_2037 = arith.cmpi eq, %select_n3A_2032, %eq3A_2036 : vector<16xi32>
      %max3A_2038 = arith.maximumf %broadcast_in_dim3A_2034, %get3A_1956 : vector<16xf32>
      %select_n3A_2039 = arith.select %eq3A_2037, %broadcast_in_dim3A_2034, %max3A_2038 : vector<16xi1>, vector<16xf32>
      %eq3A_2040 = arith.constant 1 : i32
      %eq3A_2041 = vector.broadcast %eq3A_2040 : i32 to vector<16xi32>
      %eq3A_2042 = arith.cmpi eq, %select_n3A_2032, %eq3A_2041 : vector<16xi32>
      %max3A_2043 = arith.maximumf %select_n3A_2039, %get3A_1961 : vector<16xf32>
      %select_n3A_2044 = arith.select %eq3A_2042, %select_n3A_2039, %max3A_2043 : vector<16xi1>, vector<16xf32>
      %eq3A_2045 = arith.constant 2 : i32
      %eq3A_2046 = vector.broadcast %eq3A_2045 : i32 to vector<16xi32>
      %eq3A_2047 = arith.cmpi eq, %select_n3A_2032, %eq3A_2046 : vector<16xi32>
      %max3A_2048 = arith.maximumf %select_n3A_2044, %get3A_1966 : vector<16xf32>
      %select_n3A_2049 = arith.select %eq3A_2047, %select_n3A_2044, %max3A_2048 : vector<16xi1>, vector<16xf32>
      %eq3A_2050 = arith.constant 3 : i32
      %eq3A_2051 = vector.broadcast %eq3A_2050 : i32 to vector<16xi32>
      %eq3A_2052 = arith.cmpi eq, %select_n3A_2032, %eq3A_2051 : vector<16xi32>
      %max3A_2053 = arith.maximumf %select_n3A_2049, %get3A_1971 : vector<16xf32>
      %select_n3A_2054 = arith.select %eq3A_2052, %select_n3A_2049, %max3A_2053 : vector<16xi1>, vector<16xf32>
      %eq3A_2055 = arith.constant 4 : i32
      %eq3A_2056 = vector.broadcast %eq3A_2055 : i32 to vector<16xi32>
      %eq3A_2057 = arith.cmpi eq, %select_n3A_2032, %eq3A_2056 : vector<16xi32>
      %max3A_2058 = arith.maximumf %select_n3A_2054, %get3A_1976 : vector<16xf32>
      %select_n3A_2059 = arith.select %eq3A_2057, %select_n3A_2054, %max3A_2058 : vector<16xi1>, vector<16xf32>
      %eq3A_2060 = arith.constant 5 : i32
      %eq3A_2061 = vector.broadcast %eq3A_2060 : i32 to vector<16xi32>
      %eq3A_2062 = arith.cmpi eq, %select_n3A_2032, %eq3A_2061 : vector<16xi32>
      %max3A_2063 = arith.maximumf %select_n3A_2059, %get3A_1981 : vector<16xf32>
      %select_n3A_2064 = arith.select %eq3A_2062, %select_n3A_2059, %max3A_2063 : vector<16xi1>, vector<16xf32>
      %eq3A_2065 = arith.constant 6 : i32
      %eq3A_2066 = vector.broadcast %eq3A_2065 : i32 to vector<16xi32>
      %eq3A_2067 = arith.cmpi eq, %select_n3A_2032, %eq3A_2066 : vector<16xi32>
      %max3A_2068 = arith.maximumf %select_n3A_2064, %get3A_1986 : vector<16xf32>
      %select_n3A_2069 = arith.select %eq3A_2067, %select_n3A_2064, %max3A_2068 : vector<16xi1>, vector<16xf32>
      %eq3A_2070 = arith.constant 7 : i32
      %eq3A_2071 = vector.broadcast %eq3A_2070 : i32 to vector<16xi32>
      %eq3A_2072 = arith.cmpi eq, %select_n3A_2032, %eq3A_2071 : vector<16xi32>
      %max3A_2073 = arith.maximumf %select_n3A_2069, %get3A_1991 : vector<16xf32>
      %select_n3A_2074 = arith.select %eq3A_2072, %select_n3A_2069, %max3A_2073 : vector<16xi1>, vector<16xf32>
      %broadcast_in_dim3A_2075 = arith.constant 8 : i32
      %broadcast_in_dim3A_2076 = vector.broadcast %broadcast_in_dim3A_2075 : i32 to vector<16xi32>
      %eq3A_2077 = arith.cmpf oeq, %get3A_1991, %select_n3A_2074 : vector<16xf32>
      %ne3A_2078 = arith.constant 7 : i32
      %ne3A_2079 = vector.broadcast %ne3A_2078 : i32 to vector<16xi32>
      %ne3A_2080 = arith.cmpi ne, %select_n3A_2032, %ne3A_2079 : vector<16xi32>
      %and3A_2081 = arith.andi %eq3A_2077, %ne3A_2080 : vector<16xi1>
      %jit3A_2082 = arith.constant 7 : i32
      %broadcast_in_dim3A_2083 = vector.broadcast %jit3A_2082 : i32 to vector<16xi32>
      %select_n3A_2084 = arith.select %and3A_2081, %broadcast_in_dim3A_2083, %broadcast_in_dim3A_2076 : vector<16xi1>, vector<16xi32>
      %eq3A_2085 = arith.cmpf oeq, %get3A_1986, %select_n3A_2074 : vector<16xf32>
      %ne3A_2086 = arith.constant 6 : i32
      %ne3A_2087 = vector.broadcast %ne3A_2086 : i32 to vector<16xi32>
      %ne3A_2088 = arith.cmpi ne, %select_n3A_2032, %ne3A_2087 : vector<16xi32>
      %and3A_2089 = arith.andi %eq3A_2085, %ne3A_2088 : vector<16xi1>
      %jit3A_2090 = arith.constant 6 : i32
      %broadcast_in_dim3A_2091 = vector.broadcast %jit3A_2090 : i32 to vector<16xi32>
      %select_n3A_2092 = arith.select %and3A_2089, %broadcast_in_dim3A_2091, %select_n3A_2084 : vector<16xi1>, vector<16xi32>
      %eq3A_2093 = arith.cmpf oeq, %get3A_1981, %select_n3A_2074 : vector<16xf32>
      %ne3A_2094 = arith.constant 5 : i32
      %ne3A_2095 = vector.broadcast %ne3A_2094 : i32 to vector<16xi32>
      %ne3A_2096 = arith.cmpi ne, %select_n3A_2032, %ne3A_2095 : vector<16xi32>
      %and3A_2097 = arith.andi %eq3A_2093, %ne3A_2096 : vector<16xi1>
      %jit3A_2098 = arith.constant 5 : i32
      %broadcast_in_dim3A_2099 = vector.broadcast %jit3A_2098 : i32 to vector<16xi32>
      %select_n3A_2100 = arith.select %and3A_2097, %broadcast_in_dim3A_2099, %select_n3A_2092 : vector<16xi1>, vector<16xi32>
      %eq3A_2101 = arith.cmpf oeq, %get3A_1976, %select_n3A_2074 : vector<16xf32>
      %ne3A_2102 = arith.constant 4 : i32
      %ne3A_2103 = vector.broadcast %ne3A_2102 : i32 to vector<16xi32>
      %ne3A_2104 = arith.cmpi ne, %select_n3A_2032, %ne3A_2103 : vector<16xi32>
      %and3A_2105 = arith.andi %eq3A_2101, %ne3A_2104 : vector<16xi1>
      %jit3A_2106 = arith.constant 4 : i32
      %broadcast_in_dim3A_2107 = vector.broadcast %jit3A_2106 : i32 to vector<16xi32>
      %select_n3A_2108 = arith.select %and3A_2105, %broadcast_in_dim3A_2107, %select_n3A_2100 : vector<16xi1>, vector<16xi32>
      %eq3A_2109 = arith.cmpf oeq, %get3A_1971, %select_n3A_2074 : vector<16xf32>
      %ne3A_2110 = arith.constant 3 : i32
      %ne3A_2111 = vector.broadcast %ne3A_2110 : i32 to vector<16xi32>
      %ne3A_2112 = arith.cmpi ne, %select_n3A_2032, %ne3A_2111 : vector<16xi32>
      %and3A_2113 = arith.andi %eq3A_2109, %ne3A_2112 : vector<16xi1>
      %jit3A_2114 = arith.constant 3 : i32
      %broadcast_in_dim3A_2115 = vector.broadcast %jit3A_2114 : i32 to vector<16xi32>
      %select_n3A_2116 = arith.select %and3A_2113, %broadcast_in_dim3A_2115, %select_n3A_2108 : vector<16xi1>, vector<16xi32>
      %eq3A_2117 = arith.cmpf oeq, %get3A_1966, %select_n3A_2074 : vector<16xf32>
      %ne3A_2118 = arith.constant 2 : i32
      %ne3A_2119 = vector.broadcast %ne3A_2118 : i32 to vector<16xi32>
      %ne3A_2120 = arith.cmpi ne, %select_n3A_2032, %ne3A_2119 : vector<16xi32>
      %and3A_2121 = arith.andi %eq3A_2117, %ne3A_2120 : vector<16xi1>
      %jit3A_2122 = arith.constant 2 : i32
      %broadcast_in_dim3A_2123 = vector.broadcast %jit3A_2122 : i32 to vector<16xi32>
      %select_n3A_2124 = arith.select %and3A_2121, %broadcast_in_dim3A_2123, %select_n3A_2116 : vector<16xi1>, vector<16xi32>
      %eq3A_2125 = arith.cmpf oeq, %get3A_1961, %select_n3A_2074 : vector<16xf32>
      %ne3A_2126 = arith.constant 1 : i32
      %ne3A_2127 = vector.broadcast %ne3A_2126 : i32 to vector<16xi32>
      %ne3A_2128 = arith.cmpi ne, %select_n3A_2032, %ne3A_2127 : vector<16xi32>
      %and3A_2129 = arith.andi %eq3A_2125, %ne3A_2128 : vector<16xi1>
      %jit3A_2130 = arith.constant 1 : i32
      %broadcast_in_dim3A_2131 = vector.broadcast %jit3A_2130 : i32 to vector<16xi32>
      %select_n3A_2132 = arith.select %and3A_2129, %broadcast_in_dim3A_2131, %select_n3A_2124 : vector<16xi1>, vector<16xi32>
      %eq3A_2133 = arith.cmpf oeq, %get3A_1956, %select_n3A_2074 : vector<16xf32>
      %ne3A_2134 = arith.constant 0 : i32
      %ne3A_2135 = vector.broadcast %ne3A_2134 : i32 to vector<16xi32>
      %ne3A_2136 = arith.cmpi ne, %select_n3A_2032, %ne3A_2135 : vector<16xi32>
      %and3A_2137 = arith.andi %eq3A_2133, %ne3A_2136 : vector<16xi1>
      %jit3A_2138 = arith.constant 0 : i32
      %broadcast_in_dim3A_2139 = vector.broadcast %jit3A_2138 : i32 to vector<16xi32>
      %select_n3A_2140 = arith.select %and3A_2137, %broadcast_in_dim3A_2139, %select_n3A_2132 : vector<16xi1>, vector<16xi32>
      %sub3A_2141 = arith.subf %select_n3A_2074, %max3A_1998 : vector<16xf32>
      %exp3A_2142 = math.exp %sub3A_2141 : vector<16xf32>
      %add3A_2143 = arith.constant 1.000000e+00 : f32
      %add3A_2144 = vector.broadcast %add3A_2143 : f32 to vector<16xf32>
      %add3A_2145 = arith.addf %add3A_2144, %exp3A_2142 : vector<16xf32>
      %div3A_2146 = arith.constant 1.000000e+00 : f32
      %div3A_2147 = vector.broadcast %div3A_2146 : f32 to vector<16xf32>
      %div3A_2148 = arith.divf %div3A_2147, %add3A_2145 : vector<16xf32>
      %mul3A_2149 = arith.mulf %exp3A_2142, %div3A_2148 : vector<16xf32>
      %eq3A_2150 = arith.constant 0 : i32
      %eq3A_2151 = vector.broadcast %eq3A_2150 : i32 to vector<16xi32>
      %eq3A_2152 = arith.cmpi eq, %select_n3A_2032, %eq3A_2151 : vector<16xi32>
      %eq3A_2153 = arith.constant 0 : i32
      %eq3A_2154 = vector.broadcast %eq3A_2153 : i32 to vector<16xi32>
      %eq3A_2155 = arith.cmpi eq, %select_n3A_2140, %eq3A_2154 : vector<16xi32>
      %jit3A_2156 = arith.constant 0.000000e+00 : f32
      %broadcast_in_dim3A_2157 = vector.broadcast %jit3A_2156 : f32 to vector<16xf32>
      %select_n3A_2158 = arith.select %eq3A_2155, %mul3A_2149, %broadcast_in_dim3A_2157 : vector<16xi1>, vector<16xf32>
      %select_n3A_2159 = arith.select %eq3A_2152, %div3A_2148, %select_n3A_2158 : vector<16xi1>, vector<16xf32>
      %swap3A_2160 = arith.constant 0 : i32
      %swap3A_2161 = arith.index_cast %swap3A_2160 : i32 to index
      %swap3A_2162 = arith.constant 48 : index
      %swap3A_2163 = tpu.vector_load %arg5[%swap3A_2161, %swap3A_2162] {strides = array<i32>} : memref<16x128xf32, #tpu.memory_space<vmem>>, vector<1x16xf32>,
      %swap3A_2164 = vector.shape_cast %swap3A_2163 : vector<1x16xf32> to vector<16xf32>
      %swap3A_2165 = vector.shape_cast %select_n3A_2159 : vector<16xf32> to vector<1x16xf32>
      tpu.vector_store %arg5[%swap3A_2161, %swap3A_2162], %swap3A_2165 {strides = array<i32>} : memref<16x128xf32, #tpu.memory_space<vmem>>, vector<1x16xf32>,
      %eq3A_2166 = arith.constant 1 : i32
      %eq3A_2167 = vector.broadcast %eq3A_2166 : i32 to vector<16xi32>
      %eq3A_2168 = arith.cmpi eq, %select_n3A_2032, %eq3A_2167 : vector<16xi32>
      %eq3A_2169 = arith.constant 1 : i32
      %eq3A_2170 = vector.broadcast %eq3A_2169 : i32 to vector<16xi32>
      %eq3A_2171 = arith.cmpi eq, %select_n3A_2140, %eq3A_2170 : vector<16xi32>
      %jit3A_2172 = arith.constant 0.000000e+00 : f32
      %broadcast_in_dim3A_2173 = vector.broadcast %jit3A_2172 : f32 to vector<16xf32>
      %select_n3A_2174 = arith.select %eq3A_2171, %mul3A_2149, %broadcast_in_dim3A_2173 : vector<16xi1>, vector<16xf32>
      %select_n3A_2175 = arith.select %eq3A_2168, %div3A_2148, %select_n3A_2174 : vector<16xi1>, vector<16xf32>
      %swap3A_2176 = arith.constant 1 : i32
      %swap3A_2177 = arith.index_cast %swap3A_2176 : i32 to index
      %swap3A_2178 = arith.constant 48 : index
      %swap3A_2179 = tpu.vector_load %arg5[%swap3A_2177, %swap3A_2178] {strides = array<i32>} : memref<16x128xf32, #tpu.memory_space<vmem>>, vector<1x16xf32>,
      %swap3A_2180 = vector.shape_cast %swap3A_2179 : vector<1x16xf32> to vector<16xf32>
      %swap3A_2181 = vector.shape_cast %select_n3A_2175 : vector<16xf32> to vector<1x16xf32>
      tpu.vector_store %arg5[%swap3A_2177, %swap3A_2178], %swap3A_2181 {strides = array<i32>} : memref<16x128xf32, #tpu.memory_space<vmem>>, vector<1x16xf32>,
      %eq3A_2182 = arith.constant 2 : i32
      %eq3A_2183 = vector.broadcast %eq3A_2182 : i32 to vector<16xi32>
      %eq3A_2184 = arith.cmpi eq, %select_n3A_2032, %eq3A_2183 : vector<16xi32>
      %eq3A_2185 = arith.constant 2 : i32
      %eq3A_2186 = vector.broadcast %eq3A_2185 : i32 to vector<16xi32>
      %eq3A_2187 = arith.cmpi eq, %select_n3A_2140, %eq3A_2186 : vector<16xi32>
      %jit3A_2188 = arith.constant 0.000000e+00 : f32
      %broadcast_in_dim3A_2189 = vector.broadcast %jit3A_2188 : f32 to vector<16xf32>
      %select_n3A_2190 = arith.select %eq3A_2187, %mul3A_2149, %broadcast_in_dim3A_2189 : vector<16xi1>, vector<16xf32>
      %select_n3A_2191 = arith.select %eq3A_2184, %div3A_2148, %select_n3A_2190 : vector<16xi1>, vector<16xf32>
      %swap3A_2192 = arith.constant 2 : i32
      %swap3A_2193 = arith.index_cast %swap3A_2192 : i32 to index
      %swap3A_2194 = arith.constant 48 : index
      %swap3A_2195 = tpu.vector_load %arg5[%swap3A_2193, %swap3A_2194] {strides = array<i32>} : memref<16x128xf32, #tpu.memory_space<vmem>>, vector<1x16xf32>,
      %swap3A_2196 = vector.shape_cast %swap3A_2195 : vector<1x16xf32> to vector<16xf32>
      %swap3A_2197 = vector.shape_cast %select_n3A_2191 : vector<16xf32> to vector<1x16xf32>
      tpu.vector_store %arg5[%swap3A_2193, %swap3A_2194], %swap3A_2197 {strides = array<i32>} : memref<16x128xf32, #tpu.memory_space<vmem>>, vector<1x16xf32>,
      %eq3A_2198 = arith.constant 3 : i32
      %eq3A_2199 = vector.broadcast %eq3A_2198 : i32 to vector<16xi32>
      %eq3A_2200 = arith.cmpi eq, %select_n3A_2032, %eq3A_2199 : vector<16xi32>
      %eq3A_2201 = arith.constant 3 : i32
      %eq3A_2202 = vector.broadcast %eq3A_2201 : i32 to vector<16xi32>
      %eq3A_2203 = arith.cmpi eq, %select_n3A_2140, %eq3A_2202 : vector<16xi32>
      %jit3A_2204 = arith.constant 0.000000e+00 : f32
      %broadcast_in_dim3A_2205 = vector.broadcast %jit3A_2204 : f32 to vector<16xf32>
      %select_n3A_2206 = arith.select %eq3A_2203, %mul3A_2149, %broadcast_in_dim3A_2205 : vector<16xi1>, vector<16xf32>
      %select_n3A_2207 = arith.select %eq3A_2200, %div3A_2148, %select_n3A_2206 : vector<16xi1>, vector<16xf32>
      %swap3A_2208 = arith.constant 3 : i32
      %swap3A_2209 = arith.index_cast %swap3A_2208 : i32 to index
      %swap3A_2210 = arith.constant 48 : index
      %swap3A_2211 = tpu.vector_load %arg5[%swap3A_2209, %swap3A_2210] {strides = array<i32>} : memref<16x128xf32, #tpu.memory_space<vmem>>, vector<1x16xf32>,
      %swap3A_2212 = vector.shape_cast %swap3A_2211 : vector<1x16xf32> to vector<16xf32>
      %swap3A_2213 = vector.shape_cast %select_n3A_2207 : vector<16xf32> to vector<1x16xf32>
      tpu.vector_store %arg5[%swap3A_2209, %swap3A_2210], %swap3A_2213 {strides = array<i32>} : memref<16x128xf32, #tpu.memory_space<vmem>>, vector<1x16xf32>,
      %eq3A_2214 = arith.constant 4 : i32
      %eq3A_2215 = vector.broadcast %eq3A_2214 : i32 to vector<16xi32>
      %eq3A_2216 = arith.cmpi eq, %select_n3A_2032, %eq3A_2215 : vector<16xi32>
      %eq3A_2217 = arith.constant 4 : i32
      %eq3A_2218 = vector.broadcast %eq3A_2217 : i32 to vector<16xi32>
      %eq3A_2219 = arith.cmpi eq, %select_n3A_2140, %eq3A_2218 : vector<16xi32>
      %jit3A_2220 = arith.constant 0.000000e+00 : f32
      %broadcast_in_dim3A_2221 = vector.broadcast %jit3A_2220 : f32 to vector<16xf32>
      %select_n3A_2222 = arith.select %eq3A_2219, %mul3A_2149, %broadcast_in_dim3A_2221 : vector<16xi1>, vector<16xf32>
      %select_n3A_2223 = arith.select %eq3A_2216, %div3A_2148, %select_n3A_2222 : vector<16xi1>, vector<16xf32>
      %swap3A_2224 = arith.constant 4 : i32
      %swap3A_2225 = arith.index_cast %swap3A_2224 : i32 to index
      %swap3A_2226 = arith.constant 48 : index
      %swap3A_2227 = tpu.vector_load %arg5[%swap3A_2225, %swap3A_2226] {strides = array<i32>} : memref<16x128xf32, #tpu.memory_space<vmem>>, vector<1x16xf32>,
      %swap3A_2228 = vector.shape_cast %swap3A_2227 : vector<1x16xf32> to vector<16xf32>
      %swap3A_2229 = vector.shape_cast %select_n3A_2223 : vector<16xf32> to vector<1x16xf32>
      tpu.vector_store %arg5[%swap3A_2225, %swap3A_2226], %swap3A_2229 {strides = array<i32>} : memref<16x128xf32, #tpu.memory_space<vmem>>, vector<1x16xf32>,
      %eq3A_2230 = arith.constant 5 : i32
      %eq3A_2231 = vector.broadcast %eq3A_2230 : i32 to vector<16xi32>
      %eq3A_2232 = arith.cmpi eq, %select_n3A_2032, %eq3A_2231 : vector<16xi32>
      %eq3A_2233 = arith.constant 5 : i32
      %eq3A_2234 = vector.broadcast %eq3A_2233 : i32 to vector<16xi32>
      %eq3A_2235 = arith.cmpi eq, %select_n3A_2140, %eq3A_2234 : vector<16xi32>
      %jit3A_2236 = arith.constant 0.000000e+00 : f32
      %broadcast_in_dim3A_2237 = vector.broadcast %jit3A_2236 : f32 to vector<16xf32>
      %select_n3A_2238 = arith.select %eq3A_2235, %mul3A_2149, %broadcast_in_dim3A_2237 : vector<16xi1>, vector<16xf32>
      %select_n3A_2239 = arith.select %eq3A_2232, %div3A_2148, %select_n3A_2238 : vector<16xi1>, vector<16xf32>
      %swap3A_2240 = arith.constant 5 : i32
      %swap3A_2241 = arith.index_cast %swap3A_2240 : i32 to index
      %swap3A_2242 = arith.constant 48 : index
      %swap3A_2243 = tpu.vector_load %arg5[%swap3A_2241, %swap3A_2242] {strides = array<i32>} : memref<16x128xf32, #tpu.memory_space<vmem>>, vector<1x16xf32>,
      %swap3A_2244 = vector.shape_cast %swap3A_2243 : vector<1x16xf32> to vector<16xf32>
      %swap3A_2245 = vector.shape_cast %select_n3A_2239 : vector<16xf32> to vector<1x16xf32>
      tpu.vector_store %arg5[%swap3A_2241, %swap3A_2242], %swap3A_2245 {strides = array<i32>} : memref<16x128xf32, #tpu.memory_space<vmem>>, vector<1x16xf32>,
      %eq3A_2246 = arith.constant 6 : i32
      %eq3A_2247 = vector.broadcast %eq3A_2246 : i32 to vector<16xi32>
      %eq3A_2248 = arith.cmpi eq, %select_n3A_2032, %eq3A_2247 : vector<16xi32>
      %eq3A_2249 = arith.constant 6 : i32
      %eq3A_2250 = vector.broadcast %eq3A_2249 : i32 to vector<16xi32>
      %eq3A_2251 = arith.cmpi eq, %select_n3A_2140, %eq3A_2250 : vector<16xi32>
      %jit3A_2252 = arith.constant 0.000000e+00 : f32
      %broadcast_in_dim3A_2253 = vector.broadcast %jit3A_2252 : f32 to vector<16xf32>
      %select_n3A_2254 = arith.select %eq3A_2251, %mul3A_2149, %broadcast_in_dim3A_2253 : vector<16xi1>, vector<16xf32>
      %select_n3A_2255 = arith.select %eq3A_2248, %div3A_2148, %select_n3A_2254 : vector<16xi1>, vector<16xf32>
      %swap3A_2256 = arith.constant 6 : i32
      %swap3A_2257 = arith.index_cast %swap3A_2256 : i32 to index
      %swap3A_2258 = arith.constant 48 : index
      %swap3A_2259 = tpu.vector_load %arg5[%swap3A_2257, %swap3A_2258] {strides = array<i32>} : memref<16x128xf32, #tpu.memory_space<vmem>>, vector<1x16xf32>,
      %swap3A_2260 = vector.shape_cast %swap3A_2259 : vector<1x16xf32> to vector<16xf32>
      %swap3A_2261 = vector.shape_cast %select_n3A_2255 : vector<16xf32> to vector<1x16xf32>
      tpu.vector_store %arg5[%swap3A_2257, %swap3A_2258], %swap3A_2261 {strides = array<i32>} : memref<16x128xf32, #tpu.memory_space<vmem>>, vector<1x16xf32>,
      %eq3A_2262 = arith.constant 7 : i32
      %eq3A_2263 = vector.broadcast %eq3A_2262 : i32 to vector<16xi32>
      %eq3A_2264 = arith.cmpi eq, %select_n3A_2032, %eq3A_2263 : vector<16xi32>
      %eq3A_2265 = arith.constant 7 : i32
      %eq3A_2266 = vector.broadcast %eq3A_2265 : i32 to vector<16xi32>
      %eq3A_2267 = arith.cmpi eq, %select_n3A_2140, %eq3A_2266 : vector<16xi32>
      %jit3A_2268 = arith.constant 0.000000e+00 : f32
      %broadcast_in_dim3A_2269 = vector.broadcast %jit3A_2268 : f32 to vector<16xf32>
      %select_n3A_2270 = arith.select %eq3A_2267, %mul3A_2149, %broadcast_in_dim3A_2269 : vector<16xi1>, vector<16xf32>
      %select_n3A_2271 = arith.select %eq3A_2264, %div3A_2148, %select_n3A_2270 : vector<16xi1>, vector<16xf32>
      %swap3A_2272 = arith.constant 7 : i32
      %swap3A_2273 = arith.index_cast %swap3A_2272 : i32 to index
      %swap3A_2274 = arith.constant 48 : index
      %swap3A_2275 = tpu.vector_load %arg5[%swap3A_2273, %swap3A_2274] {strides = array<i32>} : memref<16x128xf32, #tpu.memory_space<vmem>>, vector<1x16xf32>,
      %swap3A_2276 = vector.shape_cast %swap3A_2275 : vector<1x16xf32> to vector<16xf32>
      %swap3A_2277 = vector.shape_cast %select_n3A_2271 : vector<16xf32> to vector<1x16xf32>
      tpu.vector_store %arg5[%swap3A_2273, %swap3A_2274], %swap3A_2277 {strides = array<i32>} : memref<16x128xf32, #tpu.memory_space<vmem>>, vector<1x16xf32>,
      %get3A_2278 = arith.constant 8 : i32
      %get3A_2279 = arith.index_cast %get3A_2278 : i32 to index
      %get3A_2280 = arith.constant 48 : index
      %get3A_2281 = tpu.vector_load %arg4[%get3A_2279, %get3A_2280] {strides = array<i32>} : memref<16x128xf32, #tpu.memory_space<vmem>>, vector<1x16xf32>,
      %get3A_2282 = vector.shape_cast %get3A_2281 : vector<1x16xf32> to vector<16xf32>
      %get3A_2283 = arith.constant 9 : i32
      %get3A_2284 = arith.index_cast %get3A_2283 : i32 to index
      %get3A_2285 = arith.constant 48 : index
      %get3A_2286 = tpu.vector_load %arg4[%get3A_2284, %get3A_2285] {strides = array<i32>} : memref<16x128xf32, #tpu.memory_space<vmem>>, vector<1x16xf32>,
      %get3A_2287 = vector.shape_cast %get3A_2286 : vector<1x16xf32> to vector<16xf32>
      %get3A_2288 = arith.constant 10 : i32
      %get3A_2289 = arith.index_cast %get3A_2288 : i32 to index
      %get3A_2290 = arith.constant 48 : index
      %get3A_2291 = tpu.vector_load %arg4[%get3A_2289, %get3A_2290] {strides = array<i32>} : memref<16x128xf32, #tpu.memory_space<vmem>>, vector<1x16xf32>,
      %get3A_2292 = vector.shape_cast %get3A_2291 : vector<1x16xf32> to vector<16xf32>
      %get3A_2293 = arith.constant 11 : i32
      %get3A_2294 = arith.index_cast %get3A_2293 : i32 to index
      %get3A_2295 = arith.constant 48 : index
      %get3A_2296 = tpu.vector_load %arg4[%get3A_2294, %get3A_2295] {strides = array<i32>} : memref<16x128xf32, #tpu.memory_space<vmem>>, vector<1x16xf32>,
      %get3A_2297 = vector.shape_cast %get3A_2296 : vector<1x16xf32> to vector<16xf32>
      %get3A_2298 = arith.constant 12 : i32
      %get3A_2299 = arith.index_cast %get3A_2298 : i32 to index
      %get3A_2300 = arith.constant 48 : index
      %get3A_2301 = tpu.vector_load %arg4[%get3A_2299, %get3A_2300] {strides = array<i32>} : memref<16x128xf32, #tpu.memory_space<vmem>>, vector<1x16xf32>,
      %get3A_2302 = vector.shape_cast %get3A_2301 : vector<1x16xf32> to vector<16xf32>
      %get3A_2303 = arith.constant 13 : i32
      %get3A_2304 = arith.index_cast %get3A_2303 : i32 to index
      %get3A_2305 = arith.constant 48 : index
      %get3A_2306 = tpu.vector_load %arg4[%get3A_2304, %get3A_2305] {strides = array<i32>} : memref<16x128xf32, #tpu.memory_space<vmem>>, vector<1x16xf32>,
      %get3A_2307 = vector.shape_cast %get3A_2306 : vector<1x16xf32> to vector<16xf32>
      %get3A_2308 = arith.constant 14 : i32
      %get3A_2309 = arith.index_cast %get3A_2308 : i32 to index
      %get3A_2310 = arith.constant 48 : index
      %get3A_2311 = tpu.vector_load %arg4[%get3A_2309, %get3A_2310] {strides = array<i32>} : memref<16x128xf32, #tpu.memory_space<vmem>>, vector<1x16xf32>,
      %get3A_2312 = vector.shape_cast %get3A_2311 : vector<1x16xf32> to vector<16xf32>
      %get3A_2313 = arith.constant 15 : i32
      %get3A_2314 = arith.index_cast %get3A_2313 : i32 to index
      %get3A_2315 = arith.constant 48 : index
      %get3A_2316 = tpu.vector_load %arg4[%get3A_2314, %get3A_2315] {strides = array<i32>} : memref<16x128xf32, #tpu.memory_space<vmem>>, vector<1x16xf32>,
      %get3A_2317 = vector.shape_cast %get3A_2316 : vector<1x16xf32> to vector<16xf32>
      %max3A_2318 = arith.maximumf %get3A_2282, %get3A_2287 : vector<16xf32>
      %max3A_2319 = arith.maximumf %max3A_2318, %get3A_2292 : vector<16xf32>
      %max3A_2320 = arith.maximumf %max3A_2319, %get3A_2297 : vector<16xf32>
      %max3A_2321 = arith.maximumf %max3A_2320, %get3A_2302 : vector<16xf32>
      %max3A_2322 = arith.maximumf %max3A_2321, %get3A_2307 : vector<16xf32>
      %max3A_2323 = arith.maximumf %max3A_2322, %get3A_2312 : vector<16xf32>
      %max3A_2324 = arith.maximumf %max3A_2323, %get3A_2317 : vector<16xf32>
      %broadcast_in_dim3A_2325 = arith.constant 8 : i32
      %broadcast_in_dim3A_2326 = vector.broadcast %broadcast_in_dim3A_2325 : i32 to vector<16xi32>
      %eq3A_2327 = arith.cmpf oeq, %get3A_2317, %max3A_2324 : vector<16xf32>
      %jit3A_2328 = arith.constant 7 : i32
      %broadcast_in_dim3A_2329 = vector.broadcast %jit3A_2328 : i32 to vector<16xi32>
      %select_n3A_2330 = arith.select %eq3A_2327, %broadcast_in_dim3A_2329, %broadcast_in_dim3A_2326 : vector<16xi1>, vector<16xi32>
      %eq3A_2331 = arith.cmpf oeq, %get3A_2312, %max3A_2324 : vector<16xf32>
      %jit3A_2332 = arith.constant 6 : i32
      %broadcast_in_dim3A_2333 = vector.broadcast %jit3A_2332 : i32 to vector<16xi32>
      %select_n3A_2334 = arith.select %eq3A_2331, %broadcast_in_dim3A_2333, %select_n3A_2330 : vector<16xi1>, vector<16xi32>
      %eq3A_2335 = arith.cmpf oeq, %get3A_2307, %max3A_2324 : vector<16xf32>
      %jit3A_2336 = arith.constant 5 : i32
      %broadcast_in_dim3A_2337 = vector.broadcast %jit3A_2336 : i32 to vector<16xi32>
      %select_n3A_2338 = arith.select %eq3A_2335, %broadcast_in_dim3A_2337, %select_n3A_2334 : vector<16xi1>, vector<16xi32>
      %eq3A_2339 = arith.cmpf oeq, %get3A_2302, %max3A_2324 : vector<16xf32>
      %jit3A_2340 = arith.constant 4 : i32
      %broadcast_in_dim3A_2341 = vector.broadcast %jit3A_2340 : i32 to vector<16xi32>
      %select_n3A_2342 = arith.select %eq3A_2339, %broadcast_in_dim3A_2341, %select_n3A_2338 : vector<16xi1>, vector<16xi32>
      %eq3A_2343 = arith.cmpf oeq, %get3A_2297, %max3A_2324 : vector<16xf32>
      %jit3A_2344 = arith.constant 3 : i32
      %broadcast_in_dim3A_2345 = vector.broadcast %jit3A_2344 : i32 to vector<16xi32>
      %select_n3A_2346 = arith.select %eq3A_2343, %broadcast_in_dim3A_2345, %select_n3A_2342 : vector<16xi1>, vector<16xi32>
      %eq3A_2347 = arith.cmpf oeq, %get3A_2292, %max3A_2324 : vector<16xf32>
      %jit3A_2348 = arith.constant 2 : i32
      %broadcast_in_dim3A_2349 = vector.broadcast %jit3A_2348 : i32 to vector<16xi32>
      %select_n3A_2350 = arith.select %eq3A_2347, %broadcast_in_dim3A_2349, %select_n3A_2346 : vector<16xi1>, vector<16xi32>
      %eq3A_2351 = arith.cmpf oeq, %get3A_2287, %max3A_2324 : vector<16xf32>
      %jit3A_2352 = arith.constant 1 : i32
      %broadcast_in_dim3A_2353 = vector.broadcast %jit3A_2352 : i32 to vector<16xi32>
      %select_n3A_2354 = arith.select %eq3A_2351, %broadcast_in_dim3A_2353, %select_n3A_2350 : vector<16xi1>, vector<16xi32>
      %eq3A_2355 = arith.cmpf oeq, %get3A_2282, %max3A_2324 : vector<16xf32>
      %jit3A_2356 = arith.constant 0 : i32
      %broadcast_in_dim3A_2357 = vector.broadcast %jit3A_2356 : i32 to vector<16xi32>
      %select_n3A_2358 = arith.select %eq3A_2355, %broadcast_in_dim3A_2357, %select_n3A_2354 : vector<16xi1>, vector<16xi32>
      %broadcast_in_dim3A_2359 = arith.constant 0xFF800000 : f32
      %broadcast_in_dim3A_2360 = vector.broadcast %broadcast_in_dim3A_2359 : f32 to vector<16xf32>
      %eq3A_2361 = arith.constant 0 : i32
      %eq3A_2362 = vector.broadcast %eq3A_2361 : i32 to vector<16xi32>
      %eq3A_2363 = arith.cmpi eq, %select_n3A_2358, %eq3A_2362 : vector<16xi32>
      %max3A_2364 = arith.maximumf %broadcast_in_dim3A_2360, %get3A_2282 : vector<16xf32>
      %select_n3A_2365 = arith.select %eq3A_2363, %broadcast_in_dim3A_2360, %max3A_2364 : vector<16xi1>, vector<16xf32>
      %eq3A_2366 = arith.constant 1 : i32
      %eq3A_2367 = vector.broadcast %eq3A_2366 : i32 to vector<16xi32>
      %eq3A_2368 = arith.cmpi eq, %select_n3A_2358, %eq3A_2367 : vector<16xi32>
      %max3A_2369 = arith.maximumf %select_n3A_2365, %get3A_2287 : vector<16xf32>
      %select_n3A_2370 = arith.select %eq3A_2368, %select_n3A_2365, %max3A_2369 : vector<16xi1>, vector<16xf32>
      %eq3A_2371 = arith.constant 2 : i32
      %eq3A_2372 = vector.broadcast %eq3A_2371 : i32 to vector<16xi32>
      %eq3A_2373 = arith.cmpi eq, %select_n3A_2358, %eq3A_2372 : vector<16xi32>
      %max3A_2374 = arith.maximumf %select_n3A_2370, %get3A_2292 : vector<16xf32>
      %select_n3A_2375 = arith.select %eq3A_2373, %select_n3A_2370, %max3A_2374 : vector<16xi1>, vector<16xf32>
      %eq3A_2376 = arith.constant 3 : i32
      %eq3A_2377 = vector.broadcast %eq3A_2376 : i32 to vector<16xi32>
      %eq3A_2378 = arith.cmpi eq, %select_n3A_2358, %eq3A_2377 : vector<16xi32>
      %max3A_2379 = arith.maximumf %select_n3A_2375, %get3A_2297 : vector<16xf32>
      %select_n3A_2380 = arith.select %eq3A_2378, %select_n3A_2375, %max3A_2379 : vector<16xi1>, vector<16xf32>
      %eq3A_2381 = arith.constant 4 : i32
      %eq3A_2382 = vector.broadcast %eq3A_2381 : i32 to vector<16xi32>
      %eq3A_2383 = arith.cmpi eq, %select_n3A_2358, %eq3A_2382 : vector<16xi32>
      %max3A_2384 = arith.maximumf %select_n3A_2380, %get3A_2302 : vector<16xf32>
      %select_n3A_2385 = arith.select %eq3A_2383, %select_n3A_2380, %max3A_2384 : vector<16xi1>, vector<16xf32>
      %eq3A_2386 = arith.constant 5 : i32
      %eq3A_2387 = vector.broadcast %eq3A_2386 : i32 to vector<16xi32>
      %eq3A_2388 = arith.cmpi eq, %select_n3A_2358, %eq3A_2387 : vector<16xi32>
      %max3A_2389 = arith.maximumf %select_n3A_2385, %get3A_2307 : vector<16xf32>
      %select_n3A_2390 = arith.select %eq3A_2388, %select_n3A_2385, %max3A_2389 : vector<16xi1>, vector<16xf32>
      %eq3A_2391 = arith.constant 6 : i32
      %eq3A_2392 = vector.broadcast %eq3A_2391 : i32 to vector<16xi32>
      %eq3A_2393 = arith.cmpi eq, %select_n3A_2358, %eq3A_2392 : vector<16xi32>
      %max3A_2394 = arith.maximumf %select_n3A_2390, %get3A_2312 : vector<16xf32>
      %select_n3A_2395 = arith.select %eq3A_2393, %select_n3A_2390, %max3A_2394 : vector<16xi1>, vector<16xf32>
      %eq3A_2396 = arith.constant 7 : i32
      %eq3A_2397 = vector.broadcast %eq3A_2396 : i32 to vector<16xi32>
      %eq3A_2398 = arith.cmpi eq, %select_n3A_2358, %eq3A_2397 : vector<16xi32>
      %max3A_2399 = arith.maximumf %select_n3A_2395, %get3A_2317 : vector<16xf32>
      %select_n3A_2400 = arith.select %eq3A_2398, %select_n3A_2395, %max3A_2399 : vector<16xi1>, vector<16xf32>
      %broadcast_in_dim3A_2401 = arith.constant 8 : i32
      %broadcast_in_dim3A_2402 = vector.broadcast %broadcast_in_dim3A_2401 : i32 to vector<16xi32>
      %eq3A_2403 = arith.cmpf oeq, %get3A_2317, %select_n3A_2400 : vector<16xf32>
      %ne3A_2404 = arith.constant 7 : i32
      %ne3A_2405 = vector.broadcast %ne3A_2404 : i32 to vector<16xi32>
      %ne3A_2406 = arith.cmpi ne, %select_n3A_2358, %ne3A_2405 : vector<16xi32>
      %and3A_2407 = arith.andi %eq3A_2403, %ne3A_2406 : vector<16xi1>
      %jit3A_2408 = arith.constant 7 : i32
      %broadcast_in_dim3A_2409 = vector.broadcast %jit3A_2408 : i32 to vector<16xi32>
      %select_n3A_2410 = arith.select %and3A_2407, %broadcast_in_dim3A_2409, %broadcast_in_dim3A_2402 : vector<16xi1>, vector<16xi32>
      %eq3A_2411 = arith.cmpf oeq, %get3A_2312, %select_n3A_2400 : vector<16xf32>
      %ne3A_2412 = arith.constant 6 : i32
      %ne3A_2413 = vector.broadcast %ne3A_2412 : i32 to vector<16xi32>
      %ne3A_2414 = arith.cmpi ne, %select_n3A_2358, %ne3A_2413 : vector<16xi32>
      %and3A_2415 = arith.andi %eq3A_2411, %ne3A_2414 : vector<16xi1>
      %jit3A_2416 = arith.constant 6 : i32
      %broadcast_in_dim3A_2417 = vector.broadcast %jit3A_2416 : i32 to vector<16xi32>
      %select_n3A_2418 = arith.select %and3A_2415, %broadcast_in_dim3A_2417, %select_n3A_2410 : vector<16xi1>, vector<16xi32>
      %eq3A_2419 = arith.cmpf oeq, %get3A_2307, %select_n3A_2400 : vector<16xf32>
      %ne3A_2420 = arith.constant 5 : i32
      %ne3A_2421 = vector.broadcast %ne3A_2420 : i32 to vector<16xi32>
      %ne3A_2422 = arith.cmpi ne, %select_n3A_2358, %ne3A_2421 : vector<16xi32>
      %and3A_2423 = arith.andi %eq3A_2419, %ne3A_2422 : vector<16xi1>
      %jit3A_2424 = arith.constant 5 : i32
      %broadcast_in_dim3A_2425 = vector.broadcast %jit3A_2424 : i32 to vector<16xi32>
      %select_n3A_2426 = arith.select %and3A_2423, %broadcast_in_dim3A_2425, %select_n3A_2418 : vector<16xi1>, vector<16xi32>
      %eq3A_2427 = arith.cmpf oeq, %get3A_2302, %select_n3A_2400 : vector<16xf32>
      %ne3A_2428 = arith.constant 4 : i32
      %ne3A_2429 = vector.broadcast %ne3A_2428 : i32 to vector<16xi32>
      %ne3A_2430 = arith.cmpi ne, %select_n3A_2358, %ne3A_2429 : vector<16xi32>
      %and3A_2431 = arith.andi %eq3A_2427, %ne3A_2430 : vector<16xi1>
      %jit3A_2432 = arith.constant 4 : i32
      %broadcast_in_dim3A_2433 = vector.broadcast %jit3A_2432 : i32 to vector<16xi32>
      %select_n3A_2434 = arith.select %and3A_2431, %broadcast_in_dim3A_2433, %select_n3A_2426 : vector<16xi1>, vector<16xi32>
      %eq3A_2435 = arith.cmpf oeq, %get3A_2297, %select_n3A_2400 : vector<16xf32>
      %ne3A_2436 = arith.constant 3 : i32
      %ne3A_2437 = vector.broadcast %ne3A_2436 : i32 to vector<16xi32>
      %ne3A_2438 = arith.cmpi ne, %select_n3A_2358, %ne3A_2437 : vector<16xi32>
      %and3A_2439 = arith.andi %eq3A_2435, %ne3A_2438 : vector<16xi1>
      %jit3A_2440 = arith.constant 3 : i32
      %broadcast_in_dim3A_2441 = vector.broadcast %jit3A_2440 : i32 to vector<16xi32>
      %select_n3A_2442 = arith.select %and3A_2439, %broadcast_in_dim3A_2441, %select_n3A_2434 : vector<16xi1>, vector<16xi32>
      %eq3A_2443 = arith.cmpf oeq, %get3A_2292, %select_n3A_2400 : vector<16xf32>
      %ne3A_2444 = arith.constant 2 : i32
      %ne3A_2445 = vector.broadcast %ne3A_2444 : i32 to vector<16xi32>
      %ne3A_2446 = arith.cmpi ne, %select_n3A_2358, %ne3A_2445 : vector<16xi32>
      %and3A_2447 = arith.andi %eq3A_2443, %ne3A_2446 : vector<16xi1>
      %jit3A_2448 = arith.constant 2 : i32
      %broadcast_in_dim3A_2449 = vector.broadcast %jit3A_2448 : i32 to vector<16xi32>
      %select_n3A_2450 = arith.select %and3A_2447, %broadcast_in_dim3A_2449, %select_n3A_2442 : vector<16xi1>, vector<16xi32>
      %eq3A_2451 = arith.cmpf oeq, %get3A_2287, %select_n3A_2400 : vector<16xf32>
      %ne3A_2452 = arith.constant 1 : i32
      %ne3A_2453 = vector.broadcast %ne3A_2452 : i32 to vector<16xi32>
      %ne3A_2454 = arith.cmpi ne, %select_n3A_2358, %ne3A_2453 : vector<16xi32>
      %and3A_2455 = arith.andi %eq3A_2451, %ne3A_2454 : vector<16xi1>
      %jit3A_2456 = arith.constant 1 : i32
      %broadcast_in_dim3A_2457 = vector.broadcast %jit3A_2456 : i32 to vector<16xi32>
      %select_n3A_2458 = arith.select %and3A_2455, %broadcast_in_dim3A_2457, %select_n3A_2450 : vector<16xi1>, vector<16xi32>
      %eq3A_2459 = arith.cmpf oeq, %get3A_2282, %select_n3A_2400 : vector<16xf32>
      %ne3A_2460 = arith.constant 0 : i32
      %ne3A_2461 = vector.broadcast %ne3A_2460 : i32 to vector<16xi32>
      %ne3A_2462 = arith.cmpi ne, %select_n3A_2358, %ne3A_2461 : vector<16xi32>
      %and3A_2463 = arith.andi %eq3A_2459, %ne3A_2462 : vector<16xi1>
      %jit3A_2464 = arith.constant 0 : i32
      %broadcast_in_dim3A_2465 = vector.broadcast %jit3A_2464 : i32 to vector<16xi32>
      %select_n3A_2466 = arith.select %and3A_2463, %broadcast_in_dim3A_2465, %select_n3A_2458 : vector<16xi1>, vector<16xi32>
      %sub3A_2467 = arith.subf %select_n3A_2400, %max3A_2324 : vector<16xf32>
      %exp3A_2468 = math.exp %sub3A_2467 : vector<16xf32>
      %add3A_2469 = arith.constant 1.000000e+00 : f32
      %add3A_2470 = vector.broadcast %add3A_2469 : f32 to vector<16xf32>
      %add3A_2471 = arith.addf %add3A_2470, %exp3A_2468 : vector<16xf32>
      %div3A_2472 = arith.constant 1.000000e+00 : f32
      %div3A_2473 = vector.broadcast %div3A_2472 : f32 to vector<16xf32>
      %div3A_2474 = arith.divf %div3A_2473, %add3A_2471 : vector<16xf32>
      %mul3A_2475 = arith.mulf %exp3A_2468, %div3A_2474 : vector<16xf32>
      %eq3A_2476 = arith.constant 0 : i32
      %eq3A_2477 = vector.broadcast %eq3A_2476 : i32 to vector<16xi32>
      %eq3A_2478 = arith.cmpi eq, %select_n3A_2358, %eq3A_2477 : vector<16xi32>
      %eq3A_2479 = arith.constant 0 : i32
      %eq3A_2480 = vector.broadcast %eq3A_2479 : i32 to vector<16xi32>
      %eq3A_2481 = arith.cmpi eq, %select_n3A_2466, %eq3A_2480 : vector<16xi32>
      %jit3A_2482 = arith.constant 0.000000e+00 : f32
      %broadcast_in_dim3A_2483 = vector.broadcast %jit3A_2482 : f32 to vector<16xf32>
      %select_n3A_2484 = arith.select %eq3A_2481, %mul3A_2475, %broadcast_in_dim3A_2483 : vector<16xi1>, vector<16xf32>
      %select_n3A_2485 = arith.select %eq3A_2478, %div3A_2474, %select_n3A_2484 : vector<16xi1>, vector<16xf32>
      %swap3A_2486 = arith.constant 8 : i32
      %swap3A_2487 = arith.index_cast %swap3A_2486 : i32 to index
      %swap3A_2488 = arith.constant 48 : index
      %swap3A_2489 = tpu.vector_load %arg5[%swap3A_2487, %swap3A_2488] {strides = array<i32>} : memref<16x128xf32, #tpu.memory_space<vmem>>, vector<1x16xf32>,
      %swap3A_2490 = vector.shape_cast %swap3A_2489 : vector<1x16xf32> to vector<16xf32>
      %swap3A_2491 = vector.shape_cast %select_n3A_2485 : vector<16xf32> to vector<1x16xf32>
      tpu.vector_store %arg5[%swap3A_2487, %swap3A_2488], %swap3A_2491 {strides = array<i32>} : memref<16x128xf32, #tpu.memory_space<vmem>>, vector<1x16xf32>,
      %eq3A_2492 = arith.constant 1 : i32
      %eq3A_2493 = vector.broadcast %eq3A_2492 : i32 to vector<16xi32>
      %eq3A_2494 = arith.cmpi eq, %select_n3A_2358, %eq3A_2493 : vector<16xi32>
      %eq3A_2495 = arith.constant 1 : i32
      %eq3A_2496 = vector.broadcast %eq3A_2495 : i32 to vector<16xi32>
      %eq3A_2497 = arith.cmpi eq, %select_n3A_2466, %eq3A_2496 : vector<16xi32>
      %jit3A_2498 = arith.constant 0.000000e+00 : f32
      %broadcast_in_dim3A_2499 = vector.broadcast %jit3A_2498 : f32 to vector<16xf32>
      %select_n3A_2500 = arith.select %eq3A_2497, %mul3A_2475, %broadcast_in_dim3A_2499 : vector<16xi1>, vector<16xf32>
      %select_n3A_2501 = arith.select %eq3A_2494, %div3A_2474, %select_n3A_2500 : vector<16xi1>, vector<16xf32>
      %swap3A_2502 = arith.constant 9 : i32
      %swap3A_2503 = arith.index_cast %swap3A_2502 : i32 to index
      %swap3A_2504 = arith.constant 48 : index
      %swap3A_2505 = tpu.vector_load %arg5[%swap3A_2503, %swap3A_2504] {strides = array<i32>} : memref<16x128xf32, #tpu.memory_space<vmem>>, vector<1x16xf32>,
      %swap3A_2506 = vector.shape_cast %swap3A_2505 : vector<1x16xf32> to vector<16xf32>
      %swap3A_2507 = vector.shape_cast %select_n3A_2501 : vector<16xf32> to vector<1x16xf32>
      tpu.vector_store %arg5[%swap3A_2503, %swap3A_2504], %swap3A_2507 {strides = array<i32>} : memref<16x128xf32, #tpu.memory_space<vmem>>, vector<1x16xf32>,
      %eq3A_2508 = arith.constant 2 : i32
      %eq3A_2509 = vector.broadcast %eq3A_2508 : i32 to vector<16xi32>
      %eq3A_2510 = arith.cmpi eq, %select_n3A_2358, %eq3A_2509 : vector<16xi32>
      %eq3A_2511 = arith.constant 2 : i32
      %eq3A_2512 = vector.broadcast %eq3A_2511 : i32 to vector<16xi32>
      %eq3A_2513 = arith.cmpi eq, %select_n3A_2466, %eq3A_2512 : vector<16xi32>
      %jit3A_2514 = arith.constant 0.000000e+00 : f32
      %broadcast_in_dim3A_2515 = vector.broadcast %jit3A_2514 : f32 to vector<16xf32>
      %select_n3A_2516 = arith.select %eq3A_2513, %mul3A_2475, %broadcast_in_dim3A_2515 : vector<16xi1>, vector<16xf32>
      %select_n3A_2517 = arith.select %eq3A_2510, %div3A_2474, %select_n3A_2516 : vector<16xi1>, vector<16xf32>
      %swap3A_2518 = arith.constant 10 : i32
      %swap3A_2519 = arith.index_cast %swap3A_2518 : i32 to index
      %swap3A_2520 = arith.constant 48 : index
      %swap3A_2521 = tpu.vector_load %arg5[%swap3A_2519, %swap3A_2520] {strides = array<i32>} : memref<16x128xf32, #tpu.memory_space<vmem>>, vector<1x16xf32>,
      %swap3A_2522 = vector.shape_cast %swap3A_2521 : vector<1x16xf32> to vector<16xf32>
      %swap3A_2523 = vector.shape_cast %select_n3A_2517 : vector<16xf32> to vector<1x16xf32>
      tpu.vector_store %arg5[%swap3A_2519, %swap3A_2520], %swap3A_2523 {strides = array<i32>} : memref<16x128xf32, #tpu.memory_space<vmem>>, vector<1x16xf32>,
      %eq3A_2524 = arith.constant 3 : i32
      %eq3A_2525 = vector.broadcast %eq3A_2524 : i32 to vector<16xi32>
      %eq3A_2526 = arith.cmpi eq, %select_n3A_2358, %eq3A_2525 : vector<16xi32>
      %eq3A_2527 = arith.constant 3 : i32
      %eq3A_2528 = vector.broadcast %eq3A_2527 : i32 to vector<16xi32>
      %eq3A_2529 = arith.cmpi eq, %select_n3A_2466, %eq3A_2528 : vector<16xi32>
      %jit3A_2530 = arith.constant 0.000000e+00 : f32
      %broadcast_in_dim3A_2531 = vector.broadcast %jit3A_2530 : f32 to vector<16xf32>
      %select_n3A_2532 = arith.select %eq3A_2529, %mul3A_2475, %broadcast_in_dim3A_2531 : vector<16xi1>, vector<16xf32>
      %select_n3A_2533 = arith.select %eq3A_2526, %div3A_2474, %select_n3A_2532 : vector<16xi1>, vector<16xf32>
      %swap3A_2534 = arith.constant 11 : i32
      %swap3A_2535 = arith.index_cast %swap3A_2534 : i32 to index
      %swap3A_2536 = arith.constant 48 : index
      %swap3A_2537 = tpu.vector_load %arg5[%swap3A_2535, %swap3A_2536] {strides = array<i32>} : memref<16x128xf32, #tpu.memory_space<vmem>>, vector<1x16xf32>,
      %swap3A_2538 = vector.shape_cast %swap3A_2537 : vector<1x16xf32> to vector<16xf32>
      %swap3A_2539 = vector.shape_cast %select_n3A_2533 : vector<16xf32> to vector<1x16xf32>
      tpu.vector_store %arg5[%swap3A_2535, %swap3A_2536], %swap3A_2539 {strides = array<i32>} : memref<16x128xf32, #tpu.memory_space<vmem>>, vector<1x16xf32>,
      %eq3A_2540 = arith.constant 4 : i32
      %eq3A_2541 = vector.broadcast %eq3A_2540 : i32 to vector<16xi32>
      %eq3A_2542 = arith.cmpi eq, %select_n3A_2358, %eq3A_2541 : vector<16xi32>
      %eq3A_2543 = arith.constant 4 : i32
      %eq3A_2544 = vector.broadcast %eq3A_2543 : i32 to vector<16xi32>
      %eq3A_2545 = arith.cmpi eq, %select_n3A_2466, %eq3A_2544 : vector<16xi32>
      %jit3A_2546 = arith.constant 0.000000e+00 : f32
      %broadcast_in_dim3A_2547 = vector.broadcast %jit3A_2546 : f32 to vector<16xf32>
      %select_n3A_2548 = arith.select %eq3A_2545, %mul3A_2475, %broadcast_in_dim3A_2547 : vector<16xi1>, vector<16xf32>
      %select_n3A_2549 = arith.select %eq3A_2542, %div3A_2474, %select_n3A_2548 : vector<16xi1>, vector<16xf32>
      %swap3A_2550 = arith.constant 12 : i32
      %swap3A_2551 = arith.index_cast %swap3A_2550 : i32 to index
      %swap3A_2552 = arith.constant 48 : index
      %swap3A_2553 = tpu.vector_load %arg5[%swap3A_2551, %swap3A_2552] {strides = array<i32>} : memref<16x128xf32, #tpu.memory_space<vmem>>, vector<1x16xf32>,
      %swap3A_2554 = vector.shape_cast %swap3A_2553 : vector<1x16xf32> to vector<16xf32>
      %swap3A_2555 = vector.shape_cast %select_n3A_2549 : vector<16xf32> to vector<1x16xf32>
      tpu.vector_store %arg5[%swap3A_2551, %swap3A_2552], %swap3A_2555 {strides = array<i32>} : memref<16x128xf32, #tpu.memory_space<vmem>>, vector<1x16xf32>,
      %eq3A_2556 = arith.constant 5 : i32
      %eq3A_2557 = vector.broadcast %eq3A_2556 : i32 to vector<16xi32>
      %eq3A_2558 = arith.cmpi eq, %select_n3A_2358, %eq3A_2557 : vector<16xi32>
      %eq3A_2559 = arith.constant 5 : i32
      %eq3A_2560 = vector.broadcast %eq3A_2559 : i32 to vector<16xi32>
      %eq3A_2561 = arith.cmpi eq, %select_n3A_2466, %eq3A_2560 : vector<16xi32>
      %jit3A_2562 = arith.constant 0.000000e+00 : f32
      %broadcast_in_dim3A_2563 = vector.broadcast %jit3A_2562 : f32 to vector<16xf32>
      %select_n3A_2564 = arith.select %eq3A_2561, %mul3A_2475, %broadcast_in_dim3A_2563 : vector<16xi1>, vector<16xf32>
      %select_n3A_2565 = arith.select %eq3A_2558, %div3A_2474, %select_n3A_2564 : vector<16xi1>, vector<16xf32>
      %swap3A_2566 = arith.constant 13 : i32
      %swap3A_2567 = arith.index_cast %swap3A_2566 : i32 to index
      %swap3A_2568 = arith.constant 48 : index
      %swap3A_2569 = tpu.vector_load %arg5[%swap3A_2567, %swap3A_2568] {strides = array<i32>} : memref<16x128xf32, #tpu.memory_space<vmem>>, vector<1x16xf32>,
      %swap3A_2570 = vector.shape_cast %swap3A_2569 : vector<1x16xf32> to vector<16xf32>
      %swap3A_2571 = vector.shape_cast %select_n3A_2565 : vector<16xf32> to vector<1x16xf32>
      tpu.vector_store %arg5[%swap3A_2567, %swap3A_2568], %swap3A_2571 {strides = array<i32>} : memref<16x128xf32, #tpu.memory_space<vmem>>, vector<1x16xf32>,
      %eq3A_2572 = arith.constant 6 : i32
      %eq3A_2573 = vector.broadcast %eq3A_2572 : i32 to vector<16xi32>
      %eq3A_2574 = arith.cmpi eq, %select_n3A_2358, %eq3A_2573 : vector<16xi32>
      %eq3A_2575 = arith.constant 6 : i32
      %eq3A_2576 = vector.broadcast %eq3A_2575 : i32 to vector<16xi32>
      %eq3A_2577 = arith.cmpi eq, %select_n3A_2466, %eq3A_2576 : vector<16xi32>
      %jit3A_2578 = arith.constant 0.000000e+00 : f32
      %broadcast_in_dim3A_2579 = vector.broadcast %jit3A_2578 : f32 to vector<16xf32>
      %select_n3A_2580 = arith.select %eq3A_2577, %mul3A_2475, %broadcast_in_dim3A_2579 : vector<16xi1>, vector<16xf32>
      %select_n3A_2581 = arith.select %eq3A_2574, %div3A_2474, %select_n3A_2580 : vector<16xi1>, vector<16xf32>
      %swap3A_2582 = arith.constant 14 : i32
      %swap3A_2583 = arith.index_cast %swap3A_2582 : i32 to index
      %swap3A_2584 = arith.constant 48 : index
      %swap3A_2585 = tpu.vector_load %arg5[%swap3A_2583, %swap3A_2584] {strides = array<i32>} : memref<16x128xf32, #tpu.memory_space<vmem>>, vector<1x16xf32>,
      %swap3A_2586 = vector.shape_cast %swap3A_2585 : vector<1x16xf32> to vector<16xf32>
      %swap3A_2587 = vector.shape_cast %select_n3A_2581 : vector<16xf32> to vector<1x16xf32>
      tpu.vector_store %arg5[%swap3A_2583, %swap3A_2584], %swap3A_2587 {strides = array<i32>} : memref<16x128xf32, #tpu.memory_space<vmem>>, vector<1x16xf32>,
      %eq3A_2588 = arith.constant 7 : i32
      %eq3A_2589 = vector.broadcast %eq3A_2588 : i32 to vector<16xi32>
      %eq3A_2590 = arith.cmpi eq, %select_n3A_2358, %eq3A_2589 : vector<16xi32>
      %eq3A_2591 = arith.constant 7 : i32
      %eq3A_2592 = vector.broadcast %eq3A_2591 : i32 to vector<16xi32>
      %eq3A_2593 = arith.cmpi eq, %select_n3A_2466, %eq3A_2592 : vector<16xi32>
      %jit3A_2594 = arith.constant 0.000000e+00 : f32
      %broadcast_in_dim3A_2595 = vector.broadcast %jit3A_2594 : f32 to vector<16xf32>
      %select_n3A_2596 = arith.select %eq3A_2593, %mul3A_2475, %broadcast_in_dim3A_2595 : vector<16xi1>, vector<16xf32>
      %select_n3A_2597 = arith.select %eq3A_2590, %div3A_2474, %select_n3A_2596 : vector<16xi1>, vector<16xf32>
      %swap3A_2598 = arith.constant 15 : i32
      %swap3A_2599 = arith.index_cast %swap3A_2598 : i32 to index
      %swap3A_2600 = arith.constant 48 : index
      %swap3A_2601 = tpu.vector_load %arg5[%swap3A_2599, %swap3A_2600] {strides = array<i32>} : memref<16x128xf32, #tpu.memory_space<vmem>>, vector<1x16xf32>,
      %swap3A_2602 = vector.shape_cast %swap3A_2601 : vector<1x16xf32> to vector<16xf32>
      %swap3A_2603 = vector.shape_cast %select_n3A_2597 : vector<16xf32> to vector<1x16xf32>
      tpu.vector_store %arg5[%swap3A_2599, %swap3A_2600], %swap3A_2603 {strides = array<i32>} : memref<16x128xf32, #tpu.memory_space<vmem>>, vector<1x16xf32>,
      %get3A_2604 = arith.constant 0 : i32
      %get3A_2605 = arith.index_cast %get3A_2604 : i32 to index
      %get3A_2606 = arith.constant 64 : index
      %get3A_2607 = tpu.vector_load %arg4[%get3A_2605, %get3A_2606] {strides = array<i32>} : memref<16x128xf32, #tpu.memory_space<vmem>>, vector<1x16xf32>,
      %get3A_2608 = vector.shape_cast %get3A_2607 : vector<1x16xf32> to vector<16xf32>
      %get3A_2609 = arith.constant 1 : i32
      %get3A_2610 = arith.index_cast %get3A_2609 : i32 to index
      %get3A_2611 = arith.constant 64 : index
      %get3A_2612 = tpu.vector_load %arg4[%get3A_2610, %get3A_2611] {strides = array<i32>} : memref<16x128xf32, #tpu.memory_space<vmem>>, vector<1x16xf32>,
      %get3A_2613 = vector.shape_cast %get3A_2612 : vector<1x16xf32> to vector<16xf32>
      %get3A_2614 = arith.constant 2 : i32
      %get3A_2615 = arith.index_cast %get3A_2614 : i32 to index
      %get3A_2616 = arith.constant 64 : index
      %get3A_2617 = tpu.vector_load %arg4[%get3A_2615, %get3A_2616] {strides = array<i32>} : memref<16x128xf32, #tpu.memory_space<vmem>>, vector<1x16xf32>,
      %get3A_2618 = vector.shape_cast %get3A_2617 : vector<1x16xf32> to vector<16xf32>
      %get3A_2619 = arith.constant 3 : i32
      %get3A_2620 = arith.index_cast %get3A_2619 : i32 to index
      %get3A_2621 = arith.constant 64 : index
      %get3A_2622 = tpu.vector_load %arg4[%get3A_2620, %get3A_2621] {strides = array<i32>} : memref<16x128xf32, #tpu.memory_space<vmem>>, vector<1x16xf32>,
      %get3A_2623 = vector.shape_cast %get3A_2622 : vector<1x16xf32> to vector<16xf32>
      %get3A_2624 = arith.constant 4 : i32
      %get3A_2625 = arith.index_cast %get3A_2624 : i32 to index
      %get3A_2626 = arith.constant 64 : index
      %get3A_2627 = tpu.vector_load %arg4[%get3A_2625, %get3A_2626] {strides = array<i32>} : memref<16x128xf32, #tpu.memory_space<vmem>>, vector<1x16xf32>,
      %get3A_2628 = vector.shape_cast %get3A_2627 : vector<1x16xf32> to vector<16xf32>
      %get3A_2629 = arith.constant 5 : i32
      %get3A_2630 = arith.index_cast %get3A_2629 : i32 to index
      %get3A_2631 = arith.constant 64 : index
      %get3A_2632 = tpu.vector_load %arg4[%get3A_2630, %get3A_2631] {strides = array<i32>} : memref<16x128xf32, #tpu.memory_space<vmem>>, vector<1x16xf32>,
      %get3A_2633 = vector.shape_cast %get3A_2632 : vector<1x16xf32> to vector<16xf32>
      %get3A_2634 = arith.constant 6 : i32
      %get3A_2635 = arith.index_cast %get3A_2634 : i32 to index
      %get3A_2636 = arith.constant 64 : index
      %get3A_2637 = tpu.vector_load %arg4[%get3A_2635, %get3A_2636] {strides = array<i32>} : memref<16x128xf32, #tpu.memory_space<vmem>>, vector<1x16xf32>,
      %get3A_2638 = vector.shape_cast %get3A_2637 : vector<1x16xf32> to vector<16xf32>
      %get3A_2639 = arith.constant 7 : i32
      %get3A_2640 = arith.index_cast %get3A_2639 : i32 to index
      %get3A_2641 = arith.constant 64 : index
      %get3A_2642 = tpu.vector_load %arg4[%get3A_2640, %get3A_2641] {strides = array<i32>} : memref<16x128xf32, #tpu.memory_space<vmem>>, vector<1x16xf32>,
      %get3A_2643 = vector.shape_cast %get3A_2642 : vector<1x16xf32> to vector<16xf32>
      %max3A_2644 = arith.maximumf %get3A_2608, %get3A_2613 : vector<16xf32>
      %max3A_2645 = arith.maximumf %max3A_2644, %get3A_2618 : vector<16xf32>
      %max3A_2646 = arith.maximumf %max3A_2645, %get3A_2623 : vector<16xf32>
      %max3A_2647 = arith.maximumf %max3A_2646, %get3A_2628 : vector<16xf32>
      %max3A_2648 = arith.maximumf %max3A_2647, %get3A_2633 : vector<16xf32>
      %max3A_2649 = arith.maximumf %max3A_2648, %get3A_2638 : vector<16xf32>
      %max3A_2650 = arith.maximumf %max3A_2649, %get3A_2643 : vector<16xf32>
      %broadcast_in_dim3A_2651 = arith.constant 8 : i32
      %broadcast_in_dim3A_2652 = vector.broadcast %broadcast_in_dim3A_2651 : i32 to vector<16xi32>
      %eq3A_2653 = arith.cmpf oeq, %get3A_2643, %max3A_2650 : vector<16xf32>
      %jit3A_2654 = arith.constant 7 : i32
      %broadcast_in_dim3A_2655 = vector.broadcast %jit3A_2654 : i32 to vector<16xi32>
      %select_n3A_2656 = arith.select %eq3A_2653, %broadcast_in_dim3A_2655, %broadcast_in_dim3A_2652 : vector<16xi1>, vector<16xi32>
      %eq3A_2657 = arith.cmpf oeq, %get3A_2638, %max3A_2650 : vector<16xf32>
      %jit3A_2658 = arith.constant 6 : i32
      %broadcast_in_dim3A_2659 = vector.broadcast %jit3A_2658 : i32 to vector<16xi32>
      %select_n3A_2660 = arith.select %eq3A_2657, %broadcast_in_dim3A_2659, %select_n3A_2656 : vector<16xi1>, vector<16xi32>
      %eq3A_2661 = arith.cmpf oeq, %get3A_2633, %max3A_2650 : vector<16xf32>
      %jit3A_2662 = arith.constant 5 : i32
      %broadcast_in_dim3A_2663 = vector.broadcast %jit3A_2662 : i32 to vector<16xi32>
      %select_n3A_2664 = arith.select %eq3A_2661, %broadcast_in_dim3A_2663, %select_n3A_2660 : vector<16xi1>, vector<16xi32>
      %eq3A_2665 = arith.cmpf oeq, %get3A_2628, %max3A_2650 : vector<16xf32>
      %jit3A_2666 = arith.constant 4 : i32
      %broadcast_in_dim3A_2667 = vector.broadcast %jit3A_2666 : i32 to vector<16xi32>
      %select_n3A_2668 = arith.select %eq3A_2665, %broadcast_in_dim3A_2667, %select_n3A_2664 : vector<16xi1>, vector<16xi32>
      %eq3A_2669 = arith.cmpf oeq, %get3A_2623, %max3A_2650 : vector<16xf32>
      %jit3A_2670 = arith.constant 3 : i32
      %broadcast_in_dim3A_2671 = vector.broadcast %jit3A_2670 : i32 to vector<16xi32>
      %select_n3A_2672 = arith.select %eq3A_2669, %broadcast_in_dim3A_2671, %select_n3A_2668 : vector<16xi1>, vector<16xi32>
      %eq3A_2673 = arith.cmpf oeq, %get3A_2618, %max3A_2650 : vector<16xf32>
      %jit3A_2674 = arith.constant 2 : i32
      %broadcast_in_dim3A_2675 = vector.broadcast %jit3A_2674 : i32 to vector<16xi32>
      %select_n3A_2676 = arith.select %eq3A_2673, %broadcast_in_dim3A_2675, %select_n3A_2672 : vector<16xi1>, vector<16xi32>
      %eq3A_2677 = arith.cmpf oeq, %get3A_2613, %max3A_2650 : vector<16xf32>
      %jit3A_2678 = arith.constant 1 : i32
      %broadcast_in_dim3A_2679 = vector.broadcast %jit3A_2678 : i32 to vector<16xi32>
      %select_n3A_2680 = arith.select %eq3A_2677, %broadcast_in_dim3A_2679, %select_n3A_2676 : vector<16xi1>, vector<16xi32>
      %eq3A_2681 = arith.cmpf oeq, %get3A_2608, %max3A_2650 : vector<16xf32>
      %jit3A_2682 = arith.constant 0 : i32
      %broadcast_in_dim3A_2683 = vector.broadcast %jit3A_2682 : i32 to vector<16xi32>
      %select_n3A_2684 = arith.select %eq3A_2681, %broadcast_in_dim3A_2683, %select_n3A_2680 : vector<16xi1>, vector<16xi32>
      %broadcast_in_dim3A_2685 = arith.constant 0xFF800000 : f32
      %broadcast_in_dim3A_2686 = vector.broadcast %broadcast_in_dim3A_2685 : f32 to vector<16xf32>
      %eq3A_2687 = arith.constant 0 : i32
      %eq3A_2688 = vector.broadcast %eq3A_2687 : i32 to vector<16xi32>
      %eq3A_2689 = arith.cmpi eq, %select_n3A_2684, %eq3A_2688 : vector<16xi32>
      %max3A_2690 = arith.maximumf %broadcast_in_dim3A_2686, %get3A_2608 : vector<16xf32>
      %select_n3A_2691 = arith.select %eq3A_2689, %broadcast_in_dim3A_2686, %max3A_2690 : vector<16xi1>, vector<16xf32>
      %eq3A_2692 = arith.constant 1 : i32
      %eq3A_2693 = vector.broadcast %eq3A_2692 : i32 to vector<16xi32>
      %eq3A_2694 = arith.cmpi eq, %select_n3A_2684, %eq3A_2693 : vector<16xi32>
      %max3A_2695 = arith.maximumf %select_n3A_2691, %get3A_2613 : vector<16xf32>
      %select_n3A_2696 = arith.select %eq3A_2694, %select_n3A_2691, %max3A_2695 : vector<16xi1>, vector<16xf32>
      %eq3A_2697 = arith.constant 2 : i32
      %eq3A_2698 = vector.broadcast %eq3A_2697 : i32 to vector<16xi32>
      %eq3A_2699 = arith.cmpi eq, %select_n3A_2684, %eq3A_2698 : vector<16xi32>
      %max3A_2700 = arith.maximumf %select_n3A_2696, %get3A_2618 : vector<16xf32>
      %select_n3A_2701 = arith.select %eq3A_2699, %select_n3A_2696, %max3A_2700 : vector<16xi1>, vector<16xf32>
      %eq3A_2702 = arith.constant 3 : i32
      %eq3A_2703 = vector.broadcast %eq3A_2702 : i32 to vector<16xi32>
      %eq3A_2704 = arith.cmpi eq, %select_n3A_2684, %eq3A_2703 : vector<16xi32>
      %max3A_2705 = arith.maximumf %select_n3A_2701, %get3A_2623 : vector<16xf32>
      %select_n3A_2706 = arith.select %eq3A_2704, %select_n3A_2701, %max3A_2705 : vector<16xi1>, vector<16xf32>
      %eq3A_2707 = arith.constant 4 : i32
      %eq3A_2708 = vector.broadcast %eq3A_2707 : i32 to vector<16xi32>
      %eq3A_2709 = arith.cmpi eq, %select_n3A_2684, %eq3A_2708 : vector<16xi32>
      %max3A_2710 = arith.maximumf %select_n3A_2706, %get3A_2628 : vector<16xf32>
      %select_n3A_2711 = arith.select %eq3A_2709, %select_n3A_2706, %max3A_2710 : vector<16xi1>, vector<16xf32>
      %eq3A_2712 = arith.constant 5 : i32
      %eq3A_2713 = vector.broadcast %eq3A_2712 : i32 to vector<16xi32>
      %eq3A_2714 = arith.cmpi eq, %select_n3A_2684, %eq3A_2713 : vector<16xi32>
      %max3A_2715 = arith.maximumf %select_n3A_2711, %get3A_2633 : vector<16xf32>
      %select_n3A_2716 = arith.select %eq3A_2714, %select_n3A_2711, %max3A_2715 : vector<16xi1>, vector<16xf32>
      %eq3A_2717 = arith.constant 6 : i32
      %eq3A_2718 = vector.broadcast %eq3A_2717 : i32 to vector<16xi32>
      %eq3A_2719 = arith.cmpi eq, %select_n3A_2684, %eq3A_2718 : vector<16xi32>
      %max3A_2720 = arith.maximumf %select_n3A_2716, %get3A_2638 : vector<16xf32>
      %select_n3A_2721 = arith.select %eq3A_2719, %select_n3A_2716, %max3A_2720 : vector<16xi1>, vector<16xf32>
      %eq3A_2722 = arith.constant 7 : i32
      %eq3A_2723 = vector.broadcast %eq3A_2722 : i32 to vector<16xi32>
      %eq3A_2724 = arith.cmpi eq, %select_n3A_2684, %eq3A_2723 : vector<16xi32>
      %max3A_2725 = arith.maximumf %select_n3A_2721, %get3A_2643 : vector<16xf32>
      %select_n3A_2726 = arith.select %eq3A_2724, %select_n3A_2721, %max3A_2725 : vector<16xi1>, vector<16xf32>
      %broadcast_in_dim3A_2727 = arith.constant 8 : i32
      %broadcast_in_dim3A_2728 = vector.broadcast %broadcast_in_dim3A_2727 : i32 to vector<16xi32>
      %eq3A_2729 = arith.cmpf oeq, %get3A_2643, %select_n3A_2726 : vector<16xf32>
      %ne3A_2730 = arith.constant 7 : i32
      %ne3A_2731 = vector.broadcast %ne3A_2730 : i32 to vector<16xi32>
      %ne3A_2732 = arith.cmpi ne, %select_n3A_2684, %ne3A_2731 : vector<16xi32>
      %and3A_2733 = arith.andi %eq3A_2729, %ne3A_2732 : vector<16xi1>
      %jit3A_2734 = arith.constant 7 : i32
      %broadcast_in_dim3A_2735 = vector.broadcast %jit3A_2734 : i32 to vector<16xi32>
      %select_n3A_2736 = arith.select %and3A_2733, %broadcast_in_dim3A_2735, %broadcast_in_dim3A_2728 : vector<16xi1>, vector<16xi32>
      %eq3A_2737 = arith.cmpf oeq, %get3A_2638, %select_n3A_2726 : vector<16xf32>
      %ne3A_2738 = arith.constant 6 : i32
      %ne3A_2739 = vector.broadcast %ne3A_2738 : i32 to vector<16xi32>
      %ne3A_2740 = arith.cmpi ne, %select_n3A_2684, %ne3A_2739 : vector<16xi32>
      %and3A_2741 = arith.andi %eq3A_2737, %ne3A_2740 : vector<16xi1>
      %jit3A_2742 = arith.constant 6 : i32
      %broadcast_in_dim3A_2743 = vector.broadcast %jit3A_2742 : i32 to vector<16xi32>
      %select_n3A_2744 = arith.select %and3A_2741, %broadcast_in_dim3A_2743, %select_n3A_2736 : vector<16xi1>, vector<16xi32>
      %eq3A_2745 = arith.cmpf oeq, %get3A_2633, %select_n3A_2726 : vector<16xf32>
      %ne3A_2746 = arith.constant 5 : i32
      %ne3A_2747 = vector.broadcast %ne3A_2746 : i32 to vector<16xi32>
      %ne3A_2748 = arith.cmpi ne, %select_n3A_2684, %ne3A_2747 : vector<16xi32>
      %and3A_2749 = arith.andi %eq3A_2745, %ne3A_2748 : vector<16xi1>
      %jit3A_2750 = arith.constant 5 : i32
      %broadcast_in_dim3A_2751 = vector.broadcast %jit3A_2750 : i32 to vector<16xi32>
      %select_n3A_2752 = arith.select %and3A_2749, %broadcast_in_dim3A_2751, %select_n3A_2744 : vector<16xi1>, vector<16xi32>
      %eq3A_2753 = arith.cmpf oeq, %get3A_2628, %select_n3A_2726 : vector<16xf32>
      %ne3A_2754 = arith.constant 4 : i32
      %ne3A_2755 = vector.broadcast %ne3A_2754 : i32 to vector<16xi32>
      %ne3A_2756 = arith.cmpi ne, %select_n3A_2684, %ne3A_2755 : vector<16xi32>
      %and3A_2757 = arith.andi %eq3A_2753, %ne3A_2756 : vector<16xi1>
      %jit3A_2758 = arith.constant 4 : i32
      %broadcast_in_dim3A_2759 = vector.broadcast %jit3A_2758 : i32 to vector<16xi32>
      %select_n3A_2760 = arith.select %and3A_2757, %broadcast_in_dim3A_2759, %select_n3A_2752 : vector<16xi1>, vector<16xi32>
      %eq3A_2761 = arith.cmpf oeq, %get3A_2623, %select_n3A_2726 : vector<16xf32>
      %ne3A_2762 = arith.constant 3 : i32
      %ne3A_2763 = vector.broadcast %ne3A_2762 : i32 to vector<16xi32>
      %ne3A_2764 = arith.cmpi ne, %select_n3A_2684, %ne3A_2763 : vector<16xi32>
      %and3A_2765 = arith.andi %eq3A_2761, %ne3A_2764 : vector<16xi1>
      %jit3A_2766 = arith.constant 3 : i32
      %broadcast_in_dim3A_2767 = vector.broadcast %jit3A_2766 : i32 to vector<16xi32>
      %select_n3A_2768 = arith.select %and3A_2765, %broadcast_in_dim3A_2767, %select_n3A_2760 : vector<16xi1>, vector<16xi32>
      %eq3A_2769 = arith.cmpf oeq, %get3A_2618, %select_n3A_2726 : vector<16xf32>
      %ne3A_2770 = arith.constant 2 : i32
      %ne3A_2771 = vector.broadcast %ne3A_2770 : i32 to vector<16xi32>
      %ne3A_2772 = arith.cmpi ne, %select_n3A_2684, %ne3A_2771 : vector<16xi32>
      %and3A_2773 = arith.andi %eq3A_2769, %ne3A_2772 : vector<16xi1>
      %jit3A_2774 = arith.constant 2 : i32
      %broadcast_in_dim3A_2775 = vector.broadcast %jit3A_2774 : i32 to vector<16xi32>
      %select_n3A_2776 = arith.select %and3A_2773, %broadcast_in_dim3A_2775, %select_n3A_2768 : vector<16xi1>, vector<16xi32>
      %eq3A_2777 = arith.cmpf oeq, %get3A_2613, %select_n3A_2726 : vector<16xf32>
      %ne3A_2778 = arith.constant 1 : i32
      %ne3A_2779 = vector.broadcast %ne3A_2778 : i32 to vector<16xi32>
      %ne3A_2780 = arith.cmpi ne, %select_n3A_2684, %ne3A_2779 : vector<16xi32>
      %and3A_2781 = arith.andi %eq3A_2777, %ne3A_2780 : vector<16xi1>
      %jit3A_2782 = arith.constant 1 : i32
      %broadcast_in_dim3A_2783 = vector.broadcast %jit3A_2782 : i32 to vector<16xi32>
      %select_n3A_2784 = arith.select %and3A_2781, %broadcast_in_dim3A_2783, %select_n3A_2776 : vector<16xi1>, vector<16xi32>
      %eq3A_2785 = arith.cmpf oeq, %get3A_2608, %select_n3A_2726 : vector<16xf32>
      %ne3A_2786 = arith.constant 0 : i32
      %ne3A_2787 = vector.broadcast %ne3A_2786 : i32 to vector<16xi32>
      %ne3A_2788 = arith.cmpi ne, %select_n3A_2684, %ne3A_2787 : vector<16xi32>
      %and3A_2789 = arith.andi %eq3A_2785, %ne3A_2788 : vector<16xi1>
      %jit3A_2790 = arith.constant 0 : i32
      %broadcast_in_dim3A_2791 = vector.broadcast %jit3A_2790 : i32 to vector<16xi32>
      %select_n3A_2792 = arith.select %and3A_2789, %broadcast_in_dim3A_2791, %select_n3A_2784 : vector<16xi1>, vector<16xi32>
      %sub3A_2793 = arith.subf %select_n3A_2726, %max3A_2650 : vector<16xf32>
      %exp3A_2794 = math.exp %sub3A_2793 : vector<16xf32>
      %add3A_2795 = arith.constant 1.000000e+00 : f32
      %add3A_2796 = vector.broadcast %add3A_2795 : f32 to vector<16xf32>
      %add3A_2797 = arith.addf %add3A_2796, %exp3A_2794 : vector<16xf32>
      %div3A_2798 = arith.constant 1.000000e+00 : f32
      %div3A_2799 = vector.broadcast %div3A_2798 : f32 to vector<16xf32>
      %div3A_2800 = arith.divf %div3A_2799, %add3A_2797 : vector<16xf32>
      %mul3A_2801 = arith.mulf %exp3A_2794, %div3A_2800 : vector<16xf32>
      %eq3A_2802 = arith.constant 0 : i32
      %eq3A_2803 = vector.broadcast %eq3A_2802 : i32 to vector<16xi32>
      %eq3A_2804 = arith.cmpi eq, %select_n3A_2684, %eq3A_2803 : vector<16xi32>
      %eq3A_2805 = arith.constant 0 : i32
      %eq3A_2806 = vector.broadcast %eq3A_2805 : i32 to vector<16xi32>
      %eq3A_2807 = arith.cmpi eq, %select_n3A_2792, %eq3A_2806 : vector<16xi32>
      %jit3A_2808 = arith.constant 0.000000e+00 : f32
      %broadcast_in_dim3A_2809 = vector.broadcast %jit3A_2808 : f32 to vector<16xf32>
      %select_n3A_2810 = arith.select %eq3A_2807, %mul3A_2801, %broadcast_in_dim3A_2809 : vector<16xi1>, vector<16xf32>
      %select_n3A_2811 = arith.select %eq3A_2804, %div3A_2800, %select_n3A_2810 : vector<16xi1>, vector<16xf32>
      %swap3A_2812 = arith.constant 0 : i32
      %swap3A_2813 = arith.index_cast %swap3A_2812 : i32 to index
      %swap3A_2814 = arith.constant 64 : index
      %swap3A_2815 = tpu.vector_load %arg5[%swap3A_2813, %swap3A_2814] {strides = array<i32>} : memref<16x128xf32, #tpu.memory_space<vmem>>, vector<1x16xf32>,
      %swap3A_2816 = vector.shape_cast %swap3A_2815 : vector<1x16xf32> to vector<16xf32>
      %swap3A_2817 = vector.shape_cast %select_n3A_2811 : vector<16xf32> to vector<1x16xf32>
      tpu.vector_store %arg5[%swap3A_2813, %swap3A_2814], %swap3A_2817 {strides = array<i32>} : memref<16x128xf32, #tpu.memory_space<vmem>>, vector<1x16xf32>,
      %eq3A_2818 = arith.constant 1 : i32
      %eq3A_2819 = vector.broadcast %eq3A_2818 : i32 to vector<16xi32>
      %eq3A_2820 = arith.cmpi eq, %select_n3A_2684, %eq3A_2819 : vector<16xi32>
      %eq3A_2821 = arith.constant 1 : i32
      %eq3A_2822 = vector.broadcast %eq3A_2821 : i32 to vector<16xi32>
      %eq3A_2823 = arith.cmpi eq, %select_n3A_2792, %eq3A_2822 : vector<16xi32>
      %jit3A_2824 = arith.constant 0.000000e+00 : f32
      %broadcast_in_dim3A_2825 = vector.broadcast %jit3A_2824 : f32 to vector<16xf32>
      %select_n3A_2826 = arith.select %eq3A_2823, %mul3A_2801, %broadcast_in_dim3A_2825 : vector<16xi1>, vector<16xf32>
      %select_n3A_2827 = arith.select %eq3A_2820, %div3A_2800, %select_n3A_2826 : vector<16xi1>, vector<16xf32>
      %swap3A_2828 = arith.constant 1 : i32
      %swap3A_2829 = arith.index_cast %swap3A_2828 : i32 to index
      %swap3A_2830 = arith.constant 64 : index
      %swap3A_2831 = tpu.vector_load %arg5[%swap3A_2829, %swap3A_2830] {strides = array<i32>} : memref<16x128xf32, #tpu.memory_space<vmem>>, vector<1x16xf32>,
      %swap3A_2832 = vector.shape_cast %swap3A_2831 : vector<1x16xf32> to vector<16xf32>
      %swap3A_2833 = vector.shape_cast %select_n3A_2827 : vector<16xf32> to vector<1x16xf32>
      tpu.vector_store %arg5[%swap3A_2829, %swap3A_2830], %swap3A_2833 {strides = array<i32>} : memref<16x128xf32, #tpu.memory_space<vmem>>, vector<1x16xf32>,
      %eq3A_2834 = arith.constant 2 : i32
      %eq3A_2835 = vector.broadcast %eq3A_2834 : i32 to vector<16xi32>
      %eq3A_2836 = arith.cmpi eq, %select_n3A_2684, %eq3A_2835 : vector<16xi32>
      %eq3A_2837 = arith.constant 2 : i32
      %eq3A_2838 = vector.broadcast %eq3A_2837 : i32 to vector<16xi32>
      %eq3A_2839 = arith.cmpi eq, %select_n3A_2792, %eq3A_2838 : vector<16xi32>
      %jit3A_2840 = arith.constant 0.000000e+00 : f32
      %broadcast_in_dim3A_2841 = vector.broadcast %jit3A_2840 : f32 to vector<16xf32>
      %select_n3A_2842 = arith.select %eq3A_2839, %mul3A_2801, %broadcast_in_dim3A_2841 : vector<16xi1>, vector<16xf32>
      %select_n3A_2843 = arith.select %eq3A_2836, %div3A_2800, %select_n3A_2842 : vector<16xi1>, vector<16xf32>
      %swap3A_2844 = arith.constant 2 : i32
      %swap3A_2845 = arith.index_cast %swap3A_2844 : i32 to index
      %swap3A_2846 = arith.constant 64 : index
      %swap3A_2847 = tpu.vector_load %arg5[%swap3A_2845, %swap3A_2846] {strides = array<i32>} : memref<16x128xf32, #tpu.memory_space<vmem>>, vector<1x16xf32>,
      %swap3A_2848 = vector.shape_cast %swap3A_2847 : vector<1x16xf32> to vector<16xf32>
      %swap3A_2849 = vector.shape_cast %select_n3A_2843 : vector<16xf32> to vector<1x16xf32>
      tpu.vector_store %arg5[%swap3A_2845, %swap3A_2846], %swap3A_2849 {strides = array<i32>} : memref<16x128xf32, #tpu.memory_space<vmem>>, vector<1x16xf32>,
      %eq3A_2850 = arith.constant 3 : i32
      %eq3A_2851 = vector.broadcast %eq3A_2850 : i32 to vector<16xi32>
      %eq3A_2852 = arith.cmpi eq, %select_n3A_2684, %eq3A_2851 : vector<16xi32>
      %eq3A_2853 = arith.constant 3 : i32
      %eq3A_2854 = vector.broadcast %eq3A_2853 : i32 to vector<16xi32>
      %eq3A_2855 = arith.cmpi eq, %select_n3A_2792, %eq3A_2854 : vector<16xi32>
      %jit3A_2856 = arith.constant 0.000000e+00 : f32
      %broadcast_in_dim3A_2857 = vector.broadcast %jit3A_2856 : f32 to vector<16xf32>
      %select_n3A_2858 = arith.select %eq3A_2855, %mul3A_2801, %broadcast_in_dim3A_2857 : vector<16xi1>, vector<16xf32>
      %select_n3A_2859 = arith.select %eq3A_2852, %div3A_2800, %select_n3A_2858 : vector<16xi1>, vector<16xf32>
      %swap3A_2860 = arith.constant 3 : i32
      %swap3A_2861 = arith.index_cast %swap3A_2860 : i32 to index
      %swap3A_2862 = arith.constant 64 : index
      %swap3A_2863 = tpu.vector_load %arg5[%swap3A_2861, %swap3A_2862] {strides = array<i32>} : memref<16x128xf32, #tpu.memory_space<vmem>>, vector<1x16xf32>,
      %swap3A_2864 = vector.shape_cast %swap3A_2863 : vector<1x16xf32> to vector<16xf32>
      %swap3A_2865 = vector.shape_cast %select_n3A_2859 : vector<16xf32> to vector<1x16xf32>
      tpu.vector_store %arg5[%swap3A_2861, %swap3A_2862], %swap3A_2865 {strides = array<i32>} : memref<16x128xf32, #tpu.memory_space<vmem>>, vector<1x16xf32>,
      %eq3A_2866 = arith.constant 4 : i32
      %eq3A_2867 = vector.broadcast %eq3A_2866 : i32 to vector<16xi32>
      %eq3A_2868 = arith.cmpi eq, %select_n3A_2684, %eq3A_2867 : vector<16xi32>
      %eq3A_2869 = arith.constant 4 : i32
      %eq3A_2870 = vector.broadcast %eq3A_2869 : i32 to vector<16xi32>
      %eq3A_2871 = arith.cmpi eq, %select_n3A_2792, %eq3A_2870 : vector<16xi32>
      %jit3A_2872 = arith.constant 0.000000e+00 : f32
      %broadcast_in_dim3A_2873 = vector.broadcast %jit3A_2872 : f32 to vector<16xf32>
      %select_n3A_2874 = arith.select %eq3A_2871, %mul3A_2801, %broadcast_in_dim3A_2873 : vector<16xi1>, vector<16xf32>
      %select_n3A_2875 = arith.select %eq3A_2868, %div3A_2800, %select_n3A_2874 : vector<16xi1>, vector<16xf32>
      %swap3A_2876 = arith.constant 4 : i32
      %swap3A_2877 = arith.index_cast %swap3A_2876 : i32 to index
      %swap3A_2878 = arith.constant 64 : index
      %swap3A_2879 = tpu.vector_load %arg5[%swap3A_2877, %swap3A_2878] {strides = array<i32>} : memref<16x128xf32, #tpu.memory_space<vmem>>, vector<1x16xf32>,
      %swap3A_2880 = vector.shape_cast %swap3A_2879 : vector<1x16xf32> to vector<16xf32>
      %swap3A_2881 = vector.shape_cast %select_n3A_2875 : vector<16xf32> to vector<1x16xf32>
      tpu.vector_store %arg5[%swap3A_2877, %swap3A_2878], %swap3A_2881 {strides = array<i32>} : memref<16x128xf32, #tpu.memory_space<vmem>>, vector<1x16xf32>,
      %eq3A_2882 = arith.constant 5 : i32
      %eq3A_2883 = vector.broadcast %eq3A_2882 : i32 to vector<16xi32>
      %eq3A_2884 = arith.cmpi eq, %select_n3A_2684, %eq3A_2883 : vector<16xi32>
      %eq3A_2885 = arith.constant 5 : i32
      %eq3A_2886 = vector.broadcast %eq3A_2885 : i32 to vector<16xi32>
      %eq3A_2887 = arith.cmpi eq, %select_n3A_2792, %eq3A_2886 : vector<16xi32>
      %jit3A_2888 = arith.constant 0.000000e+00 : f32
      %broadcast_in_dim3A_2889 = vector.broadcast %jit3A_2888 : f32 to vector<16xf32>
      %select_n3A_2890 = arith.select %eq3A_2887, %mul3A_2801, %broadcast_in_dim3A_2889 : vector<16xi1>, vector<16xf32>
      %select_n3A_2891 = arith.select %eq3A_2884, %div3A_2800, %select_n3A_2890 : vector<16xi1>, vector<16xf32>
      %swap3A_2892 = arith.constant 5 : i32
      %swap3A_2893 = arith.index_cast %swap3A_2892 : i32 to index
      %swap3A_2894 = arith.constant 64 : index
      %swap3A_2895 = tpu.vector_load %arg5[%swap3A_2893, %swap3A_2894] {strides = array<i32>} : memref<16x128xf32, #tpu.memory_space<vmem>>, vector<1x16xf32>,
      %swap3A_2896 = vector.shape_cast %swap3A_2895 : vector<1x16xf32> to vector<16xf32>
      %swap3A_2897 = vector.shape_cast %select_n3A_2891 : vector<16xf32> to vector<1x16xf32>
      tpu.vector_store %arg5[%swap3A_2893, %swap3A_2894], %swap3A_2897 {strides = array<i32>} : memref<16x128xf32, #tpu.memory_space<vmem>>, vector<1x16xf32>,
      %eq3A_2898 = arith.constant 6 : i32
      %eq3A_2899 = vector.broadcast %eq3A_2898 : i32 to vector<16xi32>
      %eq3A_2900 = arith.cmpi eq, %select_n3A_2684, %eq3A_2899 : vector<16xi32>
      %eq3A_2901 = arith.constant 6 : i32
      %eq3A_2902 = vector.broadcast %eq3A_2901 : i32 to vector<16xi32>
      %eq3A_2903 = arith.cmpi eq, %select_n3A_2792, %eq3A_2902 : vector<16xi32>
      %jit3A_2904 = arith.constant 0.000000e+00 : f32
      %broadcast_in_dim3A_2905 = vector.broadcast %jit3A_2904 : f32 to vector<16xf32>
      %select_n3A_2906 = arith.select %eq3A_2903, %mul3A_2801, %broadcast_in_dim3A_2905 : vector<16xi1>, vector<16xf32>
      %select_n3A_2907 = arith.select %eq3A_2900, %div3A_2800, %select_n3A_2906 : vector<16xi1>, vector<16xf32>
      %swap3A_2908 = arith.constant 6 : i32
      %swap3A_2909 = arith.index_cast %swap3A_2908 : i32 to index
      %swap3A_2910 = arith.constant 64 : index
      %swap3A_2911 = tpu.vector_load %arg5[%swap3A_2909, %swap3A_2910] {strides = array<i32>} : memref<16x128xf32, #tpu.memory_space<vmem>>, vector<1x16xf32>,
      %swap3A_2912 = vector.shape_cast %swap3A_2911 : vector<1x16xf32> to vector<16xf32>
      %swap3A_2913 = vector.shape_cast %select_n3A_2907 : vector<16xf32> to vector<1x16xf32>
      tpu.vector_store %arg5[%swap3A_2909, %swap3A_2910], %swap3A_2913 {strides = array<i32>} : memref<16x128xf32, #tpu.memory_space<vmem>>, vector<1x16xf32>,
      %eq3A_2914 = arith.constant 7 : i32
      %eq3A_2915 = vector.broadcast %eq3A_2914 : i32 to vector<16xi32>
      %eq3A_2916 = arith.cmpi eq, %select_n3A_2684, %eq3A_2915 : vector<16xi32>
      %eq3A_2917 = arith.constant 7 : i32
      %eq3A_2918 = vector.broadcast %eq3A_2917 : i32 to vector<16xi32>
      %eq3A_2919 = arith.cmpi eq, %select_n3A_2792, %eq3A_2918 : vector<16xi32>
      %jit3A_2920 = arith.constant 0.000000e+00 : f32
      %broadcast_in_dim3A_2921 = vector.broadcast %jit3A_2920 : f32 to vector<16xf32>
      %select_n3A_2922 = arith.select %eq3A_2919, %mul3A_2801, %broadcast_in_dim3A_2921 : vector<16xi1>, vector<16xf32>
      %select_n3A_2923 = arith.select %eq3A_2916, %div3A_2800, %select_n3A_2922 : vector<16xi1>, vector<16xf32>
      %swap3A_2924 = arith.constant 7 : i32
      %swap3A_2925 = arith.index_cast %swap3A_2924 : i32 to index
      %swap3A_2926 = arith.constant 64 : index
      %swap3A_2927 = tpu.vector_load %arg5[%swap3A_2925, %swap3A_2926] {strides = array<i32>} : memref<16x128xf32, #tpu.memory_space<vmem>>, vector<1x16xf32>,
      %swap3A_2928 = vector.shape_cast %swap3A_2927 : vector<1x16xf32> to vector<16xf32>
      %swap3A_2929 = vector.shape_cast %select_n3A_2923 : vector<16xf32> to vector<1x16xf32>
      tpu.vector_store %arg5[%swap3A_2925, %swap3A_2926], %swap3A_2929 {strides = array<i32>} : memref<16x128xf32, #tpu.memory_space<vmem>>, vector<1x16xf32>,
      %get3A_2930 = arith.constant 8 : i32
      %get3A_2931 = arith.index_cast %get3A_2930 : i32 to index
      %get3A_2932 = arith.constant 64 : index
      %get3A_2933 = tpu.vector_load %arg4[%get3A_2931, %get3A_2932] {strides = array<i32>} : memref<16x128xf32, #tpu.memory_space<vmem>>, vector<1x16xf32>,
      %get3A_2934 = vector.shape_cast %get3A_2933 : vector<1x16xf32> to vector<16xf32>
      %get3A_2935 = arith.constant 9 : i32
      %get3A_2936 = arith.index_cast %get3A_2935 : i32 to index
      %get3A_2937 = arith.constant 64 : index
      %get3A_2938 = tpu.vector_load %arg4[%get3A_2936, %get3A_2937] {strides = array<i32>} : memref<16x128xf32, #tpu.memory_space<vmem>>, vector<1x16xf32>,
      %get3A_2939 = vector.shape_cast %get3A_2938 : vector<1x16xf32> to vector<16xf32>
      %get3A_2940 = arith.constant 10 : i32
      %get3A_2941 = arith.index_cast %get3A_2940 : i32 to index
      %get3A_2942 = arith.constant 64 : index
      %get3A_2943 = tpu.vector_load %arg4[%get3A_2941, %get3A_2942] {strides = array<i32>} : memref<16x128xf32, #tpu.memory_space<vmem>>, vector<1x16xf32>,
      %get3A_2944 = vector.shape_cast %get3A_2943 : vector<1x16xf32> to vector<16xf32>
      %get3A_2945 = arith.constant 11 : i32
      %get3A_2946 = arith.index_cast %get3A_2945 : i32 to index
      %get3A_2947 = arith.constant 64 : index
      %get3A_2948 = tpu.vector_load %arg4[%get3A_2946, %get3A_2947] {strides = array<i32>} : memref<16x128xf32, #tpu.memory_space<vmem>>, vector<1x16xf32>,
      %get3A_2949 = vector.shape_cast %get3A_2948 : vector<1x16xf32> to vector<16xf32>
      %get3A_2950 = arith.constant 12 : i32
      %get3A_2951 = arith.index_cast %get3A_2950 : i32 to index
      %get3A_2952 = arith.constant 64 : index
      %get3A_2953 = tpu.vector_load %arg4[%get3A_2951, %get3A_2952] {strides = array<i32>} : memref<16x128xf32, #tpu.memory_space<vmem>>, vector<1x16xf32>,
      %get3A_2954 = vector.shape_cast %get3A_2953 : vector<1x16xf32> to vector<16xf32>
      %get3A_2955 = arith.constant 13 : i32
      %get3A_2956 = arith.index_cast %get3A_2955 : i32 to index
      %get3A_2957 = arith.constant 64 : index
      %get3A_2958 = tpu.vector_load %arg4[%get3A_2956, %get3A_2957] {strides = array<i32>} : memref<16x128xf32, #tpu.memory_space<vmem>>, vector<1x16xf32>,
      %get3A_2959 = vector.shape_cast %get3A_2958 : vector<1x16xf32> to vector<16xf32>
      %get3A_2960 = arith.constant 14 : i32
      %get3A_2961 = arith.index_cast %get3A_2960 : i32 to index
      %get3A_2962 = arith.constant 64 : index
      %get3A_2963 = tpu.vector_load %arg4[%get3A_2961, %get3A_2962] {strides = array<i32>} : memref<16x128xf32, #tpu.memory_space<vmem>>, vector<1x16xf32>,
      %get3A_2964 = vector.shape_cast %get3A_2963 : vector<1x16xf32> to vector<16xf32>
      %get3A_2965 = arith.constant 15 : i32
      %get3A_2966 = arith.index_cast %get3A_2965 : i32 to index
      %get3A_2967 = arith.constant 64 : index
      %get3A_2968 = tpu.vector_load %arg4[%get3A_2966, %get3A_2967] {strides = array<i32>} : memref<16x128xf32, #tpu.memory_space<vmem>>, vector<1x16xf32>,
      %get3A_2969 = vector.shape_cast %get3A_2968 : vector<1x16xf32> to vector<16xf32>
      %max3A_2970 = arith.maximumf %get3A_2934, %get3A_2939 : vector<16xf32>
      %max3A_2971 = arith.maximumf %max3A_2970, %get3A_2944 : vector<16xf32>
      %max3A_2972 = arith.maximumf %max3A_2971, %get3A_2949 : vector<16xf32>
      %max3A_2973 = arith.maximumf %max3A_2972, %get3A_2954 : vector<16xf32>
      %max3A_2974 = arith.maximumf %max3A_2973, %get3A_2959 : vector<16xf32>
      %max3A_2975 = arith.maximumf %max3A_2974, %get3A_2964 : vector<16xf32>
      %max3A_2976 = arith.maximumf %max3A_2975, %get3A_2969 : vector<16xf32>
      %broadcast_in_dim3A_2977 = arith.constant 8 : i32
      %broadcast_in_dim3A_2978 = vector.broadcast %broadcast_in_dim3A_2977 : i32 to vector<16xi32>
      %eq3A_2979 = arith.cmpf oeq, %get3A_2969, %max3A_2976 : vector<16xf32>
      %jit3A_2980 = arith.constant 7 : i32
      %broadcast_in_dim3A_2981 = vector.broadcast %jit3A_2980 : i32 to vector<16xi32>
      %select_n3A_2982 = arith.select %eq3A_2979, %broadcast_in_dim3A_2981, %broadcast_in_dim3A_2978 : vector<16xi1>, vector<16xi32>
      %eq3A_2983 = arith.cmpf oeq, %get3A_2964, %max3A_2976 : vector<16xf32>
      %jit3A_2984 = arith.constant 6 : i32
      %broadcast_in_dim3A_2985 = vector.broadcast %jit3A_2984 : i32 to vector<16xi32>
      %select_n3A_2986 = arith.select %eq3A_2983, %broadcast_in_dim3A_2985, %select_n3A_2982 : vector<16xi1>, vector<16xi32>
      %eq3A_2987 = arith.cmpf oeq, %get3A_2959, %max3A_2976 : vector<16xf32>
      %jit3A_2988 = arith.constant 5 : i32
      %broadcast_in_dim3A_2989 = vector.broadcast %jit3A_2988 : i32 to vector<16xi32>
      %select_n3A_2990 = arith.select %eq3A_2987, %broadcast_in_dim3A_2989, %select_n3A_2986 : vector<16xi1>, vector<16xi32>
      %eq3A_2991 = arith.cmpf oeq, %get3A_2954, %max3A_2976 : vector<16xf32>
      %jit3A_2992 = arith.constant 4 : i32
      %broadcast_in_dim3A_2993 = vector.broadcast %jit3A_2992 : i32 to vector<16xi32>
      %select_n3A_2994 = arith.select %eq3A_2991, %broadcast_in_dim3A_2993, %select_n3A_2990 : vector<16xi1>, vector<16xi32>
      %eq3A_2995 = arith.cmpf oeq, %get3A_2949, %max3A_2976 : vector<16xf32>
      %jit3A_2996 = arith.constant 3 : i32
      %broadcast_in_dim3A_2997 = vector.broadcast %jit3A_2996 : i32 to vector<16xi32>
      %select_n3A_2998 = arith.select %eq3A_2995, %broadcast_in_dim3A_2997, %select_n3A_2994 : vector<16xi1>, vector<16xi32>
      %eq3A_2999 = arith.cmpf oeq, %get3A_2944, %max3A_2976 : vector<16xf32>
      %jit3A_3000 = arith.constant 2 : i32
      %broadcast_in_dim3A_3001 = vector.broadcast %jit3A_3000 : i32 to vector<16xi32>
      %select_n3A_3002 = arith.select %eq3A_2999, %broadcast_in_dim3A_3001, %select_n3A_2998 : vector<16xi1>, vector<16xi32>
      %eq3A_3003 = arith.cmpf oeq, %get3A_2939, %max3A_2976 : vector<16xf32>
      %jit3A_3004 = arith.constant 1 : i32
      %broadcast_in_dim3A_3005 = vector.broadcast %jit3A_3004 : i32 to vector<16xi32>
      %select_n3A_3006 = arith.select %eq3A_3003, %broadcast_in_dim3A_3005, %select_n3A_3002 : vector<16xi1>, vector<16xi32>
      %eq3A_3007 = arith.cmpf oeq, %get3A_2934, %max3A_2976 : vector<16xf32>
      %jit3A_3008 = arith.constant 0 : i32
      %broadcast_in_dim3A_3009 = vector.broadcast %jit3A_3008 : i32 to vector<16xi32>
      %select_n3A_3010 = arith.select %eq3A_3007, %broadcast_in_dim3A_3009, %select_n3A_3006 : vector<16xi1>, vector<16xi32>
      %broadcast_in_dim3A_3011 = arith.constant 0xFF800000 : f32
      %broadcast_in_dim3A_3012 = vector.broadcast %broadcast_in_dim3A_3011 : f32 to vector<16xf32>
      %eq3A_3013 = arith.constant 0 : i32
      %eq3A_3014 = vector.broadcast %eq3A_3013 : i32 to vector<16xi32>
      %eq3A_3015 = arith.cmpi eq, %select_n3A_3010, %eq3A_3014 : vector<16xi32>
      %max3A_3016 = arith.maximumf %broadcast_in_dim3A_3012, %get3A_2934 : vector<16xf32>
      %select_n3A_3017 = arith.select %eq3A_3015, %broadcast_in_dim3A_3012, %max3A_3016 : vector<16xi1>, vector<16xf32>
      %eq3A_3018 = arith.constant 1 : i32
      %eq3A_3019 = vector.broadcast %eq3A_3018 : i32 to vector<16xi32>
      %eq3A_3020 = arith.cmpi eq, %select_n3A_3010, %eq3A_3019 : vector<16xi32>
      %max3A_3021 = arith.maximumf %select_n3A_3017, %get3A_2939 : vector<16xf32>
      %select_n3A_3022 = arith.select %eq3A_3020, %select_n3A_3017, %max3A_3021 : vector<16xi1>, vector<16xf32>
      %eq3A_3023 = arith.constant 2 : i32
      %eq3A_3024 = vector.broadcast %eq3A_3023 : i32 to vector<16xi32>
      %eq3A_3025 = arith.cmpi eq, %select_n3A_3010, %eq3A_3024 : vector<16xi32>
      %max3A_3026 = arith.maximumf %select_n3A_3022, %get3A_2944 : vector<16xf32>
      %select_n3A_3027 = arith.select %eq3A_3025, %select_n3A_3022, %max3A_3026 : vector<16xi1>, vector<16xf32>
      %eq3A_3028 = arith.constant 3 : i32
      %eq3A_3029 = vector.broadcast %eq3A_3028 : i32 to vector<16xi32>
      %eq3A_3030 = arith.cmpi eq, %select_n3A_3010, %eq3A_3029 : vector<16xi32>
      %max3A_3031 = arith.maximumf %select_n3A_3027, %get3A_2949 : vector<16xf32>
      %select_n3A_3032 = arith.select %eq3A_3030, %select_n3A_3027, %max3A_3031 : vector<16xi1>, vector<16xf32>
      %eq3A_3033 = arith.constant 4 : i32
      %eq3A_3034 = vector.broadcast %eq3A_3033 : i32 to vector<16xi32>
      %eq3A_3035 = arith.cmpi eq, %select_n3A_3010, %eq3A_3034 : vector<16xi32>
      %max3A_3036 = arith.maximumf %select_n3A_3032, %get3A_2954 : vector<16xf32>
      %select_n3A_3037 = arith.select %eq3A_3035, %select_n3A_3032, %max3A_3036 : vector<16xi1>, vector<16xf32>
      %eq3A_3038 = arith.constant 5 : i32
      %eq3A_3039 = vector.broadcast %eq3A_3038 : i32 to vector<16xi32>
      %eq3A_3040 = arith.cmpi eq, %select_n3A_3010, %eq3A_3039 : vector<16xi32>
      %max3A_3041 = arith.maximumf %select_n3A_3037, %get3A_2959 : vector<16xf32>
      %select_n3A_3042 = arith.select %eq3A_3040, %select_n3A_3037, %max3A_3041 : vector<16xi1>, vector<16xf32>
      %eq3A_3043 = arith.constant 6 : i32
      %eq3A_3044 = vector.broadcast %eq3A_3043 : i32 to vector<16xi32>
      %eq3A_3045 = arith.cmpi eq, %select_n3A_3010, %eq3A_3044 : vector<16xi32>
      %max3A_3046 = arith.maximumf %select_n3A_3042, %get3A_2964 : vector<16xf32>
      %select_n3A_3047 = arith.select %eq3A_3045, %select_n3A_3042, %max3A_3046 : vector<16xi1>, vector<16xf32>
      %eq3A_3048 = arith.constant 7 : i32
      %eq3A_3049 = vector.broadcast %eq3A_3048 : i32 to vector<16xi32>
      %eq3A_3050 = arith.cmpi eq, %select_n3A_3010, %eq3A_3049 : vector<16xi32>
      %max3A_3051 = arith.maximumf %select_n3A_3047, %get3A_2969 : vector<16xf32>
      %select_n3A_3052 = arith.select %eq3A_3050, %select_n3A_3047, %max3A_3051 : vector<16xi1>, vector<16xf32>
      %broadcast_in_dim3A_3053 = arith.constant 8 : i32
      %broadcast_in_dim3A_3054 = vector.broadcast %broadcast_in_dim3A_3053 : i32 to vector<16xi32>
      %eq3A_3055 = arith.cmpf oeq, %get3A_2969, %select_n3A_3052 : vector<16xf32>
      %ne3A_3056 = arith.constant 7 : i32
      %ne3A_3057 = vector.broadcast %ne3A_3056 : i32 to vector<16xi32>
      %ne3A_3058 = arith.cmpi ne, %select_n3A_3010, %ne3A_3057 : vector<16xi32>
      %and3A_3059 = arith.andi %eq3A_3055, %ne3A_3058 : vector<16xi1>
      %jit3A_3060 = arith.constant 7 : i32
      %broadcast_in_dim3A_3061 = vector.broadcast %jit3A_3060 : i32 to vector<16xi32>
      %select_n3A_3062 = arith.select %and3A_3059, %broadcast_in_dim3A_3061, %broadcast_in_dim3A_3054 : vector<16xi1>, vector<16xi32>
      %eq3A_3063 = arith.cmpf oeq, %get3A_2964, %select_n3A_3052 : vector<16xf32>
      %ne3A_3064 = arith.constant 6 : i32
      %ne3A_3065 = vector.broadcast %ne3A_3064 : i32 to vector<16xi32>
      %ne3A_3066 = arith.cmpi ne, %select_n3A_3010, %ne3A_3065 : vector<16xi32>
      %and3A_3067 = arith.andi %eq3A_3063, %ne3A_3066 : vector<16xi1>
      %jit3A_3068 = arith.constant 6 : i32
      %broadcast_in_dim3A_3069 = vector.broadcast %jit3A_3068 : i32 to vector<16xi32>
      %select_n3A_3070 = arith.select %and3A_3067, %broadcast_in_dim3A_3069, %select_n3A_3062 : vector<16xi1>, vector<16xi32>
      %eq3A_3071 = arith.cmpf oeq, %get3A_2959, %select_n3A_3052 : vector<16xf32>
      %ne3A_3072 = arith.constant 5 : i32
      %ne3A_3073 = vector.broadcast %ne3A_3072 : i32 to vector<16xi32>
      %ne3A_3074 = arith.cmpi ne, %select_n3A_3010, %ne3A_3073 : vector<16xi32>
      %and3A_3075 = arith.andi %eq3A_3071, %ne3A_3074 : vector<16xi1>
      %jit3A_3076 = arith.constant 5 : i32
      %broadcast_in_dim3A_3077 = vector.broadcast %jit3A_3076 : i32 to vector<16xi32>
      %select_n3A_3078 = arith.select %and3A_3075, %broadcast_in_dim3A_3077, %select_n3A_3070 : vector<16xi1>, vector<16xi32>
      %eq3A_3079 = arith.cmpf oeq, %get3A_2954, %select_n3A_3052 : vector<16xf32>
      %ne3A_3080 = arith.constant 4 : i32
      %ne3A_3081 = vector.broadcast %ne3A_3080 : i32 to vector<16xi32>
      %ne3A_3082 = arith.cmpi ne, %select_n3A_3010, %ne3A_3081 : vector<16xi32>
      %and3A_3083 = arith.andi %eq3A_3079, %ne3A_3082 : vector<16xi1>
      %jit3A_3084 = arith.constant 4 : i32
      %broadcast_in_dim3A_3085 = vector.broadcast %jit3A_3084 : i32 to vector<16xi32>
      %select_n3A_3086 = arith.select %and3A_3083, %broadcast_in_dim3A_3085, %select_n3A_3078 : vector<16xi1>, vector<16xi32>
      %eq3A_3087 = arith.cmpf oeq, %get3A_2949, %select_n3A_3052 : vector<16xf32>
      %ne3A_3088 = arith.constant 3 : i32
      %ne3A_3089 = vector.broadcast %ne3A_3088 : i32 to vector<16xi32>
      %ne3A_3090 = arith.cmpi ne, %select_n3A_3010, %ne3A_3089 : vector<16xi32>
      %and3A_3091 = arith.andi %eq3A_3087, %ne3A_3090 : vector<16xi1>
      %jit3A_3092 = arith.constant 3 : i32
      %broadcast_in_dim3A_3093 = vector.broadcast %jit3A_3092 : i32 to vector<16xi32>
      %select_n3A_3094 = arith.select %and3A_3091, %broadcast_in_dim3A_3093, %select_n3A_3086 : vector<16xi1>, vector<16xi32>
      %eq3A_3095 = arith.cmpf oeq, %get3A_2944, %select_n3A_3052 : vector<16xf32>
      %ne3A_3096 = arith.constant 2 : i32
      %ne3A_3097 = vector.broadcast %ne3A_3096 : i32 to vector<16xi32>
      %ne3A_3098 = arith.cmpi ne, %select_n3A_3010, %ne3A_3097 : vector<16xi32>
      %and3A_3099 = arith.andi %eq3A_3095, %ne3A_3098 : vector<16xi1>
      %jit3A_3100 = arith.constant 2 : i32
      %broadcast_in_dim3A_3101 = vector.broadcast %jit3A_3100 : i32 to vector<16xi32>
      %select_n3A_3102 = arith.select %and3A_3099, %broadcast_in_dim3A_3101, %select_n3A_3094 : vector<16xi1>, vector<16xi32>
      %eq3A_3103 = arith.cmpf oeq, %get3A_2939, %select_n3A_3052 : vector<16xf32>
      %ne3A_3104 = arith.constant 1 : i32
      %ne3A_3105 = vector.broadcast %ne3A_3104 : i32 to vector<16xi32>
      %ne3A_3106 = arith.cmpi ne, %select_n3A_3010, %ne3A_3105 : vector<16xi32>
      %and3A_3107 = arith.andi %eq3A_3103, %ne3A_3106 : vector<16xi1>
      %jit3A_3108 = arith.constant 1 : i32
      %broadcast_in_dim3A_3109 = vector.broadcast %jit3A_3108 : i32 to vector<16xi32>
      %select_n3A_3110 = arith.select %and3A_3107, %broadcast_in_dim3A_3109, %select_n3A_3102 : vector<16xi1>, vector<16xi32>
      %eq3A_3111 = arith.cmpf oeq, %get3A_2934, %select_n3A_3052 : vector<16xf32>
      %ne3A_3112 = arith.constant 0 : i32
      %ne3A_3113 = vector.broadcast %ne3A_3112 : i32 to vector<16xi32>
      %ne3A_3114 = arith.cmpi ne, %select_n3A_3010, %ne3A_3113 : vector<16xi32>
      %and3A_3115 = arith.andi %eq3A_3111, %ne3A_3114 : vector<16xi1>
      %jit3A_3116 = arith.constant 0 : i32
      %broadcast_in_dim3A_3117 = vector.broadcast %jit3A_3116 : i32 to vector<16xi32>
      %select_n3A_3118 = arith.select %and3A_3115, %broadcast_in_dim3A_3117, %select_n3A_3110 : vector<16xi1>, vector<16xi32>
      %sub3A_3119 = arith.subf %select_n3A_3052, %max3A_2976 : vector<16xf32>
      %exp3A_3120 = math.exp %sub3A_3119 : vector<16xf32>
      %add3A_3121 = arith.constant 1.000000e+00 : f32
      %add3A_3122 = vector.broadcast %add3A_3121 : f32 to vector<16xf32>
      %add3A_3123 = arith.addf %add3A_3122, %exp3A_3120 : vector<16xf32>
      %div3A_3124 = arith.constant 1.000000e+00 : f32
      %div3A_3125 = vector.broadcast %div3A_3124 : f32 to vector<16xf32>
      %div3A_3126 = arith.divf %div3A_3125, %add3A_3123 : vector<16xf32>
      %mul3A_3127 = arith.mulf %exp3A_3120, %div3A_3126 : vector<16xf32>
      %eq3A_3128 = arith.constant 0 : i32
      %eq3A_3129 = vector.broadcast %eq3A_3128 : i32 to vector<16xi32>
      %eq3A_3130 = arith.cmpi eq, %select_n3A_3010, %eq3A_3129 : vector<16xi32>
      %eq3A_3131 = arith.constant 0 : i32
      %eq3A_3132 = vector.broadcast %eq3A_3131 : i32 to vector<16xi32>
      %eq3A_3133 = arith.cmpi eq, %select_n3A_3118, %eq3A_3132 : vector<16xi32>
      %jit3A_3134 = arith.constant 0.000000e+00 : f32
      %broadcast_in_dim3A_3135 = vector.broadcast %jit3A_3134 : f32 to vector<16xf32>
      %select_n3A_3136 = arith.select %eq3A_3133, %mul3A_3127, %broadcast_in_dim3A_3135 : vector<16xi1>, vector<16xf32>
      %select_n3A_3137 = arith.select %eq3A_3130, %div3A_3126, %select_n3A_3136 : vector<16xi1>, vector<16xf32>
      %swap3A_3138 = arith.constant 8 : i32
      %swap3A_3139 = arith.index_cast %swap3A_3138 : i32 to index
      %swap3A_3140 = arith.constant 64 : index
      %swap3A_3141 = tpu.vector_load %arg5[%swap3A_3139, %swap3A_3140] {strides = array<i32>} : memref<16x128xf32, #tpu.memory_space<vmem>>, vector<1x16xf32>,
      %swap3A_3142 = vector.shape_cast %swap3A_3141 : vector<1x16xf32> to vector<16xf32>
      %swap3A_3143 = vector.shape_cast %select_n3A_3137 : vector<16xf32> to vector<1x16xf32>
      tpu.vector_store %arg5[%swap3A_3139, %swap3A_3140], %swap3A_3143 {strides = array<i32>} : memref<16x128xf32, #tpu.memory_space<vmem>>, vector<1x16xf32>,
      %eq3A_3144 = arith.constant 1 : i32
      %eq3A_3145 = vector.broadcast %eq3A_3144 : i32 to vector<16xi32>
      %eq3A_3146 = arith.cmpi eq, %select_n3A_3010, %eq3A_3145 : vector<16xi32>
      %eq3A_3147 = arith.constant 1 : i32
      %eq3A_3148 = vector.broadcast %eq3A_3147 : i32 to vector<16xi32>
      %eq3A_3149 = arith.cmpi eq, %select_n3A_3118, %eq3A_3148 : vector<16xi32>
      %jit3A_3150 = arith.constant 0.000000e+00 : f32
      %broadcast_in_dim3A_3151 = vector.broadcast %jit3A_3150 : f32 to vector<16xf32>
      %select_n3A_3152 = arith.select %eq3A_3149, %mul3A_3127, %broadcast_in_dim3A_3151 : vector<16xi1>, vector<16xf32>
      %select_n3A_3153 = arith.select %eq3A_3146, %div3A_3126, %select_n3A_3152 : vector<16xi1>, vector<16xf32>
      %swap3A_3154 = arith.constant 9 : i32
      %swap3A_3155 = arith.index_cast %swap3A_3154 : i32 to index
      %swap3A_3156 = arith.constant 64 : index
      %swap3A_3157 = tpu.vector_load %arg5[%swap3A_3155, %swap3A_3156] {strides = array<i32>} : memref<16x128xf32, #tpu.memory_space<vmem>>, vector<1x16xf32>,
      %swap3A_3158 = vector.shape_cast %swap3A_3157 : vector<1x16xf32> to vector<16xf32>
      %swap3A_3159 = vector.shape_cast %select_n3A_3153 : vector<16xf32> to vector<1x16xf32>
      tpu.vector_store %arg5[%swap3A_3155, %swap3A_3156], %swap3A_3159 {strides = array<i32>} : memref<16x128xf32, #tpu.memory_space<vmem>>, vector<1x16xf32>,
      %eq3A_3160 = arith.constant 2 : i32
      %eq3A_3161 = vector.broadcast %eq3A_3160 : i32 to vector<16xi32>
      %eq3A_3162 = arith.cmpi eq, %select_n3A_3010, %eq3A_3161 : vector<16xi32>
      %eq3A_3163 = arith.constant 2 : i32
      %eq3A_3164 = vector.broadcast %eq3A_3163 : i32 to vector<16xi32>
      %eq3A_3165 = arith.cmpi eq, %select_n3A_3118, %eq3A_3164 : vector<16xi32>
      %jit3A_3166 = arith.constant 0.000000e+00 : f32
      %broadcast_in_dim3A_3167 = vector.broadcast %jit3A_3166 : f32 to vector<16xf32>
      %select_n3A_3168 = arith.select %eq3A_3165, %mul3A_3127, %broadcast_in_dim3A_3167 : vector<16xi1>, vector<16xf32>
      %select_n3A_3169 = arith.select %eq3A_3162, %div3A_3126, %select_n3A_3168 : vector<16xi1>, vector<16xf32>
      %swap3A_3170 = arith.constant 10 : i32
      %swap3A_3171 = arith.index_cast %swap3A_3170 : i32 to index
      %swap3A_3172 = arith.constant 64 : index
      %swap3A_3173 = tpu.vector_load %arg5[%swap3A_3171, %swap3A_3172] {strides = array<i32>} : memref<16x128xf32, #tpu.memory_space<vmem>>, vector<1x16xf32>,
      %swap3A_3174 = vector.shape_cast %swap3A_3173 : vector<1x16xf32> to vector<16xf32>
      %swap3A_3175 = vector.shape_cast %select_n3A_3169 : vector<16xf32> to vector<1x16xf32>
      tpu.vector_store %arg5[%swap3A_3171, %swap3A_3172], %swap3A_3175 {strides = array<i32>} : memref<16x128xf32, #tpu.memory_space<vmem>>, vector<1x16xf32>,
      %eq3A_3176 = arith.constant 3 : i32
      %eq3A_3177 = vector.broadcast %eq3A_3176 : i32 to vector<16xi32>
      %eq3A_3178 = arith.cmpi eq, %select_n3A_3010, %eq3A_3177 : vector<16xi32>
      %eq3A_3179 = arith.constant 3 : i32
      %eq3A_3180 = vector.broadcast %eq3A_3179 : i32 to vector<16xi32>
      %eq3A_3181 = arith.cmpi eq, %select_n3A_3118, %eq3A_3180 : vector<16xi32>
      %jit3A_3182 = arith.constant 0.000000e+00 : f32
      %broadcast_in_dim3A_3183 = vector.broadcast %jit3A_3182 : f32 to vector<16xf32>
      %select_n3A_3184 = arith.select %eq3A_3181, %mul3A_3127, %broadcast_in_dim3A_3183 : vector<16xi1>, vector<16xf32>
      %select_n3A_3185 = arith.select %eq3A_3178, %div3A_3126, %select_n3A_3184 : vector<16xi1>, vector<16xf32>
      %swap3A_3186 = arith.constant 11 : i32
      %swap3A_3187 = arith.index_cast %swap3A_3186 : i32 to index
      %swap3A_3188 = arith.constant 64 : index
      %swap3A_3189 = tpu.vector_load %arg5[%swap3A_3187, %swap3A_3188] {strides = array<i32>} : memref<16x128xf32, #tpu.memory_space<vmem>>, vector<1x16xf32>,
      %swap3A_3190 = vector.shape_cast %swap3A_3189 : vector<1x16xf32> to vector<16xf32>
      %swap3A_3191 = vector.shape_cast %select_n3A_3185 : vector<16xf32> to vector<1x16xf32>
      tpu.vector_store %arg5[%swap3A_3187, %swap3A_3188], %swap3A_3191 {strides = array<i32>} : memref<16x128xf32, #tpu.memory_space<vmem>>, vector<1x16xf32>,
      %eq3A_3192 = arith.constant 4 : i32
      %eq3A_3193 = vector.broadcast %eq3A_3192 : i32 to vector<16xi32>
      %eq3A_3194 = arith.cmpi eq, %select_n3A_3010, %eq3A_3193 : vector<16xi32>
      %eq3A_3195 = arith.constant 4 : i32
      %eq3A_3196 = vector.broadcast %eq3A_3195 : i32 to vector<16xi32>
      %eq3A_3197 = arith.cmpi eq, %select_n3A_3118, %eq3A_3196 : vector<16xi32>
      %jit3A_3198 = arith.constant 0.000000e+00 : f32
      %broadcast_in_dim3A_3199 = vector.broadcast %jit3A_3198 : f32 to vector<16xf32>
      %select_n3A_3200 = arith.select %eq3A_3197, %mul3A_3127, %broadcast_in_dim3A_3199 : vector<16xi1>, vector<16xf32>
      %select_n3A_3201 = arith.select %eq3A_3194, %div3A_3126, %select_n3A_3200 : vector<16xi1>, vector<16xf32>
      %swap3A_3202 = arith.constant 12 : i32
      %swap3A_3203 = arith.index_cast %swap3A_3202 : i32 to index
      %swap3A_3204 = arith.constant 64 : index
      %swap3A_3205 = tpu.vector_load %arg5[%swap3A_3203, %swap3A_3204] {strides = array<i32>} : memref<16x128xf32, #tpu.memory_space<vmem>>, vector<1x16xf32>,
      %swap3A_3206 = vector.shape_cast %swap3A_3205 : vector<1x16xf32> to vector<16xf32>
      %swap3A_3207 = vector.shape_cast %select_n3A_3201 : vector<16xf32> to vector<1x16xf32>
      tpu.vector_store %arg5[%swap3A_3203, %swap3A_3204], %swap3A_3207 {strides = array<i32>} : memref<16x128xf32, #tpu.memory_space<vmem>>, vector<1x16xf32>,
      %eq3A_3208 = arith.constant 5 : i32
      %eq3A_3209 = vector.broadcast %eq3A_3208 : i32 to vector<16xi32>
      %eq3A_3210 = arith.cmpi eq, %select_n3A_3010, %eq3A_3209 : vector<16xi32>
      %eq3A_3211 = arith.constant 5 : i32
      %eq3A_3212 = vector.broadcast %eq3A_3211 : i32 to vector<16xi32>
      %eq3A_3213 = arith.cmpi eq, %select_n3A_3118, %eq3A_3212 : vector<16xi32>
      %jit3A_3214 = arith.constant 0.000000e+00 : f32
      %broadcast_in_dim3A_3215 = vector.broadcast %jit3A_3214 : f32 to vector<16xf32>
      %select_n3A_3216 = arith.select %eq3A_3213, %mul3A_3127, %broadcast_in_dim3A_3215 : vector<16xi1>, vector<16xf32>
      %select_n3A_3217 = arith.select %eq3A_3210, %div3A_3126, %select_n3A_3216 : vector<16xi1>, vector<16xf32>
      %swap3A_3218 = arith.constant 13 : i32
      %swap3A_3219 = arith.index_cast %swap3A_3218 : i32 to index
      %swap3A_3220 = arith.constant 64 : index
      %swap3A_3221 = tpu.vector_load %arg5[%swap3A_3219, %swap3A_3220] {strides = array<i32>} : memref<16x128xf32, #tpu.memory_space<vmem>>, vector<1x16xf32>,
      %swap3A_3222 = vector.shape_cast %swap3A_3221 : vector<1x16xf32> to vector<16xf32>
      %swap3A_3223 = vector.shape_cast %select_n3A_3217 : vector<16xf32> to vector<1x16xf32>
      tpu.vector_store %arg5[%swap3A_3219, %swap3A_3220], %swap3A_3223 {strides = array<i32>} : memref<16x128xf32, #tpu.memory_space<vmem>>, vector<1x16xf32>,
      %eq3A_3224 = arith.constant 6 : i32
      %eq3A_3225 = vector.broadcast %eq3A_3224 : i32 to vector<16xi32>
      %eq3A_3226 = arith.cmpi eq, %select_n3A_3010, %eq3A_3225 : vector<16xi32>
      %eq3A_3227 = arith.constant 6 : i32
      %eq3A_3228 = vector.broadcast %eq3A_3227 : i32 to vector<16xi32>
      %eq3A_3229 = arith.cmpi eq, %select_n3A_3118, %eq3A_3228 : vector<16xi32>
      %jit3A_3230 = arith.constant 0.000000e+00 : f32
      %broadcast_in_dim3A_3231 = vector.broadcast %jit3A_3230 : f32 to vector<16xf32>
      %select_n3A_3232 = arith.select %eq3A_3229, %mul3A_3127, %broadcast_in_dim3A_3231 : vector<16xi1>, vector<16xf32>
      %select_n3A_3233 = arith.select %eq3A_3226, %div3A_3126, %select_n3A_3232 : vector<16xi1>, vector<16xf32>
      %swap3A_3234 = arith.constant 14 : i32
      %swap3A_3235 = arith.index_cast %swap3A_3234 : i32 to index
      %swap3A_3236 = arith.constant 64 : index
      %swap3A_3237 = tpu.vector_load %arg5[%swap3A_3235, %swap3A_3236] {strides = array<i32>} : memref<16x128xf32, #tpu.memory_space<vmem>>, vector<1x16xf32>,
      %swap3A_3238 = vector.shape_cast %swap3A_3237 : vector<1x16xf32> to vector<16xf32>
      %swap3A_3239 = vector.shape_cast %select_n3A_3233 : vector<16xf32> to vector<1x16xf32>
      tpu.vector_store %arg5[%swap3A_3235, %swap3A_3236], %swap3A_3239 {strides = array<i32>} : memref<16x128xf32, #tpu.memory_space<vmem>>, vector<1x16xf32>,
      %eq3A_3240 = arith.constant 7 : i32
      %eq3A_3241 = vector.broadcast %eq3A_3240 : i32 to vector<16xi32>
      %eq3A_3242 = arith.cmpi eq, %select_n3A_3010, %eq3A_3241 : vector<16xi32>
      %eq3A_3243 = arith.constant 7 : i32
      %eq3A_3244 = vector.broadcast %eq3A_3243 : i32 to vector<16xi32>
      %eq3A_3245 = arith.cmpi eq, %select_n3A_3118, %eq3A_3244 : vector<16xi32>
      %jit3A_3246 = arith.constant 0.000000e+00 : f32
      %broadcast_in_dim3A_3247 = vector.broadcast %jit3A_3246 : f32 to vector<16xf32>
      %select_n3A_3248 = arith.select %eq3A_3245, %mul3A_3127, %broadcast_in_dim3A_3247 : vector<16xi1>, vector<16xf32>
      %select_n3A_3249 = arith.select %eq3A_3242, %div3A_3126, %select_n3A_3248 : vector<16xi1>, vector<16xf32>
      %swap3A_3250 = arith.constant 15 : i32
      %swap3A_3251 = arith.index_cast %swap3A_3250 : i32 to index
      %swap3A_3252 = arith.constant 64 : index
      %swap3A_3253 = tpu.vector_load %arg5[%swap3A_3251, %swap3A_3252] {strides = array<i32>} : memref<16x128xf32, #tpu.memory_space<vmem>>, vector<1x16xf32>,
      %swap3A_3254 = vector.shape_cast %swap3A_3253 : vector<1x16xf32> to vector<16xf32>
      %swap3A_3255 = vector.shape_cast %select_n3A_3249 : vector<16xf32> to vector<1x16xf32>
      tpu.vector_store %arg5[%swap3A_3251, %swap3A_3252], %swap3A_3255 {strides = array<i32>} : memref<16x128xf32, #tpu.memory_space<vmem>>, vector<1x16xf32>,
      %get3A_3256 = arith.constant 0 : i32
      %get3A_3257 = arith.index_cast %get3A_3256 : i32 to index
      %get3A_3258 = arith.constant 80 : index
      %get3A_3259 = tpu.vector_load %arg4[%get3A_3257, %get3A_3258] {strides = array<i32>} : memref<16x128xf32, #tpu.memory_space<vmem>>, vector<1x16xf32>,
      %get3A_3260 = vector.shape_cast %get3A_3259 : vector<1x16xf32> to vector<16xf32>
      %get3A_3261 = arith.constant 1 : i32
      %get3A_3262 = arith.index_cast %get3A_3261 : i32 to index
      %get3A_3263 = arith.constant 80 : index
      %get3A_3264 = tpu.vector_load %arg4[%get3A_3262, %get3A_3263] {strides = array<i32>} : memref<16x128xf32, #tpu.memory_space<vmem>>, vector<1x16xf32>,
      %get3A_3265 = vector.shape_cast %get3A_3264 : vector<1x16xf32> to vector<16xf32>
      %get3A_3266 = arith.constant 2 : i32
      %get3A_3267 = arith.index_cast %get3A_3266 : i32 to index
      %get3A_3268 = arith.constant 80 : index
      %get3A_3269 = tpu.vector_load %arg4[%get3A_3267, %get3A_3268] {strides = array<i32>} : memref<16x128xf32, #tpu.memory_space<vmem>>, vector<1x16xf32>,
      %get3A_3270 = vector.shape_cast %get3A_3269 : vector<1x16xf32> to vector<16xf32>
      %get3A_3271 = arith.constant 3 : i32
      %get3A_3272 = arith.index_cast %get3A_3271 : i32 to index
      %get3A_3273 = arith.constant 80 : index
      %get3A_3274 = tpu.vector_load %arg4[%get3A_3272, %get3A_3273] {strides = array<i32>} : memref<16x128xf32, #tpu.memory_space<vmem>>, vector<1x16xf32>,
      %get3A_3275 = vector.shape_cast %get3A_3274 : vector<1x16xf32> to vector<16xf32>
      %get3A_3276 = arith.constant 4 : i32
      %get3A_3277 = arith.index_cast %get3A_3276 : i32 to index
      %get3A_3278 = arith.constant 80 : index
      %get3A_3279 = tpu.vector_load %arg4[%get3A_3277, %get3A_3278] {strides = array<i32>} : memref<16x128xf32, #tpu.memory_space<vmem>>, vector<1x16xf32>,
      %get3A_3280 = vector.shape_cast %get3A_3279 : vector<1x16xf32> to vector<16xf32>
      %get3A_3281 = arith.constant 5 : i32
      %get3A_3282 = arith.index_cast %get3A_3281 : i32 to index
      %get3A_3283 = arith.constant 80 : index
      %get3A_3284 = tpu.vector_load %arg4[%get3A_3282, %get3A_3283] {strides = array<i32>} : memref<16x128xf32, #tpu.memory_space<vmem>>, vector<1x16xf32>,
      %get3A_3285 = vector.shape_cast %get3A_3284 : vector<1x16xf32> to vector<16xf32>
      %get3A_3286 = arith.constant 6 : i32
      %get3A_3287 = arith.index_cast %get3A_3286 : i32 to index
      %get3A_3288 = arith.constant 80 : index
      %get3A_3289 = tpu.vector_load %arg4[%get3A_3287, %get3A_3288] {strides = array<i32>} : memref<16x128xf32, #tpu.memory_space<vmem>>, vector<1x16xf32>,
      %get3A_3290 = vector.shape_cast %get3A_3289 : vector<1x16xf32> to vector<16xf32>
      %get3A_3291 = arith.constant 7 : i32
      %get3A_3292 = arith.index_cast %get3A_3291 : i32 to index
      %get3A_3293 = arith.constant 80 : index
      %get3A_3294 = tpu.vector_load %arg4[%get3A_3292, %get3A_3293] {strides = array<i32>} : memref<16x128xf32, #tpu.memory_space<vmem>>, vector<1x16xf32>,
      %get3A_3295 = vector.shape_cast %get3A_3294 : vector<1x16xf32> to vector<16xf32>
      %max3A_3296 = arith.maximumf %get3A_3260, %get3A_3265 : vector<16xf32>
      %max3A_3297 = arith.maximumf %max3A_3296, %get3A_3270 : vector<16xf32>
      %max3A_3298 = arith.maximumf %max3A_3297, %get3A_3275 : vector<16xf32>
      %max3A_3299 = arith.maximumf %max3A_3298, %get3A_3280 : vector<16xf32>
      %max3A_3300 = arith.maximumf %max3A_3299, %get3A_3285 : vector<16xf32>
      %max3A_3301 = arith.maximumf %max3A_3300, %get3A_3290 : vector<16xf32>
      %max3A_3302 = arith.maximumf %max3A_3301, %get3A_3295 : vector<16xf32>
      %broadcast_in_dim3A_3303 = arith.constant 8 : i32
      %broadcast_in_dim3A_3304 = vector.broadcast %broadcast_in_dim3A_3303 : i32 to vector<16xi32>
      %eq3A_3305 = arith.cmpf oeq, %get3A_3295, %max3A_3302 : vector<16xf32>
      %jit3A_3306 = arith.constant 7 : i32
      %broadcast_in_dim3A_3307 = vector.broadcast %jit3A_3306 : i32 to vector<16xi32>
      %select_n3A_3308 = arith.select %eq3A_3305, %broadcast_in_dim3A_3307, %broadcast_in_dim3A_3304 : vector<16xi1>, vector<16xi32>
      %eq3A_3309 = arith.cmpf oeq, %get3A_3290, %max3A_3302 : vector<16xf32>
      %jit3A_3310 = arith.constant 6 : i32
      %broadcast_in_dim3A_3311 = vector.broadcast %jit3A_3310 : i32 to vector<16xi32>
      %select_n3A_3312 = arith.select %eq3A_3309, %broadcast_in_dim3A_3311, %select_n3A_3308 : vector<16xi1>, vector<16xi32>
      %eq3A_3313 = arith.cmpf oeq, %get3A_3285, %max3A_3302 : vector<16xf32>
      %jit3A_3314 = arith.constant 5 : i32
      %broadcast_in_dim3A_3315 = vector.broadcast %jit3A_3314 : i32 to vector<16xi32>
      %select_n3A_3316 = arith.select %eq3A_3313, %broadcast_in_dim3A_3315, %select_n3A_3312 : vector<16xi1>, vector<16xi32>
      %eq3A_3317 = arith.cmpf oeq, %get3A_3280, %max3A_3302 : vector<16xf32>
      %jit3A_3318 = arith.constant 4 : i32
      %broadcast_in_dim3A_3319 = vector.broadcast %jit3A_3318 : i32 to vector<16xi32>
      %select_n3A_3320 = arith.select %eq3A_3317, %broadcast_in_dim3A_3319, %select_n3A_3316 : vector<16xi1>, vector<16xi32>
      %eq3A_3321 = arith.cmpf oeq, %get3A_3275, %max3A_3302 : vector<16xf32>
      %jit3A_3322 = arith.constant 3 : i32
      %broadcast_in_dim3A_3323 = vector.broadcast %jit3A_3322 : i32 to vector<16xi32>
      %select_n3A_3324 = arith.select %eq3A_3321, %broadcast_in_dim3A_3323, %select_n3A_3320 : vector<16xi1>, vector<16xi32>
      %eq3A_3325 = arith.cmpf oeq, %get3A_3270, %max3A_3302 : vector<16xf32>
      %jit3A_3326 = arith.constant 2 : i32
      %broadcast_in_dim3A_3327 = vector.broadcast %jit3A_3326 : i32 to vector<16xi32>
      %select_n3A_3328 = arith.select %eq3A_3325, %broadcast_in_dim3A_3327, %select_n3A_3324 : vector<16xi1>, vector<16xi32>
      %eq3A_3329 = arith.cmpf oeq, %get3A_3265, %max3A_3302 : vector<16xf32>
      %jit3A_3330 = arith.constant 1 : i32
      %broadcast_in_dim3A_3331 = vector.broadcast %jit3A_3330 : i32 to vector<16xi32>
      %select_n3A_3332 = arith.select %eq3A_3329, %broadcast_in_dim3A_3331, %select_n3A_3328 : vector<16xi1>, vector<16xi32>
      %eq3A_3333 = arith.cmpf oeq, %get3A_3260, %max3A_3302 : vector<16xf32>
      %jit3A_3334 = arith.constant 0 : i32
      %broadcast_in_dim3A_3335 = vector.broadcast %jit3A_3334 : i32 to vector<16xi32>
      %select_n3A_3336 = arith.select %eq3A_3333, %broadcast_in_dim3A_3335, %select_n3A_3332 : vector<16xi1>, vector<16xi32>
      %broadcast_in_dim3A_3337 = arith.constant 0xFF800000 : f32
      %broadcast_in_dim3A_3338 = vector.broadcast %broadcast_in_dim3A_3337 : f32 to vector<16xf32>
      %eq3A_3339 = arith.constant 0 : i32
      %eq3A_3340 = vector.broadcast %eq3A_3339 : i32 to vector<16xi32>
      %eq3A_3341 = arith.cmpi eq, %select_n3A_3336, %eq3A_3340 : vector<16xi32>
      %max3A_3342 = arith.maximumf %broadcast_in_dim3A_3338, %get3A_3260 : vector<16xf32>
      %select_n3A_3343 = arith.select %eq3A_3341, %broadcast_in_dim3A_3338, %max3A_3342 : vector<16xi1>, vector<16xf32>
      %eq3A_3344 = arith.constant 1 : i32
      %eq3A_3345 = vector.broadcast %eq3A_3344 : i32 to vector<16xi32>
      %eq3A_3346 = arith.cmpi eq, %select_n3A_3336, %eq3A_3345 : vector<16xi32>
      %max3A_3347 = arith.maximumf %select_n3A_3343, %get3A_3265 : vector<16xf32>
      %select_n3A_3348 = arith.select %eq3A_3346, %select_n3A_3343, %max3A_3347 : vector<16xi1>, vector<16xf32>
      %eq3A_3349 = arith.constant 2 : i32
      %eq3A_3350 = vector.broadcast %eq3A_3349 : i32 to vector<16xi32>
      %eq3A_3351 = arith.cmpi eq, %select_n3A_3336, %eq3A_3350 : vector<16xi32>
      %max3A_3352 = arith.maximumf %select_n3A_3348, %get3A_3270 : vector<16xf32>
      %select_n3A_3353 = arith.select %eq3A_3351, %select_n3A_3348, %max3A_3352 : vector<16xi1>, vector<16xf32>
      %eq3A_3354 = arith.constant 3 : i32
      %eq3A_3355 = vector.broadcast %eq3A_3354 : i32 to vector<16xi32>
      %eq3A_3356 = arith.cmpi eq, %select_n3A_3336, %eq3A_3355 : vector<16xi32>
      %max3A_3357 = arith.maximumf %select_n3A_3353, %get3A_3275 : vector<16xf32>
      %select_n3A_3358 = arith.select %eq3A_3356, %select_n3A_3353, %max3A_3357 : vector<16xi1>, vector<16xf32>
      %eq3A_3359 = arith.constant 4 : i32
      %eq3A_3360 = vector.broadcast %eq3A_3359 : i32 to vector<16xi32>
      %eq3A_3361 = arith.cmpi eq, %select_n3A_3336, %eq3A_3360 : vector<16xi32>
      %max3A_3362 = arith.maximumf %select_n3A_3358, %get3A_3280 : vector<16xf32>
      %select_n3A_3363 = arith.select %eq3A_3361, %select_n3A_3358, %max3A_3362 : vector<16xi1>, vector<16xf32>
      %eq3A_3364 = arith.constant 5 : i32
      %eq3A_3365 = vector.broadcast %eq3A_3364 : i32 to vector<16xi32>
      %eq3A_3366 = arith.cmpi eq, %select_n3A_3336, %eq3A_3365 : vector<16xi32>
      %max3A_3367 = arith.maximumf %select_n3A_3363, %get3A_3285 : vector<16xf32>
      %select_n3A_3368 = arith.select %eq3A_3366, %select_n3A_3363, %max3A_3367 : vector<16xi1>, vector<16xf32>
      %eq3A_3369 = arith.constant 6 : i32
      %eq3A_3370 = vector.broadcast %eq3A_3369 : i32 to vector<16xi32>
      %eq3A_3371 = arith.cmpi eq, %select_n3A_3336, %eq3A_3370 : vector<16xi32>
      %max3A_3372 = arith.maximumf %select_n3A_3368, %get3A_3290 : vector<16xf32>
      %select_n3A_3373 = arith.select %eq3A_3371, %select_n3A_3368, %max3A_3372 : vector<16xi1>, vector<16xf32>
      %eq3A_3374 = arith.constant 7 : i32
      %eq3A_3375 = vector.broadcast %eq3A_3374 : i32 to vector<16xi32>
      %eq3A_3376 = arith.cmpi eq, %select_n3A_3336, %eq3A_3375 : vector<16xi32>
      %max3A_3377 = arith.maximumf %select_n3A_3373, %get3A_3295 : vector<16xf32>
      %select_n3A_3378 = arith.select %eq3A_3376, %select_n3A_3373, %max3A_3377 : vector<16xi1>, vector<16xf32>
      %broadcast_in_dim3A_3379 = arith.constant 8 : i32
      %broadcast_in_dim3A_3380 = vector.broadcast %broadcast_in_dim3A_3379 : i32 to vector<16xi32>
      %eq3A_3381 = arith.cmpf oeq, %get3A_3295, %select_n3A_3378 : vector<16xf32>
      %ne3A_3382 = arith.constant 7 : i32
      %ne3A_3383 = vector.broadcast %ne3A_3382 : i32 to vector<16xi32>
      %ne3A_3384 = arith.cmpi ne, %select_n3A_3336, %ne3A_3383 : vector<16xi32>
      %and3A_3385 = arith.andi %eq3A_3381, %ne3A_3384 : vector<16xi1>
      %jit3A_3386 = arith.constant 7 : i32
      %broadcast_in_dim3A_3387 = vector.broadcast %jit3A_3386 : i32 to vector<16xi32>
      %select_n3A_3388 = arith.select %and3A_3385, %broadcast_in_dim3A_3387, %broadcast_in_dim3A_3380 : vector<16xi1>, vector<16xi32>
      %eq3A_3389 = arith.cmpf oeq, %get3A_3290, %select_n3A_3378 : vector<16xf32>
      %ne3A_3390 = arith.constant 6 : i32
      %ne3A_3391 = vector.broadcast %ne3A_3390 : i32 to vector<16xi32>
      %ne3A_3392 = arith.cmpi ne, %select_n3A_3336, %ne3A_3391 : vector<16xi32>
      %and3A_3393 = arith.andi %eq3A_3389, %ne3A_3392 : vector<16xi1>
      %jit3A_3394 = arith.constant 6 : i32
      %broadcast_in_dim3A_3395 = vector.broadcast %jit3A_3394 : i32 to vector<16xi32>
      %select_n3A_3396 = arith.select %and3A_3393, %broadcast_in_dim3A_3395, %select_n3A_3388 : vector<16xi1>, vector<16xi32>
      %eq3A_3397 = arith.cmpf oeq, %get3A_3285, %select_n3A_3378 : vector<16xf32>
      %ne3A_3398 = arith.constant 5 : i32
      %ne3A_3399 = vector.broadcast %ne3A_3398 : i32 to vector<16xi32>
      %ne3A_3400 = arith.cmpi ne, %select_n3A_3336, %ne3A_3399 : vector<16xi32>
      %and3A_3401 = arith.andi %eq3A_3397, %ne3A_3400 : vector<16xi1>
      %jit3A_3402 = arith.constant 5 : i32
      %broadcast_in_dim3A_3403 = vector.broadcast %jit3A_3402 : i32 to vector<16xi32>
      %select_n3A_3404 = arith.select %and3A_3401, %broadcast_in_dim3A_3403, %select_n3A_3396 : vector<16xi1>, vector<16xi32>
      %eq3A_3405 = arith.cmpf oeq, %get3A_3280, %select_n3A_3378 : vector<16xf32>
      %ne3A_3406 = arith.constant 4 : i32
      %ne3A_3407 = vector.broadcast %ne3A_3406 : i32 to vector<16xi32>
      %ne3A_3408 = arith.cmpi ne, %select_n3A_3336, %ne3A_3407 : vector<16xi32>
      %and3A_3409 = arith.andi %eq3A_3405, %ne3A_3408 : vector<16xi1>
      %jit3A_3410 = arith.constant 4 : i32
      %broadcast_in_dim3A_3411 = vector.broadcast %jit3A_3410 : i32 to vector<16xi32>
      %select_n3A_3412 = arith.select %and3A_3409, %broadcast_in_dim3A_3411, %select_n3A_3404 : vector<16xi1>, vector<16xi32>
      %eq3A_3413 = arith.cmpf oeq, %get3A_3275, %select_n3A_3378 : vector<16xf32>
      %ne3A_3414 = arith.constant 3 : i32
      %ne3A_3415 = vector.broadcast %ne3A_3414 : i32 to vector<16xi32>
      %ne3A_3416 = arith.cmpi ne, %select_n3A_3336, %ne3A_3415 : vector<16xi32>
      %and3A_3417 = arith.andi %eq3A_3413, %ne3A_3416 : vector<16xi1>
      %jit3A_3418 = arith.constant 3 : i32
      %broadcast_in_dim3A_3419 = vector.broadcast %jit3A_3418 : i32 to vector<16xi32>
      %select_n3A_3420 = arith.select %and3A_3417, %broadcast_in_dim3A_3419, %select_n3A_3412 : vector<16xi1>, vector<16xi32>
      %eq3A_3421 = arith.cmpf oeq, %get3A_3270, %select_n3A_3378 : vector<16xf32>
      %ne3A_3422 = arith.constant 2 : i32
      %ne3A_3423 = vector.broadcast %ne3A_3422 : i32 to vector<16xi32>
      %ne3A_3424 = arith.cmpi ne, %select_n3A_3336, %ne3A_3423 : vector<16xi32>
      %and3A_3425 = arith.andi %eq3A_3421, %ne3A_3424 : vector<16xi1>
      %jit3A_3426 = arith.constant 2 : i32
      %broadcast_in_dim3A_3427 = vector.broadcast %jit3A_3426 : i32 to vector<16xi32>
      %select_n3A_3428 = arith.select %and3A_3425, %broadcast_in_dim3A_3427, %select_n3A_3420 : vector<16xi1>, vector<16xi32>
      %eq3A_3429 = arith.cmpf oeq, %get3A_3265, %select_n3A_3378 : vector<16xf32>
      %ne3A_3430 = arith.constant 1 : i32
      %ne3A_3431 = vector.broadcast %ne3A_3430 : i32 to vector<16xi32>
      %ne3A_3432 = arith.cmpi ne, %select_n3A_3336, %ne3A_3431 : vector<16xi32>
      %and3A_3433 = arith.andi %eq3A_3429, %ne3A_3432 : vector<16xi1>
      %jit3A_3434 = arith.constant 1 : i32
      %broadcast_in_dim3A_3435 = vector.broadcast %jit3A_3434 : i32 to vector<16xi32>
      %select_n3A_3436 = arith.select %and3A_3433, %broadcast_in_dim3A_3435, %select_n3A_3428 : vector<16xi1>, vector<16xi32>
      %eq3A_3437 = arith.cmpf oeq, %get3A_3260, %select_n3A_3378 : vector<16xf32>
      %ne3A_3438 = arith.constant 0 : i32
      %ne3A_3439 = vector.broadcast %ne3A_3438 : i32 to vector<16xi32>
      %ne3A_3440 = arith.cmpi ne, %select_n3A_3336, %ne3A_3439 : vector<16xi32>
      %and3A_3441 = arith.andi %eq3A_3437, %ne3A_3440 : vector<16xi1>
      %jit3A_3442 = arith.constant 0 : i32
      %broadcast_in_dim3A_3443 = vector.broadcast %jit3A_3442 : i32 to vector<16xi32>
      %select_n3A_3444 = arith.select %and3A_3441, %broadcast_in_dim3A_3443, %select_n3A_3436 : vector<16xi1>, vector<16xi32>
      %sub3A_3445 = arith.subf %select_n3A_3378, %max3A_3302 : vector<16xf32>
      %exp3A_3446 = math.exp %sub3A_3445 : vector<16xf32>
      %add3A_3447 = arith.constant 1.000000e+00 : f32
      %add3A_3448 = vector.broadcast %add3A_3447 : f32 to vector<16xf32>
      %add3A_3449 = arith.addf %add3A_3448, %exp3A_3446 : vector<16xf32>
      %div3A_3450 = arith.constant 1.000000e+00 : f32
      %div3A_3451 = vector.broadcast %div3A_3450 : f32 to vector<16xf32>
      %div3A_3452 = arith.divf %div3A_3451, %add3A_3449 : vector<16xf32>
      %mul3A_3453 = arith.mulf %exp3A_3446, %div3A_3452 : vector<16xf32>
      %eq3A_3454 = arith.constant 0 : i32
      %eq3A_3455 = vector.broadcast %eq3A_3454 : i32 to vector<16xi32>
      %eq3A_3456 = arith.cmpi eq, %select_n3A_3336, %eq3A_3455 : vector<16xi32>
      %eq3A_3457 = arith.constant 0 : i32
      %eq3A_3458 = vector.broadcast %eq3A_3457 : i32 to vector<16xi32>
      %eq3A_3459 = arith.cmpi eq, %select_n3A_3444, %eq3A_3458 : vector<16xi32>
      %jit3A_3460 = arith.constant 0.000000e+00 : f32
      %broadcast_in_dim3A_3461 = vector.broadcast %jit3A_3460 : f32 to vector<16xf32>
      %select_n3A_3462 = arith.select %eq3A_3459, %mul3A_3453, %broadcast_in_dim3A_3461 : vector<16xi1>, vector<16xf32>
      %select_n3A_3463 = arith.select %eq3A_3456, %div3A_3452, %select_n3A_3462 : vector<16xi1>, vector<16xf32>
      %swap3A_3464 = arith.constant 0 : i32
      %swap3A_3465 = arith.index_cast %swap3A_3464 : i32 to index
      %swap3A_3466 = arith.constant 80 : index
      %swap3A_3467 = tpu.vector_load %arg5[%swap3A_3465, %swap3A_3466] {strides = array<i32>} : memref<16x128xf32, #tpu.memory_space<vmem>>, vector<1x16xf32>,
      %swap3A_3468 = vector.shape_cast %swap3A_3467 : vector<1x16xf32> to vector<16xf32>
      %swap3A_3469 = vector.shape_cast %select_n3A_3463 : vector<16xf32> to vector<1x16xf32>
      tpu.vector_store %arg5[%swap3A_3465, %swap3A_3466], %swap3A_3469 {strides = array<i32>} : memref<16x128xf32, #tpu.memory_space<vmem>>, vector<1x16xf32>,
      %eq3A_3470 = arith.constant 1 : i32
      %eq3A_3471 = vector.broadcast %eq3A_3470 : i32 to vector<16xi32>
      %eq3A_3472 = arith.cmpi eq, %select_n3A_3336, %eq3A_3471 : vector<16xi32>
      %eq3A_3473 = arith.constant 1 : i32
      %eq3A_3474 = vector.broadcast %eq3A_3473 : i32 to vector<16xi32>
      %eq3A_3475 = arith.cmpi eq, %select_n3A_3444, %eq3A_3474 : vector<16xi32>
      %jit3A_3476 = arith.constant 0.000000e+00 : f32
      %broadcast_in_dim3A_3477 = vector.broadcast %jit3A_3476 : f32 to vector<16xf32>
      %select_n3A_3478 = arith.select %eq3A_3475, %mul3A_3453, %broadcast_in_dim3A_3477 : vector<16xi1>, vector<16xf32>
      %select_n3A_3479 = arith.select %eq3A_3472, %div3A_3452, %select_n3A_3478 : vector<16xi1>, vector<16xf32>
      %swap3A_3480 = arith.constant 1 : i32
      %swap3A_3481 = arith.index_cast %swap3A_3480 : i32 to index
      %swap3A_3482 = arith.constant 80 : index
      %swap3A_3483 = tpu.vector_load %arg5[%swap3A_3481, %swap3A_3482] {strides = array<i32>} : memref<16x128xf32, #tpu.memory_space<vmem>>, vector<1x16xf32>,
      %swap3A_3484 = vector.shape_cast %swap3A_3483 : vector<1x16xf32> to vector<16xf32>
      %swap3A_3485 = vector.shape_cast %select_n3A_3479 : vector<16xf32> to vector<1x16xf32>
      tpu.vector_store %arg5[%swap3A_3481, %swap3A_3482], %swap3A_3485 {strides = array<i32>} : memref<16x128xf32, #tpu.memory_space<vmem>>, vector<1x16xf32>,
      %eq3A_3486 = arith.constant 2 : i32
      %eq3A_3487 = vector.broadcast %eq3A_3486 : i32 to vector<16xi32>
      %eq3A_3488 = arith.cmpi eq, %select_n3A_3336, %eq3A_3487 : vector<16xi32>
      %eq3A_3489 = arith.constant 2 : i32
      %eq3A_3490 = vector.broadcast %eq3A_3489 : i32 to vector<16xi32>
      %eq3A_3491 = arith.cmpi eq, %select_n3A_3444, %eq3A_3490 : vector<16xi32>
      %jit3A_3492 = arith.constant 0.000000e+00 : f32
      %broadcast_in_dim3A_3493 = vector.broadcast %jit3A_3492 : f32 to vector<16xf32>
      %select_n3A_3494 = arith.select %eq3A_3491, %mul3A_3453, %broadcast_in_dim3A_3493 : vector<16xi1>, vector<16xf32>
      %select_n3A_3495 = arith.select %eq3A_3488, %div3A_3452, %select_n3A_3494 : vector<16xi1>, vector<16xf32>
      %swap3A_3496 = arith.constant 2 : i32
      %swap3A_3497 = arith.index_cast %swap3A_3496 : i32 to index
      %swap3A_3498 = arith.constant 80 : index
      %swap3A_3499 = tpu.vector_load %arg5[%swap3A_3497, %swap3A_3498] {strides = array<i32>} : memref<16x128xf32, #tpu.memory_space<vmem>>, vector<1x16xf32>,
      %swap3A_3500 = vector.shape_cast %swap3A_3499 : vector<1x16xf32> to vector<16xf32>
      %swap3A_3501 = vector.shape_cast %select_n3A_3495 : vector<16xf32> to vector<1x16xf32>
      tpu.vector_store %arg5[%swap3A_3497, %swap3A_3498], %swap3A_3501 {strides = array<i32>} : memref<16x128xf32, #tpu.memory_space<vmem>>, vector<1x16xf32>,
      %eq3A_3502 = arith.constant 3 : i32
      %eq3A_3503 = vector.broadcast %eq3A_3502 : i32 to vector<16xi32>
      %eq3A_3504 = arith.cmpi eq, %select_n3A_3336, %eq3A_3503 : vector<16xi32>
      %eq3A_3505 = arith.constant 3 : i32
      %eq3A_3506 = vector.broadcast %eq3A_3505 : i32 to vector<16xi32>
      %eq3A_3507 = arith.cmpi eq, %select_n3A_3444, %eq3A_3506 : vector<16xi32>
      %jit3A_3508 = arith.constant 0.000000e+00 : f32
      %broadcast_in_dim3A_3509 = vector.broadcast %jit3A_3508 : f32 to vector<16xf32>
      %select_n3A_3510 = arith.select %eq3A_3507, %mul3A_3453, %broadcast_in_dim3A_3509 : vector<16xi1>, vector<16xf32>
      %select_n3A_3511 = arith.select %eq3A_3504, %div3A_3452, %select_n3A_3510 : vector<16xi1>, vector<16xf32>
      %swap3A_3512 = arith.constant 3 : i32
      %swap3A_3513 = arith.index_cast %swap3A_3512 : i32 to index
      %swap3A_3514 = arith.constant 80 : index
      %swap3A_3515 = tpu.vector_load %arg5[%swap3A_3513, %swap3A_3514] {strides = array<i32>} : memref<16x128xf32, #tpu.memory_space<vmem>>, vector<1x16xf32>,
      %swap3A_3516 = vector.shape_cast %swap3A_3515 : vector<1x16xf32> to vector<16xf32>
      %swap3A_3517 = vector.shape_cast %select_n3A_3511 : vector<16xf32> to vector<1x16xf32>
      tpu.vector_store %arg5[%swap3A_3513, %swap3A_3514], %swap3A_3517 {strides = array<i32>} : memref<16x128xf32, #tpu.memory_space<vmem>>, vector<1x16xf32>,
      %eq3A_3518 = arith.constant 4 : i32
      %eq3A_3519 = vector.broadcast %eq3A_3518 : i32 to vector<16xi32>
      %eq3A_3520 = arith.cmpi eq, %select_n3A_3336, %eq3A_3519 : vector<16xi32>
      %eq3A_3521 = arith.constant 4 : i32
      %eq3A_3522 = vector.broadcast %eq3A_3521 : i32 to vector<16xi32>
      %eq3A_3523 = arith.cmpi eq, %select_n3A_3444, %eq3A_3522 : vector<16xi32>
      %jit3A_3524 = arith.constant 0.000000e+00 : f32
      %broadcast_in_dim3A_3525 = vector.broadcast %jit3A_3524 : f32 to vector<16xf32>
      %select_n3A_3526 = arith.select %eq3A_3523, %mul3A_3453, %broadcast_in_dim3A_3525 : vector<16xi1>, vector<16xf32>
      %select_n3A_3527 = arith.select %eq3A_3520, %div3A_3452, %select_n3A_3526 : vector<16xi1>, vector<16xf32>
      %swap3A_3528 = arith.constant 4 : i32
      %swap3A_3529 = arith.index_cast %swap3A_3528 : i32 to index
      %swap3A_3530 = arith.constant 80 : index
      %swap3A_3531 = tpu.vector_load %arg5[%swap3A_3529, %swap3A_3530] {strides = array<i32>} : memref<16x128xf32, #tpu.memory_space<vmem>>, vector<1x16xf32>,
      %swap3A_3532 = vector.shape_cast %swap3A_3531 : vector<1x16xf32> to vector<16xf32>
      %swap3A_3533 = vector.shape_cast %select_n3A_3527 : vector<16xf32> to vector<1x16xf32>
      tpu.vector_store %arg5[%swap3A_3529, %swap3A_3530], %swap3A_3533 {strides = array<i32>} : memref<16x128xf32, #tpu.memory_space<vmem>>, vector<1x16xf32>,
      %eq3A_3534 = arith.constant 5 : i32
      %eq3A_3535 = vector.broadcast %eq3A_3534 : i32 to vector<16xi32>
      %eq3A_3536 = arith.cmpi eq, %select_n3A_3336, %eq3A_3535 : vector<16xi32>
      %eq3A_3537 = arith.constant 5 : i32
      %eq3A_3538 = vector.broadcast %eq3A_3537 : i32 to vector<16xi32>
      %eq3A_3539 = arith.cmpi eq, %select_n3A_3444, %eq3A_3538 : vector<16xi32>
      %jit3A_3540 = arith.constant 0.000000e+00 : f32
      %broadcast_in_dim3A_3541 = vector.broadcast %jit3A_3540 : f32 to vector<16xf32>
      %select_n3A_3542 = arith.select %eq3A_3539, %mul3A_3453, %broadcast_in_dim3A_3541 : vector<16xi1>, vector<16xf32>
      %select_n3A_3543 = arith.select %eq3A_3536, %div3A_3452, %select_n3A_3542 : vector<16xi1>, vector<16xf32>
      %swap3A_3544 = arith.constant 5 : i32
      %swap3A_3545 = arith.index_cast %swap3A_3544 : i32 to index
      %swap3A_3546 = arith.constant 80 : index
      %swap3A_3547 = tpu.vector_load %arg5[%swap3A_3545, %swap3A_3546] {strides = array<i32>} : memref<16x128xf32, #tpu.memory_space<vmem>>, vector<1x16xf32>,
      %swap3A_3548 = vector.shape_cast %swap3A_3547 : vector<1x16xf32> to vector<16xf32>
      %swap3A_3549 = vector.shape_cast %select_n3A_3543 : vector<16xf32> to vector<1x16xf32>
      tpu.vector_store %arg5[%swap3A_3545, %swap3A_3546], %swap3A_3549 {strides = array<i32>} : memref<16x128xf32, #tpu.memory_space<vmem>>, vector<1x16xf32>,
      %eq3A_3550 = arith.constant 6 : i32
      %eq3A_3551 = vector.broadcast %eq3A_3550 : i32 to vector<16xi32>
      %eq3A_3552 = arith.cmpi eq, %select_n3A_3336, %eq3A_3551 : vector<16xi32>
      %eq3A_3553 = arith.constant 6 : i32
      %eq3A_3554 = vector.broadcast %eq3A_3553 : i32 to vector<16xi32>
      %eq3A_3555 = arith.cmpi eq, %select_n3A_3444, %eq3A_3554 : vector<16xi32>
      %jit3A_3556 = arith.constant 0.000000e+00 : f32
      %broadcast_in_dim3A_3557 = vector.broadcast %jit3A_3556 : f32 to vector<16xf32>
      %select_n3A_3558 = arith.select %eq3A_3555, %mul3A_3453, %broadcast_in_dim3A_3557 : vector<16xi1>, vector<16xf32>
      %select_n3A_3559 = arith.select %eq3A_3552, %div3A_3452, %select_n3A_3558 : vector<16xi1>, vector<16xf32>
      %swap3A_3560 = arith.constant 6 : i32
      %swap3A_3561 = arith.index_cast %swap3A_3560 : i32 to index
      %swap3A_3562 = arith.constant 80 : index
      %swap3A_3563 = tpu.vector_load %arg5[%swap3A_3561, %swap3A_3562] {strides = array<i32>} : memref<16x128xf32, #tpu.memory_space<vmem>>, vector<1x16xf32>,
      %swap3A_3564 = vector.shape_cast %swap3A_3563 : vector<1x16xf32> to vector<16xf32>
      %swap3A_3565 = vector.shape_cast %select_n3A_3559 : vector<16xf32> to vector<1x16xf32>
      tpu.vector_store %arg5[%swap3A_3561, %swap3A_3562], %swap3A_3565 {strides = array<i32>} : memref<16x128xf32, #tpu.memory_space<vmem>>, vector<1x16xf32>,
      %eq3A_3566 = arith.constant 7 : i32
      %eq3A_3567 = vector.broadcast %eq3A_3566 : i32 to vector<16xi32>
      %eq3A_3568 = arith.cmpi eq, %select_n3A_3336, %eq3A_3567 : vector<16xi32>
      %eq3A_3569 = arith.constant 7 : i32
      %eq3A_3570 = vector.broadcast %eq3A_3569 : i32 to vector<16xi32>
      %eq3A_3571 = arith.cmpi eq, %select_n3A_3444, %eq3A_3570 : vector<16xi32>
      %jit3A_3572 = arith.constant 0.000000e+00 : f32
      %broadcast_in_dim3A_3573 = vector.broadcast %jit3A_3572 : f32 to vector<16xf32>
      %select_n3A_3574 = arith.select %eq3A_3571, %mul3A_3453, %broadcast_in_dim3A_3573 : vector<16xi1>, vector<16xf32>
      %select_n3A_3575 = arith.select %eq3A_3568, %div3A_3452, %select_n3A_3574 : vector<16xi1>, vector<16xf32>
      %swap3A_3576 = arith.constant 7 : i32
      %swap3A_3577 = arith.index_cast %swap3A_3576 : i32 to index
      %swap3A_3578 = arith.constant 80 : index
      %swap3A_3579 = tpu.vector_load %arg5[%swap3A_3577, %swap3A_3578] {strides = array<i32>} : memref<16x128xf32, #tpu.memory_space<vmem>>, vector<1x16xf32>,
      %swap3A_3580 = vector.shape_cast %swap3A_3579 : vector<1x16xf32> to vector<16xf32>
      %swap3A_3581 = vector.shape_cast %select_n3A_3575 : vector<16xf32> to vector<1x16xf32>
      tpu.vector_store %arg5[%swap3A_3577, %swap3A_3578], %swap3A_3581 {strides = array<i32>} : memref<16x128xf32, #tpu.memory_space<vmem>>, vector<1x16xf32>,
      %get3A_3582 = arith.constant 8 : i32
      %get3A_3583 = arith.index_cast %get3A_3582 : i32 to index
      %get3A_3584 = arith.constant 80 : index
      %get3A_3585 = tpu.vector_load %arg4[%get3A_3583, %get3A_3584] {strides = array<i32>} : memref<16x128xf32, #tpu.memory_space<vmem>>, vector<1x16xf32>,
      %get3A_3586 = vector.shape_cast %get3A_3585 : vector<1x16xf32> to vector<16xf32>
      %get3A_3587 = arith.constant 9 : i32
      %get3A_3588 = arith.index_cast %get3A_3587 : i32 to index
      %get3A_3589 = arith.constant 80 : index
      %get3A_3590 = tpu.vector_load %arg4[%get3A_3588, %get3A_3589] {strides = array<i32>} : memref<16x128xf32, #tpu.memory_space<vmem>>, vector<1x16xf32>,
      %get3A_3591 = vector.shape_cast %get3A_3590 : vector<1x16xf32> to vector<16xf32>
      %get3A_3592 = arith.constant 10 : i32
      %get3A_3593 = arith.index_cast %get3A_3592 : i32 to index
      %get3A_3594 = arith.constant 80 : index
      %get3A_3595 = tpu.vector_load %arg4[%get3A_3593, %get3A_3594] {strides = array<i32>} : memref<16x128xf32, #tpu.memory_space<vmem>>, vector<1x16xf32>,
      %get3A_3596 = vector.shape_cast %get3A_3595 : vector<1x16xf32> to vector<16xf32>
      %get3A_3597 = arith.constant 11 : i32
      %get3A_3598 = arith.index_cast %get3A_3597 : i32 to index
      %get3A_3599 = arith.constant 80 : index
      %get3A_3600 = tpu.vector_load %arg4[%get3A_3598, %get3A_3599] {strides = array<i32>} : memref<16x128xf32, #tpu.memory_space<vmem>>, vector<1x16xf32>,
      %get3A_3601 = vector.shape_cast %get3A_3600 : vector<1x16xf32> to vector<16xf32>
      %get3A_3602 = arith.constant 12 : i32
      %get3A_3603 = arith.index_cast %get3A_3602 : i32 to index
      %get3A_3604 = arith.constant 80 : index
      %get3A_3605 = tpu.vector_load %arg4[%get3A_3603, %get3A_3604] {strides = array<i32>} : memref<16x128xf32, #tpu.memory_space<vmem>>, vector<1x16xf32>,
      %get3A_3606 = vector.shape_cast %get3A_3605 : vector<1x16xf32> to vector<16xf32>
      %get3A_3607 = arith.constant 13 : i32
      %get3A_3608 = arith.index_cast %get3A_3607 : i32 to index
      %get3A_3609 = arith.constant 80 : index
      %get3A_3610 = tpu.vector_load %arg4[%get3A_3608, %get3A_3609] {strides = array<i32>} : memref<16x128xf32, #tpu.memory_space<vmem>>, vector<1x16xf32>,
      %get3A_3611 = vector.shape_cast %get3A_3610 : vector<1x16xf32> to vector<16xf32>
      %get3A_3612 = arith.constant 14 : i32
      %get3A_3613 = arith.index_cast %get3A_3612 : i32 to index
      %get3A_3614 = arith.constant 80 : index
      %get3A_3615 = tpu.vector_load %arg4[%get3A_3613, %get3A_3614] {strides = array<i32>} : memref<16x128xf32, #tpu.memory_space<vmem>>, vector<1x16xf32>,
      %get3A_3616 = vector.shape_cast %get3A_3615 : vector<1x16xf32> to vector<16xf32>
      %get3A_3617 = arith.constant 15 : i32
      %get3A_3618 = arith.index_cast %get3A_3617 : i32 to index
      %get3A_3619 = arith.constant 80 : index
      %get3A_3620 = tpu.vector_load %arg4[%get3A_3618, %get3A_3619] {strides = array<i32>} : memref<16x128xf32, #tpu.memory_space<vmem>>, vector<1x16xf32>,
      %get3A_3621 = vector.shape_cast %get3A_3620 : vector<1x16xf32> to vector<16xf32>
      %max3A_3622 = arith.maximumf %get3A_3586, %get3A_3591 : vector<16xf32>
      %max3A_3623 = arith.maximumf %max3A_3622, %get3A_3596 : vector<16xf32>
      %max3A_3624 = arith.maximumf %max3A_3623, %get3A_3601 : vector<16xf32>
      %max3A_3625 = arith.maximumf %max3A_3624, %get3A_3606 : vector<16xf32>
      %max3A_3626 = arith.maximumf %max3A_3625, %get3A_3611 : vector<16xf32>
      %max3A_3627 = arith.maximumf %max3A_3626, %get3A_3616 : vector<16xf32>
      %max3A_3628 = arith.maximumf %max3A_3627, %get3A_3621 : vector<16xf32>
      %broadcast_in_dim3A_3629 = arith.constant 8 : i32
      %broadcast_in_dim3A_3630 = vector.broadcast %broadcast_in_dim3A_3629 : i32 to vector<16xi32>
      %eq3A_3631 = arith.cmpf oeq, %get3A_3621, %max3A_3628 : vector<16xf32>
      %jit3A_3632 = arith.constant 7 : i32
      %broadcast_in_dim3A_3633 = vector.broadcast %jit3A_3632 : i32 to vector<16xi32>
      %select_n3A_3634 = arith.select %eq3A_3631, %broadcast_in_dim3A_3633, %broadcast_in_dim3A_3630 : vector<16xi1>, vector<16xi32>
      %eq3A_3635 = arith.cmpf oeq, %get3A_3616, %max3A_3628 : vector<16xf32>
      %jit3A_3636 = arith.constant 6 : i32
      %broadcast_in_dim3A_3637 = vector.broadcast %jit3A_3636 : i32 to vector<16xi32>
      %select_n3A_3638 = arith.select %eq3A_3635, %broadcast_in_dim3A_3637, %select_n3A_3634 : vector<16xi1>, vector<16xi32>
      %eq3A_3639 = arith.cmpf oeq, %get3A_3611, %max3A_3628 : vector<16xf32>
      %jit3A_3640 = arith.constant 5 : i32
      %broadcast_in_dim3A_3641 = vector.broadcast %jit3A_3640 : i32 to vector<16xi32>
      %select_n3A_3642 = arith.select %eq3A_3639, %broadcast_in_dim3A_3641, %select_n3A_3638 : vector<16xi1>, vector<16xi32>
      %eq3A_3643 = arith.cmpf oeq, %get3A_3606, %max3A_3628 : vector<16xf32>
      %jit3A_3644 = arith.constant 4 : i32
      %broadcast_in_dim3A_3645 = vector.broadcast %jit3A_3644 : i32 to vector<16xi32>
      %select_n3A_3646 = arith.select %eq3A_3643, %broadcast_in_dim3A_3645, %select_n3A_3642 : vector<16xi1>, vector<16xi32>
      %eq3A_3647 = arith.cmpf oeq, %get3A_3601, %max3A_3628 : vector<16xf32>
      %jit3A_3648 = arith.constant 3 : i32
      %broadcast_in_dim3A_3649 = vector.broadcast %jit3A_3648 : i32 to vector<16xi32>
      %select_n3A_3650 = arith.select %eq3A_3647, %broadcast_in_dim3A_3649, %select_n3A_3646 : vector<16xi1>, vector<16xi32>
      %eq3A_3651 = arith.cmpf oeq, %get3A_3596, %max3A_3628 : vector<16xf32>
      %jit3A_3652 = arith.constant 2 : i32
      %broadcast_in_dim3A_3653 = vector.broadcast %jit3A_3652 : i32 to vector<16xi32>
      %select_n3A_3654 = arith.select %eq3A_3651, %broadcast_in_dim3A_3653, %select_n3A_3650 : vector<16xi1>, vector<16xi32>
      %eq3A_3655 = arith.cmpf oeq, %get3A_3591, %max3A_3628 : vector<16xf32>
      %jit3A_3656 = arith.constant 1 : i32
      %broadcast_in_dim3A_3657 = vector.broadcast %jit3A_3656 : i32 to vector<16xi32>
      %select_n3A_3658 = arith.select %eq3A_3655, %broadcast_in_dim3A_3657, %select_n3A_3654 : vector<16xi1>, vector<16xi32>
      %eq3A_3659 = arith.cmpf oeq, %get3A_3586, %max3A_3628 : vector<16xf32>
      %jit3A_3660 = arith.constant 0 : i32
      %broadcast_in_dim3A_3661 = vector.broadcast %jit3A_3660 : i32 to vector<16xi32>
      %select_n3A_3662 = arith.select %eq3A_3659, %broadcast_in_dim3A_3661, %select_n3A_3658 : vector<16xi1>, vector<16xi32>
      %broadcast_in_dim3A_3663 = arith.constant 0xFF800000 : f32
      %broadcast_in_dim3A_3664 = vector.broadcast %broadcast_in_dim3A_3663 : f32 to vector<16xf32>
      %eq3A_3665 = arith.constant 0 : i32
      %eq3A_3666 = vector.broadcast %eq3A_3665 : i32 to vector<16xi32>
      %eq3A_3667 = arith.cmpi eq, %select_n3A_3662, %eq3A_3666 : vector<16xi32>
      %max3A_3668 = arith.maximumf %broadcast_in_dim3A_3664, %get3A_3586 : vector<16xf32>
      %select_n3A_3669 = arith.select %eq3A_3667, %broadcast_in_dim3A_3664, %max3A_3668 : vector<16xi1>, vector<16xf32>
      %eq3A_3670 = arith.constant 1 : i32
      %eq3A_3671 = vector.broadcast %eq3A_3670 : i32 to vector<16xi32>
      %eq3A_3672 = arith.cmpi eq, %select_n3A_3662, %eq3A_3671 : vector<16xi32>
      %max3A_3673 = arith.maximumf %select_n3A_3669, %get3A_3591 : vector<16xf32>
      %select_n3A_3674 = arith.select %eq3A_3672, %select_n3A_3669, %max3A_3673 : vector<16xi1>, vector<16xf32>
      %eq3A_3675 = arith.constant 2 : i32
      %eq3A_3676 = vector.broadcast %eq3A_3675 : i32 to vector<16xi32>
      %eq3A_3677 = arith.cmpi eq, %select_n3A_3662, %eq3A_3676 : vector<16xi32>
      %max3A_3678 = arith.maximumf %select_n3A_3674, %get3A_3596 : vector<16xf32>
      %select_n3A_3679 = arith.select %eq3A_3677, %select_n3A_3674, %max3A_3678 : vector<16xi1>, vector<16xf32>
      %eq3A_3680 = arith.constant 3 : i32
      %eq3A_3681 = vector.broadcast %eq3A_3680 : i32 to vector<16xi32>
      %eq3A_3682 = arith.cmpi eq, %select_n3A_3662, %eq3A_3681 : vector<16xi32>
      %max3A_3683 = arith.maximumf %select_n3A_3679, %get3A_3601 : vector<16xf32>
      %select_n3A_3684 = arith.select %eq3A_3682, %select_n3A_3679, %max3A_3683 : vector<16xi1>, vector<16xf32>
      %eq3A_3685 = arith.constant 4 : i32
      %eq3A_3686 = vector.broadcast %eq3A_3685 : i32 to vector<16xi32>
      %eq3A_3687 = arith.cmpi eq, %select_n3A_3662, %eq3A_3686 : vector<16xi32>
      %max3A_3688 = arith.maximumf %select_n3A_3684, %get3A_3606 : vector<16xf32>
      %select_n3A_3689 = arith.select %eq3A_3687, %select_n3A_3684, %max3A_3688 : vector<16xi1>, vector<16xf32>
      %eq3A_3690 = arith.constant 5 : i32
      %eq3A_3691 = vector.broadcast %eq3A_3690 : i32 to vector<16xi32>
      %eq3A_3692 = arith.cmpi eq, %select_n3A_3662, %eq3A_3691 : vector<16xi32>
      %max3A_3693 = arith.maximumf %select_n3A_3689, %get3A_3611 : vector<16xf32>
      %select_n3A_3694 = arith.select %eq3A_3692, %select_n3A_3689, %max3A_3693 : vector<16xi1>, vector<16xf32>
      %eq3A_3695 = arith.constant 6 : i32
      %eq3A_3696 = vector.broadcast %eq3A_3695 : i32 to vector<16xi32>
      %eq3A_3697 = arith.cmpi eq, %select_n3A_3662, %eq3A_3696 : vector<16xi32>
      %max3A_3698 = arith.maximumf %select_n3A_3694, %get3A_3616 : vector<16xf32>
      %select_n3A_3699 = arith.select %eq3A_3697, %select_n3A_3694, %max3A_3698 : vector<16xi1>, vector<16xf32>
      %eq3A_3700 = arith.constant 7 : i32
      %eq3A_3701 = vector.broadcast %eq3A_3700 : i32 to vector<16xi32>
      %eq3A_3702 = arith.cmpi eq, %select_n3A_3662, %eq3A_3701 : vector<16xi32>
      %max3A_3703 = arith.maximumf %select_n3A_3699, %get3A_3621 : vector<16xf32>
      %select_n3A_3704 = arith.select %eq3A_3702, %select_n3A_3699, %max3A_3703 : vector<16xi1>, vector<16xf32>
      %broadcast_in_dim3A_3705 = arith.constant 8 : i32
      %broadcast_in_dim3A_3706 = vector.broadcast %broadcast_in_dim3A_3705 : i32 to vector<16xi32>
      %eq3A_3707 = arith.cmpf oeq, %get3A_3621, %select_n3A_3704 : vector<16xf32>
      %ne3A_3708 = arith.constant 7 : i32
      %ne3A_3709 = vector.broadcast %ne3A_3708 : i32 to vector<16xi32>
      %ne3A_3710 = arith.cmpi ne, %select_n3A_3662, %ne3A_3709 : vector<16xi32>
      %and3A_3711 = arith.andi %eq3A_3707, %ne3A_3710 : vector<16xi1>
      %jit3A_3712 = arith.constant 7 : i32
      %broadcast_in_dim3A_3713 = vector.broadcast %jit3A_3712 : i32 to vector<16xi32>
      %select_n3A_3714 = arith.select %and3A_3711, %broadcast_in_dim3A_3713, %broadcast_in_dim3A_3706 : vector<16xi1>, vector<16xi32>
      %eq3A_3715 = arith.cmpf oeq, %get3A_3616, %select_n3A_3704 : vector<16xf32>
      %ne3A_3716 = arith.constant 6 : i32
      %ne3A_3717 = vector.broadcast %ne3A_3716 : i32 to vector<16xi32>
      %ne3A_3718 = arith.cmpi ne, %select_n3A_3662, %ne3A_3717 : vector<16xi32>
      %and3A_3719 = arith.andi %eq3A_3715, %ne3A_3718 : vector<16xi1>
      %jit3A_3720 = arith.constant 6 : i32
      %broadcast_in_dim3A_3721 = vector.broadcast %jit3A_3720 : i32 to vector<16xi32>
      %select_n3A_3722 = arith.select %and3A_3719, %broadcast_in_dim3A_3721, %select_n3A_3714 : vector<16xi1>, vector<16xi32>
      %eq3A_3723 = arith.cmpf oeq, %get3A_3611, %select_n3A_3704 : vector<16xf32>
      %ne3A_3724 = arith.constant 5 : i32
      %ne3A_3725 = vector.broadcast %ne3A_3724 : i32 to vector<16xi32>
      %ne3A_3726 = arith.cmpi ne, %select_n3A_3662, %ne3A_3725 : vector<16xi32>
      %and3A_3727 = arith.andi %eq3A_3723, %ne3A_3726 : vector<16xi1>
      %jit3A_3728 = arith.constant 5 : i32
      %broadcast_in_dim3A_3729 = vector.broadcast %jit3A_3728 : i32 to vector<16xi32>
      %select_n3A_3730 = arith.select %and3A_3727, %broadcast_in_dim3A_3729, %select_n3A_3722 : vector<16xi1>, vector<16xi32>
      %eq3A_3731 = arith.cmpf oeq, %get3A_3606, %select_n3A_3704 : vector<16xf32>
      %ne3A_3732 = arith.constant 4 : i32
      %ne3A_3733 = vector.broadcast %ne3A_3732 : i32 to vector<16xi32>
      %ne3A_3734 = arith.cmpi ne, %select_n3A_3662, %ne3A_3733 : vector<16xi32>
      %and3A_3735 = arith.andi %eq3A_3731, %ne3A_3734 : vector<16xi1>
      %jit3A_3736 = arith.constant 4 : i32
      %broadcast_in_dim3A_3737 = vector.broadcast %jit3A_3736 : i32 to vector<16xi32>
      %select_n3A_3738 = arith.select %and3A_3735, %broadcast_in_dim3A_3737, %select_n3A_3730 : vector<16xi1>, vector<16xi32>
      %eq3A_3739 = arith.cmpf oeq, %get3A_3601, %select_n3A_3704 : vector<16xf32>
      %ne3A_3740 = arith.constant 3 : i32
      %ne3A_3741 = vector.broadcast %ne3A_3740 : i32 to vector<16xi32>
      %ne3A_3742 = arith.cmpi ne, %select_n3A_3662, %ne3A_3741 : vector<16xi32>
      %and3A_3743 = arith.andi %eq3A_3739, %ne3A_3742 : vector<16xi1>
      %jit3A_3744 = arith.constant 3 : i32
      %broadcast_in_dim3A_3745 = vector.broadcast %jit3A_3744 : i32 to vector<16xi32>
      %select_n3A_3746 = arith.select %and3A_3743, %broadcast_in_dim3A_3745, %select_n3A_3738 : vector<16xi1>, vector<16xi32>
      %eq3A_3747 = arith.cmpf oeq, %get3A_3596, %select_n3A_3704 : vector<16xf32>
      %ne3A_3748 = arith.constant 2 : i32
      %ne3A_3749 = vector.broadcast %ne3A_3748 : i32 to vector<16xi32>
      %ne3A_3750 = arith.cmpi ne, %select_n3A_3662, %ne3A_3749 : vector<16xi32>
      %and3A_3751 = arith.andi %eq3A_3747, %ne3A_3750 : vector<16xi1>
      %jit3A_3752 = arith.constant 2 : i32
      %broadcast_in_dim3A_3753 = vector.broadcast %jit3A_3752 : i32 to vector<16xi32>
      %select_n3A_3754 = arith.select %and3A_3751, %broadcast_in_dim3A_3753, %select_n3A_3746 : vector<16xi1>, vector<16xi32>
      %eq3A_3755 = arith.cmpf oeq, %get3A_3591, %select_n3A_3704 : vector<16xf32>
      %ne3A_3756 = arith.constant 1 : i32
      %ne3A_3757 = vector.broadcast %ne3A_3756 : i32 to vector<16xi32>
      %ne3A_3758 = arith.cmpi ne, %select_n3A_3662, %ne3A_3757 : vector<16xi32>
      %and3A_3759 = arith.andi %eq3A_3755, %ne3A_3758 : vector<16xi1>
      %jit3A_3760 = arith.constant 1 : i32
      %broadcast_in_dim3A_3761 = vector.broadcast %jit3A_3760 : i32 to vector<16xi32>
      %select_n3A_3762 = arith.select %and3A_3759, %broadcast_in_dim3A_3761, %select_n3A_3754 : vector<16xi1>, vector<16xi32>
      %eq3A_3763 = arith.cmpf oeq, %get3A_3586, %select_n3A_3704 : vector<16xf32>
      %ne3A_3764 = arith.constant 0 : i32
      %ne3A_3765 = vector.broadcast %ne3A_3764 : i32 to vector<16xi32>
      %ne3A_3766 = arith.cmpi ne, %select_n3A_3662, %ne3A_3765 : vector<16xi32>
      %and3A_3767 = arith.andi %eq3A_3763, %ne3A_3766 : vector<16xi1>
      %jit3A_3768 = arith.constant 0 : i32
      %broadcast_in_dim3A_3769 = vector.broadcast %jit3A_3768 : i32 to vector<16xi32>
      %select_n3A_3770 = arith.select %and3A_3767, %broadcast_in_dim3A_3769, %select_n3A_3762 : vector<16xi1>, vector<16xi32>
      %sub3A_3771 = arith.subf %select_n3A_3704, %max3A_3628 : vector<16xf32>
      %exp3A_3772 = math.exp %sub3A_3771 : vector<16xf32>
      %add3A_3773 = arith.constant 1.000000e+00 : f32
      %add3A_3774 = vector.broadcast %add3A_3773 : f32 to vector<16xf32>
      %add3A_3775 = arith.addf %add3A_3774, %exp3A_3772 : vector<16xf32>
      %div3A_3776 = arith.constant 1.000000e+00 : f32
      %div3A_3777 = vector.broadcast %div3A_3776 : f32 to vector<16xf32>
      %div3A_3778 = arith.divf %div3A_3777, %add3A_3775 : vector<16xf32>
      %mul3A_3779 = arith.mulf %exp3A_3772, %div3A_3778 : vector<16xf32>
      %eq3A_3780 = arith.constant 0 : i32
      %eq3A_3781 = vector.broadcast %eq3A_3780 : i32 to vector<16xi32>
      %eq3A_3782 = arith.cmpi eq, %select_n3A_3662, %eq3A_3781 : vector<16xi32>
      %eq3A_3783 = arith.constant 0 : i32
      %eq3A_3784 = vector.broadcast %eq3A_3783 : i32 to vector<16xi32>
      %eq3A_3785 = arith.cmpi eq, %select_n3A_3770, %eq3A_3784 : vector<16xi32>
      %jit3A_3786 = arith.constant 0.000000e+00 : f32
      %broadcast_in_dim3A_3787 = vector.broadcast %jit3A_3786 : f32 to vector<16xf32>
      %select_n3A_3788 = arith.select %eq3A_3785, %mul3A_3779, %broadcast_in_dim3A_3787 : vector<16xi1>, vector<16xf32>
      %select_n3A_3789 = arith.select %eq3A_3782, %div3A_3778, %select_n3A_3788 : vector<16xi1>, vector<16xf32>
      %swap3A_3790 = arith.constant 8 : i32
      %swap3A_3791 = arith.index_cast %swap3A_3790 : i32 to index
      %swap3A_3792 = arith.constant 80 : index
      %swap3A_3793 = tpu.vector_load %arg5[%swap3A_3791, %swap3A_3792] {strides = array<i32>} : memref<16x128xf32, #tpu.memory_space<vmem>>, vector<1x16xf32>,
      %swap3A_3794 = vector.shape_cast %swap3A_3793 : vector<1x16xf32> to vector<16xf32>
      %swap3A_3795 = vector.shape_cast %select_n3A_3789 : vector<16xf32> to vector<1x16xf32>
      tpu.vector_store %arg5[%swap3A_3791, %swap3A_3792], %swap3A_3795 {strides = array<i32>} : memref<16x128xf32, #tpu.memory_space<vmem>>, vector<1x16xf32>,
      %eq3A_3796 = arith.constant 1 : i32
      %eq3A_3797 = vector.broadcast %eq3A_3796 : i32 to vector<16xi32>
      %eq3A_3798 = arith.cmpi eq, %select_n3A_3662, %eq3A_3797 : vector<16xi32>
      %eq3A_3799 = arith.constant 1 : i32
      %eq3A_3800 = vector.broadcast %eq3A_3799 : i32 to vector<16xi32>
      %eq3A_3801 = arith.cmpi eq, %select_n3A_3770, %eq3A_3800 : vector<16xi32>
      %jit3A_3802 = arith.constant 0.000000e+00 : f32
      %broadcast_in_dim3A_3803 = vector.broadcast %jit3A_3802 : f32 to vector<16xf32>
      %select_n3A_3804 = arith.select %eq3A_3801, %mul3A_3779, %broadcast_in_dim3A_3803 : vector<16xi1>, vector<16xf32>
      %select_n3A_3805 = arith.select %eq3A_3798, %div3A_3778, %select_n3A_3804 : vector<16xi1>, vector<16xf32>
      %swap3A_3806 = arith.constant 9 : i32
      %swap3A_3807 = arith.index_cast %swap3A_3806 : i32 to index
      %swap3A_3808 = arith.constant 80 : index
      %swap3A_3809 = tpu.vector_load %arg5[%swap3A_3807, %swap3A_3808] {strides = array<i32>} : memref<16x128xf32, #tpu.memory_space<vmem>>, vector<1x16xf32>,
      %swap3A_3810 = vector.shape_cast %swap3A_3809 : vector<1x16xf32> to vector<16xf32>
      %swap3A_3811 = vector.shape_cast %select_n3A_3805 : vector<16xf32> to vector<1x16xf32>
      tpu.vector_store %arg5[%swap3A_3807, %swap3A_3808], %swap3A_3811 {strides = array<i32>} : memref<16x128xf32, #tpu.memory_space<vmem>>, vector<1x16xf32>,
      %eq3A_3812 = arith.constant 2 : i32
      %eq3A_3813 = vector.broadcast %eq3A_3812 : i32 to vector<16xi32>
      %eq3A_3814 = arith.cmpi eq, %select_n3A_3662, %eq3A_3813 : vector<16xi32>
      %eq3A_3815 = arith.constant 2 : i32
      %eq3A_3816 = vector.broadcast %eq3A_3815 : i32 to vector<16xi32>
      %eq3A_3817 = arith.cmpi eq, %select_n3A_3770, %eq3A_3816 : vector<16xi32>
      %jit3A_3818 = arith.constant 0.000000e+00 : f32
      %broadcast_in_dim3A_3819 = vector.broadcast %jit3A_3818 : f32 to vector<16xf32>
      %select_n3A_3820 = arith.select %eq3A_3817, %mul3A_3779, %broadcast_in_dim3A_3819 : vector<16xi1>, vector<16xf32>
      %select_n3A_3821 = arith.select %eq3A_3814, %div3A_3778, %select_n3A_3820 : vector<16xi1>, vector<16xf32>
      %swap3A_3822 = arith.constant 10 : i32
      %swap3A_3823 = arith.index_cast %swap3A_3822 : i32 to index
      %swap3A_3824 = arith.constant 80 : index
      %swap3A_3825 = tpu.vector_load %arg5[%swap3A_3823, %swap3A_3824] {strides = array<i32>} : memref<16x128xf32, #tpu.memory_space<vmem>>, vector<1x16xf32>,
      %swap3A_3826 = vector.shape_cast %swap3A_3825 : vector<1x16xf32> to vector<16xf32>
      %swap3A_3827 = vector.shape_cast %select_n3A_3821 : vector<16xf32> to vector<1x16xf32>
      tpu.vector_store %arg5[%swap3A_3823, %swap3A_3824], %swap3A_3827 {strides = array<i32>} : memref<16x128xf32, #tpu.memory_space<vmem>>, vector<1x16xf32>,
      %eq3A_3828 = arith.constant 3 : i32
      %eq3A_3829 = vector.broadcast %eq3A_3828 : i32 to vector<16xi32>
      %eq3A_3830 = arith.cmpi eq, %select_n3A_3662, %eq3A_3829 : vector<16xi32>
      %eq3A_3831 = arith.constant 3 : i32
      %eq3A_3832 = vector.broadcast %eq3A_3831 : i32 to vector<16xi32>
      %eq3A_3833 = arith.cmpi eq, %select_n3A_3770, %eq3A_3832 : vector<16xi32>
      %jit3A_3834 = arith.constant 0.000000e+00 : f32
      %broadcast_in_dim3A_3835 = vector.broadcast %jit3A_3834 : f32 to vector<16xf32>
      %select_n3A_3836 = arith.select %eq3A_3833, %mul3A_3779, %broadcast_in_dim3A_3835 : vector<16xi1>, vector<16xf32>
      %select_n3A_3837 = arith.select %eq3A_3830, %div3A_3778, %select_n3A_3836 : vector<16xi1>, vector<16xf32>
      %swap3A_3838 = arith.constant 11 : i32
      %swap3A_3839 = arith.index_cast %swap3A_3838 : i32 to index
      %swap3A_3840 = arith.constant 80 : index
      %swap3A_3841 = tpu.vector_load %arg5[%swap3A_3839, %swap3A_3840] {strides = array<i32>} : memref<16x128xf32, #tpu.memory_space<vmem>>, vector<1x16xf32>,
      %swap3A_3842 = vector.shape_cast %swap3A_3841 : vector<1x16xf32> to vector<16xf32>
      %swap3A_3843 = vector.shape_cast %select_n3A_3837 : vector<16xf32> to vector<1x16xf32>
      tpu.vector_store %arg5[%swap3A_3839, %swap3A_3840], %swap3A_3843 {strides = array<i32>} : memref<16x128xf32, #tpu.memory_space<vmem>>, vector<1x16xf32>,
      %eq3A_3844 = arith.constant 4 : i32
      %eq3A_3845 = vector.broadcast %eq3A_3844 : i32 to vector<16xi32>
      %eq3A_3846 = arith.cmpi eq, %select_n3A_3662, %eq3A_3845 : vector<16xi32>
      %eq3A_3847 = arith.constant 4 : i32
      %eq3A_3848 = vector.broadcast %eq3A_3847 : i32 to vector<16xi32>
      %eq3A_3849 = arith.cmpi eq, %select_n3A_3770, %eq3A_3848 : vector<16xi32>
      %jit3A_3850 = arith.constant 0.000000e+00 : f32
      %broadcast_in_dim3A_3851 = vector.broadcast %jit3A_3850 : f32 to vector<16xf32>
      %select_n3A_3852 = arith.select %eq3A_3849, %mul3A_3779, %broadcast_in_dim3A_3851 : vector<16xi1>, vector<16xf32>
      %select_n3A_3853 = arith.select %eq3A_3846, %div3A_3778, %select_n3A_3852 : vector<16xi1>, vector<16xf32>
      %swap3A_3854 = arith.constant 12 : i32
      %swap3A_3855 = arith.index_cast %swap3A_3854 : i32 to index
      %swap3A_3856 = arith.constant 80 : index
      %swap3A_3857 = tpu.vector_load %arg5[%swap3A_3855, %swap3A_3856] {strides = array<i32>} : memref<16x128xf32, #tpu.memory_space<vmem>>, vector<1x16xf32>,
      %swap3A_3858 = vector.shape_cast %swap3A_3857 : vector<1x16xf32> to vector<16xf32>
      %swap3A_3859 = vector.shape_cast %select_n3A_3853 : vector<16xf32> to vector<1x16xf32>
      tpu.vector_store %arg5[%swap3A_3855, %swap3A_3856], %swap3A_3859 {strides = array<i32>} : memref<16x128xf32, #tpu.memory_space<vmem>>, vector<1x16xf32>,
      %eq3A_3860 = arith.constant 5 : i32
      %eq3A_3861 = vector.broadcast %eq3A_3860 : i32 to vector<16xi32>
      %eq3A_3862 = arith.cmpi eq, %select_n3A_3662, %eq3A_3861 : vector<16xi32>
      %eq3A_3863 = arith.constant 5 : i32
      %eq3A_3864 = vector.broadcast %eq3A_3863 : i32 to vector<16xi32>
      %eq3A_3865 = arith.cmpi eq, %select_n3A_3770, %eq3A_3864 : vector<16xi32>
      %jit3A_3866 = arith.constant 0.000000e+00 : f32
      %broadcast_in_dim3A_3867 = vector.broadcast %jit3A_3866 : f32 to vector<16xf32>
      %select_n3A_3868 = arith.select %eq3A_3865, %mul3A_3779, %broadcast_in_dim3A_3867 : vector<16xi1>, vector<16xf32>
      %select_n3A_3869 = arith.select %eq3A_3862, %div3A_3778, %select_n3A_3868 : vector<16xi1>, vector<16xf32>
      %swap3A_3870 = arith.constant 13 : i32
      %swap3A_3871 = arith.index_cast %swap3A_3870 : i32 to index
      %swap3A_3872 = arith.constant 80 : index
      %swap3A_3873 = tpu.vector_load %arg5[%swap3A_3871, %swap3A_3872] {strides = array<i32>} : memref<16x128xf32, #tpu.memory_space<vmem>>, vector<1x16xf32>,
      %swap3A_3874 = vector.shape_cast %swap3A_3873 : vector<1x16xf32> to vector<16xf32>
      %swap3A_3875 = vector.shape_cast %select_n3A_3869 : vector<16xf32> to vector<1x16xf32>
      tpu.vector_store %arg5[%swap3A_3871, %swap3A_3872], %swap3A_3875 {strides = array<i32>} : memref<16x128xf32, #tpu.memory_space<vmem>>, vector<1x16xf32>,
      %eq3A_3876 = arith.constant 6 : i32
      %eq3A_3877 = vector.broadcast %eq3A_3876 : i32 to vector<16xi32>
      %eq3A_3878 = arith.cmpi eq, %select_n3A_3662, %eq3A_3877 : vector<16xi32>
      %eq3A_3879 = arith.constant 6 : i32
      %eq3A_3880 = vector.broadcast %eq3A_3879 : i32 to vector<16xi32>
      %eq3A_3881 = arith.cmpi eq, %select_n3A_3770, %eq3A_3880 : vector<16xi32>
      %jit3A_3882 = arith.constant 0.000000e+00 : f32
      %broadcast_in_dim3A_3883 = vector.broadcast %jit3A_3882 : f32 to vector<16xf32>
      %select_n3A_3884 = arith.select %eq3A_3881, %mul3A_3779, %broadcast_in_dim3A_3883 : vector<16xi1>, vector<16xf32>
      %select_n3A_3885 = arith.select %eq3A_3878, %div3A_3778, %select_n3A_3884 : vector<16xi1>, vector<16xf32>
      %swap3A_3886 = arith.constant 14 : i32
      %swap3A_3887 = arith.index_cast %swap3A_3886 : i32 to index
      %swap3A_3888 = arith.constant 80 : index
      %swap3A_3889 = tpu.vector_load %arg5[%swap3A_3887, %swap3A_3888] {strides = array<i32>} : memref<16x128xf32, #tpu.memory_space<vmem>>, vector<1x16xf32>,
      %swap3A_3890 = vector.shape_cast %swap3A_3889 : vector<1x16xf32> to vector<16xf32>
      %swap3A_3891 = vector.shape_cast %select_n3A_3885 : vector<16xf32> to vector<1x16xf32>
      tpu.vector_store %arg5[%swap3A_3887, %swap3A_3888], %swap3A_3891 {strides = array<i32>} : memref<16x128xf32, #tpu.memory_space<vmem>>, vector<1x16xf32>,
      %eq3A_3892 = arith.constant 7 : i32
      %eq3A_3893 = vector.broadcast %eq3A_3892 : i32 to vector<16xi32>
      %eq3A_3894 = arith.cmpi eq, %select_n3A_3662, %eq3A_3893 : vector<16xi32>
      %eq3A_3895 = arith.constant 7 : i32
      %eq3A_3896 = vector.broadcast %eq3A_3895 : i32 to vector<16xi32>
      %eq3A_3897 = arith.cmpi eq, %select_n3A_3770, %eq3A_3896 : vector<16xi32>
      %jit3A_3898 = arith.constant 0.000000e+00 : f32
      %broadcast_in_dim3A_3899 = vector.broadcast %jit3A_3898 : f32 to vector<16xf32>
      %select_n3A_3900 = arith.select %eq3A_3897, %mul3A_3779, %broadcast_in_dim3A_3899 : vector<16xi1>, vector<16xf32>
      %select_n3A_3901 = arith.select %eq3A_3894, %div3A_3778, %select_n3A_3900 : vector<16xi1>, vector<16xf32>
      %swap3A_3902 = arith.constant 15 : i32
      %swap3A_3903 = arith.index_cast %swap3A_3902 : i32 to index
      %swap3A_3904 = arith.constant 80 : index
      %swap3A_3905 = tpu.vector_load %arg5[%swap3A_3903, %swap3A_3904] {strides = array<i32>} : memref<16x128xf32, #tpu.memory_space<vmem>>, vector<1x16xf32>,
      %swap3A_3906 = vector.shape_cast %swap3A_3905 : vector<1x16xf32> to vector<16xf32>
      %swap3A_3907 = vector.shape_cast %select_n3A_3901 : vector<16xf32> to vector<1x16xf32>
      tpu.vector_store %arg5[%swap3A_3903, %swap3A_3904], %swap3A_3907 {strides = array<i32>} : memref<16x128xf32, #tpu.memory_space<vmem>>, vector<1x16xf32>,
      %get3A_3908 = arith.constant 0 : i32
      %get3A_3909 = arith.index_cast %get3A_3908 : i32 to index
      %get3A_3910 = arith.constant 96 : index
      %get3A_3911 = tpu.vector_load %arg4[%get3A_3909, %get3A_3910] {strides = array<i32>} : memref<16x128xf32, #tpu.memory_space<vmem>>, vector<1x16xf32>,
      %get3A_3912 = vector.shape_cast %get3A_3911 : vector<1x16xf32> to vector<16xf32>
      %get3A_3913 = arith.constant 1 : i32
      %get3A_3914 = arith.index_cast %get3A_3913 : i32 to index
      %get3A_3915 = arith.constant 96 : index
      %get3A_3916 = tpu.vector_load %arg4[%get3A_3914, %get3A_3915] {strides = array<i32>} : memref<16x128xf32, #tpu.memory_space<vmem>>, vector<1x16xf32>,
      %get3A_3917 = vector.shape_cast %get3A_3916 : vector<1x16xf32> to vector<16xf32>
      %get3A_3918 = arith.constant 2 : i32
      %get3A_3919 = arith.index_cast %get3A_3918 : i32 to index
      %get3A_3920 = arith.constant 96 : index
      %get3A_3921 = tpu.vector_load %arg4[%get3A_3919, %get3A_3920] {strides = array<i32>} : memref<16x128xf32, #tpu.memory_space<vmem>>, vector<1x16xf32>,
      %get3A_3922 = vector.shape_cast %get3A_3921 : vector<1x16xf32> to vector<16xf32>
      %get3A_3923 = arith.constant 3 : i32
      %get3A_3924 = arith.index_cast %get3A_3923 : i32 to index
      %get3A_3925 = arith.constant 96 : index
      %get3A_3926 = tpu.vector_load %arg4[%get3A_3924, %get3A_3925] {strides = array<i32>} : memref<16x128xf32, #tpu.memory_space<vmem>>, vector<1x16xf32>,
      %get3A_3927 = vector.shape_cast %get3A_3926 : vector<1x16xf32> to vector<16xf32>
      %get3A_3928 = arith.constant 4 : i32
      %get3A_3929 = arith.index_cast %get3A_3928 : i32 to index
      %get3A_3930 = arith.constant 96 : index
      %get3A_3931 = tpu.vector_load %arg4[%get3A_3929, %get3A_3930] {strides = array<i32>} : memref<16x128xf32, #tpu.memory_space<vmem>>, vector<1x16xf32>,
      %get3A_3932 = vector.shape_cast %get3A_3931 : vector<1x16xf32> to vector<16xf32>
      %get3A_3933 = arith.constant 5 : i32
      %get3A_3934 = arith.index_cast %get3A_3933 : i32 to index
      %get3A_3935 = arith.constant 96 : index
      %get3A_3936 = tpu.vector_load %arg4[%get3A_3934, %get3A_3935] {strides = array<i32>} : memref<16x128xf32, #tpu.memory_space<vmem>>, vector<1x16xf32>,
      %get3A_3937 = vector.shape_cast %get3A_3936 : vector<1x16xf32> to vector<16xf32>
      %get3A_3938 = arith.constant 6 : i32
      %get3A_3939 = arith.index_cast %get3A_3938 : i32 to index
      %get3A_3940 = arith.constant 96 : index
      %get3A_3941 = tpu.vector_load %arg4[%get3A_3939, %get3A_3940] {strides = array<i32>} : memref<16x128xf32, #tpu.memory_space<vmem>>, vector<1x16xf32>,
      %get3A_3942 = vector.shape_cast %get3A_3941 : vector<1x16xf32> to vector<16xf32>
      %get3A_3943 = arith.constant 7 : i32
      %get3A_3944 = arith.index_cast %get3A_3943 : i32 to index
      %get3A_3945 = arith.constant 96 : index
      %get3A_3946 = tpu.vector_load %arg4[%get3A_3944, %get3A_3945] {strides = array<i32>} : memref<16x128xf32, #tpu.memory_space<vmem>>, vector<1x16xf32>,
      %get3A_3947 = vector.shape_cast %get3A_3946 : vector<1x16xf32> to vector<16xf32>
      %max3A_3948 = arith.maximumf %get3A_3912, %get3A_3917 : vector<16xf32>
      %max3A_3949 = arith.maximumf %max3A_3948, %get3A_3922 : vector<16xf32>
      %max3A_3950 = arith.maximumf %max3A_3949, %get3A_3927 : vector<16xf32>
      %max3A_3951 = arith.maximumf %max3A_3950, %get3A_3932 : vector<16xf32>
      %max3A_3952 = arith.maximumf %max3A_3951, %get3A_3937 : vector<16xf32>
      %max3A_3953 = arith.maximumf %max3A_3952, %get3A_3942 : vector<16xf32>
      %max3A_3954 = arith.maximumf %max3A_3953, %get3A_3947 : vector<16xf32>
      %broadcast_in_dim3A_3955 = arith.constant 8 : i32
      %broadcast_in_dim3A_3956 = vector.broadcast %broadcast_in_dim3A_3955 : i32 to vector<16xi32>
      %eq3A_3957 = arith.cmpf oeq, %get3A_3947, %max3A_3954 : vector<16xf32>
      %jit3A_3958 = arith.constant 7 : i32
      %broadcast_in_dim3A_3959 = vector.broadcast %jit3A_3958 : i32 to vector<16xi32>
      %select_n3A_3960 = arith.select %eq3A_3957, %broadcast_in_dim3A_3959, %broadcast_in_dim3A_3956 : vector<16xi1>, vector<16xi32>
      %eq3A_3961 = arith.cmpf oeq, %get3A_3942, %max3A_3954 : vector<16xf32>
      %jit3A_3962 = arith.constant 6 : i32
      %broadcast_in_dim3A_3963 = vector.broadcast %jit3A_3962 : i32 to vector<16xi32>
      %select_n3A_3964 = arith.select %eq3A_3961, %broadcast_in_dim3A_3963, %select_n3A_3960 : vector<16xi1>, vector<16xi32>
      %eq3A_3965 = arith.cmpf oeq, %get3A_3937, %max3A_3954 : vector<16xf32>
      %jit3A_3966 = arith.constant 5 : i32
      %broadcast_in_dim3A_3967 = vector.broadcast %jit3A_3966 : i32 to vector<16xi32>
      %select_n3A_3968 = arith.select %eq3A_3965, %broadcast_in_dim3A_3967, %select_n3A_3964 : vector<16xi1>, vector<16xi32>
      %eq3A_3969 = arith.cmpf oeq, %get3A_3932, %max3A_3954 : vector<16xf32>
      %jit3A_3970 = arith.constant 4 : i32
      %broadcast_in_dim3A_3971 = vector.broadcast %jit3A_3970 : i32 to vector<16xi32>
      %select_n3A_3972 = arith.select %eq3A_3969, %broadcast_in_dim3A_3971, %select_n3A_3968 : vector<16xi1>, vector<16xi32>
      %eq3A_3973 = arith.cmpf oeq, %get3A_3927, %max3A_3954 : vector<16xf32>
      %jit3A_3974 = arith.constant 3 : i32
      %broadcast_in_dim3A_3975 = vector.broadcast %jit3A_3974 : i32 to vector<16xi32>
      %select_n3A_3976 = arith.select %eq3A_3973, %broadcast_in_dim3A_3975, %select_n3A_3972 : vector<16xi1>, vector<16xi32>
      %eq3A_3977 = arith.cmpf oeq, %get3A_3922, %max3A_3954 : vector<16xf32>
      %jit3A_3978 = arith.constant 2 : i32
      %broadcast_in_dim3A_3979 = vector.broadcast %jit3A_3978 : i32 to vector<16xi32>
      %select_n3A_3980 = arith.select %eq3A_3977, %broadcast_in_dim3A_3979, %select_n3A_3976 : vector<16xi1>, vector<16xi32>
      %eq3A_3981 = arith.cmpf oeq, %get3A_3917, %max3A_3954 : vector<16xf32>
      %jit3A_3982 = arith.constant 1 : i32
      %broadcast_in_dim3A_3983 = vector.broadcast %jit3A_3982 : i32 to vector<16xi32>
      %select_n3A_3984 = arith.select %eq3A_3981, %broadcast_in_dim3A_3983, %select_n3A_3980 : vector<16xi1>, vector<16xi32>
      %eq3A_3985 = arith.cmpf oeq, %get3A_3912, %max3A_3954 : vector<16xf32>
      %jit3A_3986 = arith.constant 0 : i32
      %broadcast_in_dim3A_3987 = vector.broadcast %jit3A_3986 : i32 to vector<16xi32>
      %select_n3A_3988 = arith.select %eq3A_3985, %broadcast_in_dim3A_3987, %select_n3A_3984 : vector<16xi1>, vector<16xi32>
      %broadcast_in_dim3A_3989 = arith.constant 0xFF800000 : f32
      %broadcast_in_dim3A_3990 = vector.broadcast %broadcast_in_dim3A_3989 : f32 to vector<16xf32>
      %eq3A_3991 = arith.constant 0 : i32
      %eq3A_3992 = vector.broadcast %eq3A_3991 : i32 to vector<16xi32>
      %eq3A_3993 = arith.cmpi eq, %select_n3A_3988, %eq3A_3992 : vector<16xi32>
      %max3A_3994 = arith.maximumf %broadcast_in_dim3A_3990, %get3A_3912 : vector<16xf32>
      %select_n3A_3995 = arith.select %eq3A_3993, %broadcast_in_dim3A_3990, %max3A_3994 : vector<16xi1>, vector<16xf32>
      %eq3A_3996 = arith.constant 1 : i32
      %eq3A_3997 = vector.broadcast %eq3A_3996 : i32 to vector<16xi32>
      %eq3A_3998 = arith.cmpi eq, %select_n3A_3988, %eq3A_3997 : vector<16xi32>
      %max3A_3999 = arith.maximumf %select_n3A_3995, %get3A_3917 : vector<16xf32>
      %select_n3A_4000 = arith.select %eq3A_3998, %select_n3A_3995, %max3A_3999 : vector<16xi1>, vector<16xf32>
      %eq3A_4001 = arith.constant 2 : i32
      %eq3A_4002 = vector.broadcast %eq3A_4001 : i32 to vector<16xi32>
      %eq3A_4003 = arith.cmpi eq, %select_n3A_3988, %eq3A_4002 : vector<16xi32>
      %max3A_4004 = arith.maximumf %select_n3A_4000, %get3A_3922 : vector<16xf32>
      %select_n3A_4005 = arith.select %eq3A_4003, %select_n3A_4000, %max3A_4004 : vector<16xi1>, vector<16xf32>
      %eq3A_4006 = arith.constant 3 : i32
      %eq3A_4007 = vector.broadcast %eq3A_4006 : i32 to vector<16xi32>
      %eq3A_4008 = arith.cmpi eq, %select_n3A_3988, %eq3A_4007 : vector<16xi32>
      %max3A_4009 = arith.maximumf %select_n3A_4005, %get3A_3927 : vector<16xf32>
      %select_n3A_4010 = arith.select %eq3A_4008, %select_n3A_4005, %max3A_4009 : vector<16xi1>, vector<16xf32>
      %eq3A_4011 = arith.constant 4 : i32
      %eq3A_4012 = vector.broadcast %eq3A_4011 : i32 to vector<16xi32>
      %eq3A_4013 = arith.cmpi eq, %select_n3A_3988, %eq3A_4012 : vector<16xi32>
      %max3A_4014 = arith.maximumf %select_n3A_4010, %get3A_3932 : vector<16xf32>
      %select_n3A_4015 = arith.select %eq3A_4013, %select_n3A_4010, %max3A_4014 : vector<16xi1>, vector<16xf32>
      %eq3A_4016 = arith.constant 5 : i32
      %eq3A_4017 = vector.broadcast %eq3A_4016 : i32 to vector<16xi32>
      %eq3A_4018 = arith.cmpi eq, %select_n3A_3988, %eq3A_4017 : vector<16xi32>
      %max3A_4019 = arith.maximumf %select_n3A_4015, %get3A_3937 : vector<16xf32>
      %select_n3A_4020 = arith.select %eq3A_4018, %select_n3A_4015, %max3A_4019 : vector<16xi1>, vector<16xf32>
      %eq3A_4021 = arith.constant 6 : i32
      %eq3A_4022 = vector.broadcast %eq3A_4021 : i32 to vector<16xi32>
      %eq3A_4023 = arith.cmpi eq, %select_n3A_3988, %eq3A_4022 : vector<16xi32>
      %max3A_4024 = arith.maximumf %select_n3A_4020, %get3A_3942 : vector<16xf32>
      %select_n3A_4025 = arith.select %eq3A_4023, %select_n3A_4020, %max3A_4024 : vector<16xi1>, vector<16xf32>
      %eq3A_4026 = arith.constant 7 : i32
      %eq3A_4027 = vector.broadcast %eq3A_4026 : i32 to vector<16xi32>
      %eq3A_4028 = arith.cmpi eq, %select_n3A_3988, %eq3A_4027 : vector<16xi32>
      %max3A_4029 = arith.maximumf %select_n3A_4025, %get3A_3947 : vector<16xf32>
      %select_n3A_4030 = arith.select %eq3A_4028, %select_n3A_4025, %max3A_4029 : vector<16xi1>, vector<16xf32>
      %broadcast_in_dim3A_4031 = arith.constant 8 : i32
      %broadcast_in_dim3A_4032 = vector.broadcast %broadcast_in_dim3A_4031 : i32 to vector<16xi32>
      %eq3A_4033 = arith.cmpf oeq, %get3A_3947, %select_n3A_4030 : vector<16xf32>
      %ne3A_4034 = arith.constant 7 : i32
      %ne3A_4035 = vector.broadcast %ne3A_4034 : i32 to vector<16xi32>
      %ne3A_4036 = arith.cmpi ne, %select_n3A_3988, %ne3A_4035 : vector<16xi32>
      %and3A_4037 = arith.andi %eq3A_4033, %ne3A_4036 : vector<16xi1>
      %jit3A_4038 = arith.constant 7 : i32
      %broadcast_in_dim3A_4039 = vector.broadcast %jit3A_4038 : i32 to vector<16xi32>
      %select_n3A_4040 = arith.select %and3A_4037, %broadcast_in_dim3A_4039, %broadcast_in_dim3A_4032 : vector<16xi1>, vector<16xi32>
      %eq3A_4041 = arith.cmpf oeq, %get3A_3942, %select_n3A_4030 : vector<16xf32>
      %ne3A_4042 = arith.constant 6 : i32
      %ne3A_4043 = vector.broadcast %ne3A_4042 : i32 to vector<16xi32>
      %ne3A_4044 = arith.cmpi ne, %select_n3A_3988, %ne3A_4043 : vector<16xi32>
      %and3A_4045 = arith.andi %eq3A_4041, %ne3A_4044 : vector<16xi1>
      %jit3A_4046 = arith.constant 6 : i32
      %broadcast_in_dim3A_4047 = vector.broadcast %jit3A_4046 : i32 to vector<16xi32>
      %select_n3A_4048 = arith.select %and3A_4045, %broadcast_in_dim3A_4047, %select_n3A_4040 : vector<16xi1>, vector<16xi32>
      %eq3A_4049 = arith.cmpf oeq, %get3A_3937, %select_n3A_4030 : vector<16xf32>
      %ne3A_4050 = arith.constant 5 : i32
      %ne3A_4051 = vector.broadcast %ne3A_4050 : i32 to vector<16xi32>
      %ne3A_4052 = arith.cmpi ne, %select_n3A_3988, %ne3A_4051 : vector<16xi32>
      %and3A_4053 = arith.andi %eq3A_4049, %ne3A_4052 : vector<16xi1>
      %jit3A_4054 = arith.constant 5 : i32
      %broadcast_in_dim3A_4055 = vector.broadcast %jit3A_4054 : i32 to vector<16xi32>
      %select_n3A_4056 = arith.select %and3A_4053, %broadcast_in_dim3A_4055, %select_n3A_4048 : vector<16xi1>, vector<16xi32>
      %eq3A_4057 = arith.cmpf oeq, %get3A_3932, %select_n3A_4030 : vector<16xf32>
      %ne3A_4058 = arith.constant 4 : i32
      %ne3A_4059 = vector.broadcast %ne3A_4058 : i32 to vector<16xi32>
      %ne3A_4060 = arith.cmpi ne, %select_n3A_3988, %ne3A_4059 : vector<16xi32>
      %and3A_4061 = arith.andi %eq3A_4057, %ne3A_4060 : vector<16xi1>
      %jit3A_4062 = arith.constant 4 : i32
      %broadcast_in_dim3A_4063 = vector.broadcast %jit3A_4062 : i32 to vector<16xi32>
      %select_n3A_4064 = arith.select %and3A_4061, %broadcast_in_dim3A_4063, %select_n3A_4056 : vector<16xi1>, vector<16xi32>
      %eq3A_4065 = arith.cmpf oeq, %get3A_3927, %select_n3A_4030 : vector<16xf32>
      %ne3A_4066 = arith.constant 3 : i32
      %ne3A_4067 = vector.broadcast %ne3A_4066 : i32 to vector<16xi32>
      %ne3A_4068 = arith.cmpi ne, %select_n3A_3988, %ne3A_4067 : vector<16xi32>
      %and3A_4069 = arith.andi %eq3A_4065, %ne3A_4068 : vector<16xi1>
      %jit3A_4070 = arith.constant 3 : i32
      %broadcast_in_dim3A_4071 = vector.broadcast %jit3A_4070 : i32 to vector<16xi32>
      %select_n3A_4072 = arith.select %and3A_4069, %broadcast_in_dim3A_4071, %select_n3A_4064 : vector<16xi1>, vector<16xi32>
      %eq3A_4073 = arith.cmpf oeq, %get3A_3922, %select_n3A_4030 : vector<16xf32>
      %ne3A_4074 = arith.constant 2 : i32
      %ne3A_4075 = vector.broadcast %ne3A_4074 : i32 to vector<16xi32>
      %ne3A_4076 = arith.cmpi ne, %select_n3A_3988, %ne3A_4075 : vector<16xi32>
      %and3A_4077 = arith.andi %eq3A_4073, %ne3A_4076 : vector<16xi1>
      %jit3A_4078 = arith.constant 2 : i32
      %broadcast_in_dim3A_4079 = vector.broadcast %jit3A_4078 : i32 to vector<16xi32>
      %select_n3A_4080 = arith.select %and3A_4077, %broadcast_in_dim3A_4079, %select_n3A_4072 : vector<16xi1>, vector<16xi32>
      %eq3A_4081 = arith.cmpf oeq, %get3A_3917, %select_n3A_4030 : vector<16xf32>
      %ne3A_4082 = arith.constant 1 : i32
      %ne3A_4083 = vector.broadcast %ne3A_4082 : i32 to vector<16xi32>
      %ne3A_4084 = arith.cmpi ne, %select_n3A_3988, %ne3A_4083 : vector<16xi32>
      %and3A_4085 = arith.andi %eq3A_4081, %ne3A_4084 : vector<16xi1>
      %jit3A_4086 = arith.constant 1 : i32
      %broadcast_in_dim3A_4087 = vector.broadcast %jit3A_4086 : i32 to vector<16xi32>
      %select_n3A_4088 = arith.select %and3A_4085, %broadcast_in_dim3A_4087, %select_n3A_4080 : vector<16xi1>, vector<16xi32>
      %eq3A_4089 = arith.cmpf oeq, %get3A_3912, %select_n3A_4030 : vector<16xf32>
      %ne3A_4090 = arith.constant 0 : i32
      %ne3A_4091 = vector.broadcast %ne3A_4090 : i32 to vector<16xi32>
      %ne3A_4092 = arith.cmpi ne, %select_n3A_3988, %ne3A_4091 : vector<16xi32>
      %and3A_4093 = arith.andi %eq3A_4089, %ne3A_4092 : vector<16xi1>
      %jit3A_4094 = arith.constant 0 : i32
      %broadcast_in_dim3A_4095 = vector.broadcast %jit3A_4094 : i32 to vector<16xi32>
      %select_n3A_4096 = arith.select %and3A_4093, %broadcast_in_dim3A_4095, %select_n3A_4088 : vector<16xi1>, vector<16xi32>
      %sub3A_4097 = arith.subf %select_n3A_4030, %max3A_3954 : vector<16xf32>
      %exp3A_4098 = math.exp %sub3A_4097 : vector<16xf32>
      %add3A_4099 = arith.constant 1.000000e+00 : f32
      %add3A_4100 = vector.broadcast %add3A_4099 : f32 to vector<16xf32>
      %add3A_4101 = arith.addf %add3A_4100, %exp3A_4098 : vector<16xf32>
      %div3A_4102 = arith.constant 1.000000e+00 : f32
      %div3A_4103 = vector.broadcast %div3A_4102 : f32 to vector<16xf32>
      %div3A_4104 = arith.divf %div3A_4103, %add3A_4101 : vector<16xf32>
      %mul3A_4105 = arith.mulf %exp3A_4098, %div3A_4104 : vector<16xf32>
      %eq3A_4106 = arith.constant 0 : i32
      %eq3A_4107 = vector.broadcast %eq3A_4106 : i32 to vector<16xi32>
      %eq3A_4108 = arith.cmpi eq, %select_n3A_3988, %eq3A_4107 : vector<16xi32>
      %eq3A_4109 = arith.constant 0 : i32
      %eq3A_4110 = vector.broadcast %eq3A_4109 : i32 to vector<16xi32>
      %eq3A_4111 = arith.cmpi eq, %select_n3A_4096, %eq3A_4110 : vector<16xi32>
      %jit3A_4112 = arith.constant 0.000000e+00 : f32
      %broadcast_in_dim3A_4113 = vector.broadcast %jit3A_4112 : f32 to vector<16xf32>
      %select_n3A_4114 = arith.select %eq3A_4111, %mul3A_4105, %broadcast_in_dim3A_4113 : vector<16xi1>, vector<16xf32>
      %select_n3A_4115 = arith.select %eq3A_4108, %div3A_4104, %select_n3A_4114 : vector<16xi1>, vector<16xf32>
      %swap3A_4116 = arith.constant 0 : i32
      %swap3A_4117 = arith.index_cast %swap3A_4116 : i32 to index
      %swap3A_4118 = arith.constant 96 : index
      %swap3A_4119 = tpu.vector_load %arg5[%swap3A_4117, %swap3A_4118] {strides = array<i32>} : memref<16x128xf32, #tpu.memory_space<vmem>>, vector<1x16xf32>,
      %swap3A_4120 = vector.shape_cast %swap3A_4119 : vector<1x16xf32> to vector<16xf32>
      %swap3A_4121 = vector.shape_cast %select_n3A_4115 : vector<16xf32> to vector<1x16xf32>
      tpu.vector_store %arg5[%swap3A_4117, %swap3A_4118], %swap3A_4121 {strides = array<i32>} : memref<16x128xf32, #tpu.memory_space<vmem>>, vector<1x16xf32>,
      %eq3A_4122 = arith.constant 1 : i32
      %eq3A_4123 = vector.broadcast %eq3A_4122 : i32 to vector<16xi32>
      %eq3A_4124 = arith.cmpi eq, %select_n3A_3988, %eq3A_4123 : vector<16xi32>
      %eq3A_4125 = arith.constant 1 : i32
      %eq3A_4126 = vector.broadcast %eq3A_4125 : i32 to vector<16xi32>
      %eq3A_4127 = arith.cmpi eq, %select_n3A_4096, %eq3A_4126 : vector<16xi32>
      %jit3A_4128 = arith.constant 0.000000e+00 : f32
      %broadcast_in_dim3A_4129 = vector.broadcast %jit3A_4128 : f32 to vector<16xf32>
      %select_n3A_4130 = arith.select %eq3A_4127, %mul3A_4105, %broadcast_in_dim3A_4129 : vector<16xi1>, vector<16xf32>
      %select_n3A_4131 = arith.select %eq3A_4124, %div3A_4104, %select_n3A_4130 : vector<16xi1>, vector<16xf32>
      %swap3A_4132 = arith.constant 1 : i32
      %swap3A_4133 = arith.index_cast %swap3A_4132 : i32 to index
      %swap3A_4134 = arith.constant 96 : index
      %swap3A_4135 = tpu.vector_load %arg5[%swap3A_4133, %swap3A_4134] {strides = array<i32>} : memref<16x128xf32, #tpu.memory_space<vmem>>, vector<1x16xf32>,
      %swap3A_4136 = vector.shape_cast %swap3A_4135 : vector<1x16xf32> to vector<16xf32>
      %swap3A_4137 = vector.shape_cast %select_n3A_4131 : vector<16xf32> to vector<1x16xf32>
      tpu.vector_store %arg5[%swap3A_4133, %swap3A_4134], %swap3A_4137 {strides = array<i32>} : memref<16x128xf32, #tpu.memory_space<vmem>>, vector<1x16xf32>,
      %eq3A_4138 = arith.constant 2 : i32
      %eq3A_4139 = vector.broadcast %eq3A_4138 : i32 to vector<16xi32>
      %eq3A_4140 = arith.cmpi eq, %select_n3A_3988, %eq3A_4139 : vector<16xi32>
      %eq3A_4141 = arith.constant 2 : i32
      %eq3A_4142 = vector.broadcast %eq3A_4141 : i32 to vector<16xi32>
      %eq3A_4143 = arith.cmpi eq, %select_n3A_4096, %eq3A_4142 : vector<16xi32>
      %jit3A_4144 = arith.constant 0.000000e+00 : f32
      %broadcast_in_dim3A_4145 = vector.broadcast %jit3A_4144 : f32 to vector<16xf32>
      %select_n3A_4146 = arith.select %eq3A_4143, %mul3A_4105, %broadcast_in_dim3A_4145 : vector<16xi1>, vector<16xf32>
      %select_n3A_4147 = arith.select %eq3A_4140, %div3A_4104, %select_n3A_4146 : vector<16xi1>, vector<16xf32>
      %swap3A_4148 = arith.constant 2 : i32
      %swap3A_4149 = arith.index_cast %swap3A_4148 : i32 to index
      %swap3A_4150 = arith.constant 96 : index
      %swap3A_4151 = tpu.vector_load %arg5[%swap3A_4149, %swap3A_4150] {strides = array<i32>} : memref<16x128xf32, #tpu.memory_space<vmem>>, vector<1x16xf32>,
      %swap3A_4152 = vector.shape_cast %swap3A_4151 : vector<1x16xf32> to vector<16xf32>
      %swap3A_4153 = vector.shape_cast %select_n3A_4147 : vector<16xf32> to vector<1x16xf32>
      tpu.vector_store %arg5[%swap3A_4149, %swap3A_4150], %swap3A_4153 {strides = array<i32>} : memref<16x128xf32, #tpu.memory_space<vmem>>, vector<1x16xf32>,
      %eq3A_4154 = arith.constant 3 : i32
      %eq3A_4155 = vector.broadcast %eq3A_4154 : i32 to vector<16xi32>
      %eq3A_4156 = arith.cmpi eq, %select_n3A_3988, %eq3A_4155 : vector<16xi32>
      %eq3A_4157 = arith.constant 3 : i32
      %eq3A_4158 = vector.broadcast %eq3A_4157 : i32 to vector<16xi32>
      %eq3A_4159 = arith.cmpi eq, %select_n3A_4096, %eq3A_4158 : vector<16xi32>
      %jit3A_4160 = arith.constant 0.000000e+00 : f32
      %broadcast_in_dim3A_4161 = vector.broadcast %jit3A_4160 : f32 to vector<16xf32>
      %select_n3A_4162 = arith.select %eq3A_4159, %mul3A_4105, %broadcast_in_dim3A_4161 : vector<16xi1>, vector<16xf32>
      %select_n3A_4163 = arith.select %eq3A_4156, %div3A_4104, %select_n3A_4162 : vector<16xi1>, vector<16xf32>
      %swap3A_4164 = arith.constant 3 : i32
      %swap3A_4165 = arith.index_cast %swap3A_4164 : i32 to index
      %swap3A_4166 = arith.constant 96 : index
      %swap3A_4167 = tpu.vector_load %arg5[%swap3A_4165, %swap3A_4166] {strides = array<i32>} : memref<16x128xf32, #tpu.memory_space<vmem>>, vector<1x16xf32>,
      %swap3A_4168 = vector.shape_cast %swap3A_4167 : vector<1x16xf32> to vector<16xf32>
      %swap3A_4169 = vector.shape_cast %select_n3A_4163 : vector<16xf32> to vector<1x16xf32>
      tpu.vector_store %arg5[%swap3A_4165, %swap3A_4166], %swap3A_4169 {strides = array<i32>} : memref<16x128xf32, #tpu.memory_space<vmem>>, vector<1x16xf32>,
      %eq3A_4170 = arith.constant 4 : i32
      %eq3A_4171 = vector.broadcast %eq3A_4170 : i32 to vector<16xi32>
      %eq3A_4172 = arith.cmpi eq, %select_n3A_3988, %eq3A_4171 : vector<16xi32>
      %eq3A_4173 = arith.constant 4 : i32
      %eq3A_4174 = vector.broadcast %eq3A_4173 : i32 to vector<16xi32>
      %eq3A_4175 = arith.cmpi eq, %select_n3A_4096, %eq3A_4174 : vector<16xi32>
      %jit3A_4176 = arith.constant 0.000000e+00 : f32
      %broadcast_in_dim3A_4177 = vector.broadcast %jit3A_4176 : f32 to vector<16xf32>
      %select_n3A_4178 = arith.select %eq3A_4175, %mul3A_4105, %broadcast_in_dim3A_4177 : vector<16xi1>, vector<16xf32>
      %select_n3A_4179 = arith.select %eq3A_4172, %div3A_4104, %select_n3A_4178 : vector<16xi1>, vector<16xf32>
      %swap3A_4180 = arith.constant 4 : i32
      %swap3A_4181 = arith.index_cast %swap3A_4180 : i32 to index
      %swap3A_4182 = arith.constant 96 : index
      %swap3A_4183 = tpu.vector_load %arg5[%swap3A_4181, %swap3A_4182] {strides = array<i32>} : memref<16x128xf32, #tpu.memory_space<vmem>>, vector<1x16xf32>,
      %swap3A_4184 = vector.shape_cast %swap3A_4183 : vector<1x16xf32> to vector<16xf32>
      %swap3A_4185 = vector.shape_cast %select_n3A_4179 : vector<16xf32> to vector<1x16xf32>
      tpu.vector_store %arg5[%swap3A_4181, %swap3A_4182], %swap3A_4185 {strides = array<i32>} : memref<16x128xf32, #tpu.memory_space<vmem>>, vector<1x16xf32>,
      %eq3A_4186 = arith.constant 5 : i32
      %eq3A_4187 = vector.broadcast %eq3A_4186 : i32 to vector<16xi32>
      %eq3A_4188 = arith.cmpi eq, %select_n3A_3988, %eq3A_4187 : vector<16xi32>
      %eq3A_4189 = arith.constant 5 : i32
      %eq3A_4190 = vector.broadcast %eq3A_4189 : i32 to vector<16xi32>
      %eq3A_4191 = arith.cmpi eq, %select_n3A_4096, %eq3A_4190 : vector<16xi32>
      %jit3A_4192 = arith.constant 0.000000e+00 : f32
      %broadcast_in_dim3A_4193 = vector.broadcast %jit3A_4192 : f32 to vector<16xf32>
      %select_n3A_4194 = arith.select %eq3A_4191, %mul3A_4105, %broadcast_in_dim3A_4193 : vector<16xi1>, vector<16xf32>
      %select_n3A_4195 = arith.select %eq3A_4188, %div3A_4104, %select_n3A_4194 : vector<16xi1>, vector<16xf32>
      %swap3A_4196 = arith.constant 5 : i32
      %swap3A_4197 = arith.index_cast %swap3A_4196 : i32 to index
      %swap3A_4198 = arith.constant 96 : index
      %swap3A_4199 = tpu.vector_load %arg5[%swap3A_4197, %swap3A_4198] {strides = array<i32>} : memref<16x128xf32, #tpu.memory_space<vmem>>, vector<1x16xf32>,
      %swap3A_4200 = vector.shape_cast %swap3A_4199 : vector<1x16xf32> to vector<16xf32>
      %swap3A_4201 = vector.shape_cast %select_n3A_4195 : vector<16xf32> to vector<1x16xf32>
      tpu.vector_store %arg5[%swap3A_4197, %swap3A_4198], %swap3A_4201 {strides = array<i32>} : memref<16x128xf32, #tpu.memory_space<vmem>>, vector<1x16xf32>,
      %eq3A_4202 = arith.constant 6 : i32
      %eq3A_4203 = vector.broadcast %eq3A_4202 : i32 to vector<16xi32>
      %eq3A_4204 = arith.cmpi eq, %select_n3A_3988, %eq3A_4203 : vector<16xi32>
      %eq3A_4205 = arith.constant 6 : i32
      %eq3A_4206 = vector.broadcast %eq3A_4205 : i32 to vector<16xi32>
      %eq3A_4207 = arith.cmpi eq, %select_n3A_4096, %eq3A_4206 : vector<16xi32>
      %jit3A_4208 = arith.constant 0.000000e+00 : f32
      %broadcast_in_dim3A_4209 = vector.broadcast %jit3A_4208 : f32 to vector<16xf32>
      %select_n3A_4210 = arith.select %eq3A_4207, %mul3A_4105, %broadcast_in_dim3A_4209 : vector<16xi1>, vector<16xf32>
      %select_n3A_4211 = arith.select %eq3A_4204, %div3A_4104, %select_n3A_4210 : vector<16xi1>, vector<16xf32>
      %swap3A_4212 = arith.constant 6 : i32
      %swap3A_4213 = arith.index_cast %swap3A_4212 : i32 to index
      %swap3A_4214 = arith.constant 96 : index
      %swap3A_4215 = tpu.vector_load %arg5[%swap3A_4213, %swap3A_4214] {strides = array<i32>} : memref<16x128xf32, #tpu.memory_space<vmem>>, vector<1x16xf32>,
      %swap3A_4216 = vector.shape_cast %swap3A_4215 : vector<1x16xf32> to vector<16xf32>
      %swap3A_4217 = vector.shape_cast %select_n3A_4211 : vector<16xf32> to vector<1x16xf32>
      tpu.vector_store %arg5[%swap3A_4213, %swap3A_4214], %swap3A_4217 {strides = array<i32>} : memref<16x128xf32, #tpu.memory_space<vmem>>, vector<1x16xf32>,
      %eq3A_4218 = arith.constant 7 : i32
      %eq3A_4219 = vector.broadcast %eq3A_4218 : i32 to vector<16xi32>
      %eq3A_4220 = arith.cmpi eq, %select_n3A_3988, %eq3A_4219 : vector<16xi32>
      %eq3A_4221 = arith.constant 7 : i32
      %eq3A_4222 = vector.broadcast %eq3A_4221 : i32 to vector<16xi32>
      %eq3A_4223 = arith.cmpi eq, %select_n3A_4096, %eq3A_4222 : vector<16xi32>
      %jit3A_4224 = arith.constant 0.000000e+00 : f32
      %broadcast_in_dim3A_4225 = vector.broadcast %jit3A_4224 : f32 to vector<16xf32>
      %select_n3A_4226 = arith.select %eq3A_4223, %mul3A_4105, %broadcast_in_dim3A_4225 : vector<16xi1>, vector<16xf32>
      %select_n3A_4227 = arith.select %eq3A_4220, %div3A_4104, %select_n3A_4226 : vector<16xi1>, vector<16xf32>
      %swap3A_4228 = arith.constant 7 : i32
      %swap3A_4229 = arith.index_cast %swap3A_4228 : i32 to index
      %swap3A_4230 = arith.constant 96 : index
      %swap3A_4231 = tpu.vector_load %arg5[%swap3A_4229, %swap3A_4230] {strides = array<i32>} : memref<16x128xf32, #tpu.memory_space<vmem>>, vector<1x16xf32>,
      %swap3A_4232 = vector.shape_cast %swap3A_4231 : vector<1x16xf32> to vector<16xf32>
      %swap3A_4233 = vector.shape_cast %select_n3A_4227 : vector<16xf32> to vector<1x16xf32>
      tpu.vector_store %arg5[%swap3A_4229, %swap3A_4230], %swap3A_4233 {strides = array<i32>} : memref<16x128xf32, #tpu.memory_space<vmem>>, vector<1x16xf32>,
      %get3A_4234 = arith.constant 8 : i32
      %get3A_4235 = arith.index_cast %get3A_4234 : i32 to index
      %get3A_4236 = arith.constant 96 : index
      %get3A_4237 = tpu.vector_load %arg4[%get3A_4235, %get3A_4236] {strides = array<i32>} : memref<16x128xf32, #tpu.memory_space<vmem>>, vector<1x16xf32>,
      %get3A_4238 = vector.shape_cast %get3A_4237 : vector<1x16xf32> to vector<16xf32>
      %get3A_4239 = arith.constant 9 : i32
      %get3A_4240 = arith.index_cast %get3A_4239 : i32 to index
      %get3A_4241 = arith.constant 96 : index
      %get3A_4242 = tpu.vector_load %arg4[%get3A_4240, %get3A_4241] {strides = array<i32>} : memref<16x128xf32, #tpu.memory_space<vmem>>, vector<1x16xf32>,
      %get3A_4243 = vector.shape_cast %get3A_4242 : vector<1x16xf32> to vector<16xf32>
      %get3A_4244 = arith.constant 10 : i32
      %get3A_4245 = arith.index_cast %get3A_4244 : i32 to index
      %get3A_4246 = arith.constant 96 : index
      %get3A_4247 = tpu.vector_load %arg4[%get3A_4245, %get3A_4246] {strides = array<i32>} : memref<16x128xf32, #tpu.memory_space<vmem>>, vector<1x16xf32>,
      %get3A_4248 = vector.shape_cast %get3A_4247 : vector<1x16xf32> to vector<16xf32>
      %get3A_4249 = arith.constant 11 : i32
      %get3A_4250 = arith.index_cast %get3A_4249 : i32 to index
      %get3A_4251 = arith.constant 96 : index
      %get3A_4252 = tpu.vector_load %arg4[%get3A_4250, %get3A_4251] {strides = array<i32>} : memref<16x128xf32, #tpu.memory_space<vmem>>, vector<1x16xf32>,
      %get3A_4253 = vector.shape_cast %get3A_4252 : vector<1x16xf32> to vector<16xf32>
      %get3A_4254 = arith.constant 12 : i32
      %get3A_4255 = arith.index_cast %get3A_4254 : i32 to index
      %get3A_4256 = arith.constant 96 : index
      %get3A_4257 = tpu.vector_load %arg4[%get3A_4255, %get3A_4256] {strides = array<i32>} : memref<16x128xf32, #tpu.memory_space<vmem>>, vector<1x16xf32>,
      %get3A_4258 = vector.shape_cast %get3A_4257 : vector<1x16xf32> to vector<16xf32>
      %get3A_4259 = arith.constant 13 : i32
      %get3A_4260 = arith.index_cast %get3A_4259 : i32 to index
      %get3A_4261 = arith.constant 96 : index
      %get3A_4262 = tpu.vector_load %arg4[%get3A_4260, %get3A_4261] {strides = array<i32>} : memref<16x128xf32, #tpu.memory_space<vmem>>, vector<1x16xf32>,
      %get3A_4263 = vector.shape_cast %get3A_4262 : vector<1x16xf32> to vector<16xf32>
      %get3A_4264 = arith.constant 14 : i32
      %get3A_4265 = arith.index_cast %get3A_4264 : i32 to index
      %get3A_4266 = arith.constant 96 : index
      %get3A_4267 = tpu.vector_load %arg4[%get3A_4265, %get3A_4266] {strides = array<i32>} : memref<16x128xf32, #tpu.memory_space<vmem>>, vector<1x16xf32>,
      %get3A_4268 = vector.shape_cast %get3A_4267 : vector<1x16xf32> to vector<16xf32>
      %get3A_4269 = arith.constant 15 : i32
      %get3A_4270 = arith.index_cast %get3A_4269 : i32 to index
      %get3A_4271 = arith.constant 96 : index
      %get3A_4272 = tpu.vector_load %arg4[%get3A_4270, %get3A_4271] {strides = array<i32>} : memref<16x128xf32, #tpu.memory_space<vmem>>, vector<1x16xf32>,
      %get3A_4273 = vector.shape_cast %get3A_4272 : vector<1x16xf32> to vector<16xf32>
      %max3A_4274 = arith.maximumf %get3A_4238, %get3A_4243 : vector<16xf32>
      %max3A_4275 = arith.maximumf %max3A_4274, %get3A_4248 : vector<16xf32>
      %max3A_4276 = arith.maximumf %max3A_4275, %get3A_4253 : vector<16xf32>
      %max3A_4277 = arith.maximumf %max3A_4276, %get3A_4258 : vector<16xf32>
      %max3A_4278 = arith.maximumf %max3A_4277, %get3A_4263 : vector<16xf32>
      %max3A_4279 = arith.maximumf %max3A_4278, %get3A_4268 : vector<16xf32>
      %max3A_4280 = arith.maximumf %max3A_4279, %get3A_4273 : vector<16xf32>
      %broadcast_in_dim3A_4281 = arith.constant 8 : i32
      %broadcast_in_dim3A_4282 = vector.broadcast %broadcast_in_dim3A_4281 : i32 to vector<16xi32>
      %eq3A_4283 = arith.cmpf oeq, %get3A_4273, %max3A_4280 : vector<16xf32>
      %jit3A_4284 = arith.constant 7 : i32
      %broadcast_in_dim3A_4285 = vector.broadcast %jit3A_4284 : i32 to vector<16xi32>
      %select_n3A_4286 = arith.select %eq3A_4283, %broadcast_in_dim3A_4285, %broadcast_in_dim3A_4282 : vector<16xi1>, vector<16xi32>
      %eq3A_4287 = arith.cmpf oeq, %get3A_4268, %max3A_4280 : vector<16xf32>
      %jit3A_4288 = arith.constant 6 : i32
      %broadcast_in_dim3A_4289 = vector.broadcast %jit3A_4288 : i32 to vector<16xi32>
      %select_n3A_4290 = arith.select %eq3A_4287, %broadcast_in_dim3A_4289, %select_n3A_4286 : vector<16xi1>, vector<16xi32>
      %eq3A_4291 = arith.cmpf oeq, %get3A_4263, %max3A_4280 : vector<16xf32>
      %jit3A_4292 = arith.constant 5 : i32
      %broadcast_in_dim3A_4293 = vector.broadcast %jit3A_4292 : i32 to vector<16xi32>
      %select_n3A_4294 = arith.select %eq3A_4291, %broadcast_in_dim3A_4293, %select_n3A_4290 : vector<16xi1>, vector<16xi32>
      %eq3A_4295 = arith.cmpf oeq, %get3A_4258, %max3A_4280 : vector<16xf32>
      %jit3A_4296 = arith.constant 4 : i32
      %broadcast_in_dim3A_4297 = vector.broadcast %jit3A_4296 : i32 to vector<16xi32>
      %select_n3A_4298 = arith.select %eq3A_4295, %broadcast_in_dim3A_4297, %select_n3A_4294 : vector<16xi1>, vector<16xi32>
      %eq3A_4299 = arith.cmpf oeq, %get3A_4253, %max3A_4280 : vector<16xf32>
      %jit3A_4300 = arith.constant 3 : i32
      %broadcast_in_dim3A_4301 = vector.broadcast %jit3A_4300 : i32 to vector<16xi32>
      %select_n3A_4302 = arith.select %eq3A_4299, %broadcast_in_dim3A_4301, %select_n3A_4298 : vector<16xi1>, vector<16xi32>
      %eq3A_4303 = arith.cmpf oeq, %get3A_4248, %max3A_4280 : vector<16xf32>
      %jit3A_4304 = arith.constant 2 : i32
      %broadcast_in_dim3A_4305 = vector.broadcast %jit3A_4304 : i32 to vector<16xi32>
      %select_n3A_4306 = arith.select %eq3A_4303, %broadcast_in_dim3A_4305, %select_n3A_4302 : vector<16xi1>, vector<16xi32>
      %eq3A_4307 = arith.cmpf oeq, %get3A_4243, %max3A_4280 : vector<16xf32>
      %jit3A_4308 = arith.constant 1 : i32
      %broadcast_in_dim3A_4309 = vector.broadcast %jit3A_4308 : i32 to vector<16xi32>
      %select_n3A_4310 = arith.select %eq3A_4307, %broadcast_in_dim3A_4309, %select_n3A_4306 : vector<16xi1>, vector<16xi32>
      %eq3A_4311 = arith.cmpf oeq, %get3A_4238, %max3A_4280 : vector<16xf32>
      %jit3A_4312 = arith.constant 0 : i32
      %broadcast_in_dim3A_4313 = vector.broadcast %jit3A_4312 : i32 to vector<16xi32>
      %select_n3A_4314 = arith.select %eq3A_4311, %broadcast_in_dim3A_4313, %select_n3A_4310 : vector<16xi1>, vector<16xi32>
      %broadcast_in_dim3A_4315 = arith.constant 0xFF800000 : f32
      %broadcast_in_dim3A_4316 = vector.broadcast %broadcast_in_dim3A_4315 : f32 to vector<16xf32>
      %eq3A_4317 = arith.constant 0 : i32
      %eq3A_4318 = vector.broadcast %eq3A_4317 : i32 to vector<16xi32>
      %eq3A_4319 = arith.cmpi eq, %select_n3A_4314, %eq3A_4318 : vector<16xi32>
      %max3A_4320 = arith.maximumf %broadcast_in_dim3A_4316, %get3A_4238 : vector<16xf32>
      %select_n3A_4321 = arith.select %eq3A_4319, %broadcast_in_dim3A_4316, %max3A_4320 : vector<16xi1>, vector<16xf32>
      %eq3A_4322 = arith.constant 1 : i32
      %eq3A_4323 = vector.broadcast %eq3A_4322 : i32 to vector<16xi32>
      %eq3A_4324 = arith.cmpi eq, %select_n3A_4314, %eq3A_4323 : vector<16xi32>
      %max3A_4325 = arith.maximumf %select_n3A_4321, %get3A_4243 : vector<16xf32>
      %select_n3A_4326 = arith.select %eq3A_4324, %select_n3A_4321, %max3A_4325 : vector<16xi1>, vector<16xf32>
      %eq3A_4327 = arith.constant 2 : i32
      %eq3A_4328 = vector.broadcast %eq3A_4327 : i32 to vector<16xi32>
      %eq3A_4329 = arith.cmpi eq, %select_n3A_4314, %eq3A_4328 : vector<16xi32>
      %max3A_4330 = arith.maximumf %select_n3A_4326, %get3A_4248 : vector<16xf32>
      %select_n3A_4331 = arith.select %eq3A_4329, %select_n3A_4326, %max3A_4330 : vector<16xi1>, vector<16xf32>
      %eq3A_4332 = arith.constant 3 : i32
      %eq3A_4333 = vector.broadcast %eq3A_4332 : i32 to vector<16xi32>
      %eq3A_4334 = arith.cmpi eq, %select_n3A_4314, %eq3A_4333 : vector<16xi32>
      %max3A_4335 = arith.maximumf %select_n3A_4331, %get3A_4253 : vector<16xf32>
      %select_n3A_4336 = arith.select %eq3A_4334, %select_n3A_4331, %max3A_4335 : vector<16xi1>, vector<16xf32>
      %eq3A_4337 = arith.constant 4 : i32
      %eq3A_4338 = vector.broadcast %eq3A_4337 : i32 to vector<16xi32>
      %eq3A_4339 = arith.cmpi eq, %select_n3A_4314, %eq3A_4338 : vector<16xi32>
      %max3A_4340 = arith.maximumf %select_n3A_4336, %get3A_4258 : vector<16xf32>
      %select_n3A_4341 = arith.select %eq3A_4339, %select_n3A_4336, %max3A_4340 : vector<16xi1>, vector<16xf32>
      %eq3A_4342 = arith.constant 5 : i32
      %eq3A_4343 = vector.broadcast %eq3A_4342 : i32 to vector<16xi32>
      %eq3A_4344 = arith.cmpi eq, %select_n3A_4314, %eq3A_4343 : vector<16xi32>
      %max3A_4345 = arith.maximumf %select_n3A_4341, %get3A_4263 : vector<16xf32>
      %select_n3A_4346 = arith.select %eq3A_4344, %select_n3A_4341, %max3A_4345 : vector<16xi1>, vector<16xf32>
      %eq3A_4347 = arith.constant 6 : i32
      %eq3A_4348 = vector.broadcast %eq3A_4347 : i32 to vector<16xi32>
      %eq3A_4349 = arith.cmpi eq, %select_n3A_4314, %eq3A_4348 : vector<16xi32>
      %max3A_4350 = arith.maximumf %select_n3A_4346, %get3A_4268 : vector<16xf32>
      %select_n3A_4351 = arith.select %eq3A_4349, %select_n3A_4346, %max3A_4350 : vector<16xi1>, vector<16xf32>
      %eq3A_4352 = arith.constant 7 : i32
      %eq3A_4353 = vector.broadcast %eq3A_4352 : i32 to vector<16xi32>
      %eq3A_4354 = arith.cmpi eq, %select_n3A_4314, %eq3A_4353 : vector<16xi32>
      %max3A_4355 = arith.maximumf %select_n3A_4351, %get3A_4273 : vector<16xf32>
      %select_n3A_4356 = arith.select %eq3A_4354, %select_n3A_4351, %max3A_4355 : vector<16xi1>, vector<16xf32>
      %broadcast_in_dim3A_4357 = arith.constant 8 : i32
      %broadcast_in_dim3A_4358 = vector.broadcast %broadcast_in_dim3A_4357 : i32 to vector<16xi32>
      %eq3A_4359 = arith.cmpf oeq, %get3A_4273, %select_n3A_4356 : vector<16xf32>
      %ne3A_4360 = arith.constant 7 : i32
      %ne3A_4361 = vector.broadcast %ne3A_4360 : i32 to vector<16xi32>
      %ne3A_4362 = arith.cmpi ne, %select_n3A_4314, %ne3A_4361 : vector<16xi32>
      %and3A_4363 = arith.andi %eq3A_4359, %ne3A_4362 : vector<16xi1>
      %jit3A_4364 = arith.constant 7 : i32
      %broadcast_in_dim3A_4365 = vector.broadcast %jit3A_4364 : i32 to vector<16xi32>
      %select_n3A_4366 = arith.select %and3A_4363, %broadcast_in_dim3A_4365, %broadcast_in_dim3A_4358 : vector<16xi1>, vector<16xi32>
      %eq3A_4367 = arith.cmpf oeq, %get3A_4268, %select_n3A_4356 : vector<16xf32>
      %ne3A_4368 = arith.constant 6 : i32
      %ne3A_4369 = vector.broadcast %ne3A_4368 : i32 to vector<16xi32>
      %ne3A_4370 = arith.cmpi ne, %select_n3A_4314, %ne3A_4369 : vector<16xi32>
      %and3A_4371 = arith.andi %eq3A_4367, %ne3A_4370 : vector<16xi1>
      %jit3A_4372 = arith.constant 6 : i32
      %broadcast_in_dim3A_4373 = vector.broadcast %jit3A_4372 : i32 to vector<16xi32>
      %select_n3A_4374 = arith.select %and3A_4371, %broadcast_in_dim3A_4373, %select_n3A_4366 : vector<16xi1>, vector<16xi32>
      %eq3A_4375 = arith.cmpf oeq, %get3A_4263, %select_n3A_4356 : vector<16xf32>
      %ne3A_4376 = arith.constant 5 : i32
      %ne3A_4377 = vector.broadcast %ne3A_4376 : i32 to vector<16xi32>
      %ne3A_4378 = arith.cmpi ne, %select_n3A_4314, %ne3A_4377 : vector<16xi32>
      %and3A_4379 = arith.andi %eq3A_4375, %ne3A_4378 : vector<16xi1>
      %jit3A_4380 = arith.constant 5 : i32
      %broadcast_in_dim3A_4381 = vector.broadcast %jit3A_4380 : i32 to vector<16xi32>
      %select_n3A_4382 = arith.select %and3A_4379, %broadcast_in_dim3A_4381, %select_n3A_4374 : vector<16xi1>, vector<16xi32>
      %eq3A_4383 = arith.cmpf oeq, %get3A_4258, %select_n3A_4356 : vector<16xf32>
      %ne3A_4384 = arith.constant 4 : i32
      %ne3A_4385 = vector.broadcast %ne3A_4384 : i32 to vector<16xi32>
      %ne3A_4386 = arith.cmpi ne, %select_n3A_4314, %ne3A_4385 : vector<16xi32>
      %and3A_4387 = arith.andi %eq3A_4383, %ne3A_4386 : vector<16xi1>
      %jit3A_4388 = arith.constant 4 : i32
      %broadcast_in_dim3A_4389 = vector.broadcast %jit3A_4388 : i32 to vector<16xi32>
      %select_n3A_4390 = arith.select %and3A_4387, %broadcast_in_dim3A_4389, %select_n3A_4382 : vector<16xi1>, vector<16xi32>
      %eq3A_4391 = arith.cmpf oeq, %get3A_4253, %select_n3A_4356 : vector<16xf32>
      %ne3A_4392 = arith.constant 3 : i32
      %ne3A_4393 = vector.broadcast %ne3A_4392 : i32 to vector<16xi32>
      %ne3A_4394 = arith.cmpi ne, %select_n3A_4314, %ne3A_4393 : vector<16xi32>
      %and3A_4395 = arith.andi %eq3A_4391, %ne3A_4394 : vector<16xi1>
      %jit3A_4396 = arith.constant 3 : i32
      %broadcast_in_dim3A_4397 = vector.broadcast %jit3A_4396 : i32 to vector<16xi32>
      %select_n3A_4398 = arith.select %and3A_4395, %broadcast_in_dim3A_4397, %select_n3A_4390 : vector<16xi1>, vector<16xi32>
      %eq3A_4399 = arith.cmpf oeq, %get3A_4248, %select_n3A_4356 : vector<16xf32>
      %ne3A_4400 = arith.constant 2 : i32
      %ne3A_4401 = vector.broadcast %ne3A_4400 : i32 to vector<16xi32>
      %ne3A_4402 = arith.cmpi ne, %select_n3A_4314, %ne3A_4401 : vector<16xi32>
      %and3A_4403 = arith.andi %eq3A_4399, %ne3A_4402 : vector<16xi1>
      %jit3A_4404 = arith.constant 2 : i32
      %broadcast_in_dim3A_4405 = vector.broadcast %jit3A_4404 : i32 to vector<16xi32>
      %select_n3A_4406 = arith.select %and3A_4403, %broadcast_in_dim3A_4405, %select_n3A_4398 : vector<16xi1>, vector<16xi32>
      %eq3A_4407 = arith.cmpf oeq, %get3A_4243, %select_n3A_4356 : vector<16xf32>
      %ne3A_4408 = arith.constant 1 : i32
      %ne3A_4409 = vector.broadcast %ne3A_4408 : i32 to vector<16xi32>
      %ne3A_4410 = arith.cmpi ne, %select_n3A_4314, %ne3A_4409 : vector<16xi32>
      %and3A_4411 = arith.andi %eq3A_4407, %ne3A_4410 : vector<16xi1>
      %jit3A_4412 = arith.constant 1 : i32
      %broadcast_in_dim3A_4413 = vector.broadcast %jit3A_4412 : i32 to vector<16xi32>
      %select_n3A_4414 = arith.select %and3A_4411, %broadcast_in_dim3A_4413, %select_n3A_4406 : vector<16xi1>, vector<16xi32>
      %eq3A_4415 = arith.cmpf oeq, %get3A_4238, %select_n3A_4356 : vector<16xf32>
      %ne3A_4416 = arith.constant 0 : i32
      %ne3A_4417 = vector.broadcast %ne3A_4416 : i32 to vector<16xi32>
      %ne3A_4418 = arith.cmpi ne, %select_n3A_4314, %ne3A_4417 : vector<16xi32>
      %and3A_4419 = arith.andi %eq3A_4415, %ne3A_4418 : vector<16xi1>
      %jit3A_4420 = arith.constant 0 : i32
      %broadcast_in_dim3A_4421 = vector.broadcast %jit3A_4420 : i32 to vector<16xi32>
      %select_n3A_4422 = arith.select %and3A_4419, %broadcast_in_dim3A_4421, %select_n3A_4414 : vector<16xi1>, vector<16xi32>
      %sub3A_4423 = arith.subf %select_n3A_4356, %max3A_4280 : vector<16xf32>
      %exp3A_4424 = math.exp %sub3A_4423 : vector<16xf32>
      %add3A_4425 = arith.constant 1.000000e+00 : f32
      %add3A_4426 = vector.broadcast %add3A_4425 : f32 to vector<16xf32>
      %add3A_4427 = arith.addf %add3A_4426, %exp3A_4424 : vector<16xf32>
      %div3A_4428 = arith.constant 1.000000e+00 : f32
      %div3A_4429 = vector.broadcast %div3A_4428 : f32 to vector<16xf32>
      %div3A_4430 = arith.divf %div3A_4429, %add3A_4427 : vector<16xf32>
      %mul3A_4431 = arith.mulf %exp3A_4424, %div3A_4430 : vector<16xf32>
      %eq3A_4432 = arith.constant 0 : i32
      %eq3A_4433 = vector.broadcast %eq3A_4432 : i32 to vector<16xi32>
      %eq3A_4434 = arith.cmpi eq, %select_n3A_4314, %eq3A_4433 : vector<16xi32>
      %eq3A_4435 = arith.constant 0 : i32
      %eq3A_4436 = vector.broadcast %eq3A_4435 : i32 to vector<16xi32>
      %eq3A_4437 = arith.cmpi eq, %select_n3A_4422, %eq3A_4436 : vector<16xi32>
      %jit3A_4438 = arith.constant 0.000000e+00 : f32
      %broadcast_in_dim3A_4439 = vector.broadcast %jit3A_4438 : f32 to vector<16xf32>
      %select_n3A_4440 = arith.select %eq3A_4437, %mul3A_4431, %broadcast_in_dim3A_4439 : vector<16xi1>, vector<16xf32>
      %select_n3A_4441 = arith.select %eq3A_4434, %div3A_4430, %select_n3A_4440 : vector<16xi1>, vector<16xf32>
      %swap3A_4442 = arith.constant 8 : i32
      %swap3A_4443 = arith.index_cast %swap3A_4442 : i32 to index
      %swap3A_4444 = arith.constant 96 : index
      %swap3A_4445 = tpu.vector_load %arg5[%swap3A_4443, %swap3A_4444] {strides = array<i32>} : memref<16x128xf32, #tpu.memory_space<vmem>>, vector<1x16xf32>,
      %swap3A_4446 = vector.shape_cast %swap3A_4445 : vector<1x16xf32> to vector<16xf32>
      %swap3A_4447 = vector.shape_cast %select_n3A_4441 : vector<16xf32> to vector<1x16xf32>
      tpu.vector_store %arg5[%swap3A_4443, %swap3A_4444], %swap3A_4447 {strides = array<i32>} : memref<16x128xf32, #tpu.memory_space<vmem>>, vector<1x16xf32>,
      %eq3A_4448 = arith.constant 1 : i32
      %eq3A_4449 = vector.broadcast %eq3A_4448 : i32 to vector<16xi32>
      %eq3A_4450 = arith.cmpi eq, %select_n3A_4314, %eq3A_4449 : vector<16xi32>
      %eq3A_4451 = arith.constant 1 : i32
      %eq3A_4452 = vector.broadcast %eq3A_4451 : i32 to vector<16xi32>
      %eq3A_4453 = arith.cmpi eq, %select_n3A_4422, %eq3A_4452 : vector<16xi32>
      %jit3A_4454 = arith.constant 0.000000e+00 : f32
      %broadcast_in_dim3A_4455 = vector.broadcast %jit3A_4454 : f32 to vector<16xf32>
      %select_n3A_4456 = arith.select %eq3A_4453, %mul3A_4431, %broadcast_in_dim3A_4455 : vector<16xi1>, vector<16xf32>
      %select_n3A_4457 = arith.select %eq3A_4450, %div3A_4430, %select_n3A_4456 : vector<16xi1>, vector<16xf32>
      %swap3A_4458 = arith.constant 9 : i32
      %swap3A_4459 = arith.index_cast %swap3A_4458 : i32 to index
      %swap3A_4460 = arith.constant 96 : index
      %swap3A_4461 = tpu.vector_load %arg5[%swap3A_4459, %swap3A_4460] {strides = array<i32>} : memref<16x128xf32, #tpu.memory_space<vmem>>, vector<1x16xf32>,
      %swap3A_4462 = vector.shape_cast %swap3A_4461 : vector<1x16xf32> to vector<16xf32>
      %swap3A_4463 = vector.shape_cast %select_n3A_4457 : vector<16xf32> to vector<1x16xf32>
      tpu.vector_store %arg5[%swap3A_4459, %swap3A_4460], %swap3A_4463 {strides = array<i32>} : memref<16x128xf32, #tpu.memory_space<vmem>>, vector<1x16xf32>,
      %eq3A_4464 = arith.constant 2 : i32
      %eq3A_4465 = vector.broadcast %eq3A_4464 : i32 to vector<16xi32>
      %eq3A_4466 = arith.cmpi eq, %select_n3A_4314, %eq3A_4465 : vector<16xi32>
      %eq3A_4467 = arith.constant 2 : i32
      %eq3A_4468 = vector.broadcast %eq3A_4467 : i32 to vector<16xi32>
      %eq3A_4469 = arith.cmpi eq, %select_n3A_4422, %eq3A_4468 : vector<16xi32>
      %jit3A_4470 = arith.constant 0.000000e+00 : f32
      %broadcast_in_dim3A_4471 = vector.broadcast %jit3A_4470 : f32 to vector<16xf32>
      %select_n3A_4472 = arith.select %eq3A_4469, %mul3A_4431, %broadcast_in_dim3A_4471 : vector<16xi1>, vector<16xf32>
      %select_n3A_4473 = arith.select %eq3A_4466, %div3A_4430, %select_n3A_4472 : vector<16xi1>, vector<16xf32>
      %swap3A_4474 = arith.constant 10 : i32
      %swap3A_4475 = arith.index_cast %swap3A_4474 : i32 to index
      %swap3A_4476 = arith.constant 96 : index
      %swap3A_4477 = tpu.vector_load %arg5[%swap3A_4475, %swap3A_4476] {strides = array<i32>} : memref<16x128xf32, #tpu.memory_space<vmem>>, vector<1x16xf32>,
      %swap3A_4478 = vector.shape_cast %swap3A_4477 : vector<1x16xf32> to vector<16xf32>
      %swap3A_4479 = vector.shape_cast %select_n3A_4473 : vector<16xf32> to vector<1x16xf32>
      tpu.vector_store %arg5[%swap3A_4475, %swap3A_4476], %swap3A_4479 {strides = array<i32>} : memref<16x128xf32, #tpu.memory_space<vmem>>, vector<1x16xf32>,
      %eq3A_4480 = arith.constant 3 : i32
      %eq3A_4481 = vector.broadcast %eq3A_4480 : i32 to vector<16xi32>
      %eq3A_4482 = arith.cmpi eq, %select_n3A_4314, %eq3A_4481 : vector<16xi32>
      %eq3A_4483 = arith.constant 3 : i32
      %eq3A_4484 = vector.broadcast %eq3A_4483 : i32 to vector<16xi32>
      %eq3A_4485 = arith.cmpi eq, %select_n3A_4422, %eq3A_4484 : vector<16xi32>
      %jit3A_4486 = arith.constant 0.000000e+00 : f32
      %broadcast_in_dim3A_4487 = vector.broadcast %jit3A_4486 : f32 to vector<16xf32>
      %select_n3A_4488 = arith.select %eq3A_4485, %mul3A_4431, %broadcast_in_dim3A_4487 : vector<16xi1>, vector<16xf32>
      %select_n3A_4489 = arith.select %eq3A_4482, %div3A_4430, %select_n3A_4488 : vector<16xi1>, vector<16xf32>
      %swap3A_4490 = arith.constant 11 : i32
      %swap3A_4491 = arith.index_cast %swap3A_4490 : i32 to index
      %swap3A_4492 = arith.constant 96 : index
      %swap3A_4493 = tpu.vector_load %arg5[%swap3A_4491, %swap3A_4492] {strides = array<i32>} : memref<16x128xf32, #tpu.memory_space<vmem>>, vector<1x16xf32>,
      %swap3A_4494 = vector.shape_cast %swap3A_4493 : vector<1x16xf32> to vector<16xf32>
      %swap3A_4495 = vector.shape_cast %select_n3A_4489 : vector<16xf32> to vector<1x16xf32>
      tpu.vector_store %arg5[%swap3A_4491, %swap3A_4492], %swap3A_4495 {strides = array<i32>} : memref<16x128xf32, #tpu.memory_space<vmem>>, vector<1x16xf32>,
      %eq3A_4496 = arith.constant 4 : i32
      %eq3A_4497 = vector.broadcast %eq3A_4496 : i32 to vector<16xi32>
      %eq3A_4498 = arith.cmpi eq, %select_n3A_4314, %eq3A_4497 : vector<16xi32>
      %eq3A_4499 = arith.constant 4 : i32
      %eq3A_4500 = vector.broadcast %eq3A_4499 : i32 to vector<16xi32>
      %eq3A_4501 = arith.cmpi eq, %select_n3A_4422, %eq3A_4500 : vector<16xi32>
      %jit3A_4502 = arith.constant 0.000000e+00 : f32
      %broadcast_in_dim3A_4503 = vector.broadcast %jit3A_4502 : f32 to vector<16xf32>
      %select_n3A_4504 = arith.select %eq3A_4501, %mul3A_4431, %broadcast_in_dim3A_4503 : vector<16xi1>, vector<16xf32>
      %select_n3A_4505 = arith.select %eq3A_4498, %div3A_4430, %select_n3A_4504 : vector<16xi1>, vector<16xf32>
      %swap3A_4506 = arith.constant 12 : i32
      %swap3A_4507 = arith.index_cast %swap3A_4506 : i32 to index
      %swap3A_4508 = arith.constant 96 : index
      %swap3A_4509 = tpu.vector_load %arg5[%swap3A_4507, %swap3A_4508] {strides = array<i32>} : memref<16x128xf32, #tpu.memory_space<vmem>>, vector<1x16xf32>,
      %swap3A_4510 = vector.shape_cast %swap3A_4509 : vector<1x16xf32> to vector<16xf32>
      %swap3A_4511 = vector.shape_cast %select_n3A_4505 : vector<16xf32> to vector<1x16xf32>
      tpu.vector_store %arg5[%swap3A_4507, %swap3A_4508], %swap3A_4511 {strides = array<i32>} : memref<16x128xf32, #tpu.memory_space<vmem>>, vector<1x16xf32>,
      %eq3A_4512 = arith.constant 5 : i32
      %eq3A_4513 = vector.broadcast %eq3A_4512 : i32 to vector<16xi32>
      %eq3A_4514 = arith.cmpi eq, %select_n3A_4314, %eq3A_4513 : vector<16xi32>
      %eq3A_4515 = arith.constant 5 : i32
      %eq3A_4516 = vector.broadcast %eq3A_4515 : i32 to vector<16xi32>
      %eq3A_4517 = arith.cmpi eq, %select_n3A_4422, %eq3A_4516 : vector<16xi32>
      %jit3A_4518 = arith.constant 0.000000e+00 : f32
      %broadcast_in_dim3A_4519 = vector.broadcast %jit3A_4518 : f32 to vector<16xf32>
      %select_n3A_4520 = arith.select %eq3A_4517, %mul3A_4431, %broadcast_in_dim3A_4519 : vector<16xi1>, vector<16xf32>
      %select_n3A_4521 = arith.select %eq3A_4514, %div3A_4430, %select_n3A_4520 : vector<16xi1>, vector<16xf32>
      %swap3A_4522 = arith.constant 13 : i32
      %swap3A_4523 = arith.index_cast %swap3A_4522 : i32 to index
      %swap3A_4524 = arith.constant 96 : index
      %swap3A_4525 = tpu.vector_load %arg5[%swap3A_4523, %swap3A_4524] {strides = array<i32>} : memref<16x128xf32, #tpu.memory_space<vmem>>, vector<1x16xf32>,
      %swap3A_4526 = vector.shape_cast %swap3A_4525 : vector<1x16xf32> to vector<16xf32>
      %swap3A_4527 = vector.shape_cast %select_n3A_4521 : vector<16xf32> to vector<1x16xf32>
      tpu.vector_store %arg5[%swap3A_4523, %swap3A_4524], %swap3A_4527 {strides = array<i32>} : memref<16x128xf32, #tpu.memory_space<vmem>>, vector<1x16xf32>,
      %eq3A_4528 = arith.constant 6 : i32
      %eq3A_4529 = vector.broadcast %eq3A_4528 : i32 to vector<16xi32>
      %eq3A_4530 = arith.cmpi eq, %select_n3A_4314, %eq3A_4529 : vector<16xi32>
      %eq3A_4531 = arith.constant 6 : i32
      %eq3A_4532 = vector.broadcast %eq3A_4531 : i32 to vector<16xi32>
      %eq3A_4533 = arith.cmpi eq, %select_n3A_4422, %eq3A_4532 : vector<16xi32>
      %jit3A_4534 = arith.constant 0.000000e+00 : f32
      %broadcast_in_dim3A_4535 = vector.broadcast %jit3A_4534 : f32 to vector<16xf32>
      %select_n3A_4536 = arith.select %eq3A_4533, %mul3A_4431, %broadcast_in_dim3A_4535 : vector<16xi1>, vector<16xf32>
      %select_n3A_4537 = arith.select %eq3A_4530, %div3A_4430, %select_n3A_4536 : vector<16xi1>, vector<16xf32>
      %swap3A_4538 = arith.constant 14 : i32
      %swap3A_4539 = arith.index_cast %swap3A_4538 : i32 to index
      %swap3A_4540 = arith.constant 96 : index
      %swap3A_4541 = tpu.vector_load %arg5[%swap3A_4539, %swap3A_4540] {strides = array<i32>} : memref<16x128xf32, #tpu.memory_space<vmem>>, vector<1x16xf32>,
      %swap3A_4542 = vector.shape_cast %swap3A_4541 : vector<1x16xf32> to vector<16xf32>
      %swap3A_4543 = vector.shape_cast %select_n3A_4537 : vector<16xf32> to vector<1x16xf32>
      tpu.vector_store %arg5[%swap3A_4539, %swap3A_4540], %swap3A_4543 {strides = array<i32>} : memref<16x128xf32, #tpu.memory_space<vmem>>, vector<1x16xf32>,
      %eq3A_4544 = arith.constant 7 : i32
      %eq3A_4545 = vector.broadcast %eq3A_4544 : i32 to vector<16xi32>
      %eq3A_4546 = arith.cmpi eq, %select_n3A_4314, %eq3A_4545 : vector<16xi32>
      %eq3A_4547 = arith.constant 7 : i32
      %eq3A_4548 = vector.broadcast %eq3A_4547 : i32 to vector<16xi32>
      %eq3A_4549 = arith.cmpi eq, %select_n3A_4422, %eq3A_4548 : vector<16xi32>
      %jit3A_4550 = arith.constant 0.000000e+00 : f32
      %broadcast_in_dim3A_4551 = vector.broadcast %jit3A_4550 : f32 to vector<16xf32>
      %select_n3A_4552 = arith.select %eq3A_4549, %mul3A_4431, %broadcast_in_dim3A_4551 : vector<16xi1>, vector<16xf32>
      %select_n3A_4553 = arith.select %eq3A_4546, %div3A_4430, %select_n3A_4552 : vector<16xi1>, vector<16xf32>
      %swap3A_4554 = arith.constant 15 : i32
      %swap3A_4555 = arith.index_cast %swap3A_4554 : i32 to index
      %swap3A_4556 = arith.constant 96 : index
      %swap3A_4557 = tpu.vector_load %arg5[%swap3A_4555, %swap3A_4556] {strides = array<i32>} : memref<16x128xf32, #tpu.memory_space<vmem>>, vector<1x16xf32>,
      %swap3A_4558 = vector.shape_cast %swap3A_4557 : vector<1x16xf32> to vector<16xf32>
      %swap3A_4559 = vector.shape_cast %select_n3A_4553 : vector<16xf32> to vector<1x16xf32>
      tpu.vector_store %arg5[%swap3A_4555, %swap3A_4556], %swap3A_4559 {strides = array<i32>} : memref<16x128xf32, #tpu.memory_space<vmem>>, vector<1x16xf32>,
      %get3A_4560 = arith.constant 0 : i32
      %get3A_4561 = arith.index_cast %get3A_4560 : i32 to index
      %get3A_4562 = arith.constant 112 : index
      %get3A_4563 = tpu.vector_load %arg4[%get3A_4561, %get3A_4562] {strides = array<i32>} : memref<16x128xf32, #tpu.memory_space<vmem>>, vector<1x16xf32>,
      %get3A_4564 = vector.shape_cast %get3A_4563 : vector<1x16xf32> to vector<16xf32>
      %get3A_4565 = arith.constant 1 : i32
      %get3A_4566 = arith.index_cast %get3A_4565 : i32 to index
      %get3A_4567 = arith.constant 112 : index
      %get3A_4568 = tpu.vector_load %arg4[%get3A_4566, %get3A_4567] {strides = array<i32>} : memref<16x128xf32, #tpu.memory_space<vmem>>, vector<1x16xf32>,
      %get3A_4569 = vector.shape_cast %get3A_4568 : vector<1x16xf32> to vector<16xf32>
      %get3A_4570 = arith.constant 2 : i32
      %get3A_4571 = arith.index_cast %get3A_4570 : i32 to index
      %get3A_4572 = arith.constant 112 : index
      %get3A_4573 = tpu.vector_load %arg4[%get3A_4571, %get3A_4572] {strides = array<i32>} : memref<16x128xf32, #tpu.memory_space<vmem>>, vector<1x16xf32>,
      %get3A_4574 = vector.shape_cast %get3A_4573 : vector<1x16xf32> to vector<16xf32>
      %get3A_4575 = arith.constant 3 : i32
      %get3A_4576 = arith.index_cast %get3A_4575 : i32 to index
      %get3A_4577 = arith.constant 112 : index
      %get3A_4578 = tpu.vector_load %arg4[%get3A_4576, %get3A_4577] {strides = array<i32>} : memref<16x128xf32, #tpu.memory_space<vmem>>, vector<1x16xf32>,
      %get3A_4579 = vector.shape_cast %get3A_4578 : vector<1x16xf32> to vector<16xf32>
      %get3A_4580 = arith.constant 4 : i32
      %get3A_4581 = arith.index_cast %get3A_4580 : i32 to index
      %get3A_4582 = arith.constant 112 : index
      %get3A_4583 = tpu.vector_load %arg4[%get3A_4581, %get3A_4582] {strides = array<i32>} : memref<16x128xf32, #tpu.memory_space<vmem>>, vector<1x16xf32>,
      %get3A_4584 = vector.shape_cast %get3A_4583 : vector<1x16xf32> to vector<16xf32>
      %get3A_4585 = arith.constant 5 : i32
      %get3A_4586 = arith.index_cast %get3A_4585 : i32 to index
      %get3A_4587 = arith.constant 112 : index
      %get3A_4588 = tpu.vector_load %arg4[%get3A_4586, %get3A_4587] {strides = array<i32>} : memref<16x128xf32, #tpu.memory_space<vmem>>, vector<1x16xf32>,
      %get3A_4589 = vector.shape_cast %get3A_4588 : vector<1x16xf32> to vector<16xf32>
      %get3A_4590 = arith.constant 6 : i32
      %get3A_4591 = arith.index_cast %get3A_4590 : i32 to index
      %get3A_4592 = arith.constant 112 : index
      %get3A_4593 = tpu.vector_load %arg4[%get3A_4591, %get3A_4592] {strides = array<i32>} : memref<16x128xf32, #tpu.memory_space<vmem>>, vector<1x16xf32>,
      %get3A_4594 = vector.shape_cast %get3A_4593 : vector<1x16xf32> to vector<16xf32>
      %get3A_4595 = arith.constant 7 : i32
      %get3A_4596 = arith.index_cast %get3A_4595 : i32 to index
      %get3A_4597 = arith.constant 112 : index
      %get3A_4598 = tpu.vector_load %arg4[%get3A_4596, %get3A_4597] {strides = array<i32>} : memref<16x128xf32, #tpu.memory_space<vmem>>, vector<1x16xf32>,
      %get3A_4599 = vector.shape_cast %get3A_4598 : vector<1x16xf32> to vector<16xf32>
      %max3A_4600 = arith.maximumf %get3A_4564, %get3A_4569 : vector<16xf32>
      %max3A_4601 = arith.maximumf %max3A_4600, %get3A_4574 : vector<16xf32>
      %max3A_4602 = arith.maximumf %max3A_4601, %get3A_4579 : vector<16xf32>
      %max3A_4603 = arith.maximumf %max3A_4602, %get3A_4584 : vector<16xf32>
      %max3A_4604 = arith.maximumf %max3A_4603, %get3A_4589 : vector<16xf32>
      %max3A_4605 = arith.maximumf %max3A_4604, %get3A_4594 : vector<16xf32>
      %max3A_4606 = arith.maximumf %max3A_4605, %get3A_4599 : vector<16xf32>
      %broadcast_in_dim3A_4607 = arith.constant 8 : i32
      %broadcast_in_dim3A_4608 = vector.broadcast %broadcast_in_dim3A_4607 : i32 to vector<16xi32>
      %eq3A_4609 = arith.cmpf oeq, %get3A_4599, %max3A_4606 : vector<16xf32>
      %jit3A_4610 = arith.constant 7 : i32
      %broadcast_in_dim3A_4611 = vector.broadcast %jit3A_4610 : i32 to vector<16xi32>
      %select_n3A_4612 = arith.select %eq3A_4609, %broadcast_in_dim3A_4611, %broadcast_in_dim3A_4608 : vector<16xi1>, vector<16xi32>
      %eq3A_4613 = arith.cmpf oeq, %get3A_4594, %max3A_4606 : vector<16xf32>
      %jit3A_4614 = arith.constant 6 : i32
      %broadcast_in_dim3A_4615 = vector.broadcast %jit3A_4614 : i32 to vector<16xi32>
      %select_n3A_4616 = arith.select %eq3A_4613, %broadcast_in_dim3A_4615, %select_n3A_4612 : vector<16xi1>, vector<16xi32>
      %eq3A_4617 = arith.cmpf oeq, %get3A_4589, %max3A_4606 : vector<16xf32>
      %jit3A_4618 = arith.constant 5 : i32
      %broadcast_in_dim3A_4619 = vector.broadcast %jit3A_4618 : i32 to vector<16xi32>
      %select_n3A_4620 = arith.select %eq3A_4617, %broadcast_in_dim3A_4619, %select_n3A_4616 : vector<16xi1>, vector<16xi32>
      %eq3A_4621 = arith.cmpf oeq, %get3A_4584, %max3A_4606 : vector<16xf32>
      %jit3A_4622 = arith.constant 4 : i32
      %broadcast_in_dim3A_4623 = vector.broadcast %jit3A_4622 : i32 to vector<16xi32>
      %select_n3A_4624 = arith.select %eq3A_4621, %broadcast_in_dim3A_4623, %select_n3A_4620 : vector<16xi1>, vector<16xi32>
      %eq3A_4625 = arith.cmpf oeq, %get3A_4579, %max3A_4606 : vector<16xf32>
      %jit3A_4626 = arith.constant 3 : i32
      %broadcast_in_dim3A_4627 = vector.broadcast %jit3A_4626 : i32 to vector<16xi32>
      %select_n3A_4628 = arith.select %eq3A_4625, %broadcast_in_dim3A_4627, %select_n3A_4624 : vector<16xi1>, vector<16xi32>
      %eq3A_4629 = arith.cmpf oeq, %get3A_4574, %max3A_4606 : vector<16xf32>
      %jit3A_4630 = arith.constant 2 : i32
      %broadcast_in_dim3A_4631 = vector.broadcast %jit3A_4630 : i32 to vector<16xi32>
      %select_n3A_4632 = arith.select %eq3A_4629, %broadcast_in_dim3A_4631, %select_n3A_4628 : vector<16xi1>, vector<16xi32>
      %eq3A_4633 = arith.cmpf oeq, %get3A_4569, %max3A_4606 : vector<16xf32>
      %jit3A_4634 = arith.constant 1 : i32
      %broadcast_in_dim3A_4635 = vector.broadcast %jit3A_4634 : i32 to vector<16xi32>
      %select_n3A_4636 = arith.select %eq3A_4633, %broadcast_in_dim3A_4635, %select_n3A_4632 : vector<16xi1>, vector<16xi32>
      %eq3A_4637 = arith.cmpf oeq, %get3A_4564, %max3A_4606 : vector<16xf32>
      %jit3A_4638 = arith.constant 0 : i32
      %broadcast_in_dim3A_4639 = vector.broadcast %jit3A_4638 : i32 to vector<16xi32>
      %select_n3A_4640 = arith.select %eq3A_4637, %broadcast_in_dim3A_4639, %select_n3A_4636 : vector<16xi1>, vector<16xi32>
      %broadcast_in_dim3A_4641 = arith.constant 0xFF800000 : f32
      %broadcast_in_dim3A_4642 = vector.broadcast %broadcast_in_dim3A_4641 : f32 to vector<16xf32>
      %eq3A_4643 = arith.constant 0 : i32
      %eq3A_4644 = vector.broadcast %eq3A_4643 : i32 to vector<16xi32>
      %eq3A_4645 = arith.cmpi eq, %select_n3A_4640, %eq3A_4644 : vector<16xi32>
      %max3A_4646 = arith.maximumf %broadcast_in_dim3A_4642, %get3A_4564 : vector<16xf32>
      %select_n3A_4647 = arith.select %eq3A_4645, %broadcast_in_dim3A_4642, %max3A_4646 : vector<16xi1>, vector<16xf32>
      %eq3A_4648 = arith.constant 1 : i32
      %eq3A_4649 = vector.broadcast %eq3A_4648 : i32 to vector<16xi32>
      %eq3A_4650 = arith.cmpi eq, %select_n3A_4640, %eq3A_4649 : vector<16xi32>
      %max3A_4651 = arith.maximumf %select_n3A_4647, %get3A_4569 : vector<16xf32>
      %select_n3A_4652 = arith.select %eq3A_4650, %select_n3A_4647, %max3A_4651 : vector<16xi1>, vector<16xf32>
      %eq3A_4653 = arith.constant 2 : i32
      %eq3A_4654 = vector.broadcast %eq3A_4653 : i32 to vector<16xi32>
      %eq3A_4655 = arith.cmpi eq, %select_n3A_4640, %eq3A_4654 : vector<16xi32>
      %max3A_4656 = arith.maximumf %select_n3A_4652, %get3A_4574 : vector<16xf32>
      %select_n3A_4657 = arith.select %eq3A_4655, %select_n3A_4652, %max3A_4656 : vector<16xi1>, vector<16xf32>
      %eq3A_4658 = arith.constant 3 : i32
      %eq3A_4659 = vector.broadcast %eq3A_4658 : i32 to vector<16xi32>
      %eq3A_4660 = arith.cmpi eq, %select_n3A_4640, %eq3A_4659 : vector<16xi32>
      %max3A_4661 = arith.maximumf %select_n3A_4657, %get3A_4579 : vector<16xf32>
      %select_n3A_4662 = arith.select %eq3A_4660, %select_n3A_4657, %max3A_4661 : vector<16xi1>, vector<16xf32>
      %eq3A_4663 = arith.constant 4 : i32
      %eq3A_4664 = vector.broadcast %eq3A_4663 : i32 to vector<16xi32>
      %eq3A_4665 = arith.cmpi eq, %select_n3A_4640, %eq3A_4664 : vector<16xi32>
      %max3A_4666 = arith.maximumf %select_n3A_4662, %get3A_4584 : vector<16xf32>
      %select_n3A_4667 = arith.select %eq3A_4665, %select_n3A_4662, %max3A_4666 : vector<16xi1>, vector<16xf32>
      %eq3A_4668 = arith.constant 5 : i32
      %eq3A_4669 = vector.broadcast %eq3A_4668 : i32 to vector<16xi32>
      %eq3A_4670 = arith.cmpi eq, %select_n3A_4640, %eq3A_4669 : vector<16xi32>
      %max3A_4671 = arith.maximumf %select_n3A_4667, %get3A_4589 : vector<16xf32>
      %select_n3A_4672 = arith.select %eq3A_4670, %select_n3A_4667, %max3A_4671 : vector<16xi1>, vector<16xf32>
      %eq3A_4673 = arith.constant 6 : i32
      %eq3A_4674 = vector.broadcast %eq3A_4673 : i32 to vector<16xi32>
      %eq3A_4675 = arith.cmpi eq, %select_n3A_4640, %eq3A_4674 : vector<16xi32>
      %max3A_4676 = arith.maximumf %select_n3A_4672, %get3A_4594 : vector<16xf32>
      %select_n3A_4677 = arith.select %eq3A_4675, %select_n3A_4672, %max3A_4676 : vector<16xi1>, vector<16xf32>
      %eq3A_4678 = arith.constant 7 : i32
      %eq3A_4679 = vector.broadcast %eq3A_4678 : i32 to vector<16xi32>
      %eq3A_4680 = arith.cmpi eq, %select_n3A_4640, %eq3A_4679 : vector<16xi32>
      %max3A_4681 = arith.maximumf %select_n3A_4677, %get3A_4599 : vector<16xf32>
      %select_n3A_4682 = arith.select %eq3A_4680, %select_n3A_4677, %max3A_4681 : vector<16xi1>, vector<16xf32>
      %broadcast_in_dim3A_4683 = arith.constant 8 : i32
      %broadcast_in_dim3A_4684 = vector.broadcast %broadcast_in_dim3A_4683 : i32 to vector<16xi32>
      %eq3A_4685 = arith.cmpf oeq, %get3A_4599, %select_n3A_4682 : vector<16xf32>
      %ne3A_4686 = arith.constant 7 : i32
      %ne3A_4687 = vector.broadcast %ne3A_4686 : i32 to vector<16xi32>
      %ne3A_4688 = arith.cmpi ne, %select_n3A_4640, %ne3A_4687 : vector<16xi32>
      %and3A_4689 = arith.andi %eq3A_4685, %ne3A_4688 : vector<16xi1>
      %jit3A_4690 = arith.constant 7 : i32
      %broadcast_in_dim3A_4691 = vector.broadcast %jit3A_4690 : i32 to vector<16xi32>
      %select_n3A_4692 = arith.select %and3A_4689, %broadcast_in_dim3A_4691, %broadcast_in_dim3A_4684 : vector<16xi1>, vector<16xi32>
      %eq3A_4693 = arith.cmpf oeq, %get3A_4594, %select_n3A_4682 : vector<16xf32>
      %ne3A_4694 = arith.constant 6 : i32
      %ne3A_4695 = vector.broadcast %ne3A_4694 : i32 to vector<16xi32>
      %ne3A_4696 = arith.cmpi ne, %select_n3A_4640, %ne3A_4695 : vector<16xi32>
      %and3A_4697 = arith.andi %eq3A_4693, %ne3A_4696 : vector<16xi1>
      %jit3A_4698 = arith.constant 6 : i32
      %broadcast_in_dim3A_4699 = vector.broadcast %jit3A_4698 : i32 to vector<16xi32>
      %select_n3A_4700 = arith.select %and3A_4697, %broadcast_in_dim3A_4699, %select_n3A_4692 : vector<16xi1>, vector<16xi32>
      %eq3A_4701 = arith.cmpf oeq, %get3A_4589, %select_n3A_4682 : vector<16xf32>
      %ne3A_4702 = arith.constant 5 : i32
      %ne3A_4703 = vector.broadcast %ne3A_4702 : i32 to vector<16xi32>
      %ne3A_4704 = arith.cmpi ne, %select_n3A_4640, %ne3A_4703 : vector<16xi32>
      %and3A_4705 = arith.andi %eq3A_4701, %ne3A_4704 : vector<16xi1>
      %jit3A_4706 = arith.constant 5 : i32
      %broadcast_in_dim3A_4707 = vector.broadcast %jit3A_4706 : i32 to vector<16xi32>
      %select_n3A_4708 = arith.select %and3A_4705, %broadcast_in_dim3A_4707, %select_n3A_4700 : vector<16xi1>, vector<16xi32>
      %eq3A_4709 = arith.cmpf oeq, %get3A_4584, %select_n3A_4682 : vector<16xf32>
      %ne3A_4710 = arith.constant 4 : i32
      %ne3A_4711 = vector.broadcast %ne3A_4710 : i32 to vector<16xi32>
      %ne3A_4712 = arith.cmpi ne, %select_n3A_4640, %ne3A_4711 : vector<16xi32>
      %and3A_4713 = arith.andi %eq3A_4709, %ne3A_4712 : vector<16xi1>
      %jit3A_4714 = arith.constant 4 : i32
      %broadcast_in_dim3A_4715 = vector.broadcast %jit3A_4714 : i32 to vector<16xi32>
      %select_n3A_4716 = arith.select %and3A_4713, %broadcast_in_dim3A_4715, %select_n3A_4708 : vector<16xi1>, vector<16xi32>
      %eq3A_4717 = arith.cmpf oeq, %get3A_4579, %select_n3A_4682 : vector<16xf32>
      %ne3A_4718 = arith.constant 3 : i32
      %ne3A_4719 = vector.broadcast %ne3A_4718 : i32 to vector<16xi32>
      %ne3A_4720 = arith.cmpi ne, %select_n3A_4640, %ne3A_4719 : vector<16xi32>
      %and3A_4721 = arith.andi %eq3A_4717, %ne3A_4720 : vector<16xi1>
      %jit3A_4722 = arith.constant 3 : i32
      %broadcast_in_dim3A_4723 = vector.broadcast %jit3A_4722 : i32 to vector<16xi32>
      %select_n3A_4724 = arith.select %and3A_4721, %broadcast_in_dim3A_4723, %select_n3A_4716 : vector<16xi1>, vector<16xi32>
      %eq3A_4725 = arith.cmpf oeq, %get3A_4574, %select_n3A_4682 : vector<16xf32>
      %ne3A_4726 = arith.constant 2 : i32
      %ne3A_4727 = vector.broadcast %ne3A_4726 : i32 to vector<16xi32>
      %ne3A_4728 = arith.cmpi ne, %select_n3A_4640, %ne3A_4727 : vector<16xi32>
      %and3A_4729 = arith.andi %eq3A_4725, %ne3A_4728 : vector<16xi1>
      %jit3A_4730 = arith.constant 2 : i32
      %broadcast_in_dim3A_4731 = vector.broadcast %jit3A_4730 : i32 to vector<16xi32>
      %select_n3A_4732 = arith.select %and3A_4729, %broadcast_in_dim3A_4731, %select_n3A_4724 : vector<16xi1>, vector<16xi32>
      %eq3A_4733 = arith.cmpf oeq, %get3A_4569, %select_n3A_4682 : vector<16xf32>
      %ne3A_4734 = arith.constant 1 : i32
      %ne3A_4735 = vector.broadcast %ne3A_4734 : i32 to vector<16xi32>
      %ne3A_4736 = arith.cmpi ne, %select_n3A_4640, %ne3A_4735 : vector<16xi32>
      %and3A_4737 = arith.andi %eq3A_4733, %ne3A_4736 : vector<16xi1>
      %jit3A_4738 = arith.constant 1 : i32
      %broadcast_in_dim3A_4739 = vector.broadcast %jit3A_4738 : i32 to vector<16xi32>
      %select_n3A_4740 = arith.select %and3A_4737, %broadcast_in_dim3A_4739, %select_n3A_4732 : vector<16xi1>, vector<16xi32>
      %eq3A_4741 = arith.cmpf oeq, %get3A_4564, %select_n3A_4682 : vector<16xf32>
      %ne3A_4742 = arith.constant 0 : i32
      %ne3A_4743 = vector.broadcast %ne3A_4742 : i32 to vector<16xi32>
      %ne3A_4744 = arith.cmpi ne, %select_n3A_4640, %ne3A_4743 : vector<16xi32>
      %and3A_4745 = arith.andi %eq3A_4741, %ne3A_4744 : vector<16xi1>
      %jit3A_4746 = arith.constant 0 : i32
      %broadcast_in_dim3A_4747 = vector.broadcast %jit3A_4746 : i32 to vector<16xi32>
      %select_n3A_4748 = arith.select %and3A_4745, %broadcast_in_dim3A_4747, %select_n3A_4740 : vector<16xi1>, vector<16xi32>
      %sub3A_4749 = arith.subf %select_n3A_4682, %max3A_4606 : vector<16xf32>
      %exp3A_4750 = math.exp %sub3A_4749 : vector<16xf32>
      %add3A_4751 = arith.constant 1.000000e+00 : f32
      %add3A_4752 = vector.broadcast %add3A_4751 : f32 to vector<16xf32>
      %add3A_4753 = arith.addf %add3A_4752, %exp3A_4750 : vector<16xf32>
      %div3A_4754 = arith.constant 1.000000e+00 : f32
      %div3A_4755 = vector.broadcast %div3A_4754 : f32 to vector<16xf32>
      %div3A_4756 = arith.divf %div3A_4755, %add3A_4753 : vector<16xf32>
      %mul3A_4757 = arith.mulf %exp3A_4750, %div3A_4756 : vector<16xf32>
      %eq3A_4758 = arith.constant 0 : i32
      %eq3A_4759 = vector.broadcast %eq3A_4758 : i32 to vector<16xi32>
      %eq3A_4760 = arith.cmpi eq, %select_n3A_4640, %eq3A_4759 : vector<16xi32>
      %eq3A_4761 = arith.constant 0 : i32
      %eq3A_4762 = vector.broadcast %eq3A_4761 : i32 to vector<16xi32>
      %eq3A_4763 = arith.cmpi eq, %select_n3A_4748, %eq3A_4762 : vector<16xi32>
      %jit3A_4764 = arith.constant 0.000000e+00 : f32
      %broadcast_in_dim3A_4765 = vector.broadcast %jit3A_4764 : f32 to vector<16xf32>
      %select_n3A_4766 = arith.select %eq3A_4763, %mul3A_4757, %broadcast_in_dim3A_4765 : vector<16xi1>, vector<16xf32>
      %select_n3A_4767 = arith.select %eq3A_4760, %div3A_4756, %select_n3A_4766 : vector<16xi1>, vector<16xf32>
      %swap3A_4768 = arith.constant 0 : i32
      %swap3A_4769 = arith.index_cast %swap3A_4768 : i32 to index
      %swap3A_4770 = arith.constant 112 : index
      %swap3A_4771 = tpu.vector_load %arg5[%swap3A_4769, %swap3A_4770] {strides = array<i32>} : memref<16x128xf32, #tpu.memory_space<vmem>>, vector<1x16xf32>,
      %swap3A_4772 = vector.shape_cast %swap3A_4771 : vector<1x16xf32> to vector<16xf32>
      %swap3A_4773 = vector.shape_cast %select_n3A_4767 : vector<16xf32> to vector<1x16xf32>
      tpu.vector_store %arg5[%swap3A_4769, %swap3A_4770], %swap3A_4773 {strides = array<i32>} : memref<16x128xf32, #tpu.memory_space<vmem>>, vector<1x16xf32>,
      %eq3A_4774 = arith.constant 1 : i32
      %eq3A_4775 = vector.broadcast %eq3A_4774 : i32 to vector<16xi32>
      %eq3A_4776 = arith.cmpi eq, %select_n3A_4640, %eq3A_4775 : vector<16xi32>
      %eq3A_4777 = arith.constant 1 : i32
      %eq3A_4778 = vector.broadcast %eq3A_4777 : i32 to vector<16xi32>
      %eq3A_4779 = arith.cmpi eq, %select_n3A_4748, %eq3A_4778 : vector<16xi32>
      %jit3A_4780 = arith.constant 0.000000e+00 : f32
      %broadcast_in_dim3A_4781 = vector.broadcast %jit3A_4780 : f32 to vector<16xf32>
      %select_n3A_4782 = arith.select %eq3A_4779, %mul3A_4757, %broadcast_in_dim3A_4781 : vector<16xi1>, vector<16xf32>
      %select_n3A_4783 = arith.select %eq3A_4776, %div3A_4756, %select_n3A_4782 : vector<16xi1>, vector<16xf32>
      %swap3A_4784 = arith.constant 1 : i32
      %swap3A_4785 = arith.index_cast %swap3A_4784 : i32 to index
      %swap3A_4786 = arith.constant 112 : index
      %swap3A_4787 = tpu.vector_load %arg5[%swap3A_4785, %swap3A_4786] {strides = array<i32>} : memref<16x128xf32, #tpu.memory_space<vmem>>, vector<1x16xf32>,
      %swap3A_4788 = vector.shape_cast %swap3A_4787 : vector<1x16xf32> to vector<16xf32>
      %swap3A_4789 = vector.shape_cast %select_n3A_4783 : vector<16xf32> to vector<1x16xf32>
      tpu.vector_store %arg5[%swap3A_4785, %swap3A_4786], %swap3A_4789 {strides = array<i32>} : memref<16x128xf32, #tpu.memory_space<vmem>>, vector<1x16xf32>,
      %eq3A_4790 = arith.constant 2 : i32
      %eq3A_4791 = vector.broadcast %eq3A_4790 : i32 to vector<16xi32>
      %eq3A_4792 = arith.cmpi eq, %select_n3A_4640, %eq3A_4791 : vector<16xi32>
      %eq3A_4793 = arith.constant 2 : i32
      %eq3A_4794 = vector.broadcast %eq3A_4793 : i32 to vector<16xi32>
      %eq3A_4795 = arith.cmpi eq, %select_n3A_4748, %eq3A_4794 : vector<16xi32>
      %jit3A_4796 = arith.constant 0.000000e+00 : f32
      %broadcast_in_dim3A_4797 = vector.broadcast %jit3A_4796 : f32 to vector<16xf32>
      %select_n3A_4798 = arith.select %eq3A_4795, %mul3A_4757, %broadcast_in_dim3A_4797 : vector<16xi1>, vector<16xf32>
      %select_n3A_4799 = arith.select %eq3A_4792, %div3A_4756, %select_n3A_4798 : vector<16xi1>, vector<16xf32>
      %swap3A_4800 = arith.constant 2 : i32
      %swap3A_4801 = arith.index_cast %swap3A_4800 : i32 to index
      %swap3A_4802 = arith.constant 112 : index
      %swap3A_4803 = tpu.vector_load %arg5[%swap3A_4801, %swap3A_4802] {strides = array<i32>} : memref<16x128xf32, #tpu.memory_space<vmem>>, vector<1x16xf32>,
      %swap3A_4804 = vector.shape_cast %swap3A_4803 : vector<1x16xf32> to vector<16xf32>
      %swap3A_4805 = vector.shape_cast %select_n3A_4799 : vector<16xf32> to vector<1x16xf32>
      tpu.vector_store %arg5[%swap3A_4801, %swap3A_4802], %swap3A_4805 {strides = array<i32>} : memref<16x128xf32, #tpu.memory_space<vmem>>, vector<1x16xf32>,
      %eq3A_4806 = arith.constant 3 : i32
      %eq3A_4807 = vector.broadcast %eq3A_4806 : i32 to vector<16xi32>
      %eq3A_4808 = arith.cmpi eq, %select_n3A_4640, %eq3A_4807 : vector<16xi32>
      %eq3A_4809 = arith.constant 3 : i32
      %eq3A_4810 = vector.broadcast %eq3A_4809 : i32 to vector<16xi32>
      %eq3A_4811 = arith.cmpi eq, %select_n3A_4748, %eq3A_4810 : vector<16xi32>
      %jit3A_4812 = arith.constant 0.000000e+00 : f32
      %broadcast_in_dim3A_4813 = vector.broadcast %jit3A_4812 : f32 to vector<16xf32>
      %select_n3A_4814 = arith.select %eq3A_4811, %mul3A_4757, %broadcast_in_dim3A_4813 : vector<16xi1>, vector<16xf32>
      %select_n3A_4815 = arith.select %eq3A_4808, %div3A_4756, %select_n3A_4814 : vector<16xi1>, vector<16xf32>
      %swap3A_4816 = arith.constant 3 : i32
      %swap3A_4817 = arith.index_cast %swap3A_4816 : i32 to index
      %swap3A_4818 = arith.constant 112 : index
      %swap3A_4819 = tpu.vector_load %arg5[%swap3A_4817, %swap3A_4818] {strides = array<i32>} : memref<16x128xf32, #tpu.memory_space<vmem>>, vector<1x16xf32>,
      %swap3A_4820 = vector.shape_cast %swap3A_4819 : vector<1x16xf32> to vector<16xf32>
      %swap3A_4821 = vector.shape_cast %select_n3A_4815 : vector<16xf32> to vector<1x16xf32>
      tpu.vector_store %arg5[%swap3A_4817, %swap3A_4818], %swap3A_4821 {strides = array<i32>} : memref<16x128xf32, #tpu.memory_space<vmem>>, vector<1x16xf32>,
      %eq3A_4822 = arith.constant 4 : i32
      %eq3A_4823 = vector.broadcast %eq3A_4822 : i32 to vector<16xi32>
      %eq3A_4824 = arith.cmpi eq, %select_n3A_4640, %eq3A_4823 : vector<16xi32>
      %eq3A_4825 = arith.constant 4 : i32
      %eq3A_4826 = vector.broadcast %eq3A_4825 : i32 to vector<16xi32>
      %eq3A_4827 = arith.cmpi eq, %select_n3A_4748, %eq3A_4826 : vector<16xi32>
      %jit3A_4828 = arith.constant 0.000000e+00 : f32
      %broadcast_in_dim3A_4829 = vector.broadcast %jit3A_4828 : f32 to vector<16xf32>
      %select_n3A_4830 = arith.select %eq3A_4827, %mul3A_4757, %broadcast_in_dim3A_4829 : vector<16xi1>, vector<16xf32>
      %select_n3A_4831 = arith.select %eq3A_4824, %div3A_4756, %select_n3A_4830 : vector<16xi1>, vector<16xf32>
      %swap3A_4832 = arith.constant 4 : i32
      %swap3A_4833 = arith.index_cast %swap3A_4832 : i32 to index
      %swap3A_4834 = arith.constant 112 : index
      %swap3A_4835 = tpu.vector_load %arg5[%swap3A_4833, %swap3A_4834] {strides = array<i32>} : memref<16x128xf32, #tpu.memory_space<vmem>>, vector<1x16xf32>,
      %swap3A_4836 = vector.shape_cast %swap3A_4835 : vector<1x16xf32> to vector<16xf32>
      %swap3A_4837 = vector.shape_cast %select_n3A_4831 : vector<16xf32> to vector<1x16xf32>
      tpu.vector_store %arg5[%swap3A_4833, %swap3A_4834], %swap3A_4837 {strides = array<i32>} : memref<16x128xf32, #tpu.memory_space<vmem>>, vector<1x16xf32>,
      %eq3A_4838 = arith.constant 5 : i32
      %eq3A_4839 = vector.broadcast %eq3A_4838 : i32 to vector<16xi32>
      %eq3A_4840 = arith.cmpi eq, %select_n3A_4640, %eq3A_4839 : vector<16xi32>
      %eq3A_4841 = arith.constant 5 : i32
      %eq3A_4842 = vector.broadcast %eq3A_4841 : i32 to vector<16xi32>
      %eq3A_4843 = arith.cmpi eq, %select_n3A_4748, %eq3A_4842 : vector<16xi32>
      %jit3A_4844 = arith.constant 0.000000e+00 : f32
      %broadcast_in_dim3A_4845 = vector.broadcast %jit3A_4844 : f32 to vector<16xf32>
      %select_n3A_4846 = arith.select %eq3A_4843, %mul3A_4757, %broadcast_in_dim3A_4845 : vector<16xi1>, vector<16xf32>
      %select_n3A_4847 = arith.select %eq3A_4840, %div3A_4756, %select_n3A_4846 : vector<16xi1>, vector<16xf32>
      %swap3A_4848 = arith.constant 5 : i32
      %swap3A_4849 = arith.index_cast %swap3A_4848 : i32 to index
      %swap3A_4850 = arith.constant 112 : index
      %swap3A_4851 = tpu.vector_load %arg5[%swap3A_4849, %swap3A_4850] {strides = array<i32>} : memref<16x128xf32, #tpu.memory_space<vmem>>, vector<1x16xf32>,
      %swap3A_4852 = vector.shape_cast %swap3A_4851 : vector<1x16xf32> to vector<16xf32>
      %swap3A_4853 = vector.shape_cast %select_n3A_4847 : vector<16xf32> to vector<1x16xf32>
      tpu.vector_store %arg5[%swap3A_4849, %swap3A_4850], %swap3A_4853 {strides = array<i32>} : memref<16x128xf32, #tpu.memory_space<vmem>>, vector<1x16xf32>,
      %eq3A_4854 = arith.constant 6 : i32
      %eq3A_4855 = vector.broadcast %eq3A_4854 : i32 to vector<16xi32>
      %eq3A_4856 = arith.cmpi eq, %select_n3A_4640, %eq3A_4855 : vector<16xi32>
      %eq3A_4857 = arith.constant 6 : i32
      %eq3A_4858 = vector.broadcast %eq3A_4857 : i32 to vector<16xi32>
      %eq3A_4859 = arith.cmpi eq, %select_n3A_4748, %eq3A_4858 : vector<16xi32>
      %jit3A_4860 = arith.constant 0.000000e+00 : f32
      %broadcast_in_dim3A_4861 = vector.broadcast %jit3A_4860 : f32 to vector<16xf32>
      %select_n3A_4862 = arith.select %eq3A_4859, %mul3A_4757, %broadcast_in_dim3A_4861 : vector<16xi1>, vector<16xf32>
      %select_n3A_4863 = arith.select %eq3A_4856, %div3A_4756, %select_n3A_4862 : vector<16xi1>, vector<16xf32>
      %swap3A_4864 = arith.constant 6 : i32
      %swap3A_4865 = arith.index_cast %swap3A_4864 : i32 to index
      %swap3A_4866 = arith.constant 112 : index
      %swap3A_4867 = tpu.vector_load %arg5[%swap3A_4865, %swap3A_4866] {strides = array<i32>} : memref<16x128xf32, #tpu.memory_space<vmem>>, vector<1x16xf32>,
      %swap3A_4868 = vector.shape_cast %swap3A_4867 : vector<1x16xf32> to vector<16xf32>
      %swap3A_4869 = vector.shape_cast %select_n3A_4863 : vector<16xf32> to vector<1x16xf32>
      tpu.vector_store %arg5[%swap3A_4865, %swap3A_4866], %swap3A_4869 {strides = array<i32>} : memref<16x128xf32, #tpu.memory_space<vmem>>, vector<1x16xf32>,
      %eq3A_4870 = arith.constant 7 : i32
      %eq3A_4871 = vector.broadcast %eq3A_4870 : i32 to vector<16xi32>
      %eq3A_4872 = arith.cmpi eq, %select_n3A_4640, %eq3A_4871 : vector<16xi32>
      %eq3A_4873 = arith.constant 7 : i32
      %eq3A_4874 = vector.broadcast %eq3A_4873 : i32 to vector<16xi32>
      %eq3A_4875 = arith.cmpi eq, %select_n3A_4748, %eq3A_4874 : vector<16xi32>
      %jit3A_4876 = arith.constant 0.000000e+00 : f32
      %broadcast_in_dim3A_4877 = vector.broadcast %jit3A_4876 : f32 to vector<16xf32>
      %select_n3A_4878 = arith.select %eq3A_4875, %mul3A_4757, %broadcast_in_dim3A_4877 : vector<16xi1>, vector<16xf32>
      %select_n3A_4879 = arith.select %eq3A_4872, %div3A_4756, %select_n3A_4878 : vector<16xi1>, vector<16xf32>
      %swap3A_4880 = arith.constant 7 : i32
      %swap3A_4881 = arith.index_cast %swap3A_4880 : i32 to index
      %swap3A_4882 = arith.constant 112 : index
      %swap3A_4883 = tpu.vector_load %arg5[%swap3A_4881, %swap3A_4882] {strides = array<i32>} : memref<16x128xf32, #tpu.memory_space<vmem>>, vector<1x16xf32>,
      %swap3A_4884 = vector.shape_cast %swap3A_4883 : vector<1x16xf32> to vector<16xf32>
      %swap3A_4885 = vector.shape_cast %select_n3A_4879 : vector<16xf32> to vector<1x16xf32>
      tpu.vector_store %arg5[%swap3A_4881, %swap3A_4882], %swap3A_4885 {strides = array<i32>} : memref<16x128xf32, #tpu.memory_space<vmem>>, vector<1x16xf32>,
      %get3A_4886 = arith.constant 8 : i32
      %get3A_4887 = arith.index_cast %get3A_4886 : i32 to index
      %get3A_4888 = arith.constant 112 : index
      %get3A_4889 = tpu.vector_load %arg4[%get3A_4887, %get3A_4888] {strides = array<i32>} : memref<16x128xf32, #tpu.memory_space<vmem>>, vector<1x16xf32>,
      %get3A_4890 = vector.shape_cast %get3A_4889 : vector<1x16xf32> to vector<16xf32>
      %get3A_4891 = arith.constant 9 : i32
      %get3A_4892 = arith.index_cast %get3A_4891 : i32 to index
      %get3A_4893 = arith.constant 112 : index
      %get3A_4894 = tpu.vector_load %arg4[%get3A_4892, %get3A_4893] {strides = array<i32>} : memref<16x128xf32, #tpu.memory_space<vmem>>, vector<1x16xf32>,
      %get3A_4895 = vector.shape_cast %get3A_4894 : vector<1x16xf32> to vector<16xf32>
      %get3A_4896 = arith.constant 10 : i32
      %get3A_4897 = arith.index_cast %get3A_4896 : i32 to index
      %get3A_4898 = arith.constant 112 : index
      %get3A_4899 = tpu.vector_load %arg4[%get3A_4897, %get3A_4898] {strides = array<i32>} : memref<16x128xf32, #tpu.memory_space<vmem>>, vector<1x16xf32>,
      %get3A_4900 = vector.shape_cast %get3A_4899 : vector<1x16xf32> to vector<16xf32>
      %get3A_4901 = arith.constant 11 : i32
      %get3A_4902 = arith.index_cast %get3A_4901 : i32 to index
      %get3A_4903 = arith.constant 112 : index
      %get3A_4904 = tpu.vector_load %arg4[%get3A_4902, %get3A_4903] {strides = array<i32>} : memref<16x128xf32, #tpu.memory_space<vmem>>, vector<1x16xf32>,
      %get3A_4905 = vector.shape_cast %get3A_4904 : vector<1x16xf32> to vector<16xf32>
      %get3A_4906 = arith.constant 12 : i32
      %get3A_4907 = arith.index_cast %get3A_4906 : i32 to index
      %get3A_4908 = arith.constant 112 : index
      %get3A_4909 = tpu.vector_load %arg4[%get3A_4907, %get3A_4908] {strides = array<i32>} : memref<16x128xf32, #tpu.memory_space<vmem>>, vector<1x16xf32>,
      %get3A_4910 = vector.shape_cast %get3A_4909 : vector<1x16xf32> to vector<16xf32>
      %get3A_4911 = arith.constant 13 : i32
      %get3A_4912 = arith.index_cast %get3A_4911 : i32 to index
      %get3A_4913 = arith.constant 112 : index
      %get3A_4914 = tpu.vector_load %arg4[%get3A_4912, %get3A_4913] {strides = array<i32>} : memref<16x128xf32, #tpu.memory_space<vmem>>, vector<1x16xf32>,
      %get3A_4915 = vector.shape_cast %get3A_4914 : vector<1x16xf32> to vector<16xf32>
      %get3A_4916 = arith.constant 14 : i32
      %get3A_4917 = arith.index_cast %get3A_4916 : i32 to index
      %get3A_4918 = arith.constant 112 : index
      %get3A_4919 = tpu.vector_load %arg4[%get3A_4917, %get3A_4918] {strides = array<i32>} : memref<16x128xf32, #tpu.memory_space<vmem>>, vector<1x16xf32>,
      %get3A_4920 = vector.shape_cast %get3A_4919 : vector<1x16xf32> to vector<16xf32>
      %get3A_4921 = arith.constant 15 : i32
      %get3A_4922 = arith.index_cast %get3A_4921 : i32 to index
      %get3A_4923 = arith.constant 112 : index
      %get3A_4924 = tpu.vector_load %arg4[%get3A_4922, %get3A_4923] {strides = array<i32>} : memref<16x128xf32, #tpu.memory_space<vmem>>, vector<1x16xf32>,
      %get3A_4925 = vector.shape_cast %get3A_4924 : vector<1x16xf32> to vector<16xf32>
      %max3A_4926 = arith.maximumf %get3A_4890, %get3A_4895 : vector<16xf32>
      %max3A_4927 = arith.maximumf %max3A_4926, %get3A_4900 : vector<16xf32>
      %max3A_4928 = arith.maximumf %max3A_4927, %get3A_4905 : vector<16xf32>
      %max3A_4929 = arith.maximumf %max3A_4928, %get3A_4910 : vector<16xf32>
      %max3A_4930 = arith.maximumf %max3A_4929, %get3A_4915 : vector<16xf32>
      %max3A_4931 = arith.maximumf %max3A_4930, %get3A_4920 : vector<16xf32>
      %max3A_4932 = arith.maximumf %max3A_4931, %get3A_4925 : vector<16xf32>
      %broadcast_in_dim3A_4933 = arith.constant 8 : i32
      %broadcast_in_dim3A_4934 = vector.broadcast %broadcast_in_dim3A_4933 : i32 to vector<16xi32>
      %eq3A_4935 = arith.cmpf oeq, %get3A_4925, %max3A_4932 : vector<16xf32>
      %jit3A_4936 = arith.constant 7 : i32
      %broadcast_in_dim3A_4937 = vector.broadcast %jit3A_4936 : i32 to vector<16xi32>
      %select_n3A_4938 = arith.select %eq3A_4935, %broadcast_in_dim3A_4937, %broadcast_in_dim3A_4934 : vector<16xi1>, vector<16xi32>
      %eq3A_4939 = arith.cmpf oeq, %get3A_4920, %max3A_4932 : vector<16xf32>
      %jit3A_4940 = arith.constant 6 : i32
      %broadcast_in_dim3A_4941 = vector.broadcast %jit3A_4940 : i32 to vector<16xi32>
      %select_n3A_4942 = arith.select %eq3A_4939, %broadcast_in_dim3A_4941, %select_n3A_4938 : vector<16xi1>, vector<16xi32>
      %eq3A_4943 = arith.cmpf oeq, %get3A_4915, %max3A_4932 : vector<16xf32>
      %jit3A_4944 = arith.constant 5 : i32
      %broadcast_in_dim3A_4945 = vector.broadcast %jit3A_4944 : i32 to vector<16xi32>
      %select_n3A_4946 = arith.select %eq3A_4943, %broadcast_in_dim3A_4945, %select_n3A_4942 : vector<16xi1>, vector<16xi32>
      %eq3A_4947 = arith.cmpf oeq, %get3A_4910, %max3A_4932 : vector<16xf32>
      %jit3A_4948 = arith.constant 4 : i32
      %broadcast_in_dim3A_4949 = vector.broadcast %jit3A_4948 : i32 to vector<16xi32>
      %select_n3A_4950 = arith.select %eq3A_4947, %broadcast_in_dim3A_4949, %select_n3A_4946 : vector<16xi1>, vector<16xi32>
      %eq3A_4951 = arith.cmpf oeq, %get3A_4905, %max3A_4932 : vector<16xf32>
      %jit3A_4952 = arith.constant 3 : i32
      %broadcast_in_dim3A_4953 = vector.broadcast %jit3A_4952 : i32 to vector<16xi32>
      %select_n3A_4954 = arith.select %eq3A_4951, %broadcast_in_dim3A_4953, %select_n3A_4950 : vector<16xi1>, vector<16xi32>
      %eq3A_4955 = arith.cmpf oeq, %get3A_4900, %max3A_4932 : vector<16xf32>
      %jit3A_4956 = arith.constant 2 : i32
      %broadcast_in_dim3A_4957 = vector.broadcast %jit3A_4956 : i32 to vector<16xi32>
      %select_n3A_4958 = arith.select %eq3A_4955, %broadcast_in_dim3A_4957, %select_n3A_4954 : vector<16xi1>, vector<16xi32>
      %eq3A_4959 = arith.cmpf oeq, %get3A_4895, %max3A_4932 : vector<16xf32>
      %jit3A_4960 = arith.constant 1 : i32
      %broadcast_in_dim3A_4961 = vector.broadcast %jit3A_4960 : i32 to vector<16xi32>
      %select_n3A_4962 = arith.select %eq3A_4959, %broadcast_in_dim3A_4961, %select_n3A_4958 : vector<16xi1>, vector<16xi32>
      %eq3A_4963 = arith.cmpf oeq, %get3A_4890, %max3A_4932 : vector<16xf32>
      %jit3A_4964 = arith.constant 0 : i32
      %broadcast_in_dim3A_4965 = vector.broadcast %jit3A_4964 : i32 to vector<16xi32>
      %select_n3A_4966 = arith.select %eq3A_4963, %broadcast_in_dim3A_4965, %select_n3A_4962 : vector<16xi1>, vector<16xi32>
      %broadcast_in_dim3A_4967 = arith.constant 0xFF800000 : f32
      %broadcast_in_dim3A_4968 = vector.broadcast %broadcast_in_dim3A_4967 : f32 to vector<16xf32>
      %eq3A_4969 = arith.constant 0 : i32
      %eq3A_4970 = vector.broadcast %eq3A_4969 : i32 to vector<16xi32>
      %eq3A_4971 = arith.cmpi eq, %select_n3A_4966, %eq3A_4970 : vector<16xi32>
      %max3A_4972 = arith.maximumf %broadcast_in_dim3A_4968, %get3A_4890 : vector<16xf32>
      %select_n3A_4973 = arith.select %eq3A_4971, %broadcast_in_dim3A_4968, %max3A_4972 : vector<16xi1>, vector<16xf32>
      %eq3A_4974 = arith.constant 1 : i32
      %eq3A_4975 = vector.broadcast %eq3A_4974 : i32 to vector<16xi32>
      %eq3A_4976 = arith.cmpi eq, %select_n3A_4966, %eq3A_4975 : vector<16xi32>
      %max3A_4977 = arith.maximumf %select_n3A_4973, %get3A_4895 : vector<16xf32>
      %select_n3A_4978 = arith.select %eq3A_4976, %select_n3A_4973, %max3A_4977 : vector<16xi1>, vector<16xf32>
      %eq3A_4979 = arith.constant 2 : i32
      %eq3A_4980 = vector.broadcast %eq3A_4979 : i32 to vector<16xi32>
      %eq3A_4981 = arith.cmpi eq, %select_n3A_4966, %eq3A_4980 : vector<16xi32>
      %max3A_4982 = arith.maximumf %select_n3A_4978, %get3A_4900 : vector<16xf32>
      %select_n3A_4983 = arith.select %eq3A_4981, %select_n3A_4978, %max3A_4982 : vector<16xi1>, vector<16xf32>
      %eq3A_4984 = arith.constant 3 : i32
      %eq3A_4985 = vector.broadcast %eq3A_4984 : i32 to vector<16xi32>
      %eq3A_4986 = arith.cmpi eq, %select_n3A_4966, %eq3A_4985 : vector<16xi32>
      %max3A_4987 = arith.maximumf %select_n3A_4983, %get3A_4905 : vector<16xf32>
      %select_n3A_4988 = arith.select %eq3A_4986, %select_n3A_4983, %max3A_4987 : vector<16xi1>, vector<16xf32>
      %eq3A_4989 = arith.constant 4 : i32
      %eq3A_4990 = vector.broadcast %eq3A_4989 : i32 to vector<16xi32>
      %eq3A_4991 = arith.cmpi eq, %select_n3A_4966, %eq3A_4990 : vector<16xi32>
      %max3A_4992 = arith.maximumf %select_n3A_4988, %get3A_4910 : vector<16xf32>
      %select_n3A_4993 = arith.select %eq3A_4991, %select_n3A_4988, %max3A_4992 : vector<16xi1>, vector<16xf32>
      %eq3A_4994 = arith.constant 5 : i32
      %eq3A_4995 = vector.broadcast %eq3A_4994 : i32 to vector<16xi32>
      %eq3A_4996 = arith.cmpi eq, %select_n3A_4966, %eq3A_4995 : vector<16xi32>
      %max3A_4997 = arith.maximumf %select_n3A_4993, %get3A_4915 : vector<16xf32>
      %select_n3A_4998 = arith.select %eq3A_4996, %select_n3A_4993, %max3A_4997 : vector<16xi1>, vector<16xf32>
      %eq3A_4999 = arith.constant 6 : i32
      %eq3A_5000 = vector.broadcast %eq3A_4999 : i32 to vector<16xi32>
      %eq3A_5001 = arith.cmpi eq, %select_n3A_4966, %eq3A_5000 : vector<16xi32>
      %max3A_5002 = arith.maximumf %select_n3A_4998, %get3A_4920 : vector<16xf32>
      %select_n3A_5003 = arith.select %eq3A_5001, %select_n3A_4998, %max3A_5002 : vector<16xi1>, vector<16xf32>
      %eq3A_5004 = arith.constant 7 : i32
      %eq3A_5005 = vector.broadcast %eq3A_5004 : i32 to vector<16xi32>
      %eq3A_5006 = arith.cmpi eq, %select_n3A_4966, %eq3A_5005 : vector<16xi32>
      %max3A_5007 = arith.maximumf %select_n3A_5003, %get3A_4925 : vector<16xf32>
      %select_n3A_5008 = arith.select %eq3A_5006, %select_n3A_5003, %max3A_5007 : vector<16xi1>, vector<16xf32>
      %broadcast_in_dim3A_5009 = arith.constant 8 : i32
      %broadcast_in_dim3A_5010 = vector.broadcast %broadcast_in_dim3A_5009 : i32 to vector<16xi32>
      %eq3A_5011 = arith.cmpf oeq, %get3A_4925, %select_n3A_5008 : vector<16xf32>
      %ne3A_5012 = arith.constant 7 : i32
      %ne3A_5013 = vector.broadcast %ne3A_5012 : i32 to vector<16xi32>
      %ne3A_5014 = arith.cmpi ne, %select_n3A_4966, %ne3A_5013 : vector<16xi32>
      %and3A_5015 = arith.andi %eq3A_5011, %ne3A_5014 : vector<16xi1>
      %jit3A_5016 = arith.constant 7 : i32
      %broadcast_in_dim3A_5017 = vector.broadcast %jit3A_5016 : i32 to vector<16xi32>
      %select_n3A_5018 = arith.select %and3A_5015, %broadcast_in_dim3A_5017, %broadcast_in_dim3A_5010 : vector<16xi1>, vector<16xi32>
      %eq3A_5019 = arith.cmpf oeq, %get3A_4920, %select_n3A_5008 : vector<16xf32>
      %ne3A_5020 = arith.constant 6 : i32
      %ne3A_5021 = vector.broadcast %ne3A_5020 : i32 to vector<16xi32>
      %ne3A_5022 = arith.cmpi ne, %select_n3A_4966, %ne3A_5021 : vector<16xi32>
      %and3A_5023 = arith.andi %eq3A_5019, %ne3A_5022 : vector<16xi1>
      %jit3A_5024 = arith.constant 6 : i32
      %broadcast_in_dim3A_5025 = vector.broadcast %jit3A_5024 : i32 to vector<16xi32>
      %select_n3A_5026 = arith.select %and3A_5023, %broadcast_in_dim3A_5025, %select_n3A_5018 : vector<16xi1>, vector<16xi32>
      %eq3A_5027 = arith.cmpf oeq, %get3A_4915, %select_n3A_5008 : vector<16xf32>
      %ne3A_5028 = arith.constant 5 : i32
      %ne3A_5029 = vector.broadcast %ne3A_5028 : i32 to vector<16xi32>
      %ne3A_5030 = arith.cmpi ne, %select_n3A_4966, %ne3A_5029 : vector<16xi32>
      %and3A_5031 = arith.andi %eq3A_5027, %ne3A_5030 : vector<16xi1>
      %jit3A_5032 = arith.constant 5 : i32
      %broadcast_in_dim3A_5033 = vector.broadcast %jit3A_5032 : i32 to vector<16xi32>
      %select_n3A_5034 = arith.select %and3A_5031, %broadcast_in_dim3A_5033, %select_n3A_5026 : vector<16xi1>, vector<16xi32>
      %eq3A_5035 = arith.cmpf oeq, %get3A_4910, %select_n3A_5008 : vector<16xf32>
      %ne3A_5036 = arith.constant 4 : i32
      %ne3A_5037 = vector.broadcast %ne3A_5036 : i32 to vector<16xi32>
      %ne3A_5038 = arith.cmpi ne, %select_n3A_4966, %ne3A_5037 : vector<16xi32>
      %and3A_5039 = arith.andi %eq3A_5035, %ne3A_5038 : vector<16xi1>
      %jit3A_5040 = arith.constant 4 : i32
      %broadcast_in_dim3A_5041 = vector.broadcast %jit3A_5040 : i32 to vector<16xi32>
      %select_n3A_5042 = arith.select %and3A_5039, %broadcast_in_dim3A_5041, %select_n3A_5034 : vector<16xi1>, vector<16xi32>
      %eq3A_5043 = arith.cmpf oeq, %get3A_4905, %select_n3A_5008 : vector<16xf32>
      %ne3A_5044 = arith.constant 3 : i32
      %ne3A_5045 = vector.broadcast %ne3A_5044 : i32 to vector<16xi32>
      %ne3A_5046 = arith.cmpi ne, %select_n3A_4966, %ne3A_5045 : vector<16xi32>
      %and3A_5047 = arith.andi %eq3A_5043, %ne3A_5046 : vector<16xi1>
      %jit3A_5048 = arith.constant 3 : i32
      %broadcast_in_dim3A_5049 = vector.broadcast %jit3A_5048 : i32 to vector<16xi32>
      %select_n3A_5050 = arith.select %and3A_5047, %broadcast_in_dim3A_5049, %select_n3A_5042 : vector<16xi1>, vector<16xi32>
      %eq3A_5051 = arith.cmpf oeq, %get3A_4900, %select_n3A_5008 : vector<16xf32>
      %ne3A_5052 = arith.constant 2 : i32
      %ne3A_5053 = vector.broadcast %ne3A_5052 : i32 to vector<16xi32>
      %ne3A_5054 = arith.cmpi ne, %select_n3A_4966, %ne3A_5053 : vector<16xi32>
      %and3A_5055 = arith.andi %eq3A_5051, %ne3A_5054 : vector<16xi1>
      %jit3A_5056 = arith.constant 2 : i32
      %broadcast_in_dim3A_5057 = vector.broadcast %jit3A_5056 : i32 to vector<16xi32>
      %select_n3A_5058 = arith.select %and3A_5055, %broadcast_in_dim3A_5057, %select_n3A_5050 : vector<16xi1>, vector<16xi32>
      %eq3A_5059 = arith.cmpf oeq, %get3A_4895, %select_n3A_5008 : vector<16xf32>
      %ne3A_5060 = arith.constant 1 : i32
      %ne3A_5061 = vector.broadcast %ne3A_5060 : i32 to vector<16xi32>
      %ne3A_5062 = arith.cmpi ne, %select_n3A_4966, %ne3A_5061 : vector<16xi32>
      %and3A_5063 = arith.andi %eq3A_5059, %ne3A_5062 : vector<16xi1>
      %jit3A_5064 = arith.constant 1 : i32
      %broadcast_in_dim3A_5065 = vector.broadcast %jit3A_5064 : i32 to vector<16xi32>
      %select_n3A_5066 = arith.select %and3A_5063, %broadcast_in_dim3A_5065, %select_n3A_5058 : vector<16xi1>, vector<16xi32>
      %eq3A_5067 = arith.cmpf oeq, %get3A_4890, %select_n3A_5008 : vector<16xf32>
      %ne3A_5068 = arith.constant 0 : i32
      %ne3A_5069 = vector.broadcast %ne3A_5068 : i32 to vector<16xi32>
      %ne3A_5070 = arith.cmpi ne, %select_n3A_4966, %ne3A_5069 : vector<16xi32>
      %and3A_5071 = arith.andi %eq3A_5067, %ne3A_5070 : vector<16xi1>
      %jit3A_5072 = arith.constant 0 : i32
      %broadcast_in_dim3A_5073 = vector.broadcast %jit3A_5072 : i32 to vector<16xi32>
      %select_n3A_5074 = arith.select %and3A_5071, %broadcast_in_dim3A_5073, %select_n3A_5066 : vector<16xi1>, vector<16xi32>
      %sub3A_5075 = arith.subf %select_n3A_5008, %max3A_4932 : vector<16xf32>
      %exp3A_5076 = math.exp %sub3A_5075 : vector<16xf32>
      %add3A_5077 = arith.constant 1.000000e+00 : f32
      %add3A_5078 = vector.broadcast %add3A_5077 : f32 to vector<16xf32>
      %add3A_5079 = arith.addf %add3A_5078, %exp3A_5076 : vector<16xf32>
      %div3A_5080 = arith.constant 1.000000e+00 : f32
      %div3A_5081 = vector.broadcast %div3A_5080 : f32 to vector<16xf32>
      %div3A_5082 = arith.divf %div3A_5081, %add3A_5079 : vector<16xf32>
      %mul3A_5083 = arith.mulf %exp3A_5076, %div3A_5082 : vector<16xf32>
      %eq3A_5084 = arith.constant 0 : i32
      %eq3A_5085 = vector.broadcast %eq3A_5084 : i32 to vector<16xi32>
      %eq3A_5086 = arith.cmpi eq, %select_n3A_4966, %eq3A_5085 : vector<16xi32>
      %eq3A_5087 = arith.constant 0 : i32
      %eq3A_5088 = vector.broadcast %eq3A_5087 : i32 to vector<16xi32>
      %eq3A_5089 = arith.cmpi eq, %select_n3A_5074, %eq3A_5088 : vector<16xi32>
      %jit3A_5090 = arith.constant 0.000000e+00 : f32
      %broadcast_in_dim3A_5091 = vector.broadcast %jit3A_5090 : f32 to vector<16xf32>
      %select_n3A_5092 = arith.select %eq3A_5089, %mul3A_5083, %broadcast_in_dim3A_5091 : vector<16xi1>, vector<16xf32>
      %select_n3A_5093 = arith.select %eq3A_5086, %div3A_5082, %select_n3A_5092 : vector<16xi1>, vector<16xf32>
      %swap3A_5094 = arith.constant 8 : i32
      %swap3A_5095 = arith.index_cast %swap3A_5094 : i32 to index
      %swap3A_5096 = arith.constant 112 : index
      %swap3A_5097 = tpu.vector_load %arg5[%swap3A_5095, %swap3A_5096] {strides = array<i32>} : memref<16x128xf32, #tpu.memory_space<vmem>>, vector<1x16xf32>,
      %swap3A_5098 = vector.shape_cast %swap3A_5097 : vector<1x16xf32> to vector<16xf32>
      %swap3A_5099 = vector.shape_cast %select_n3A_5093 : vector<16xf32> to vector<1x16xf32>
      tpu.vector_store %arg5[%swap3A_5095, %swap3A_5096], %swap3A_5099 {strides = array<i32>} : memref<16x128xf32, #tpu.memory_space<vmem>>, vector<1x16xf32>,
      %eq3A_5100 = arith.constant 1 : i32
      %eq3A_5101 = vector.broadcast %eq3A_5100 : i32 to vector<16xi32>
      %eq3A_5102 = arith.cmpi eq, %select_n3A_4966, %eq3A_5101 : vector<16xi32>
      %eq3A_5103 = arith.constant 1 : i32
      %eq3A_5104 = vector.broadcast %eq3A_5103 : i32 to vector<16xi32>
      %eq3A_5105 = arith.cmpi eq, %select_n3A_5074, %eq3A_5104 : vector<16xi32>
      %jit3A_5106 = arith.constant 0.000000e+00 : f32
      %broadcast_in_dim3A_5107 = vector.broadcast %jit3A_5106 : f32 to vector<16xf32>
      %select_n3A_5108 = arith.select %eq3A_5105, %mul3A_5083, %broadcast_in_dim3A_5107 : vector<16xi1>, vector<16xf32>
      %select_n3A_5109 = arith.select %eq3A_5102, %div3A_5082, %select_n3A_5108 : vector<16xi1>, vector<16xf32>
      %swap3A_5110 = arith.constant 9 : i32
      %swap3A_5111 = arith.index_cast %swap3A_5110 : i32 to index
      %swap3A_5112 = arith.constant 112 : index
      %swap3A_5113 = tpu.vector_load %arg5[%swap3A_5111, %swap3A_5112] {strides = array<i32>} : memref<16x128xf32, #tpu.memory_space<vmem>>, vector<1x16xf32>,
      %swap3A_5114 = vector.shape_cast %swap3A_5113 : vector<1x16xf32> to vector<16xf32>
      %swap3A_5115 = vector.shape_cast %select_n3A_5109 : vector<16xf32> to vector<1x16xf32>
      tpu.vector_store %arg5[%swap3A_5111, %swap3A_5112], %swap3A_5115 {strides = array<i32>} : memref<16x128xf32, #tpu.memory_space<vmem>>, vector<1x16xf32>,
      %eq3A_5116 = arith.constant 2 : i32
      %eq3A_5117 = vector.broadcast %eq3A_5116 : i32 to vector<16xi32>
      %eq3A_5118 = arith.cmpi eq, %select_n3A_4966, %eq3A_5117 : vector<16xi32>
      %eq3A_5119 = arith.constant 2 : i32
      %eq3A_5120 = vector.broadcast %eq3A_5119 : i32 to vector<16xi32>
      %eq3A_5121 = arith.cmpi eq, %select_n3A_5074, %eq3A_5120 : vector<16xi32>
      %jit3A_5122 = arith.constant 0.000000e+00 : f32
      %broadcast_in_dim3A_5123 = vector.broadcast %jit3A_5122 : f32 to vector<16xf32>
      %select_n3A_5124 = arith.select %eq3A_5121, %mul3A_5083, %broadcast_in_dim3A_5123 : vector<16xi1>, vector<16xf32>
      %select_n3A_5125 = arith.select %eq3A_5118, %div3A_5082, %select_n3A_5124 : vector<16xi1>, vector<16xf32>
      %swap3A_5126 = arith.constant 10 : i32
      %swap3A_5127 = arith.index_cast %swap3A_5126 : i32 to index
      %swap3A_5128 = arith.constant 112 : index
      %swap3A_5129 = tpu.vector_load %arg5[%swap3A_5127, %swap3A_5128] {strides = array<i32>} : memref<16x128xf32, #tpu.memory_space<vmem>>, vector<1x16xf32>,
      %swap3A_5130 = vector.shape_cast %swap3A_5129 : vector<1x16xf32> to vector<16xf32>
      %swap3A_5131 = vector.shape_cast %select_n3A_5125 : vector<16xf32> to vector<1x16xf32>
      tpu.vector_store %arg5[%swap3A_5127, %swap3A_5128], %swap3A_5131 {strides = array<i32>} : memref<16x128xf32, #tpu.memory_space<vmem>>, vector<1x16xf32>,
      %eq3A_5132 = arith.constant 3 : i32
      %eq3A_5133 = vector.broadcast %eq3A_5132 : i32 to vector<16xi32>
      %eq3A_5134 = arith.cmpi eq, %select_n3A_4966, %eq3A_5133 : vector<16xi32>
      %eq3A_5135 = arith.constant 3 : i32
      %eq3A_5136 = vector.broadcast %eq3A_5135 : i32 to vector<16xi32>
      %eq3A_5137 = arith.cmpi eq, %select_n3A_5074, %eq3A_5136 : vector<16xi32>
      %jit3A_5138 = arith.constant 0.000000e+00 : f32
      %broadcast_in_dim3A_5139 = vector.broadcast %jit3A_5138 : f32 to vector<16xf32>
      %select_n3A_5140 = arith.select %eq3A_5137, %mul3A_5083, %broadcast_in_dim3A_5139 : vector<16xi1>, vector<16xf32>
      %select_n3A_5141 = arith.select %eq3A_5134, %div3A_5082, %select_n3A_5140 : vector<16xi1>, vector<16xf32>
      %swap3A_5142 = arith.constant 11 : i32
      %swap3A_5143 = arith.index_cast %swap3A_5142 : i32 to index
      %swap3A_5144 = arith.constant 112 : index
      %swap3A_5145 = tpu.vector_load %arg5[%swap3A_5143, %swap3A_5144] {strides = array<i32>} : memref<16x128xf32, #tpu.memory_space<vmem>>, vector<1x16xf32>,
      %swap3A_5146 = vector.shape_cast %swap3A_5145 : vector<1x16xf32> to vector<16xf32>
      %swap3A_5147 = vector.shape_cast %select_n3A_5141 : vector<16xf32> to vector<1x16xf32>
      tpu.vector_store %arg5[%swap3A_5143, %swap3A_5144], %swap3A_5147 {strides = array<i32>} : memref<16x128xf32, #tpu.memory_space<vmem>>, vector<1x16xf32>,
      %eq3A_5148 = arith.constant 4 : i32
      %eq3A_5149 = vector.broadcast %eq3A_5148 : i32 to vector<16xi32>
      %eq3A_5150 = arith.cmpi eq, %select_n3A_4966, %eq3A_5149 : vector<16xi32>
      %eq3A_5151 = arith.constant 4 : i32
      %eq3A_5152 = vector.broadcast %eq3A_5151 : i32 to vector<16xi32>
      %eq3A_5153 = arith.cmpi eq, %select_n3A_5074, %eq3A_5152 : vector<16xi32>
      %jit3A_5154 = arith.constant 0.000000e+00 : f32
      %broadcast_in_dim3A_5155 = vector.broadcast %jit3A_5154 : f32 to vector<16xf32>
      %select_n3A_5156 = arith.select %eq3A_5153, %mul3A_5083, %broadcast_in_dim3A_5155 : vector<16xi1>, vector<16xf32>
      %select_n3A_5157 = arith.select %eq3A_5150, %div3A_5082, %select_n3A_5156 : vector<16xi1>, vector<16xf32>
      %swap3A_5158 = arith.constant 12 : i32
      %swap3A_5159 = arith.index_cast %swap3A_5158 : i32 to index
      %swap3A_5160 = arith.constant 112 : index
      %swap3A_5161 = tpu.vector_load %arg5[%swap3A_5159, %swap3A_5160] {strides = array<i32>} : memref<16x128xf32, #tpu.memory_space<vmem>>, vector<1x16xf32>,
      %swap3A_5162 = vector.shape_cast %swap3A_5161 : vector<1x16xf32> to vector<16xf32>
      %swap3A_5163 = vector.shape_cast %select_n3A_5157 : vector<16xf32> to vector<1x16xf32>
      tpu.vector_store %arg5[%swap3A_5159, %swap3A_5160], %swap3A_5163 {strides = array<i32>} : memref<16x128xf32, #tpu.memory_space<vmem>>, vector<1x16xf32>,
      %eq3A_5164 = arith.constant 5 : i32
      %eq3A_5165 = vector.broadcast %eq3A_5164 : i32 to vector<16xi32>
      %eq3A_5166 = arith.cmpi eq, %select_n3A_4966, %eq3A_5165 : vector<16xi32>
      %eq3A_5167 = arith.constant 5 : i32
      %eq3A_5168 = vector.broadcast %eq3A_5167 : i32 to vector<16xi32>
      %eq3A_5169 = arith.cmpi eq, %select_n3A_5074, %eq3A_5168 : vector<16xi32>
      %jit3A_5170 = arith.constant 0.000000e+00 : f32
      %broadcast_in_dim3A_5171 = vector.broadcast %jit3A_5170 : f32 to vector<16xf32>
      %select_n3A_5172 = arith.select %eq3A_5169, %mul3A_5083, %broadcast_in_dim3A_5171 : vector<16xi1>, vector<16xf32>
      %select_n3A_5173 = arith.select %eq3A_5166, %div3A_5082, %select_n3A_5172 : vector<16xi1>, vector<16xf32>
      %swap3A_5174 = arith.constant 13 : i32
      %swap3A_5175 = arith.index_cast %swap3A_5174 : i32 to index
      %swap3A_5176 = arith.constant 112 : index
      %swap3A_5177 = tpu.vector_load %arg5[%swap3A_5175, %swap3A_5176] {strides = array<i32>} : memref<16x128xf32, #tpu.memory_space<vmem>>, vector<1x16xf32>,
      %swap3A_5178 = vector.shape_cast %swap3A_5177 : vector<1x16xf32> to vector<16xf32>
      %swap3A_5179 = vector.shape_cast %select_n3A_5173 : vector<16xf32> to vector<1x16xf32>
      tpu.vector_store %arg5[%swap3A_5175, %swap3A_5176], %swap3A_5179 {strides = array<i32>} : memref<16x128xf32, #tpu.memory_space<vmem>>, vector<1x16xf32>,
      %eq3A_5180 = arith.constant 6 : i32
      %eq3A_5181 = vector.broadcast %eq3A_5180 : i32 to vector<16xi32>
      %eq3A_5182 = arith.cmpi eq, %select_n3A_4966, %eq3A_5181 : vector<16xi32>
      %eq3A_5183 = arith.constant 6 : i32
      %eq3A_5184 = vector.broadcast %eq3A_5183 : i32 to vector<16xi32>
      %eq3A_5185 = arith.cmpi eq, %select_n3A_5074, %eq3A_5184 : vector<16xi32>
      %jit3A_5186 = arith.constant 0.000000e+00 : f32
      %broadcast_in_dim3A_5187 = vector.broadcast %jit3A_5186 : f32 to vector<16xf32>
      %select_n3A_5188 = arith.select %eq3A_5185, %mul3A_5083, %broadcast_in_dim3A_5187 : vector<16xi1>, vector<16xf32>
      %select_n3A_5189 = arith.select %eq3A_5182, %div3A_5082, %select_n3A_5188 : vector<16xi1>, vector<16xf32>
      %swap3A_5190 = arith.constant 14 : i32
      %swap3A_5191 = arith.index_cast %swap3A_5190 : i32 to index
      %swap3A_5192 = arith.constant 112 : index
      %swap3A_5193 = tpu.vector_load %arg5[%swap3A_5191, %swap3A_5192] {strides = array<i32>} : memref<16x128xf32, #tpu.memory_space<vmem>>, vector<1x16xf32>,
      %swap3A_5194 = vector.shape_cast %swap3A_5193 : vector<1x16xf32> to vector<16xf32>
      %swap3A_5195 = vector.shape_cast %select_n3A_5189 : vector<16xf32> to vector<1x16xf32>
      tpu.vector_store %arg5[%swap3A_5191, %swap3A_5192], %swap3A_5195 {strides = array<i32>} : memref<16x128xf32, #tpu.memory_space<vmem>>, vector<1x16xf32>,
      %eq3A_5196 = arith.constant 7 : i32
      %eq3A_5197 = vector.broadcast %eq3A_5196 : i32 to vector<16xi32>
      %eq3A_5198 = arith.cmpi eq, %select_n3A_4966, %eq3A_5197 : vector<16xi32>
      %eq3A_5199 = arith.constant 7 : i32
      %eq3A_5200 = vector.broadcast %eq3A_5199 : i32 to vector<16xi32>
      %eq3A_5201 = arith.cmpi eq, %select_n3A_5074, %eq3A_5200 : vector<16xi32>
      %jit3A_5202 = arith.constant 0.000000e+00 : f32
      %broadcast_in_dim3A_5203 = vector.broadcast %jit3A_5202 : f32 to vector<16xf32>
      %select_n3A_5204 = arith.select %eq3A_5201, %mul3A_5083, %broadcast_in_dim3A_5203 : vector<16xi1>, vector<16xf32>
      %select_n3A_5205 = arith.select %eq3A_5198, %div3A_5082, %select_n3A_5204 : vector<16xi1>, vector<16xf32>
      %swap3A_5206 = arith.constant 15 : i32
      %swap3A_5207 = arith.index_cast %swap3A_5206 : i32 to index
      %swap3A_5208 = arith.constant 112 : index
      %swap3A_5209 = tpu.vector_load %arg5[%swap3A_5207, %swap3A_5208] {strides = array<i32>} : memref<16x128xf32, #tpu.memory_space<vmem>>, vector<1x16xf32>,
      %swap3A_5210 = vector.shape_cast %swap3A_5209 : vector<1x16xf32> to vector<16xf32>
      %swap3A_5211 = vector.shape_cast %select_n3A_5205 : vector<16xf32> to vector<1x16xf32>
      tpu.vector_store %arg5[%swap3A_5207, %swap3A_5208], %swap3A_5211 {strides = array<i32>} : memref<16x128xf32, #tpu.memory_space<vmem>>, vector<1x16xf32>,
      "tpu.region"() ({
        %run_scoped3A = tpu.sem_alloc : memref<!tpu.dma_semaphore, #tpu.memory_space<semaphore_mem>>
        %dma_start3A = arith.constant 0 : i32
        %dma_start3A_5212 = tpu.memref_slice %arg3[%dma_start3A, %mul3A_7] : memref<16x2048xf32, #tpu.memory_space<hbm>> -> memref<16x128xf32, #tpu.memory_space<hbm>>
        %dma_start3A_5213 = arith.constant 0 : i32
        %dma_start3A_5214 = tpu.memref_slice %arg3[%dma_start3A_5213, %mul3A_7] : memref<16x2048xf32, #tpu.memory_space<hbm>> -> memref<16x128xf32, #tpu.memory_space<hbm>>
        tpu.enqueue_dma source(%arg5 : memref<16x128xf32, #tpu.memory_space<vmem>>) target(%dma_start3A_5214 : memref<16x128xf32, #tpu.memory_space<hbm>>) target_semaphore(%run_scoped3A : memref<!tpu.dma_semaphore, #tpu.memory_space<semaphore_mem>>)
        %dma_wait3A = arith.constant 0 : i32
        %dma_wait3A_5215 = tpu.memref_slice %arg3[%dma_wait3A, %mul3A_7] : memref<16x2048xf32, #tpu.memory_space<hbm>> -> memref<16x128xf32, #tpu.memory_space<hbm>>
        %dma_wait3A_5216 = arith.constant 0 : i32
        %dma_wait3A_5217 = tpu.memref_slice %arg3[%dma_wait3A_5216, %mul3A_7] : memref<16x2048xf32, #tpu.memory_space<hbm>> -> memref<16x128xf32, #tpu.memory_space<hbm>>
        tpu.wait_dma2 semaphore(%run_scoped3A : memref<!tpu.dma_semaphore, #tpu.memory_space<semaphore_mem>>) src(%arg5 : memref<16x128xf32, #tpu.memory_space<vmem>>) dst(%dma_wait3A_5217 : memref<16x128xf32, #tpu.memory_space<hbm>>)
        tpu.yield
      }) : () -> ()
    } else {
    }
    return
  }
}

module attributes {stable_mosaic.version = 14 : i64} {
  func.func @_ffn_body(%arg0: i32, %arg1: i32, %arg2: memref<2048x768xf32, #tpu.memory_space<vmem>>, %arg3: memref<16x2048xf32, #tpu.memory_space<vmem>>, %arg4: memref<1x768x768xf32, #tpu.memory_space<vmem>>, %arg5: memref<1x768x768xf32, #tpu.memory_space<vmem>>, %arg6: memref<2x2048x768xf32, #tpu.memory_space<vmem>>) attributes {dimension_semantics = [#tpu.dimension_semantics<arbitrary>, #tpu.dimension_semantics<arbitrary>], iteration_bounds = array<i64: 1, 8>, scalar_prefetch = 0 : i64, scratch_operands = 0 : i64, tpu.core_type = #tpu.core_type<tc>, window_params = [{transform_indices = @transform_0, window_bounds = array<i64: 2048, 768>}, {transform_indices = @transform_1, window_bounds = array<i64: 16, 2048>}, {transform_indices = @transform_2, window_bounds = array<i64: 1, 768, 768>}, {transform_indices = @transform_3, window_bounds = array<i64: 1, 768, 768>}, {transform_indices = @transform_4, window_bounds = array<i64: 2, 2048, 768>}]} {
    %get3A = arith.constant 0 : index
    %get3A_0 = arith.constant 0 : index
    %get3A_1 = vector.load %arg2[%get3A, %get3A_0] : memref<2048x768xf32, #tpu.memory_space<vmem>>, vector<2048x768xf32>
    %convert_element_type3A = arith.truncf %get3A_1 : vector<2048x768xf32> to vector<2048x768xbf16>
    %get3A_2 = arith.constant 0 : index
    %get3A_3 = arith.constant 0 : index
    %get3A_4 = arith.constant 0 : index
    %get3A_5 = vector.load %arg4[%get3A_2, %get3A_3, %get3A_4] : memref<1x768x768xf32, #tpu.memory_space<vmem>>, vector<1x768x768xf32>
    %get3A_6 = vector.shape_cast %get3A_5 : vector<1x768x768xf32> to vector<768x768xf32>
    %convert_element_type3A_7 = arith.truncf %get3A_6 : vector<768x768xf32> to vector<768x768xbf16>
    %dot_general3A = arith.constant dense<0.000000e+00> : vector<2048x768xf32>
    %dot_general3A_8 = tpu.matmul %convert_element_type3A, %convert_element_type3A_7, %dot_general3A {dimension_numbers = #tpu.dot_dimension_numbers<[1], [0], [0], [1], [0, 0, 1, 1], [], []>, transpose_lhs_hint = false} : vector<2048x768xbf16>, vector<768x768xbf16>, vector<2048x768xf32> -> vector<2048x768xf32>
    %mul3A = arith.constant 0.00999999977 : f32
    %mul3A_9 = vector.broadcast %mul3A : f32 to vector<2048x768xf32>
    %mul3A_10 = arith.mulf %mul3A_9, %dot_general3A_8 : vector<2048x768xf32>
    %max3A = arith.maximumf %dot_general3A_8, %mul3A_10 : vector<2048x768xf32>
    %convert_element_type3A_11 = arith.truncf %max3A : vector<2048x768xf32> to vector<2048x768xbf16>
    %get3A_12 = arith.constant 0 : index
    %get3A_13 = arith.constant 0 : index
    %get3A_14 = arith.constant 0 : index
    %get3A_15 = vector.load %arg5[%get3A_12, %get3A_13, %get3A_14] : memref<1x768x768xf32, #tpu.memory_space<vmem>>, vector<1x768x768xf32>
    %get3A_16 = vector.shape_cast %get3A_15 : vector<1x768x768xf32> to vector<768x768xf32>
    %convert_element_type3A_17 = arith.truncf %get3A_16 : vector<768x768xf32> to vector<768x768xbf16>
    %dot_general3A_18 = arith.constant dense<0.000000e+00> : vector<2048x768xf32>
    %dot_general3A_19 = tpu.matmul %convert_element_type3A_11, %convert_element_type3A_17, %dot_general3A_18 {dimension_numbers = #tpu.dot_dimension_numbers<[1], [0], [0], [1], [0, 0, 1, 1], [], []>, transpose_lhs_hint = false} : vector<2048x768xbf16>, vector<768x768xbf16>, vector<2048x768xf32> -> vector<2048x768xf32>
    %iota3A = tpu.iota {dimensions = array<i32: 0>} : vector<16x2xi32>
    %iota3A_20 = tpu.iota {dimensions = array<i32: 1>} : vector<16x2xi32>
    %mul3A_21 = arith.constant 8 : i32
    %mul3A_22 = vector.broadcast %mul3A_21 : i32 to vector<16x2xi32>
    %mul3A_23 = arith.muli %iota3A_20, %mul3A_22 : vector<16x2xi32>
    %add3A = vector.broadcast %arg1 : i32 to vector<16x2xi32>
    %add3A_24 = arith.addi %mul3A_23, %add3A : vector<16x2xi32>
    %eq3A = arith.cmpi eq, %iota3A, %add3A_24 : vector<16x2xi32>
    %get3A_25 = arith.constant 0 : index
    %get3A_26 = arith.constant 0 : index
    %get3A_27 = vector.load %arg3[%get3A_25, %get3A_26] : memref<16x2048xf32, #tpu.memory_space<vmem>>, vector<16x2048xf32>
    %convert_element_type3A_28 = arith.extui %eq3A : vector<16x2xi1> to vector<16x2xi32>
    %convert_element_type3A_29 = arith.sitofp %convert_element_type3A_28 : vector<16x2xi32> to vector<16x2xf32>
    %dot_general3A_30 = arith.constant dense<0.000000e+00> : vector<2048x2xf32>
    %dot_general3A_31 = tpu.matmul %get3A_27, %convert_element_type3A_29, %dot_general3A_30 {dimension_numbers = #tpu.dot_dimension_numbers<[0], [0], [1], [1], [0, 1, 1, 1], [], []>, transpose_lhs_hint = false} : vector<16x2048xf32>, vector<16x2xf32>, vector<2048x2xf32> -> vector<2048x2xf32>
    %eq3A_32 = arith.constant 0 : i32
    %eq3A_33 = arith.cmpi eq, %arg1, %eq3A_32 : i32
    %convert_element_type3A_34 = arith.extui %eq3A_33 : i1 to i32
    %cond3A = arith.constant 0 : i32
    %cond3A_35 = arith.cmpi ne, %convert_element_type3A_34, %cond3A : i32
    scf.if %cond3A_35 {
      %slice3A = vector.extract_strided_slice %dot_general3A_31 {offsets = [0, 0], sizes = [2048, 1], strides = [1, 1]} : vector<2048x2xf32> to vector<2048x1xf32>
      %mul3A_40 = vector.broadcast %slice3A : vector<2048x1xf32> to vector<2048x768xf32>
      %mul3A_41 = arith.mulf %mul3A_40, %dot_general3A_19 : vector<2048x768xf32>
      %swap3A = arith.constant 0 : index
      %swap3A_42 = arith.constant 0 : index
      %swap3A_43 = arith.constant 0 : index
      %swap3A_44 = vector.load %arg6[%swap3A, %swap3A_42, %swap3A_43] : memref<2x2048x768xf32, #tpu.memory_space<vmem>>, vector<1x2048x768xf32>
      %swap3A_45 = vector.shape_cast %swap3A_44 : vector<1x2048x768xf32> to vector<2048x768xf32>
      %swap3A_46 = vector.shape_cast %mul3A_41 : vector<2048x768xf32> to vector<1x2048x768xf32>
      tpu.vector_store %arg6[%swap3A, %swap3A_42, %swap3A_43], %swap3A_46 {strides = array<i32>} : memref<2x2048x768xf32, #tpu.memory_space<vmem>>, vector<1x2048x768xf32>,
      %slice3A_47 = vector.extract_strided_slice %dot_general3A_31 {offsets = [0, 1], sizes = [2048, 1], strides = [1, 1]} : vector<2048x2xf32> to vector<2048x1xf32>
      %mul3A_48 = vector.broadcast %slice3A_47 : vector<2048x1xf32> to vector<2048x768xf32>
      %mul3A_49 = arith.mulf %mul3A_48, %dot_general3A_19 : vector<2048x768xf32>
      %swap3A_50 = arith.constant 1 : index
      %swap3A_51 = arith.constant 0 : index
      %swap3A_52 = arith.constant 0 : index
      %swap3A_53 = vector.load %arg6[%swap3A_50, %swap3A_51, %swap3A_52] : memref<2x2048x768xf32, #tpu.memory_space<vmem>>, vector<1x2048x768xf32>
      %swap3A_54 = vector.shape_cast %swap3A_53 : vector<1x2048x768xf32> to vector<2048x768xf32>
      %swap3A_55 = vector.shape_cast %mul3A_49 : vector<2048x768xf32> to vector<1x2048x768xf32>
      tpu.vector_store %arg6[%swap3A_50, %swap3A_51, %swap3A_52], %swap3A_55 {strides = array<i32>} : memref<2x2048x768xf32, #tpu.memory_space<vmem>>, vector<1x2048x768xf32>,
    } else {
    }
    %ne3A = arith.constant 0 : i32
    %ne3A_36 = arith.cmpi ne, %arg1, %ne3A : i32
    %convert_element_type3A_37 = arith.extui %ne3A_36 : i1 to i32
    %cond3A_38 = arith.constant 0 : i32
    %cond3A_39 = arith.cmpi ne, %convert_element_type3A_37, %cond3A_38 : i32
    scf.if %cond3A_39 {
      %get3A_40 = arith.constant 0 : index
      %get3A_41 = arith.constant 0 : index
      %get3A_42 = arith.constant 0 : index
      %get3A_43 = vector.load %arg6[%get3A_40, %get3A_41, %get3A_42] : memref<2x2048x768xf32, #tpu.memory_space<vmem>>, vector<1x2048x768xf32>
      %get3A_44 = vector.shape_cast %get3A_43 : vector<1x2048x768xf32> to vector<2048x768xf32>
      %slice3A = vector.extract_strided_slice %dot_general3A_31 {offsets = [0, 0], sizes = [2048, 1], strides = [1, 1]} : vector<2048x2xf32> to vector<2048x1xf32>
      %mul3A_45 = vector.broadcast %slice3A : vector<2048x1xf32> to vector<2048x768xf32>
      %mul3A_46 = arith.mulf %mul3A_45, %dot_general3A_19 : vector<2048x768xf32>
      %add3A_47 = arith.addf %get3A_44, %mul3A_46 : vector<2048x768xf32>
      %swap3A = arith.constant 0 : index
      %swap3A_48 = arith.constant 0 : index
      %swap3A_49 = arith.constant 0 : index
      %swap3A_50 = vector.load %arg6[%swap3A, %swap3A_48, %swap3A_49] : memref<2x2048x768xf32, #tpu.memory_space<vmem>>, vector<1x2048x768xf32>
      %swap3A_51 = vector.shape_cast %swap3A_50 : vector<1x2048x768xf32> to vector<2048x768xf32>
      %swap3A_52 = vector.shape_cast %add3A_47 : vector<2048x768xf32> to vector<1x2048x768xf32>
      tpu.vector_store %arg6[%swap3A, %swap3A_48, %swap3A_49], %swap3A_52 {strides = array<i32>} : memref<2x2048x768xf32, #tpu.memory_space<vmem>>, vector<1x2048x768xf32>,
      %get3A_53 = arith.constant 1 : index
      %get3A_54 = arith.constant 0 : index
      %get3A_55 = arith.constant 0 : index
      %get3A_56 = vector.load %arg6[%get3A_53, %get3A_54, %get3A_55] : memref<2x2048x768xf32, #tpu.memory_space<vmem>>, vector<1x2048x768xf32>
      %get3A_57 = vector.shape_cast %get3A_56 : vector<1x2048x768xf32> to vector<2048x768xf32>
      %slice3A_58 = vector.extract_strided_slice %dot_general3A_31 {offsets = [0, 1], sizes = [2048, 1], strides = [1, 1]} : vector<2048x2xf32> to vector<2048x1xf32>
      %mul3A_59 = vector.broadcast %slice3A_58 : vector<2048x1xf32> to vector<2048x768xf32>
      %mul3A_60 = arith.mulf %mul3A_59, %dot_general3A_19 : vector<2048x768xf32>
      %add3A_61 = arith.addf %get3A_57, %mul3A_60 : vector<2048x768xf32>
      %swap3A_62 = arith.constant 1 : index
      %swap3A_63 = arith.constant 0 : index
      %swap3A_64 = arith.constant 0 : index
      %swap3A_65 = vector.load %arg6[%swap3A_62, %swap3A_63, %swap3A_64] : memref<2x2048x768xf32, #tpu.memory_space<vmem>>, vector<1x2048x768xf32>
      %swap3A_66 = vector.shape_cast %swap3A_65 : vector<1x2048x768xf32> to vector<2048x768xf32>
      %swap3A_67 = vector.shape_cast %add3A_61 : vector<2048x768xf32> to vector<1x2048x768xf32>
      tpu.vector_store %arg6[%swap3A_62, %swap3A_63, %swap3A_64], %swap3A_67 {strides = array<i32>} : memref<2x2048x768xf32, #tpu.memory_space<vmem>>, vector<1x2048x768xf32>,
    } else {
    }
    return
  }
  func.func @transform_0(%arg0: i32, %arg1: i32) -> (i32, i32) {
    %c0_i32 = arith.constant 0 : i32
    %c0_i32_0 = arith.constant 0 : i32
    return %arg0, %c0_i32 : i32, i32
  }
  func.func @transform_1(%arg0: i32, %arg1: i32) -> (i32, i32) {
    %c0_i32 = arith.constant 0 : i32
    %c0_i32_0 = arith.constant 0 : i32
    return %c0_i32, %arg0 : i32, i32
  }
  func.func @transform_2(%arg0: i32, %arg1: i32) -> (i32, i32, i32) {
    %c0_i32 = arith.constant 0 : i32
    %c0_i32_0 = arith.constant 0 : i32
    %c0_i32_1 = arith.constant 0 : i32
    return %arg1, %c0_i32, %c0_i32_0 : i32, i32, i32
  }
  func.func @transform_3(%arg0: i32, %arg1: i32) -> (i32, i32, i32) {
    %c0_i32 = arith.constant 0 : i32
    %c0_i32_0 = arith.constant 0 : i32
    %c0_i32_1 = arith.constant 0 : i32
    return %arg1, %c0_i32, %c0_i32_0 : i32, i32, i32
  }
  func.func @transform_4(%arg0: i32, %arg1: i32) -> (i32, i32, i32) {
    %c0_i32 = arith.constant 0 : i32
    %c0_i32_0 = arith.constant 0 : i32
    %c0_i32_1 = arith.constant 0 : i32
    return %c0_i32, %arg0, %c0_i32_0 : i32, i32, i32
  }
}

module attributes {stable_mosaic.version = 14 : i64} {
  func.func @_logits_body(%arg0: memref<2048x768xf32, #tpu.memory_space<vmem>>, %arg1: memref<768x16xf32, #tpu.memory_space<vmem>>, %arg2: memref<16x2048xf32, #tpu.memory_space<vmem>>) attributes {dimension_semantics = [], scalar_prefetch = 0 : i64, scratch_operands = 0 : i64, tpu.core_type = #tpu.core_type<tc>} {
    %get3A = arith.constant 0 : index
    %get3A_0 = arith.constant 0 : index
    %get3A_1 = vector.load %arg0[%get3A, %get3A_0] : memref<2048x768xf32, #tpu.memory_space<vmem>>, vector<2048x768xf32>
    %get3A_2 = arith.constant 0 : index
    %get3A_3 = arith.constant 0 : index
    %get3A_4 = vector.load %arg1[%get3A_2, %get3A_3] : memref<768x16xf32, #tpu.memory_space<vmem>>, vector<768x16xf32>
    %dot_general3A = arith.constant dense<0.000000e+00> : vector<2048x16xf32>
    %dot_general3A_5 = tpu.matmul %get3A_1, %get3A_4, %dot_general3A {dimension_numbers = #tpu.dot_dimension_numbers<[1], [0], [0], [1], [0, 0, 1, 1], [], []>, transpose_lhs_hint = false} : vector<2048x768xf32>, vector<768x16xf32>, vector<2048x16xf32> -> vector<2048x16xf32>
    %transpose3A = tpu.transpose %dot_general3A_5, [1, 0] : vector<2048x16xf32> -> vector<16x2048xf32>
    %swap3A = arith.constant 0 : index
    %swap3A_6 = arith.constant 0 : index
    %swap3A_7 = vector.load %arg2[%swap3A, %swap3A_6] : memref<16x2048xf32, #tpu.memory_space<vmem>>, vector<16x2048xf32>
    tpu.vector_store %arg2[%swap3A, %swap3A_6], %transpose3A {strides = array<i32>} : memref<16x2048xf32, #tpu.memory_space<vmem>>, vector<16x2048xf32>,
    return
  }
}

</mosaic_0001>

<sc_bundles>
// kernel: kernel.5.cloned.1.call-start
scs
__scs_entry_jumppad:
0x0: {  	(pc) =	sbr.rel $0x88, $3  }
0x1: {  	(tag) =	ssettag $0x0;
	lr =	simm.s32 $0x1  }
0x2: {  	[smem:$0x3F9D] =	sst lr;
	_ =	strace $0xD0000000  }
0x3: {  	_ = 	snop  }
0x4: {  	_ = 	snop  }
0x5: {  	_ = 	snop  }
0x6: {  	_ = 	snop  }
0x7: {  	_ = 	snop  }
__scs_overlays_trampoline_lowered:
0x8: {  	[smem:$0x3FAC] =	sst s0  }
0x9: {  	[smem:$0x3FAD] =	sst s1  }
0xa: {  	[smem:$0x3FAE] =	sst s2  }
0xb: {  	[smem:$0x3FAF] =	sst s3  }
0xc: {  	[smem:$0x3FB0] =	sst s4  }
0xd: {  	[smem:$0x3FB1] =	sst s5  }
0xe: {  	[smem:$0x3FB2] =	sst s6  }
0xf: {  	[smem:$0x3FB3] =	sst s7  }
0x10: {  	[smem:$0x3FB4] =	sst s8  }
0x11: {  	[smem:$0x3FB5] =	sst s9;
	s0 =	simm.s32 @!p0 $0x0  }
0x12: {  	s1 =	sld [smem:$0x3F9B];
	s0 =	simm.s32 @p0 $0x1  }
0x13: {  	[smem:$0x3FB6] =	sst s0;
	s0 =	simm.s32 @!p1 $0x0  }
0x14: {  	s2 =	sld [smem:$0x3F9A];
	s0 =	simm.s32 @p1 $0x1  }
0x15: {  	[smem:$0x3FB7] =	sst s0;
	s0 =	simm.s32 @!p2 $0x0  }
0x16: {  	s3 =	sld [smem:$0x3FDB];
	s0 =	simm.s32 @p2 $0x1  }
0x17: {  	s4 =	simm.s32 $0x1BF5;
	[smem:$0x3FB9] =	sst s0  }
0x18: {  	s0 =	sld [smem:$0x3F9C];
	_ =	swait.ge [sflag:s4], $0x0  }
0x19: {  	s7 =	sld [smem:$0x3F9D]  }
0x1a: {  	s8 =	sadd.s32 $0xFFFFE003, lr  }
0x1b: {  	s9 =	sadd.s32 $0xFFFFFEF7, lr;
	s5 =	simm.s32 $0xFFFFFFFF;
	p2 =	slt.u32 s8, $0xFFFFF086  }
0x1c: {  	p1 =	slt.u32 s9, $0xF7A;
	s5 =	simm.s32 @!p2 $0x0  }
0x1d: {  	s5 =	simm.s32 @p1 $0x1;
	p0 =	seq.s32 s7, s2  }
0x1e: {  	s7 =	smul.u32 @!p0 $0xF7A, s2;
	p2 =	seq.s32 @!p0 s5, $0x0  }
0x1f: {  	s9 =	smul.u32 $0xF7A, s1;
	s8 =	simm.s32 @!p0 $0x1BF5;
	p2 =	por !p2, p0  }
0x20: {  	[sflag:s8] =	ssyncset.s32 @!p0 $0xFFFFF086;
	s6 =	sadd.s32 @!p0 s3, s7;
	s7 =	simm.s32 @!p0 $0x108  }
0x21: {  	s3 =	sadd.s32 s3, s9;
	s6 =	sadd.s32 @!p0 $0x88, s6;
	s7 =	simm.s32 @p2 $0x1082  }
0x22: {  	[simem:s7], [sflag:s8] =	dma.local @!p0 [hbm:s6], $0xF7A  }
0x23: {  	s9 =	sor.u32 $0xD0000000, s2;
	s6 =	simm.s32 $0x108;
	_ =	swait.ge @!p0 [sflag:s8], $0x0  }
0x24: {  	s3 =	sadd.s32 $0x88, s3;
	s6 =	simm.s32 @!p1 $0x1082;
	[sflag:s4] =	ssyncset.s32 $0xFFFFF086  }
0x25: {  	[simem:s6], [sflag:s4] =	dma.local [hbm:s3], $0xF7A  }
0x26: {  	[smem:$0x3F9D] =	sst s1;
	(tag) =	ssettag s2;
	_ =	strace s9  }
0x27: {  	s1 =	sld [smem:$0x3FAD]  }
0x28: {  	s2 =	sld [smem:$0x3FAE]  }
0x29: {  	s4 =	sld [smem:$0x3FB0]  }
0x2a: {  	p0 =	seq.s32 s5, $0x0;
	s5 =	sld [smem:$0x3FB1]  }
0x2b: {  	s6 =	sld [smem:$0x3FB2]  }
0x2c: {  	s7 =	sld [smem:$0x3FB3]  }
0x2d: {  	s3 =	simm.s32 $0x108;
	s8 =	sld [smem:$0x3FB4]  }
0x2e: {  	s3 =	simm.s32 @!p0 $0x1082;
	s9 =	sld [smem:$0x3FB5]  }
0x2f: {  	lr =	sadd.s32 s0, s3;
	s0 =	sld [smem:$0x3FAC]  }
0x30: {  	s3 =	sld [smem:$0x3FAF]  }
0x31: {  	[smem:$0x3FB8] =	sst s10  }
0x32: {  	s10 =	sld [smem:$0x3FB6];
	_ =	sdelay $0x3  }
0x33: {  	p0 =	seq.s32 s10, $0x1;
	s10 =	sld [smem:$0x3FB8];
	_ =	sdelay $0x3  }
0x34: {  	[smem:$0x3FB8] =	sst s10  }
0x35: {  	s10 =	sld [smem:$0x3FB7];
	_ =	sdelay $0x3  }
0x36: {  	p1 =	seq.s32 s10, $0x1;
	s10 =	sld [smem:$0x3FB8];
	_ =	sdelay $0x3  }
0x37: {  	[smem:$0x3FB8] =	sst s10  }
0x38: {  	s10 =	sld [smem:$0x3FB9]  }
0x39: {  	_ = 	snop;
	(pc) =	sbr.ind lr, $3  }
0x3a: {  	_ = 	snop  }
0x3b: {  	_ = 	snop  }
0x3c: {  	p2 =	seq.s32 s10, $0x1;
	s10 =	sld [smem:$0x3FB8]  }
0x3d: {  	_ =	shalt  }
0x3e: {  	_ =	shalt  }
0x3f: {  	_ =	shalt  }
0x40: {  	_ =	shalt  }
0x41: {  	_ =	shalt  }
0x42: {  	_ =	shalt  }
0x43: {  	_ =	shalt  }
0x44: {  	_ =	shalt  }
0x45: {  	_ =	shalt  }
0x46: {  	_ =	shalt  }
0x47: {  	_ =	shalt  }
0x48: {  	_ =	shalt  }
0x49: {  	_ =	shalt  }
0x4a: {  	_ =	shalt  }
0x4b: {  	_ =	shalt  }
0x4c: {  	_ =	shalt  }
0x4d: {  	_ =	shalt  }
0x4e: {  	_ =	shalt  }
0x4f: {  	_ =	shalt  }
0x50: {  	_ =	shalt  }
0x51: {  	_ =	shalt  }
0x52: {  	_ =	shalt  }
0x53: {  	_ =	shalt  }
0x54: {  	_ =	shalt  }
0x55: {  	_ =	shalt  }
0x56: {  	_ =	shalt  }
0x57: {  	_ =	shalt  }
0x58: {  	_ =	shalt  }
0x59: {  	_ =	shalt  }
0x5a: {  	_ =	shalt  }
0x5b: {  	_ =	shalt  }
0x5c: {  	_ =	shalt  }
0x5d: {  	_ =	shalt  }
0x5e: {  	_ =	shalt  }
0x5f: {  	_ =	shalt  }
0x60: {  	_ =	shalt  }
0x61: {  	_ =	shalt  }
0x62: {  	_ =	shalt  }
0x63: {  	_ =	shalt  }
0x64: {  	_ =	shalt  }
0x65: {  	_ =	shalt  }
0x66: {  	_ =	shalt  }
0x67: {  	_ =	shalt  }
0x68: {  	_ =	shalt  }
0x69: {  	_ =	shalt  }
0x6a: {  	_ =	shalt  }
0x6b: {  	_ =	shalt  }
0x6c: {  	_ =	shalt  }
0x6d: {  	_ =	shalt  }
0x6e: {  	_ =	shalt  }
0x6f: {  	_ =	shalt  }
0x70: {  	_ =	shalt  }
0x71: {  	_ =	shalt  }
0x72: {  	_ =	shalt  }
0x73: {  	_ =	shalt  }
0x74: {  	_ =	shalt  }
0x75: {  	_ =	shalt  }
0x76: {  	_ =	shalt  }
0x77: {  	_ =	shalt  }
0x78: {  	_ =	shalt  }
0x79: {  	_ =	shalt  }
0x7a: {  	_ =	shalt  }
0x7b: {  	_ =	shalt  }
0x7c: {  	_ =	shalt  }
0x7d: {  	_ =	shalt  }
0x7e: {  	_ =	shalt  }
0x7f: {  	_ =	shalt  }
0x80: {  	_ =	shalt  }
0x81: {  	_ =	shalt  }
0x82: {  	_ =	shalt  }
0x83: {  	_ =	shalt  }
0x84: {  	_ =	shalt  }
0x85: {  	_ =	shalt  }
0x86: {  	_ =	shalt  }
0x87: {  	_ =	shalt  }
.Lfunc_end0:
.L_simem_size_0:
called_computation_lowered:
.L_overlay_start_0:
0x88: {  	s2 =	sld [smem:$0x3FD9]  }
0x89: {  	s3 =	sld [smem:$0x3FFE];
	_ =	sdelay $0x1  }
0x8a: {  	s1 =	srdreg.scid  }
0x8b: {  	s0 =	sand.u32 $0x1, s1  }
0x8c: {  	s17 =	sshll.u32 s0, $0xA;
	s2 =	sadd.s32 s3, s2  }
0x8d: {  	s2 =	sadd.s32 s2, s17  }
0x8e: {  	[smem:$0x3FC4] =	sst s2  }
0x8f: {  	_ = 	snop  }
0x90: {  	s2 =	sld [smem:$0x3FD0];
	(tm) =	ssettm $0x1  }
0x91: {  	s18 =	sld [smem:$0x3FFB];
	_ =	sdelay $0x3  }
0x92: {  	_ =	strace s18  }
0x93: {  	s3 =	sld [smem:$0x3FFC];
	_ =	sdelay $0x3  }
0x94: {  	_ =	strace s3  }
0x95: {  	s3 =	sld [smem:$0x3FFD];
	_ =	sdelay $0x3  }
0x96: {  	_ =	strace s3  }
0x97: {  	_ =	strace $0x8FFFFFFF  }
0x98: {  	s19 =	sld [smem:$0x3FDB];
	_ =	sdelay $0x1  }
0x99: {  	s4 =	simm.s32 $_scs_section_size  }
0x9a: {  	s5 =	simm.s32 $_size__tile_overlayer_lowered;
	s6 =	simm.s32 $_tile_overlayer_lowered  }
0x9b: {  	s22 =	simm.s32 $0x1BFF;
	s21 =	sshll.u32 s6, $0x1;
	s3 =	sadd.s32 s4, s19  }
0x9c: {  	s7 =	simm.s32 $0x0;
	s20 =	sshll.u32 s5, $0x1;
	s5 =	sadd.s32 s21, s3  }
0x9d: {  	[timem:s7], [sflag:s22] =	dma.local [hbm:s5], s20  }
0x9e: {  	_ =	swait.ge [sflag:s22], s20  }
0x9f: {  	s4 =	ssub.s32 $0x0, s20;
	[sflag:s22] =	ssyncset.done $0x0  }
0xa0: {  	[sflag:s22] =	ssyncadd.s32 s4;
	_ =	sdelay $0x1  }
0xa1: {  	s23 =	simm.s32 $0x1B8B  }
0xa2: {  	_ =	swait.ge [sflag:s23], $0x1  }
0xa3: {  	[sflag:s23] =	ssyncset.done $0x0  }
0xa4: {  	s25 =	simm.s32 $0x1B8E;
	s24 =	sld [smem:$0x3FFE];
	[sflag:s23] =	ssyncadd.s32 $0xFFFFFFFF  }
0xa5: {  	s26 =	simm.s32 $execute0_lowered;
	[smem:$0x3FD2] =	sst s25  }
0xa6: {  	s5 =	sshll.u32 s26, $0x1;
	_ =	strace $0x80000046;
	[dreg:$0x1] =	wrdreg $0xFFFFFFFF  }
0xa7: {  	s28 =	simm.s32 $_size_execute0_lowered;
	s3 =	sadd.s32 s3, s5;
	[dreg:$0x0] =	wrdreg $0x0  }
0xa8: {  	s5 =	sshll.u32 s28, $0x1;
	[dreg:$0x2] =	wrdreg s3  }
0xa9: {  	[dreg:$0x3] =	wrdreg s5  }
0xaa: {  	[dreg:$0x4] =	wrdreg $0xC0  }
0xab: {  	_ =	task [dreg:s7], $0x5FFFF  }
0xac: {  	[dreg:$0x1] =	wrdreg $0xFFFFFFFF  }
0xad: {  	[dreg:$0x0] =	wrdreg $0x60  }
0xae: {  	[dreg:$0x2] =	wrdreg s2  }
0xaf: {  	[dreg:$0x3] =	wrdreg s24  }
0xb0: {  	[dreg:$0x4] =	wrdreg $0x9  }
0xb1: {  	_ =	task.clear_ibuf [dreg:s7], $0x5FFFF;
	_ =	strace $0x90000046  }
0xb2: {  	s29 =	simm.s32 $0x9;
	_ =	strace $0x80000048  }
0xb3: {  	_ =	swait.ge [sflag:s29], $0x1  }
0xb4: {  	[sflag:s29] =	ssyncadd.s32 $0xFFFFFFFF  }
0xb5: {  	_ =	strace $0x90000048  }
0xb6: {  	_ =	sfence  }
0xb7: {  	s30 =	sld [smem:$0x0];
	_ =	sdelay $0x2  }
0xb8: {  	s31 =	sshll.u32 s1, $0xD;
	s1 =	sshrl.u32 s1, $0x2  }
0xb9: {  	s3 =	sand.u32 $0x4000, s31;
	s1 =	sadd.s32 s1, s30  }
0xba: {  	s0 =	sor.u32 s3, s0;
	s1 =	sshll.u32 s1, $0x11  }
0xbb: {  	s0 =	sor.u32 s1, s0  }
0xbc: {  	s0 =	sadd.s32 $0x8F2B, s0  }
0xbd: {  	[sflag:s0] =	ssyncadd.remote.s32 $0x1  }
0xbe: {  	_ =	sfence.sel $0xFFFF  }
0xbf: {  	[dreg:$0x0] =	wrdreg $0xFFFFFFFF;
	(pc) =	sbr.abs _section_cstart, $3  }
0xc0: {  	[dreg:$0x1] =	wrdreg $0xFFFFFFFF  }
0xc1: {  	_ =	task.clear_ibuf [dreg:s7], $0x2FFFF;
	_ =	strace $0x9FFFFFFF  }
0xc2: {  	(tm) =	ssettm $0x7FFFFFFF  }
0xc3: {  	_ =	shalt  }
tec
execute0_lowered:
.L_overlay_start_1:
0x0: {  	(tag) =	ssettag $0x1  }
0x1: {  	s1 =	stileid.u32  }
0x2: {  	p0 =	sgt.u32 s1, $0x7  }
.Ltmp0:
0x3: {  	_ = 	snop;
	(pc) =	sbr.rel @p0 .LBB2_3-.Ltmp0, $4  }
0x4: {  	s4 =	rddreg [dreg:$0x0]  }
0x5: {  	s3 =	rddreg [dreg:$0x1];
	s2 =	simm.s32 $0x0  }
0x6: {  	[smem:$0x7FF] =	sst s2  }
0x7: {  	s0 =	rddreg [dreg:$0x2];
	_ =	strace $0x80000047  }
0x8: {  	s5 =	srdreg.scid  }
0x9: {  	s6 =	sshll.u32 s1, $0x8;
	s8 =	simm.s32 $0x1;
	s5 =	sand.u32 $0x1, s5  }
0xa: {  	s9 =	simm.s32 $0x800;
	s7 =	sshll.u32 s5, $0x7;
	s5 =	ssub.s32 $0x2, s5  }
0xb: {  	s6 =	sor.u32 s7, s6;
	s31 =	sshrl.u32 s5, $0x1;
	s7 =	simm.s32 $0x4000  }
0xc: {  	s3 =	sadd.s32 s6, s3;
	s5 =	ssub.s32 s5, s31;
	s4 =	sadd.s32 s4, s6  }
0xd: {  	v34 =	vimm.s32 $0x8;
	s6 =	simm.s32 $0x400;
	s3 =	sadd.s32 $0xA00, s3;
	s5 =	smax.u32 s5, $0x1  }
.LBB2_2:
0xe: {  	[tilespmem:s2], [sflag:$0x1] =	stream.strided.gather [hbm4b:s4+s6], $0x800, s7, s6, $0x38;
	[tilespmem:$0x1000] =	vst v63  }
0xf: {  	_ =	swait.ge [sflag:s8], $0x800  }
0x10: {  	[sflag:s8] =	ssyncset.done $0x0  }
0x11: {  	[sflag:s8] =	ssyncadd.s32 $0xFFFFF800  }
0x12: {  	v0 =	vld [tilespmem:$0x0]  }
0x13: {  	v3 =	vld [tilespmem:$0x80]  }
0x14: {  	v5 =	vld [tilespmem:$0x100]  }
0x15: {  	v7 =	vld [tilespmem:$0x180]  }
0x16: {  	v8 =	vld [tilespmem:$0x200]  }
0x17: {  	v10 =	vld [tilespmem:$0x280]  }
0x18: {  	v11 =	vld [tilespmem:$0x300];
	v1 =	vmax.f32 v0, v3  }
0x19: {  	v9 =	vld [tilespmem:$0x380];
	v2 =	vmax.f32 v1, v5  }
0x1a: {  	v2 =	vmax.f32 v2, v7  }
0x1b: {  	v2 =	vmax.f32 v2, v8  }
0x1c: {  	v2 =	vmax.f32 v2, v10  }
0x1d: {  	v2 =	vmax.f32 v2, v11  }
0x1e: {  	v2 =	vmax.f32 v2, v9  }
0x1f: {  	vm0 =	veq.f32 v9, v2  }
0x20: {  	vm8 =	veq.f32 v11, v2;
	v4 =	vsel vm0, $0x7, v34  }
0x21: {  	vm9 =	veq.f32 v10, v2;
	v4 =	vsel vm8, $0x6, v4  }
0x22: {  	vm10 =	veq.f32 v8, v2;
	v4 =	vsel vm9, $0x5, v4  }
0x23: {  	vm11 =	veq.f32 v7, v2;
	v4 =	vsel vm10, $0x4, v4  }
0x24: {  	vm12 =	veq.f32 v5, v2;
	v4 =	vsel vm11, $0x3, v4  }
0x25: {  	vm0 =	veq.f32 v3, v2;
	v4 =	vsel vm12, $0x2, v4  }
0x26: {  	v1 =	vsel vm0, v0, v1;
	vm11 =	vne.f32 v0, v2;
	v4 =	vsel vm0, $0x1, v4  }
0x27: {  	v1 =	vsel vm11, v1, v3;
	v12 =	vnsel vm11, $0x0, v4  }
0x28: {  	v52 =	vmax.f32 v1, v5;
	vm10 =	veq.s32 v12, $0x2  }
0x29: {  	v1 =	vsel vm10, v1, v52  }
0x2a: {  	vm5 =	veq.s32 v12, $0x3;
	v1 =	vmax.f32 v1, v7  }
0x2b: {  	v4 =	vsel vm5, v52, v1  }
0x2c: {  	vm9 =	veq.s32 v12, $0x4;
	v4 =	vmax.f32 v4, v8  }
0x2d: {  	v1 =	vsel vm9, v1, v4  }
0x2e: {  	vm4 =	veq.s32 v12, $0x5;
	v1 =	vmax.f32 v1, v10  }
0x2f: {  	v4 =	vsel vm4, v4, v1  }
0x30: {  	vm2 =	veq.s32 v12, $0x6;
	v4 =	vmax.f32 v4, v11  }
0x31: {  	v1 =	vsel vm2, v1, v4  }
0x32: {  	vm1 =	veq.s32 v12, $0x7;
	v1 =	vmax.f32 v1, v9  }
0x33: {  	v13 =	vsel vm1, v4, v1  }
0x34: {  	v2 =	vsub.f32 v13, v2  }
0x35: {  	v1 =	vld [tilespmem:$0x400]  }
0x36: {  	v6 =	vmul.f32 $1.442695020e+00, v2;
	v2 =	vld [tilespmem:$0x480]  }
0x37: {  	v4 =	vld [tilespmem:$0x500]  }
0x38: {  	v53 =	vld [tilespmem:$0x580];
	vm6 =	vne.s32 v12, $0x7;
	vm7 =	vne.s32 v12, $0x6;
	(erf) = vpow2.f32 v6  }
0x39: {  	v54 =	vld [tilespmem:$0x600];
	vm12 =	vne.s32 v12, $0x5;
	vm3 =	veq.f32 v9, v13;
	vm13 =	veq.f32 v11, v13  }
0x3a: {  	v14 =	vld [tilespmem:$0x680];
	vm15 =	veq.f32 v10, v13;
	vm3 =	vmand vm6, vm3;
	vm14 =	vmand vm7, vm13  }
0x3b: {  	v55 =	vld [tilespmem:$0x700];
	vm13 =	vmand vm12, vm15;
	vm15 =	vne.s32 v12, $0x4;
	v15 =	vmax.f32 v1, v2  }
0x3c: {  	v17 =	vld [tilespmem:$0x780];
	vm12 =	veq.f32 v7, v13;
	v16 =	vsel vm3, $0x7, v34;
	v18 =	vmax.f32 v15, v4  }
0x3d: {  	v16 =	vsel vm14, $0x6, v16;
	vm14 =	veq.f32 v8, v13;
	v58 =	vmax.f32 v18, v53  }
0x3e: {  	v60 =	vsel vm13, $0x5, v16;
	vm8 =	vmand vm15, vm14;
	v10 =	vmax.f32 v58, v54  }
0x3f: {  	vm14 =	vmand vm11, vm0;
	vm15 =	vne.s32 v12, $0x3;
	v59 =	vmax.f32 v10, v14  }
0x40: {  	vm0 =	vmand vm15, vm12;
	v10 =	vsel vm8, $0x4, v60;
	v8 =	vmax.f32 v59, v55  }
0x41: {  	vm6 =	veq.f32 v5, v13;
	v10 =	vsel vm0, $0x3, v10;
	v61 =	vpop (erf);
	v8 =	vmax.f32 v8, v17  }
0x42: {  	v62 =	vadd.f32 $1.000000000e+00, v61;
	vm13 =	veq.f32 v17, v8;
	vm7 =	veq.f32 v55, v8  }
0x43: {  	vm8 =	veq.f32 v14, v8;
	vm12 =	veq.f32 v54, v8;
	v63 =	vsel vm13, $0x7, v34  }
0x44: {  	vm15 =	veq.f32 v4, v8;
	(erf) = vrcp.f32 v62;
	v18 =	vsel vm7, $0x6, v63  }
0x45: {  	vm3 =	vne.f32 v1, v8;
	vm7 =	vne.s32 v12, $0x2;
	v7 =	vsel vm8, $0x5, v18  }
0x46: {  	vm13 =	veq.f32 v53, v8;
	vm6 =	vmand vm7, vm6;
	v7 =	vsel vm12, $0x4, v7  }
0x47: {  	vm8 =	veq.f32 v0, v13;
	vm12 =	vne.f32 v3, v13;
	v19 =	vsel vm13, $0x3, v7  }
0x48: {  	v24 =	vsel vm6, $0x2, v10;
	vm13 =	veq.f32 v2, v8;
	v5 =	vsel vm15, $0x2, v19  }
0x49: {  	vm7 =	vmor vm14, vm12;
	v20 =	vsel vm13, v1, v15;
	v5 =	vsel vm13, $0x1, v5  }
0x4a: {  	vm12 =	vmand vm11, vm8;
	v21 =	vsel vm3, v20, v2;
	v12 =	vnsel vm3, $0x0, v5  }
0x4b: {  	v7 =	vnsel vm7, $0x1, v24;
	v23 =	vmax.f32 v21, v4;
	vm15 =	veq.s32 v12, $0x2  }
0x4c: {  	v22 =	vimm.s32 $0x0;
	v28 =	vsel vm12, $0x0, v7;
	v5 =	vsel vm15, v21, v23  }
0x4d: {  	vm0 =	veq.s32 v28, $0x2;
	vm6 =	veq.s32 v12, $0x3;
	v25 =	vpop (erf);
	v5 =	vmax.f32 v5, v53  }
0x4e: {  	vm8 =	veq.s32 v12, $0x4;
	v26 =	vmul.f32 v25, v61;
	v27 =	vsel vm6, v23, v5  }
0x4f: {  	v3 =	vsel vm15, $0xFFFFFFFF, v22;
	vm15 =	veq.s32 v28, $0x5;
	v0 =	vmax.f32 v27, v54  }
0x50: {  	v29 =	vnsel vm12, $0x0, v26;
	v5 =	vsel vm8, v5, v0;
	vm12 =	vmor vm12, vm7  }
0x51: {  	vm7 =	veq.s32 v12, $0x5;
	v31 =	vnsel vm0, $0x0, v26;
	v5 =	vmax.f32 v5, v14  }
0x52: {  	vm0 =	veq.s32 v28, $0x4;
	v39 =	vnsel vm15, $0x0, v26;
	v0 =	vsel vm7, v0, v5  }
0x53: {  	v30 =	vsel vm12, $0x0, v26;
	vm12 =	veq.s32 v12, $0x6;
	v0 =	vmax.f32 v0, v55  }
0x54: {  	v36 =	vsel vm11, v29, v25;
	v37 =	vsel vm10, v25, v31;
	v5 =	vsel vm12, v5, v0  }
0x55: {  	[tilespmem:$0x1FB10] =	vst v3;
	v3 =	vld [tilespmem:$0x90];
	vm10 =	veq.s32 v12, $0x7;
	vm11 =	veq.s32 v28, $0x3;
	v32 =	vmax.f32 v5, v17  }
0x56: {  	v38 =	vnsel vm0, $0x0, v26;
	vm0 =	veq.s32 v28, $0x6;
	v33 =	vsel vm10, v0, v32;
	v0 =	vld [tilespmem:$0x10]  }
0x57: {  	v57 =	vsel vm4, v25, v39;
	v40 =	vsel vm14, v25, v30;
	v5 =	vld [tilespmem:$0x110];
	v8 =	vsub.f32 v33, v8  }
0x58: {  	v7 =	vld [tilespmem:$0x190];
	v35 =	vnsel vm11, $0x0, v26;
	v41 =	vsel vm9, v25, v38;
	v43 =	vnsel vm0, $0x0, v26  }
0x59: {  	vm9 =	veq.s32 v28, $0x7;
	vm14 =	vne.s32 v12, $0x7;
	v19 =	vmul.f32 $1.442695020e+00, v8;
	v8 =	vld [tilespmem:$0x210]  }
0x5a: {  	v15 =	vld [tilespmem:$0x290];
	vm0 =	vne.s32 v12, $0x5;
	v42 =	vsel vm5, v25, v35;
	v60 =	vsel vm2, v25, v43  }
0x5b: {  	v44 =	vld [tilespmem:$0x310];
	v13 =	vnsel vm9, $0x0, v26;
	(erf) = vpow2.f32 v19;
	v45 =	vmax.f32 v0, v3  }
0x5c: {  	v46 =	vld [tilespmem:$0x390];
	v62 =	vsel vm1, v25, v13;
	vm11 =	veq.f32 v17, v33;
	v47 =	vmax.f32 v45, v5  }
0x5d: {  	vm9 =	veq.f32 v55, v33;
	vm2 =	veq.f32 v53, v33;
	v48 =	vmax.f32 v47, v7  }
0x5e: {  	vm15 =	vmand vm14, vm11;
	vm11 =	vne.s32 v12, $0x6;
	v11 =	vmax.f32 v48, v8  }
0x5f: {  	v49 =	vsel vm15, $0x7, v34;
	vm14 =	vmand vm11, vm9;
	v11 =	vmax.f32 v11, v15  }
0x60: {  	vm15 =	veq.f32 v14, v33;
	vm11 =	veq.f32 v54, v33;
	v11 =	vmax.f32 v11, v44  }
0x61: {  	v13 =	vsel vm14, $0x6, v49;
	vm9 =	vmand vm0, vm15;
	v11 =	vmax.f32 v11, v46  }
0x62: {  	vm14 =	vmand vm3, vm13;
	vm13 =	vne.s32 v12, $0x4;
	vm15 =	veq.f32 v46, v11  }
0x63: {  	v13 =	vsel vm9, $0x5, v13;
	vm5 =	veq.f32 v44, v11;
	v51 =	vsel vm15, $0x7, v34  }
0x64: {  	vm1 =	vmand vm13, vm11;
	vm9 =	veq.f32 v15, v11;
	v50 =	vpop (erf);
	v14 =	vsel vm5, $0x6, v51  }
0x65: {  	vm11 =	veq.f32 v8, v11;
	v52 =	vadd.f32 $1.000000000e+00, v50;
	v14 =	vsel vm9, $0x5, v14  }
0x66: {  	vm0 =	vne.s32 v12, $0x3;
	vm13 =	veq.f32 v7, v11;
	v14 =	vsel vm11, $0x4, v14  }
0x67: {  	vm15 =	veq.f32 v5, v11;
	(erf) = vrcp.f32 v52;
	v53 =	vsel vm13, $0x3, v14  }
0x68: {  	v13 =	vsel vm1, $0x4, v13;
	vm13 =	veq.f32 v3, v11;
	v6 =	vsel vm15, $0x2, v53  }
0x69: {  	vm11 =	vne.f32 v0, v11;
	v54 =	vsel vm13, v0, v45;
	v6 =	vsel vm13, $0x1, v6  }
0x6a: {  	vm5 =	vmand vm0, vm2;
	v56 =	vsel vm11, v54, v3;
	v55 =	vnsel vm11, $0x0, v6  }
0x6b: {  	v13 =	vsel vm5, $0x3, v13;
	v14 =	vmax.f32 v56, v5;
	vm5 =	veq.s32 v55, $0x2  }
0x6c: {  	vm4 =	vne.f32 v2, v33;
	vm9 =	veq.f32 v4, v33;
	v58 =	vsel vm5, v56, v14  }
0x6d: {  	vm15 =	vne.s32 v12, $0x2;
	vm1 =	veq.s32 v55, $0x3;
	v4 =	vmax.f32 v58, v7  }
0x6e: {  	vm2 =	vmand vm15, vm9;
	vm15 =	vmor vm14, vm4;
	v61 =	vsel vm1, v14, v4  }
0x6f: {  	vm9 =	veq.f32 v1, v33;
	vm4 =	veq.s32 v55, $0x4;
	v2 =	vmax.f32 v61, v8  }
0x70: {  	v59 =	vsel vm2, $0x2, v13;
	vm0 =	vmand vm3, vm9;
	v63 =	vpop (erf);
	v20 =	vsel vm4, v4, v2  }
0x71: {  	vm2 =	veq.s32 v55, $0x5;
	v9 =	vmul.f32 v63, v50;
	v1 =	vmax.f32 v20, v15  }
0x72: {  	v27 =	vld [tilespmem:$0x1FB10];
	v21 =	vnsel vm15, $0x1, v59;
	vm9 =	veq.s32 v55, $0x6;
	v2 =	vsel vm2, v2, v1  }
0x73: {  	v23 =	vsel vm0, $0x0, v21;
	v22 =	vnsel vm0, $0x0, v9;
	v2 =	vmax.f32 v2, v44  }
0x74: {  	vm0 =	vmor vm0, vm15;
	vm15 =	veq.s32 v23, $0x4;
	v6 =	vsel vm3, v22, v63  }
0x75: {  	v1 =	vsel vm9, v1, v2;
	v24 =	vsel vm0, $0x0, v9;
	vm3 =	veq.s32 v55, $0x7  }
0x76: {  	vm0 =	veq.s32 v23, $0x3;
	v4 =	vsel vm14, v63, v24;
	vm14 =	veq.s32 v23, $0x2  }
0x77: {  	v1 =	vmax.f32 v1, v46;
	v26 =	vnsel vm14, $0x0, v9;
	vm14 =	vnez.u8 v27  }
0x78: {  	v28 =	vnsel vm0, $0x0, v9;
	v25 =	vsel vm3, v2, v1;
	v1 =	vsel vm14, v63, v26  }
0x79: {  	v29 =	vnsel vm15, $0x0, v9;
	v2 =	vsub.f32 v25, v11;
	[tilespmem:$0x1FC10] =	vst v1;
	v1 =	vsel vm6, v63, v28  }
0x7a: {  	vm15 =	veq.s32 v23, $0x6;
	v30 =	vsel vm8, v63, v29;
	[tilespmem:$0x1FC20] =	vst v1;
	v1 =	vld [tilespmem:$0x410]  }
0x7b: {  	v32 =	vnsel vm15, $0x0, v9;
	vm15 =	vne.s32 v55, $0x7;
	v11 =	vmul.f32 $1.442695020e+00, v2;
	v2 =	vld [tilespmem:$0x490]  }
0x7c: {  	vm0 =	vmand vm11, vm13;
	vm13 =	vne.s32 v55, $0x6;
	[tilespmem:$0x1FC00] =	vst v4;
	v4 =	vld [tilespmem:$0x510];
	v35 =	vsel vm12, v63, v32  }
0x7d: {  	[tilespmem:$0x1FBF0] =	vst v6;
	v6 =	vld [tilespmem:$0x590];
	vm12 =	veq.s32 v23, $0x7;
	vm14 =	veq.s32 v23, $0x5;
	(erf) = vpow2.f32 v11  }
0x7e: {  	v38 =	vnsel vm12, $0x0, v9;
	vm12 =	veq.f32 v44, v25;
	v31 =	vnsel vm14, $0x0, v9;
	v9 =	vld [tilespmem:$0x610]  }
0x7f: {  	vm14 =	veq.f32 v46, v25;
	v39 =	vsel vm10, v63, v38;
	v28 =	vimm.s32 $0x0;
	v11 =	vld [tilespmem:$0x690]  }
0x80: {  	v12 =	vld [tilespmem:$0x710];
	v33 =	vsel vm7, v63, v31;
	vm6 =	vmand vm15, vm14;
	v43 =	vmax.f32 v1, v2  }
0x81: {  	v16 =	vld [tilespmem:$0x790];
	vm14 =	vmand vm13, vm12;
	vm15 =	veq.f32 v15, v25;
	v45 =	vmax.f32 v43, v4  }
0x82: {  	vm12 =	vne.s32 v55, $0x5;
	v44 =	vsel vm6, $0x7, v34;
	v46 =	vmax.f32 v45, v6  }
0x83: {  	vm13 =	vmand vm12, vm15;
	vm15 =	vne.s32 v55, $0x4;
	v15 =	vmax.f32 v46, v9  }
0x84: {  	vm12 =	veq.f32 v7, v25;
	v14 =	vsel vm14, $0x6, v44;
	v47 =	vmax.f32 v15, v11  }
0x85: {  	vm14 =	veq.f32 v8, v25;
	v14 =	vsel vm13, $0x5, v14;
	v8 =	vmax.f32 v47, v12  }
0x86: {  	vm10 =	vmand vm15, vm14;
	vm13 =	vne.s32 v55, $0x3;
	v48 =	vpop (erf);
	v8 =	vmax.f32 v8, v16  }
0x87: {  	v14 =	vsel vm10, $0x4, v14;
	v49 =	vadd.f32 $1.000000000e+00, v48;
	vm14 =	veq.f32 v16, v8  }
0x88: {  	vm6 =	vmand vm13, vm12;
	vm15 =	veq.f32 v12, v8;
	v50 =	vsel vm14, $0x7, v34  }
0x89: {  	vm10 =	veq.f32 v11, v8;
	(erf) = vrcp.f32 v49;
	v7 =	vsel vm15, $0x6, v50  }
0x8a: {  	vm13 =	veq.f32 v5, v25;
	vm12 =	veq.f32 v9, v8;
	v7 =	vsel vm10, $0x5, v7  }
0x8b: {  	v14 =	vsel vm6, $0x3, v14;
	vm14 =	veq.f32 v6, v8;
	v51 =	vsel vm12, $0x4, v7  }
0x8c: {  	vm6 =	veq.f32 v2, v8;
	vm10 =	veq.f32 v4, v8;
	v5 =	vsel vm14, $0x3, v51  }
0x8d: {  	v52 =	vsel vm6, v1, v43;
	vm15 =	vne.s32 v55, $0x2;
	v5 =	vsel vm10, $0x2, v5  }
0x8e: {  	vm7 =	vmand vm15, vm13;
	vm13 =	vne.f32 v1, v8;
	v5 =	vsel vm6, $0x1, v5  }
0x8f: {  	v53 =	vsel vm7, $0x2, v14;
	v7 =	vsel vm13, v52, v2;
	v5 =	vnsel vm13, $0x0, v5  }
0x90: {  	vm12 =	vne.f32 v3, v25;
	v54 =	vmax.f32 v7, v4;
	vm7 =	veq.s32 v5, $0x2  }
0x91: {  	vm12 =	vmor vm0, vm12;
	vm14 =	veq.f32 v0, v25;
	v56 =	vsel vm7, v7, v54  }
0x92: {  	v59 =	vnsel vm12, $0x1, v53;
	vm10 =	veq.s32 v5, $0x3;
	v55 =	vpop (erf);
	v0 =	vmax.f32 v56, v6  }
0x93: {  	vm14 =	vmand vm11, vm14;
	v58 =	vmul.f32 v55, v48;
	v3 =	vsel vm10, v54, v0  }
0x94: {  	v63 =	vsel vm14, $0x0, v59;
	vm8 =	veq.s32 v5, $0x4;
	v3 =	vmax.f32 v3, v9  }
0x95: {  	vm15 =	veq.s32 v63, $0x2;
	v61 =	vnsel vm14, $0x0, v58;
	v0 =	vsel vm8, v0, v3  }
0x96: {  	v26 =	vnsel vm15, $0x0, v58;
	vm15 =	veq.s32 v5, $0x7;
	v24 =	vsel vm11, v61, v55  }
0x97: {  	vm11 =	vmor vm14, vm12;
	vm12 =	veq.s32 v5, $0x5;
	v0 =	vmax.f32 v0, v11  }
0x98: {  	v27 =	vsel vm5, v55, v26;
	vm14 =	veq.s32 v63, $0x3;
	v25 =	vsel vm11, $0x0, v58  }
0x99: {  	[tilespmem:$0x1FC30] =	vst v30;
	v3 =	vsel vm12, v3, v0;
	vm11 =	veq.s32 v5, $0x6;
	v30 =	vnsel vm14, $0x0, v58  }
0x9a: {  	vm14 =	veq.s32 v63, $0x4;
	v3 =	vmax.f32 v3, v12;
	v7 =	vsel vm0, v55, v25  }
0x9b: {  	[tilespmem:$0x1FC40] =	vst v33;
	v32 =	vsel vm1, v55, v30;
	v33 =	vnsel vm14, $0x0, v58;
	v0 =	vsel vm11, v0, v3  }
0x9c: {  	vm0 =	veq.s32 v63, $0x6;
	[tilespmem:$0x1FC80] =	vst v7;
	v7 =	vsel vm15, $0xFFFFFFFF, v28;
	v29 =	vmax.f32 v0, v16;
	v0 =	vld [tilespmem:$0x20]  }
0x9d: {  	[tilespmem:$0x1FC50] =	vst v35;
	v38 =	vsel vm4, v55, v33;
	v20 =	vnsel vm0, $0x0, v58;
	v31 =	vsel vm15, v3, v29;
	v3 =	vld [tilespmem:$0xA0]  }
0x9e: {  	vm4 =	veq.s32 v63, $0x7;
	[tilespmem:$0x1FB20] =	vst v7;
	v7 =	vld [tilespmem:$0x120];
	v43 =	vsel vm9, v55, v20;
	v35 =	vsub.f32 v31, v8  }
0x9f: {  	v14 =	vnsel vm4, $0x0, v58;
	vm9 =	vne.s32 v5, $0x7;
	v20 =	vimm.s32 $0x0;
	v8 =	vld [tilespmem:$0x1A0]  }
0xa0: {  	v10 =	vld [tilespmem:$0x220];
	vm15 =	veq.s32 v63, $0x5;
	v13 =	vsel vm3, v55, v14;
	v18 =	vmul.f32 $1.442695020e+00, v35  }
0xa1: {  	[tilespmem:$0x1FC60] =	vst v39;
	v15 =	vld [tilespmem:$0x2A0];
	vm3 =	vne.s32 v5, $0x2;
	v63 =	vimm.s32 $0x0;
	v39 =	vnsel vm15, $0x0, v58  }
0xa2: {  	vm5 =	veq.f32 v16, v31;
	(erf) = vpow2.f32 v18;
	v18 =	vld [tilespmem:$0x320];
	v44 =	vmax.f32 v0, v3  }
0xa3: {  	v45 =	vld [tilespmem:$0x3A0];
	vm14 =	veq.f32 v12, v31;
	vm15 =	vne.s32 v5, $0x6;
	v46 =	vmax.f32 v44, v7  }
0xa4: {  	v19 =	vsel vm2, v55, v39;
	vm1 =	vmand vm9, vm5;
	v47 =	vmax.f32 v46, v8  }
0xa5: {  	vm9 =	vmand vm15, vm14;
	vm14 =	veq.f32 v11, v31;
	v48 =	vmax.f32 v47, v10  }
0xa6: {  	vm15 =	vne.s32 v5, $0x5;
	vm2 =	veq.f32 v9, v31;
	v12 =	vmax.f32 v48, v15  }
0xa7: {  	v49 =	vsel vm1, $0x7, v34;
	vm5 =	vmand vm15, vm14;
	v50 =	vmax.f32 v12, v18  }
0xa8: {  	vm15 =	vmand vm13, vm6;
	vm14 =	vne.s32 v5, $0x4;
	v11 =	vmax.f32 v50, v45  }
0xa9: {  	vm1 =	veq.f32 v6, v31;
	v51 =	vsel vm9, $0x6, v49;
	vm6 =	veq.f32 v45, v11  }
0xaa: {  	vm2 =	vmand vm14, vm2;
	vm9 =	veq.f32 v18, v11;
	v52 =	vsel vm6, $0x7, v34  }
0xab: {  	v12 =	vsel vm5, $0x5, v51;
	vm5 =	veq.f32 v15, v11;
	v53 =	vpop (erf);
	v9 =	vsel vm9, $0x6, v52  }
0xac: {  	vm6 =	veq.f32 v10, v11;
	v54 =	vadd.f32 $1.000000000e+00, v53;
	v9 =	vsel vm5, $0x5, v9  }
0xad: {  	v12 =	vsel vm2, $0x4, v12;
	vm9 =	veq.f32 v8, v11;
	v9 =	vsel vm6, $0x4, v9  }
0xae: {  	vm14 =	veq.f32 v7, v11;
	(erf) = vrcp.f32 v54;
	v9 =	vsel vm9, $0x3, v9  }
0xaf: {  	vm2 =	vne.s32 v5, $0x3;
	vm9 =	veq.f32 v3, v11;
	v9 =	vsel vm14, $0x2, v9  }
0xb0: {  	vm14 =	vne.f32 v0, v11;
	v55 =	vsel vm9, v0, v44;
	v9 =	vsel vm9, $0x1, v9  }
0xb1: {  	vm1 =	vmand vm2, vm1;
	v58 =	vsel vm14, v55, v3;
	v56 =	vnsel vm14, $0x0, v9  }
0xb2: {  	vm2 =	veq.f32 v4, v31;
	v59 =	vmax.f32 v58, v7;
	vm6 =	veq.s32 v56, $0x2  }
0xb3: {  	v12 =	vsel vm1, $0x3, v12;
	vm5 =	vmand vm3, vm2;
	v61 =	vsel vm6, v58, v59  }
0xb4: {  	vm2 =	vne.f32 v2, v31;
	vm4 =	veq.s32 v56, $0x3;
	v4 =	vmax.f32 v61, v8  }
0xb5: {  	vm1 =	vmor vm15, vm2;
	vm0 =	veq.s32 v56, $0x4;
	v14 =	vsel vm4, v59, v4  }
0xb6: {  	vm3 =	veq.s32 v56, $0x5;
	v5 =	vsel vm4, $0xFFFFFFFF, v63;
	v6 =	vmax.f32 v14, v10  }
0xb7: {  	vm2 =	veq.s32 v56, $0x6;
	[tilespmem:$0x1FB30] =	vst v5;
	v5 =	vsel vm5, $0x2, v12;
	v12 =	vpop (erf);
	v21 =	vsel vm0, v4, v6  }
0xb8: {  	vm4 =	veq.f32 v1, v31;
	v22 =	vmul.f32 v12, v53;
	v1 =	vmax.f32 v21, v15  }
0xb9: {  	v9 =	vsel vm0, $0xFFFFFFFF, v20;
	vm0 =	vmand vm13, vm4;
	v23 =	vsel vm3, v6, v1  }
0xba: {  	[tilespmem:$0x1FC70] =	vst v24;
	v25 =	vnsel vm1, $0x1, v5;
	v24 =	vnsel vm0, $0x0, v22;
	v2 =	vmax.f32 v23, v18  }
0xbb: {  	vm4 =	veq.s32 v56, $0x7;
	v4 =	vsel vm13, v24, v12;
	v1 =	vsel vm2, v1, v2  }
0xbc: {  	[tilespmem:$0x1FD00] =	vst v4;
	v4 =	vsel vm0, $0x0, v25;
	v1 =	vmax.f32 v1, v45;
	vm0 =	vmor vm0, vm1  }
0xbd: {  	[tilespmem:$0x1FC90] =	vst v27;
	v26 =	vsel vm4, v2, v1;
	vm13 =	veq.s32 v4, $0x2;
	v27 =	vsel vm0, $0x0, v22  }
0xbe: {  	vm5 =	veq.s32 v4, $0x4;
	v28 =	vnsel vm13, $0x0, v22;
	v29 =	vsub.f32 v26, v11  }
0xbf: {  	v1 =	vsel vm15, v12, v27;
	vm15 =	veq.s32 v4, $0x3;
	v33 =	vnsel vm5, $0x0, v22  }
0xc0: {  	[tilespmem:$0x1FCA0] =	vst v32;
	vm13 =	veq.f32 v45, v26;
	v30 =	vsel vm7, v12, v28;
	v31 =	vnsel vm15, $0x0, v22  }
0xc1: {  	[tilespmem:$0x1FCB0] =	vst v38;
	vm7 =	veq.s32 v4, $0x5;
	v38 =	vsel vm8, v12, v33;
	v32 =	vmul.f32 $1.442695020e+00, v29  }
0xc2: {  	[tilespmem:$0x1FD10] =	vst v1;
	v1 =	vsel vm10, v12, v31;
	v35 =	vnsel vm7, $0x0, v22;
	vm10 =	veq.s32 v4, $0x6  }
0xc3: {  	[tilespmem:$0x1FCE0] =	vst v43;
	v2 =	vld [tilespmem:$0x4A0];
	vm15 =	vne.s32 v56, $0x7;
	v39 =	vsel vm12, v12, v35;
	v43 =	vnsel vm10, $0x0, v22  }
0xc4: {  	[tilespmem:$0x1FD40] =	vst v1;
	v1 =	vld [tilespmem:$0x420];
	vm12 =	veq.s32 v4, $0x7;
	vm10 =	vmand vm15, vm13;
	(erf) = vpow2.f32 v32  }
0xc5: {  	v4 =	vld [tilespmem:$0x520];
	vm13 =	veq.f32 v15, v26;
	vm15 =	vne.s32 v56, $0x5;
	v5 =	vsel vm11, v12, v43  }
0xc6: {  	v44 =	vnsel vm12, $0x0, v22;
	v45 =	vsel vm10, $0x7, v34;
	vm11 =	veq.f32 v18, v26;
	[tilespmem:$0x1FD80] =	vst v5;
	v5 =	vld [tilespmem:$0x5A0]  }
0xc7: {  	v6 =	vld [tilespmem:$0x620];
	vm12 =	vne.s32 v56, $0x6;
	vm7 =	vmand vm15, vm13;
	vm13 =	vne.s32 v56, $0x4  }
0xc8: {  	[tilespmem:$0x1FB40] =	vst v9;
	v9 =	vld [tilespmem:$0x6A0];
	vm15 =	veq.f32 v8, v26;
	vm0 =	vmand vm12, vm11;
	vm11 =	vmand vm14, vm9  }
0xc9: {  	v15 =	vld [tilespmem:$0x720];
	vm12 =	veq.f32 v10, v26;
	vm9 =	vne.s32 v56, $0x3;
	v46 =	vmax.f32 v1, v2  }
0xca: {  	v17 =	vld [tilespmem:$0x7A0];
	v14 =	vsel vm0, $0x6, v45;
	vm0 =	vmand vm13, vm12;
	v47 =	vmax.f32 v46, v4  }
0xcb: {  	vm10 =	vmand vm9, vm15;
	vm12 =	veq.f32 v7, v26;
	v48 =	vmax.f32 v47, v5  }
0xcc: {  	vm13 =	vne.s32 v56, $0x2;
	vm9 =	vne.f32 v3, v26;
	v10 =	vmax.f32 v48, v6  }
0xcd: {  	v14 =	vsel vm7, $0x5, v14;
	vm1 =	vmor vm11, vm9;
	v10 =	vmax.f32 v10, v9;
	v49 =	vpop (erf)  }
0xce: {  	v14 =	vsel vm0, $0x4, v14;
	v10 =	vmax.f32 v10, v15;
	v50 =	vadd.f32 $1.000000000e+00, v49  }
0xcf: {  	vm0 =	vmand vm13, vm12;
	v14 =	vsel vm10, $0x3, v14;
	v51 =	vmax.f32 v10, v17  }
0xd0: {  	v53 =	vsel vm0, $0x2, v14;
	vm15 =	veq.f32 v17, v51;
	(erf) = vrcp.f32 v50  }
0xd1: {  	v55 =	vnsel vm1, $0x1, v53;
	vm7 =	veq.f32 v15, v51;
	v52 =	vsel vm15, $0x7, v34  }
0xd2: {  	v27 =	vld [tilespmem:$0x1FB20];
	vm8 =	veq.f32 v9, v51;
	vm10 =	veq.f32 v6, v51;
	v7 =	vsel vm7, $0x6, v52  }
0xd3: {  	vm12 =	veq.f32 v5, v51;
	vm7 =	veq.f32 v0, v26;
	v54 =	vsel vm8, $0x5, v7  }
0xd4: {  	vm13 =	veq.f32 v4, v51;
	vm15 =	vmand vm14, vm7;
	v3 =	vsel vm10, $0x4, v54  }
0xd5: {  	vm9 =	vne.f32 v1, v51;
	v28 =	vsel vm15, $0x0, v55;
	v3 =	vsel vm12, $0x3, v3  }
0xd6: {  	vm0 =	vmor vm15, vm1;
	v56 =	vsel vm13, $0x2, v3;
	vm13 =	veq.f32 v2, v51  }
0xd7: {  	vm12 =	vnez.u8 v27;
	v0 =	vsel vm13, $0x1, v56;
	v58 =	vsel vm13, v1, v46  }
0xd8: {  	v8 =	vsel vm12, v12, v44;
	v14 =	vnsel vm9, $0x0, v0;
	v61 =	vsel vm9, v58, v2  }
0xd9: {  	vm7 =	veq.s32 v14, $0x2;
	v3 =	vmax.f32 v61, v4;
	vm8 =	veq.s32 v14, $0x3;
	v59 =	vpop (erf)  }
0xda: {  	vm10 =	veq.s32 v14, $0x4;
	v0 =	vsel vm7, v61, v3;
	v63 =	vmul.f32 v59, v49  }
0xdb: {  	vm5 =	veq.s32 v14, $0x5;
	vm12 =	veq.s32 v14, $0x6;
	v0 =	vmax.f32 v0, v5  }
0xdc: {  	[tilespmem:$0x1FD30] =	vst v30;
	v3 =	vsel vm8, v3, v0;
	v29 =	vnsel vm15, $0x0, v63;
	v30 =	vsel vm0, $0x0, v63  }
0xdd: {  	v44 =	vld [tilespmem:$0x1FB30];
	v31 =	vmax.f32 v3, v6;
	vm15 =	veq.s32 v28, $0x3;
	v7 =	vsel vm14, v29, v59  }
0xde: {  	v32 =	vsel vm11, v59, v30;
	vm14 =	veq.s32 v28, $0x2;
	v33 =	vsel vm10, v0, v31  }
0xdf: {  	[tilespmem:$0x1FD60] =	vst v39;
	v26 =	vld [tilespmem:$0x1FB40];
	v39 =	vnsel vm15, $0x0, v63;
	vm11 =	veq.s32 v28, $0x4;
	vm15 =	veq.s32 v14, $0x7  }
0xe0: {  	[tilespmem:$0x1FD50] =	vst v38;
	v3 =	vld [tilespmem:$0xB0];
	v35 =	vnsel vm14, $0x0, v63;
	v38 =	vmax.f32 v33, v9;
	v46 =	vnsel vm11, $0x0, v63  }
0xe1: {  	[tilespmem:$0x1FD90] =	vst v8;
	v0 =	vld [tilespmem:$0x30];
	vm14 =	veq.s32 v28, $0x5;
	vm11 =	veq.s32 v28, $0x6;
	v35 =	vsel vm6, v59, v35  }
0xe2: {  	[tilespmem:$0x1FDA0] =	vst v7;
	v7 =	vld [tilespmem:$0x130];
	v8 =	vsel vm5, v31, v38;
	vm6 =	vnez.u8 v44;
	v23 =	vnsel vm14, $0x0, v63  }
0xe3: {  	v49 =	vnsel vm11, $0x0, v63;
	vm14 =	veq.s32 v28, $0x7;
	v43 =	vmax.f32 v8, v15;
	v8 =	vld [tilespmem:$0x1B0]  }
0xe4: {  	v10 =	vld [tilespmem:$0x230];
	vm11 =	vne.s32 v14, $0x7;
	v31 =	vimm.s32 $0x0;
	v11 =	vsel vm6, v59, v39  }
0xe5: {  	vm6 =	vnez.u8 v26;
	v47 =	vsel vm3, v59, v23;
	[tilespmem:$0x1FDC0] =	vst v11;
	v45 =	vsel vm12, v38, v43;
	v11 =	vld [tilespmem:$0x2B0]  }
0xe6: {  	v12 =	vld [tilespmem:$0x330];
	v16 =	vnsel vm14, $0x0, v63;
	v21 =	vmax.f32 v45, v17;
	v22 =	vmax.f32 v0, v3  }
0xe7: {  	v24 =	vld [tilespmem:$0x3B0];
	v52 =	vsel vm2, v59, v49;
	v21 =	vsel vm15, v43, v21;
	v25 =	vmax.f32 v22, v7  }
0xe8: {  	v26 =	vimm.s32 $0x0;
	v18 =	vsub.f32 v21, v51;
	v48 =	vmax.f32 v25, v8  }
0xe9: {  	[tilespmem:$0x1FCF0] =	vst v13;
	v39 =	vsel vm6, v59, v46;
	v13 =	vsel vm4, v59, v16;
	v20 =	vmax.f32 v48, v10  }
0xea: {  	vm6 =	veq.f32 v17, v21;
	v18 =	vmul.f32 $1.442695020e+00, v18;
	v50 =	vmax.f32 v20, v11  }
0xeb: {  	vm2 =	veq.f32 v15, v21;
	vm1 =	vmand vm11, vm6;
	v51 =	vmax.f32 v50, v12  }
0xec: {  	v55 =	vsel vm1, $0x7, v34;
	(erf) = vpow2.f32 v18;
	v53 =	vmax.f32 v51, v24  }
0xed: {  	vm1 =	veq.f32 v9, v21;
	vm14 =	veq.f32 v24, v53;
	vm4 =	veq.f32 v12, v53  }
0xee: {  	vm6 =	veq.f32 v11, v53;
	v54 =	vsel vm14, $0x7, v34;
	vm14 =	vne.s32 v14, $0x6  }
0xef: {  	vm11 =	veq.f32 v10, v53;
	v16 =	vsel vm4, $0x6, v54;
	vm2 =	vmand vm14, vm2  }
0xf0: {  	vm14 =	vne.s32 v14, $0x5;
	vm4 =	vne.s32 v14, $0x4;
	v56 =	vsel vm6, $0x5, v16  }
0xf1: {  	vm6 =	veq.f32 v8, v53;
	v58 =	vsel vm2, $0x6, v55;
	v15 =	vsel vm11, $0x4, v56  }
0xf2: {  	vm1 =	vmand vm14, vm1;
	vm11 =	veq.f32 v7, v53;
	v15 =	vsel vm6, $0x3, v15  }
0xf3: {  	v16 =	vsel vm1, $0x5, v58;
	v15 =	vsel vm11, $0x2, v15;
	vm11 =	veq.f32 v3, v53  }
0xf4: {  	vm6 =	vne.f32 v0, v53;
	v15 =	vsel vm11, $0x1, v15;
	v61 =	vsel vm11, v0, v22  }
0xf5: {  	vm1 =	veq.f32 v6, v21;
	v59 =	vpop (erf);
	v15 =	vnsel vm6, $0x0, v15;
	v18 =	vsel vm6, v61, v3  }
0xf6: {  	v63 =	vadd.f32 $1.000000000e+00, v59;
	vm0 =	veq.s32 v15, $0x2;
	v23 =	vmax.f32 v18, v7  }
0xf7: {  	vm1 =	vmand vm4, vm1;
	vm4 =	veq.f32 v5, v21;
	v18 =	vsel vm0, v18, v23  }
0xf8: {  	vm14 =	veq.s32 v15, $0x3;
	(erf) = vrcp.f32 v63;
	v18 =	vmax.f32 v18, v8  }
0xf9: {  	v28 =	vsel vm1, $0x4, v16;
	v22 =	vimm.s32 $0x0;
	v25 =	vsel vm14, v23, v18  }
0xfa: {  	v9 =	vsel vm0, $0xFFFFFFFF, v22;
	vm0 =	veq.s32 v15, $0x4;
	v6 =	vmax.f32 v25, v10  }
0xfb: {  	vm1 =	vne.s32 v14, $0x2;
	vm3 =	veq.s32 v15, $0x5;
	v27 =	vsel vm0, v18, v6  }
0xfc: {  	[tilespmem:$0x1FB50] =	vst v9;
	v9 =	vsel vm0, $0xFFFFFFFF, v26;
	vm0 =	vne.s32 v14, $0x3;
	v5 =	vmax.f32 v27, v11  }
0xfd: {  	vm0 =	vmand vm0, vm4;
	vm4 =	veq.s32 v15, $0x6;
	v6 =	vsel vm3, v6, v5  }
0xfe: {  	[tilespmem:$0x1FB60] =	vst v9;
	v9 =	vsel vm0, $0x3, v28;
	vm0 =	veq.f32 v4, v21;
	v6 =	vmax.f32 v6, v12  }
0xff: {  	vm2 =	vmand vm1, vm0;
	vm0 =	veq.s32 v15, $0x7;
	vm1 =	vmand vm9, vm13  }
0x100: {  	vm13 =	vne.f32 v2, v21;
	v29 =	vsel vm4, v5, v6;
	v5 =	vsel vm0, $0xFFFFFFFF, v31  }
0x101: {  	v38 =	vsel vm2, $0x2, v9;
	vm13 =	vmor vm1, vm13;
	v30 =	vpop (erf);
	v4 =	vmax.f32 v29, v24  }
0x102: {  	[tilespmem:$0x1FDB0] =	vst v32;
	v32 =	vmul.f32 v30, v59;
	v33 =	vsel vm0, v6, v4;
	vm0 =	veq.f32 v1, v21  }
0x103: {  	v1 =	vnsel vm13, $0x1, v38;
	v4 =	vsub.f32 v33, v53;
	vm0 =	vmand vm9, vm0  }
0x104: {  	[tilespmem:$0x1FDD0] =	vst v47;
	v43 =	vnsel vm0, $0x0, v32;
	v44 =	vsel vm0, $0x0, v1  }
0x105: {  	[tilespmem:$0x1FDE0] =	vst v52;
	vm0 =	vmor vm0, vm13;
	v4 =	vmul.f32 $1.442695020e+00, v4;
	v2 =	vsel vm9, v43, v30  }
0x106: {  	[tilespmem:$0x1FDF0] =	vst v13;
	v45 =	vsel vm0, $0x0, v32;
	vm9 =	veq.s32 v44, $0x2;
	vm13 =	veq.s32 v44, $0x3  }
0x107: {  	vm0 =	veq.f32 v8, v33;
	[tilespmem:$0x1FE00] =	vst v2;
	v2 =	vsel vm1, v30, v45;
	v46 =	vnsel vm9, $0x0, v32  }
0x108: {  	[tilespmem:$0x1FB70] =	vst v5;
	v1 =	vld [tilespmem:$0x430];
	v47 =	vnsel vm13, $0x0, v32;
	vm9 =	veq.s32 v44, $0x5;
	vm13 =	veq.s32 v44, $0x7  }
0x109: {  	(erf) = vpow2.f32 v4;
	[tilespmem:$0x1FE10] =	vst v2;
	v2 =	vld [tilespmem:$0x4B0];
	v4 =	vsel vm7, v30, v46;
	vm7 =	veq.s32 v44, $0x4  }
0x10a: {  	v5 =	vsel vm8, v30, v47;
	v49 =	vnsel vm9, $0x0, v32;
	[tilespmem:$0x1FE20] =	vst v4;
	v4 =	vld [tilespmem:$0x530];
	v48 =	vnsel vm7, $0x0, v32  }
0x10b: {  	v52 =	vnsel vm13, $0x0, v32;
	vm8 =	veq.f32 v10, v33;
	[tilespmem:$0x1FE30] =	vst v5;
	v5 =	vld [tilespmem:$0x5B0];
	v6 =	vsel vm10, v30, v48  }
0x10c: {  	vm13 =	vne.s32 v15, $0x7;
	v13 =	vsel vm5, v30, v49;
	vm10 =	veq.s32 v44, $0x6;
	[tilespmem:$0x1FE40] =	vst v6;
	v6 =	vld [tilespmem:$0x630]  }
0x10d: {  	v51 =	vld [tilespmem:$0x6B0];
	vm5 =	veq.f32 v11, v33;
	vm7 =	veq.f32 v7, v33;
	v50 =	vnsel vm10, $0x0, v32  }
0x10e: {  	v53 =	vld [tilespmem:$0x730];
	v9 =	vsel vm12, v30, v50;
	vm12 =	veq.f32 v12, v33;
	v54 =	vmax.f32 v1, v2  }
0x10f: {  	v55 =	vld [tilespmem:$0x7B0];
	[tilespmem:$0x1FE60] =	vst v9;
	v9 =	vsel vm15, v30, v52;
	vm15 =	veq.f32 v24, v33;
	v56 =	vmax.f32 v54, v4  }
0x110: {  	[tilespmem:$0x1FE70] =	vst v9;
	vm1 =	vmand vm13, vm15;
	vm15 =	vne.s32 v15, $0x6;
	v9 =	vmax.f32 v56, v5  }
0x111: {  	vm13 =	vne.s32 v15, $0x5;
	v11 =	vsel vm1, $0x7, v34;
	v9 =	vmax.f32 v9, v6  }
0x112: {  	vm9 =	vmand vm15, vm12;
	vm2 =	vmand vm13, vm5;
	v9 =	vmax.f32 v9, v51  }
0x113: {  	vm13 =	vne.f32 v3, v33;
	v7 =	vsel vm9, $0x6, v11;
	v61 =	vmax.f32 v9, v53  }
0x114: {  	v58 =	vpop (erf);
	v7 =	vsel vm2, $0x5, v7;
	vm2 =	vne.s32 v15, $0x4;
	v63 =	vmax.f32 v61, v55  }
0x115: {  	v59 =	vadd.f32 $1.000000000e+00, v58;
	vm2 =	vmand vm2, vm8;
	vm10 =	veq.f32 v55, v63  }
0x116: {  	v7 =	vsel vm2, $0x4, v7;
	vm12 =	veq.f32 v53, v63;
	v12 =	vsel vm10, $0x7, v34  }
0x117: {  	(erf) = vrcp.f32 v59;
	vm15 =	veq.f32 v51, v63;
	v9 =	vsel vm12, $0x6, v12  }
0x118: {  	vm5 =	veq.f32 v6, v63;
	vm9 =	veq.f32 v5, v63;
	v9 =	vsel vm15, $0x5, v9  }
0x119: {  	vm10 =	veq.f32 v4, v63;
	vm12 =	vne.s32 v15, $0x2;
	v9 =	vsel vm5, $0x4, v9  }
0x11a: {  	vm15 =	veq.f32 v2, v63;
	vm1 =	vmand vm12, vm7;
	v9 =	vsel vm9, $0x3, v9  }
0x11b: {  	vm7 =	veq.f32 v0, v33;
	vm5 =	vne.s32 v15, $0x3;
	v9 =	vsel vm10, $0x2, v9  }
0x11c: {  	v18 =	vsel vm15, v1, v54;
	vm9 =	vne.f32 v1, v63;
	v9 =	vsel vm15, $0x1, v9  }
0x11d: {  	[tilespmem:$0x1FCC0] =	vst v19;
	vm5 =	vmand vm5, vm0;
	v19 =	vsel vm9, v18, v2;
	v15 =	vnsel vm9, $0x0, v9  }
0x11e: {  	vm0 =	vmand vm6, vm11;
	v11 =	vmax.f32 v19, v4;
	vm10 =	veq.s32 v15, $0x2  }
0x11f: {  	v7 =	vsel vm5, $0x3, v7;
	vm5 =	vmor vm0, vm13;
	v20 =	vsel vm10, v19, v11  }
0x120: {  	v7 =	vsel vm1, $0x2, v7;
	vm8 =	veq.s32 v15, $0x3;
	v3 =	vmax.f32 v20, v5  }
0x121: {  	v30 =	vld [tilespmem:$0x1FB50];
	vm2 =	vmand vm6, vm7;
	v7 =	vnsel vm5, $0x1, v7;
	v21 =	vsel vm8, v11, v3  }
0x122: {  	vm11 =	veq.s32 v15, $0x4;
	v17 =	vpop (erf);
	vm12 =	veq.s32 v15, $0x5;
	v9 =	vmax.f32 v21, v6  }
0x123: {  	vm13 =	veq.s32 v15, $0x6;
	v18 =	vmul.f32 v17, v58;
	v3 =	vsel vm11, v3, v9  }
0x124: {  	v0 =	vld [tilespmem:$0x40];
	vm1 =	veq.s32 v15, $0x7;
	v19 =	vsel vm2, $0x0, v7;
	v22 =	vmax.f32 v3, v51  }
0x125: {  	v54 =	vld [tilespmem:$0x1FB60];
	v24 =	vnsel vm2, $0x0, v18;
	vm2 =	vmor vm2, vm5;
	v3 =	vsel vm12, v9, v22  }
0x126: {  	vm5 =	vnez.u8 v30;
	v26 =	vsel vm2, $0x0, v18;
	v9 =	vmax.f32 v3, v53;
	v3 =	vld [tilespmem:$0xC0]  }
0x127: {  	v7 =	vld [tilespmem:$0x140];
	v11 =	vsel vm0, v17, v26;
	vm0 =	veq.s32 v19, $0x2;
	v23 =	vsel vm13, v22, v9  }
0x128: {  	v8 =	vld [tilespmem:$0x1C0];
	v38 =	vsel vm6, v24, v17;
	v27 =	vnsel vm0, $0x0, v18;
	v25 =	vmax.f32 v23, v55  }
0x129: {  	vm0 =	veq.s32 v19, $0x4;
	v44 =	vsel vm5, v17, v27;
	v20 =	vsel vm1, v9, v25;
	v9 =	vld [tilespmem:$0x240]  }
0x12a: {  	[tilespmem:$0x1FE80] =	vst v11;
	v11 =	vld [tilespmem:$0x2C0];
	vm5 =	veq.s32 v19, $0x3;
	v43 =	vnsel vm0, $0x0, v18;
	v27 =	vimm.s32 $0x0  }
0x12b: {  	v12 =	vld [tilespmem:$0x340];
	v33 =	vnsel vm5, $0x0, v18;
	v10 =	vsub.f32 v20, v63;
	v28 =	vmax.f32 v0, v3  }
0x12c: {  	v16 =	vld [tilespmem:$0x3C0];
	vm5 =	vnez.u8 v54;
	v47 =	vsel vm14, v17, v33;
	v29 =	vmax.f32 v28, v7  }
0x12d: {  	vm14 =	veq.s32 v19, $0x5;
	v10 =	vmul.f32 $1.442695020e+00, v10;
	v31 =	vmax.f32 v29, v8  }
0x12e: {  	v33 =	vimm.s32 $0x0;
	v46 =	vnsel vm14, $0x0, v18;
	v32 =	vmax.f32 v31, v9  }
0x12f: {  	vm7 =	veq.f32 v55, v20;
	(erf) = vpow2.f32 v10;
	v10 =	vmax.f32 v32, v11  }
0x130: {  	vm6 =	veq.f32 v53, v20;
	vm2 =	veq.f32 v51, v20;
	v10 =	vmax.f32 v10, v12  }
0x131: {  	v51 =	vsel vm5, v17, v43;
	v45 =	vmax.f32 v10, v16;
	v10 =	vsel vm3, v17, v46  }
0x132: {  	vm3 =	veq.s32 v19, $0x6;
	vm0 =	veq.f32 v16, v45;
	vm14 =	veq.f32 v12, v45  }
0x133: {  	vm5 =	veq.f32 v11, v45;
	v56 =	vnsel vm3, $0x0, v18;
	vm3 =	vne.s32 v15, $0x7  }
0x134: {  	v55 =	vsel vm0, $0x7, v34;
	v53 =	vsel vm4, v17, v56;
	vm4 =	vmand vm3, vm7  }
0x135: {  	[tilespmem:$0x1FE90] =	vst v10;
	vm0 =	veq.f32 v7, v45;
	vm3 =	veq.f32 v3, v45;
	v10 =	vsel vm14, $0x6, v55  }
0x136: {  	vm7 =	vne.f32 v0, v45;
	vm14 =	veq.f32 v9, v45;
	v10 =	vsel vm5, $0x5, v10  }
0x137: {  	v58 =	vsel vm3, v0, v28;
	v10 =	vsel vm14, $0x4, v10;
	vm14 =	veq.f32 v8, v45  }
0x138: {  	v25 =	vsel vm4, $0x7, v34;
	vm4 =	vne.s32 v15, $0x5;
	v10 =	vsel vm14, $0x3, v10  }
0x139: {  	v28 =	vimm.s32 $0x0;
	v14 =	vsel vm7, v58, v3;
	v59 =	vpop (erf);
	v10 =	vsel vm0, $0x2, v10  }
0x13a: {  	vm14 =	vne.s32 v15, $0x6;
	v61 =	vadd.f32 $1.000000000e+00, v59;
	v10 =	vsel vm3, $0x1, v10  }
0x13b: {  	v63 =	vmax.f32 v14, v7;
	vm0 =	vmand vm14, vm6;
	v10 =	vnsel vm7, $0x0, v10  }
0x13c: {  	vm14 =	veq.f32 v6, v20;
	(erf) = vrcp.f32 v61;
	vm5 =	veq.s32 v10, $0x2  }
0x13d: {  	vm6 =	veq.s32 v10, $0x3;
	v24 =	vsel vm5, v14, v63;
	v14 =	vsel vm0, $0x6, v25  }
0x13e: {  	vm0 =	vmand vm4, vm2;
	vm2 =	veq.s32 v10, $0x4;
	vm4 =	vne.s32 v15, $0x4  }
0x13f: {  	v6 =	vmax.f32 v24, v8;
	v23 =	vsel vm2, $0xFFFFFFFF, v27;
	v14 =	vsel vm0, $0x5, v14  }
0x140: {  	vm0 =	vmand vm4, vm14;
	vm4 =	veq.s32 v10, $0x5;
	v26 =	vsel vm6, v63, v6  }
0x141: {  	vm14 =	vne.s32 v15, $0x3;
	[tilespmem:$0x1FB80] =	vst v23;
	v23 =	vsel vm4, $0xFFFFFFFF, v28;
	v22 =	vmax.f32 v26, v9  }
0x142: {  	v29 =	vsel vm0, $0x4, v14;
	v6 =	vsel vm2, v6, v22;
	vm2 =	veq.f32 v5, v20  }
0x143: {  	v6 =	vmax.f32 v6, v11;
	vm0 =	vmand vm14, vm2;
	vm2 =	veq.f32 v4, v20  }
0x144: {  	vm14 =	veq.s32 v10, $0x6;
	v22 =	vsel vm4, v22, v6;
	vm4 =	vne.s32 v15, $0x2  }
0x145: {  	v50 =	vld [tilespmem:$0x1FB70];
	v31 =	vsel vm0, $0x3, v29;
	v30 =	vmax.f32 v22, v12;
	vm0 =	vmand vm4, vm2  }
0x146: {  	vm2 =	veq.s32 v19, $0x7;
	vm4 =	veq.s32 v10, $0x7;
	v32 =	vsel vm14, v6, v30  }
0x147: {  	v6 =	vsel vm4, $0xFFFFFFFF, v33;
	v43 =	vnsel vm2, $0x0, v18;
	v5 =	vmax.f32 v32, v16  }
0x148: {  	v4 =	vsel vm0, $0x2, v31;
	vm0 =	vmand vm9, vm15;
	v5 =	vsel vm4, v30, v5  }
0x149: {  	[tilespmem:$0x1FE50] =	vst v13;
	vm15 =	veq.f32 v1, v20;
	vm4 =	vne.f32 v2, v20;
	v13 =	vsub.f32 v5, v45  }
0x14a: {  	v45 =	vpop (erf);
	vm2 =	vmor vm0, vm4;
	vm4 =	vmand vm9, vm15;
	vm15 =	vnez.u8 v50  }
0x14b: {  	v46 =	vmul.f32 v45, v59;
	v48 =	vnsel vm2, $0x1, v4;
	v4 =	vsel vm15, v17, v43  }
0x14c: {  	vm2 =	vmor vm4, vm2;
	v49 =	vmul.f32 $1.442695020e+00, v13;
	v52 =	vsel vm4, $0x0, v48  }
0x14d: {  	v54 =	vnsel vm4, $0x0, v46;
	vm15 =	veq.s32 v52, $0x2;
	v55 =	vsel vm2, $0x0, v46  }
0x14e: {  	vm2 =	veq.f32 v16, v5;
	vm4 =	veq.f32 v12, v5;
	(erf) = vpow2.f32 v49  }
0x14f: {  	v63 =	vsel vm9, v54, v45;
	v56 =	vnsel vm15, $0x0, v46;
	v2 =	vsel vm0, v45, v55  }
0x150: {  	vm15 =	veq.s32 v52, $0x4;
	vm9 =	veq.s32 v52, $0x5;
	vm0 =	veq.f32 v9, v5  }
0x151: {  	v1 =	vld [tilespmem:$0x440];
	v49 =	vimm.s32 $0x0;
	v58 =	vsel vm10, v45, v56;
	vm10 =	veq.s32 v52, $0x3  }
0x152: {  	[tilespmem:$0x1FEB0] =	vst v2;
	v2 =	vld [tilespmem:$0x4C0];
	v61 =	vnsel vm15, $0x0, v46;
	vm15 =	veq.s32 v52, $0x7;
	v20 =	vnsel vm9, $0x0, v46  }
0x153: {  	[tilespmem:$0x1FEA0] =	vst v4;
	v4 =	vld [tilespmem:$0x540];
	vm9 =	veq.f32 v8, v5;
	v59 =	vnsel vm10, $0x0, v46;
	vm10 =	veq.s32 v52, $0x6  }
0x154: {  	[tilespmem:$0x1FBA0] =	vst v6;
	v6 =	vld [tilespmem:$0x5C0];
	v19 =	vsel vm11, v45, v61;
	v13 =	vsel vm12, v45, v20;
	v15 =	vnsel vm15, $0x0, v46  }
0x155: {  	v17 =	vld [tilespmem:$0x640];
	vm12 =	veq.f32 v7, v5;
	vm15 =	vne.s32 v10, $0x6;
	vm11 =	veq.f32 v0, v5  }
0x156: {  	v18 =	vld [tilespmem:$0x6C0];
	v52 =	vimm.s32 $0x0;
	v43 =	vsel vm8, v45, v59;
	v21 =	vnsel vm10, $0x0, v46  }
0x157: {  	v14 =	vld [tilespmem:$0x740];
	[tilespmem:$0x1FB90] =	vst v23;
	v22 =	vsel vm1, v45, v15;
	vm10 =	veq.f32 v11, v5;
	v23 =	vmax.f32 v1, v2  }
0x158: {  	v15 =	vld [tilespmem:$0x7C0];
	vm1 =	vne.f32 v3, v5;
	vm8 =	vmand vm15, vm4;
	v24 =	vmax.f32 v23, v4  }
0x159: {  	[tilespmem:$0x1FEE0] =	vst v13;
	vm15 =	vne.s32 v10, $0x5;
	v13 =	vsel vm13, v45, v21;
	v25 =	vmax.f32 v24, v6  }
0x15a: {  	vm13 =	vne.s32 v10, $0x7;
	v45 =	vimm.s32 $0x0;
	v26 =	vpop (erf);
	v27 =	vmax.f32 v25, v17  }
0x15b: {  	vm2 =	vmand vm13, vm2;
	v28 =	vadd.f32 $1.000000000e+00, v26;
	v29 =	vmax.f32 v27, v18  }
0x15c: {  	v31 =	vsel vm2, $0x7, v34;
	vm2 =	vne.s32 v10, $0x2;
	v3 =	vmax.f32 v29, v14  }
0x15d: {  	vm12 =	vmand vm2, vm12;
	(erf) = vrcp.f32 v28;
	v30 =	vmax.f32 v3, v15  }
0x15e: {  	v3 =	vsel vm8, $0x6, v31;
	vm8 =	vmand vm15, vm10;
	vm4 =	veq.f32 v15, v30  }
0x15f: {  	vm10 =	vne.s32 v10, $0x3;
	vm13 =	veq.f32 v14, v30;
	v32 =	vsel vm4, $0x7, v34  }
0x160: {  	v3 =	vsel vm8, $0x5, v3;
	vm4 =	veq.f32 v18, v30;
	v7 =	vsel vm13, $0x6, v32  }
0x161: {  	vm15 =	veq.f32 v6, v30;
	vm13 =	veq.f32 v17, v30;
	v7 =	vsel vm4, $0x5, v7  }
0x162: {  	vm9 =	vmand vm10, vm9;
	vm4 =	vne.s32 v10, $0x4;
	v7 =	vsel vm13, $0x4, v7  }
0x163: {  	vm13 =	veq.f32 v4, v30;
	vm8 =	vmand vm4, vm0;
	v7 =	vsel vm15, $0x3, v7  }
0x164: {  	vm4 =	vne.f32 v1, v30;
	v3 =	vsel vm8, $0x4, v3;
	v7 =	vsel vm13, $0x2, v7  }
0x165: {  	vm13 =	veq.f32 v2, v30;
	v3 =	vsel vm9, $0x3, v3;
	vm9 =	vmand vm7, vm3  }
0x166: {  	vm3 =	vmand vm7, vm11;
	v7 =	vsel vm13, $0x1, v7;
	v33 =	vsel vm13, v1, v23  }
0x167: {  	v3 =	vsel vm12, $0x2, v3;
	vm1 =	vmor vm9, vm1;
	vm13 =	vmand vm4, vm13  }
0x168: {  	v7 =	vnsel vm4, $0x0, v7;
	v8 =	vsel vm4, v33, v2;
	v3 =	vnsel vm1, $0x1, v3  }
0x169: {  	v16 =	vpop (erf);
	vm12 =	vmor vm3, vm1;
	vm15 =	veq.s32 v7, $0x2;
	v46 =	vmax.f32 v8, v4  }
0x16a: {  	v11 =	vmul.f32 v16, v26;
	vm8 =	veq.s32 v7, $0x6;
	v48 =	vsel vm15, v8, v46  }
0x16b: {  	v12 =	vsel vm15, $0xFFFFFFFF, v45;
	vm15 =	veq.s32 v7, $0x3;
	v0 =	vmax.f32 v48, v6  }
0x16c: {  	[tilespmem:$0x1FEC0] =	vst v58;
	v58 =	vsel vm3, $0x0, v3;
	v5 =	vsel vm15, $0xFFFFFFFF, v49;
	v50 =	vsel vm15, v46, v0  }
0x16d: {  	vm0 =	veq.s32 v58, $0x2;
	[tilespmem:$0x1FBC0] =	vst v5;
	vm15 =	veq.s32 v7, $0x4;
	v5 =	vmax.f32 v50, v17  }
0x16e: {  	vm1 =	veq.s32 v58, $0x3;
	vm2 =	veq.s32 v58, $0x4;
	v0 =	vsel vm15, v0, v5  }
0x16f: {  	v29 =	vld [tilespmem:$0x1FB80];
	v8 =	vsel vm15, $0xFFFFFFFF, v52;
	vm15 =	veq.s32 v7, $0x5;
	v54 =	vmax.f32 v0, v18  }
0x170: {  	v31 =	vld [tilespmem:$0x1FB90];
	vm10 =	veq.s32 v58, $0x6;
	v56 =	vnsel vm3, $0x0, v11;
	v0 =	vsel vm15, v5, v54  }
0x171: {  	[tilespmem:$0x1FF00] =	vst v22;
	v3 =	vld [tilespmem:$0xD0];
	vm3 =	veq.s32 v7, $0x7;
	v61 =	vsel vm12, $0x0, v11;
	v55 =	vmax.f32 v0, v14  }
0x172: {  	v21 =	vnsel vm0, $0x0, v11;
	[tilespmem:$0x1FBD0] =	vst v8;
	v5 =	vsel vm7, v56, v16;
	v0 =	vld [tilespmem:$0x50];
	v59 =	vsel vm8, v54, v55  }
0x173: {  	v23 =	vnsel vm1, $0x0, v11;
	v28 =	vnsel vm2, $0x0, v11;
	[tilespmem:$0x1FF10] =	vst v5;
	v5 =	vld [tilespmem:$0x150];
	v8 =	vmax.f32 v59, v15  }
0x174: {  	[tilespmem:$0x1FEF0] =	vst v13;
	v32 =	vnsel vm10, $0x0, v11;
	vm2 =	vne.s32 v7, $0x7;
	v20 =	vsel vm3, v55, v8;
	v8 =	vld [tilespmem:$0x1D0]  }
0x175: {  	v10 =	vld [tilespmem:$0x250];
	[tilespmem:$0x1FBB0] =	vst v12;
	v12 =	vsel vm9, v16, v61;
	v22 =	vsel vm5, v16, v21;
	v13 =	vsel vm6, v16, v23  }
0x176: {  	vm6 =	veq.s32 v58, $0x7;
	vm5 =	vnez.u8 v29;
	vm9 =	vnez.u8 v31;
	[tilespmem:$0x1FF20] =	vst v12;
	v12 =	vld [tilespmem:$0x2D0]  }
0x177: {  	v61 =	vimm.s32 $0x0;
	[tilespmem:$0x1FF40] =	vst v13;
	v13 =	vld [tilespmem:$0x350];
	v9 =	vsub.f32 v20, v30;
	v24 =	vmax.f32 v0, v3  }
0x178: {  	[tilespmem:$0x1FF30] =	vst v22;
	v22 =	vld [tilespmem:$0x3D0];
	vm7 =	veq.s32 v58, $0x5;
	vm11 =	veq.f32 v15, v20;
	v25 =	vmax.f32 v24, v5  }
0x179: {  	v15 =	vsel vm5, v16, v28;
	v9 =	vmul.f32 $1.442695020e+00, v9;
	v26 =	vmax.f32 v25, v8  }
0x17a: {  	vm12 =	veq.f32 v14, v20;
	v30 =	vnsel vm7, $0x0, v11;
	v27 =	vmax.f32 v26, v10  }
0x17b: {  	vm5 =	veq.f32 v18, v20;
	(erf) = vpow2.f32 v9;
	v9 =	vmax.f32 v27, v12  }
0x17c: {  	v11 =	vnsel vm6, $0x0, v11;
	v14 =	vsel vm9, v16, v30;
	v9 =	vmax.f32 v9, v13  }
0x17d: {  	vm9 =	veq.f32 v17, v20;
	vm11 =	vmand vm2, vm11;
	v9 =	vmax.f32 v9, v22  }
0x17e: {  	[tilespmem:$0x1FF60] =	vst v14;
	v14 =	vsel vm14, v16, v32;
	v50 =	vsel vm11, $0x7, v34;
	vm0 =	veq.f32 v22, v9  }
0x17f: {  	vm1 =	veq.f32 v13, v9;
	vm14 =	veq.f32 v12, v9;
	v33 =	vsel vm0, $0x7, v34  }
0x180: {  	[tilespmem:$0x1FF70] =	vst v14;
	vm2 =	veq.f32 v8, v9;
	vm7 =	veq.f32 v3, v9;
	v14 =	vsel vm1, $0x6, v33  }
0x181: {  	vm0 =	veq.f32 v10, v9;
	vm1 =	vne.s32 v7, $0x6;
	v14 =	vsel vm14, $0x5, v14  }
0x182: {  	v48 =	vsel vm7, v0, v24;
	vm12 =	vmand vm1, vm12;
	v14 =	vsel vm0, $0x4, v14  }
0x183: {  	vm14 =	veq.f32 v5, v9;
	vm1 =	vne.s32 v7, $0x4;
	v14 =	vsel vm2, $0x3, v14  }
0x184: {  	v45 =	vpop (erf);
	v18 =	vsel vm12, $0x6, v50;
	vm0 =	vne.s32 v7, $0x5;
	v14 =	vsel vm14, $0x2, v14  }
0x185: {  	v46 =	vadd.f32 $1.000000000e+00, v45;
	vm14 =	vne.f32 v0, v9;
	v14 =	vsel vm7, $0x1, v14  }
0x186: {  	vm6 =	vmand vm1, vm9;
	v49 =	vsel vm14, v48, v3;
	v14 =	vnsel vm14, $0x0, v14  }
0x187: {  	(erf) = vrcp.f32 v46;
	v52 =	vmax.f32 v49, v5;
	vm10 =	veq.s32 v14, $0x2  }
0x188: {  	vm12 =	veq.f32 v6, v20;
	vm11 =	vmand vm0, vm5;
	v17 =	vsel vm10, v49, v52  }
0x189: {  	vm0 =	vne.s32 v7, $0x3;
	vm5 =	veq.s32 v14, $0x3;
	v17 =	vmax.f32 v17, v8  }
0x18a: {  	[tilespmem:$0x1FED0] =	vst v19;
	vm2 =	vne.s32 v7, $0x2;
	v18 =	vsel vm11, $0x5, v18;
	v19 =	vsel vm5, v52, v17  }
0x18b: {  	vm0 =	vmand vm0, vm12;
	vm11 =	veq.s32 v14, $0x4;
	v19 =	vmax.f32 v19, v10  }
0x18c: {  	v55 =	vsel vm6, $0x4, v18;
	vm9 =	veq.s32 v14, $0x5;
	v54 =	vsel vm11, v17, v19  }
0x18d: {  	vm12 =	veq.s32 v14, $0x6;
	vm6 =	veq.s32 v14, $0x7;
	v6 =	vmax.f32 v54, v12  }
0x18e: {  	v23 =	vld [tilespmem:$0x1FBA0];
	v17 =	vsel vm0, $0x3, v55;
	vm0 =	veq.f32 v4, v20;
	v56 =	vsel vm9, v19, v6  }
0x18f: {  	v7 =	vsel vm6, $0xFFFFFFFF, v61;
	vm2 =	vmand vm2, vm0;
	v18 =	vmax.f32 v56, v13  }
0x190: {  	vm0 =	vne.f32 v2, v20;
	v59 =	vpop (erf);
	v19 =	vsel vm2, $0x2, v17;
	v6 =	vsel vm12, v6, v18  }
0x191: {  	[tilespmem:$0x1FF50] =	vst v15;
	vm0 =	vmor vm13, vm0;
	v15 =	vmul.f32 v59, v45;
	v58 =	vmax.f32 v6, v22  }
0x192: {  	v4 =	vsel vm6, v18, v58;
	vm6 =	veq.f32 v1, v20;
	v1 =	vnsel vm0, $0x1, v19  }
0x193: {  	v26 =	vld [tilespmem:$0x1FBB0];
	v18 =	vsub.f32 v4, v9;
	vm1 =	vmand vm4, vm6;
	vm6 =	vnez.u8 v23  }
0x194: {  	v28 =	vld [tilespmem:$0x1FBC0];
	v21 =	vnsel vm1, $0x0, v15;
	v30 =	vsel vm6, v16, v11;
	v1 =	vsel vm1, $0x0, v1  }
0x195: {  	vm0 =	vmor vm1, vm0;
	v20 =	vmul.f32 $1.442695020e+00, v18;
	v32 =	vsel vm4, v21, v59  }
0x196: {  	vm4 =	veq.s32 v1, $0x2;
	v24 =	vsel vm0, $0x0, v15;
	vm6 =	veq.s32 v1, $0x3  }
0x197: {  	v33 =	vld [tilespmem:$0x1FBD0];
	vm0 =	veq.s32 v1, $0x4;
	vm1 =	veq.s32 v1, $0x5;
	vm2 =	veq.s32 v1, $0x6  }
0x198: {  	v25 =	vnsel vm4, $0x0, v15;
	v23 =	vsel vm13, v59, v24;
	vm4 =	vnez.u8 v26  }
0x199: {  	[tilespmem:$0x1FBE0] =	vst v7;
	v7 =	vld [tilespmem:$0x450];
	v27 =	vnsel vm6, $0x0, v15;
	vm6 =	vnez.u8 v28;
	vm13 =	veq.s32 v1, $0x7  }
0x19a: {  	v9 =	vld [tilespmem:$0x4D0];
	v31 =	vnsel vm0, $0x0, v15;
	v45 =	vnsel vm1, $0x0, v15;
	v48 =	vnsel vm2, $0x0, v15  }
0x19b: {  	v11 =	vld [tilespmem:$0x550];
	vm2 =	veq.f32 v10, v4;
	vm0 =	veq.f32 v8, v4;
	(erf) = vpow2.f32 v20  }
0x19c: {  	v17 =	vld [tilespmem:$0x5D0];
	v29 =	vsel vm4, v59, v25;
	v28 =	vsel vm6, v59, v27;
	vm6 =	vnez.u8 v33  }
0x19d: {  	v18 =	vld [tilespmem:$0x650];
	v24 =	vsel vm15, v59, v45;
	v25 =	vsel vm8, v59, v48;
	v50 =	vnsel vm13, $0x0, v15  }
0x19e: {  	v16 =	vld [tilespmem:$0x6D0];
	vm13 =	veq.f32 v22, v4;
	vm4 =	veq.f32 v12, v4;
	vm15 =	vne.s32 v14, $0x7  }
0x19f: {  	v2 =	vld [tilespmem:$0x750];
	v48 =	vimm.s32 $0x0;
	v26 =	vsel vm6, v59, v31;
	v46 =	vmax.f32 v7, v9  }
0x1a0: {  	v20 =	vld [tilespmem:$0x7D0];
	v27 =	vsel vm3, v59, v50;
	vm3 =	veq.f32 v13, v4;
	v49 =	vmax.f32 v46, v11  }
0x1a1: {  	vm1 =	vmand vm15, vm13;
	vm13 =	vne.s32 v14, $0x6;
	v52 =	vmax.f32 v49, v17  }
0x1a2: {  	vm3 =	vmand vm13, vm3;
	v59 =	vsel vm1, $0x7, v34;
	v54 =	vmax.f32 v52, v18  }
0x1a3: {  	v10 =	vsel vm3, $0x6, v59;
	vm3 =	vne.s32 v14, $0x3;
	v1 =	vmax.f32 v54, v16  }
0x1a4: {  	vm1 =	vne.f32 v3, v4;
	vm0 =	vmand vm3, vm0;
	v1 =	vmax.f32 v1, v2  }
0x1a5: {  	v52 =	vimm.s32 $0x0;
	v54 =	vimm.s32 $0x0;
	v1 =	vmax.f32 v1, v20  }
0x1a6: {  	vm8 =	veq.f32 v20, v1;
	vm6 =	veq.f32 v2, v1;
	vm13 =	veq.f32 v16, v1  }
0x1a7: {  	vm15 =	veq.f32 v18, v1;
	v55 =	vpop (erf);
	v58 =	vsel vm8, $0x7, v34;
	vm8 =	vne.s32 v14, $0x5  }
0x1a8: {  	v56 =	vadd.f32 $1.000000000e+00, v55;
	v8 =	vsel vm6, $0x6, v58;
	vm6 =	veq.f32 v17, v1  }
0x1a9: {  	vm4 =	vmand vm8, vm4;
	vm8 =	vne.f32 v7, v1;
	v8 =	vsel vm13, $0x5, v8  }
0x1aa: {  	vm13 =	veq.f32 v11, v1;
	v61 =	vsel vm4, $0x5, v10;
	v8 =	vsel vm15, $0x4, v8  }
0x1ab: {  	(erf) = vrcp.f32 v56;
	vm15 =	vne.s32 v14, $0x4;
	v8 =	vsel vm6, $0x3, v8  }
0x1ac: {  	vm6 =	veq.f32 v9, v1;
	vm2 =	vmand vm15, vm2;
	vm15 =	vne.s32 v14, $0x2  }
0x1ad: {  	v8 =	vsel vm13, $0x2, v8;
	vm13 =	veq.f32 v5, v4;
	v21 =	vsel vm6, v7, v46  }
0x1ae: {  	v5 =	vsel vm2, $0x4, v61;
	v8 =	vsel vm6, $0x1, v8;
	v22 =	vsel vm8, v21, v9  }
0x1af: {  	v31 =	vsel vm0, $0x3, v5;
	vm0 =	vmand vm15, vm13;
	v12 =	vnsel vm8, $0x0, v8  }
0x1b0: {  	vm13 =	veq.f32 v0, v4;
	v10 =	vmax.f32 v22, v11;
	vm4 =	veq.s32 v12, $0x2  }
0x1b1: {  	v45 =	vsel vm0, $0x2, v31;
	vm0 =	vmand vm14, vm7;
	v8 =	vsel vm4, v22, v10  }
0x1b2: {  	vm13 =	vmand vm14, vm13;
	vm3 =	veq.s32 v12, $0x3;
	v8 =	vmax.f32 v8, v17  }
0x1b3: {  	vm2 =	veq.s32 v12, $0x4;
	vm15 =	veq.s32 v12, $0x5;
	v33 =	vsel vm3, v10, v8  }
0x1b4: {  	vm1 =	vmor vm0, vm1;
	v4 =	vsel vm15, $0xFFFFFFFF, v48;
	v5 =	vmax.f32 v33, v18;
	v10 =	vpop (erf)  }
0x1b5: {  	v0 =	vnsel vm1, $0x1, v45;
	v46 =	vsel vm2, v8, v5;
	v13 =	vmul.f32 v10, v55  }
0x1b6: {  	vm1 =	vmor vm13, vm1;
	v0 =	vsel vm13, $0x0, v0;
	v3 =	vmax.f32 v46, v16  }
0x1b7: {  	vm7 =	veq.s32 v0, $0x2;
	v49 =	vsel vm15, v5, v3;
	v50 =	vnsel vm13, $0x0, v13  }
0x1b8: {  	vm15 =	veq.s32 v12, $0x6;
	v56 =	vsel vm1, $0x0, v13;
	v58 =	vnsel vm7, $0x0, v13  }
0x1b9: {  	[tilespmem:$0x1FCD0] =	vst v4;
	vm13 =	veq.s32 v0, $0x3;
	vm7 =	veq.s32 v0, $0x5;
	v4 =	vmax.f32 v49, v2  }
0x1ba: {  	v6 =	vsel vm15, $0xFFFFFFFF, v52;
	v22 =	vsel vm14, v50, v10;
	v3 =	vsel vm15, v3, v4  }
0x1bb: {  	v21 =	vsel vm0, v10, v56;
	vm15 =	veq.s32 v12, $0x7;
	v3 =	vmax.f32 v3, v20  }
0x1bc: {  	v61 =	vnsel vm13, $0x0, v13;
	v31 =	vnsel vm7, $0x0, v13;
	v55 =	vsel vm15, v4, v3  }
0x1bd: {  	v5 =	vsel vm15, $0xFFFFFFFF, v54;
	vm15 =	veq.s32 v0, $0x4;
	v1 =	vsub.f32 v55, v1  }
0x1be: {  	vm14 =	veq.f32 v20, v55;
	v20 =	vsel vm10, v10, v58;
	vm1 =	veq.f32 v2, v55;
	v2 =	vld [tilespmem:$0xE0]  }
0x1bf: {  	v8 =	vnsel vm15, $0x0, v13;
	vm13 =	veq.f32 v16, v55;
	v59 =	vmul.f32 $1.442695020e+00, v1;
	v1 =	vld [tilespmem:$0x60]  }
0x1c0: {  	v3 =	vld [tilespmem:$0x160];
	v16 =	vsel vm5, v10, v61;
	vm15 =	veq.s32 v0, $0x6;
	vm0 =	veq.f32 v17, v55  }
0x1c1: {  	v4 =	vld [tilespmem:$0x1E0];
	vm10 =	vne.s32 v12, $0x7;
	v19 =	vsel vm11, v10, v8;
	vm11 =	veq.f32 v18, v55  }
0x1c2: {  	[tilespmem:$0x1FD70] =	vst v5;
	v5 =	vld [tilespmem:$0x260];
	v18 =	vsel vm9, v10, v31;
	v33 =	vnsel vm15, $0x0, v13;
	vm5 =	vmand vm10, vm14  }
0x1c3: {  	[tilespmem:$0x1FD20] =	vst v6;
	v6 =	vld [tilespmem:$0x2E0];
	vm9 =	veq.f32 v11, v55;
	vm10 =	vne.f32 v9, v55;
	vm14 =	vne.s32 v12, $0x5  }
0x1c4: {  	v8 =	vld [tilespmem:$0x360];
	vm15 =	vne.s32 v12, $0x4;
	(erf) = vpow2.f32 v59;
	v45 =	vmax.f32 v1, v2  }
0x1c5: {  	v48 =	vld [tilespmem:$0x3E0];
	v17 =	vsel vm12, v10, v33;
	vm12 =	vne.s32 v12, $0x6;
	v31 =	vmax.f32 v45, v3  }
0x1c6: {  	v50 =	vsel vm5, $0x7, v34;
	vm5 =	veq.f32 v7, v55;
	v46 =	vmax.f32 v31, v4  }
0x1c7: {  	vm1 =	vmand vm12, vm1;
	vm5 =	vmand vm8, vm5;
	v49 =	vmax.f32 v46, v5  }
0x1c8: {  	v11 =	vsel vm1, $0x6, v50;
	vm1 =	vmand vm14, vm13;
	v9 =	vmax.f32 v49, v6  }
0x1c9: {  	vm13 =	veq.s32 v0, $0x7;
	v54 =	vsel vm1, $0x5, v11;
	v52 =	vmax.f32 v9, v8  }
0x1ca: {  	vm1 =	vmand vm15, vm11;
	vm15 =	vne.s32 v12, $0x3;
	v11 =	vmax.f32 v52, v48  }
0x1cb: {  	v13 =	vnsel vm13, $0x0, v13;
	v58 =	vsel vm1, $0x4, v54;
	v49 =	vld [tilespmem:$0x1FBE0];
	vm7 =	veq.f32 v48, v11  }
0x1cc: {  	vm0 =	vmand vm15, vm0;
	v56 =	vsel vm7, $0x7, v34;
	vm7 =	veq.f32 v8, v11  }
0x1cd: {  	v9 =	vsel vm0, $0x3, v58;
	v14 =	vpop (erf);
	vm12 =	veq.f32 v6, v11;
	v0 =	vsel vm7, $0x6, v56  }
0x1ce: {  	v55 =	vadd.f32 $1.000000000e+00, v14;
	vm14 =	veq.f32 v5, v11;
	v0 =	vsel vm12, $0x5, v0  }
0x1cf: {  	vm11 =	veq.f32 v3, v11;
	vm7 =	veq.f32 v4, v11;
	v0 =	vsel vm14, $0x4, v0  }
0x1d0: {  	(erf) = vrcp.f32 v55;
	vm13 =	vnez.u8 v49;
	v0 =	vsel vm7, $0x3, v0  }
0x1d1: {  	vm12 =	vne.s32 v12, $0x2;
	vm7 =	veq.f32 v2, v11;
	v0 =	vsel vm11, $0x2, v0  }
0x1d2: {  	v15 =	vsel vm7, v1, v45;
	vm11 =	vne.f32 v1, v11;
	v0 =	vsel vm7, $0x1, v0  }
0x1d3: {  	vm1 =	vmand vm12, vm9;
	v59 =	vsel vm11, v15, v2;
	v7 =	vnsel vm11, $0x0, v0  }
0x1d4: {  	v46 =	vld [tilespmem:$0x460];
	vm14 =	vmand vm8, vm6;
	v61 =	vmax.f32 v59, v3;
	vm9 =	veq.s32 v7, $0x2  }
0x1d5: {  	v9 =	vsel vm1, $0x2, v9;
	vm1 =	vmor vm14, vm10;
	v0 =	vld [tilespmem:$0x4E0];
	v15 =	vsel vm9, v59, v61  }
0x1d6: {  	v52 =	vld [tilespmem:$0x560];
	v9 =	vnsel vm1, $0x1, v9;
	vm12 =	veq.s32 v7, $0x3;
	v33 =	vmax.f32 v15, v4  }
0x1d7: {  	v55 =	vld [tilespmem:$0x5E0];
	vm6 =	vmor vm5, vm1;
	v45 =	vsel vm5, $0x0, v9;
	v12 =	vsel vm12, v61, v33  }
0x1d8: {  	v54 =	vld [tilespmem:$0x660];
	vm10 =	veq.s32 v7, $0x4;
	vm15 =	veq.s32 v7, $0x6;
	v12 =	vmax.f32 v12, v5  }
0x1d9: {  	v56 =	vld [tilespmem:$0x6E0];
	v15 =	vsel vm13, v10, v13;
	vm13 =	veq.s32 v7, $0x5;
	v31 =	vpop (erf);
	v50 =	vsel vm10, v33, v12  }
0x1da: {  	v49 =	vmul.f32 v31, v14;
	v10 =	vmax.f32 v46, v0;
	v9 =	vmax.f32 v50, v6;
	v50 =	vld [tilespmem:$0x760]  }
0x1db: {  	v58 =	vld [tilespmem:$0x7E0];
	vm1 =	veq.s32 v7, $0x7;
	v59 =	vmax.f32 v10, v52;
	v12 =	vsel vm13, v12, v9  }
0x1dc: {  	v14 =	vnsel vm5, $0x0, v49;
	v13 =	vmax.f32 v59, v55;
	v12 =	vmax.f32 v12, v8  }
0x1dd: {  	v33 =	vsel vm6, $0x0, v49;
	v13 =	vmax.f32 v13, v54;
	v9 =	vsel vm15, v9, v12  }
0x1de: {  	vm6 =	veq.s32 v45, $0x4;
	v13 =	vmax.f32 v13, v56;
	v9 =	vmax.f32 v9, v48  }
0x1df: {  	[tilespmem:$0xA80] =	vst v57;
	v57 =	vnsel vm6, $0x0, v49;
	v59 =	vsel vm1, v12, v9;
	v61 =	vmax.f32 v13, v50  }
0x1e0: {  	v13 =	vsel vm8, v14, v31;
	v14 =	vsel vm14, v31, v33;
	v61 =	vmax.f32 v61, v58  }
0x1e1: {  	v11 =	vsub.f32 v59, v11;
	vm5 =	veq.f32 v48, v59;
	vm14 =	veq.f32 v58, v61  }
0x1e2: {  	[tilespmem:$0xA00] =	vst v41;
	v41 =	vld [tilespmem:$0x1FBF0];
	vm0 =	veq.f32 v50, v61;
	vm8 =	veq.f32 v54, v61;
	v33 =	vsel vm14, $0x7, v34  }
0x1e3: {  	v12 =	vmul.f32 $1.442695020e+00, v11;
	vm14 =	veq.s32 v45, $0x2;
	v11 =	vsel vm0, $0x6, v33  }
0x1e4: {  	[tilespmem:$0x800] =	vst v36;
	v36 =	vnsel vm14, $0x0, v49;
	vm0 =	veq.f32 v56, v61;
	vm14 =	veq.f32 v55, v61  }
0x1e5: {  	[tilespmem:$0x900] =	vst v37;
	v33 =	vimm.s32 $0x0;
	(erf) = vpow2.f32 v12;
	v12 =	vsel vm4, v31, v36  }
0x1e6: {  	[tilespmem:$0x880] =	vst v40;
	v37 =	vsel vm0, $0x5, v11;
	vm4 =	veq.s32 v45, $0x3;
	vm0 =	veq.f32 v52, v61  }
0x1e7: {  	[tilespmem:$0xC00] =	vst v41;
	v41 =	vld [tilespmem:$0x1FC20];
	v9 =	vsel vm8, $0x4, v37;
	v40 =	vnsel vm4, $0x0, v49;
	vm8 =	vne.f32 v46, v61  }
0x1e8: {  	vm4 =	vne.s32 v7, $0x7;
	v9 =	vsel vm14, $0x3, v9;
	vm14 =	veq.f32 v0, v61  }
0x1e9: {  	[tilespmem:$0x980] =	vst v42;
	v11 =	vsel vm3, v31, v40;
	v9 =	vsel vm0, $0x2, v9;
	v10 =	vsel vm14, v46, v10  }
0x1ea: {  	[tilespmem:$0xB00] =	vst v60;
	v48 =	vld [tilespmem:$0x1FC00];
	vm0 =	vne.s32 v7, $0x6;
	v9 =	vsel vm14, $0x1, v9;
	v42 =	vsel vm8, v10, v0  }
0x1eb: {  	[tilespmem:$0xB80] =	vst v62;
	v40 =	vld [tilespmem:$0x1FC10];
	v10 =	vsel vm2, v31, v57;
	vm2 =	vmand vm4, vm5;
	v60 =	vnsel vm8, $0x0, v9  }
0x1ec: {  	[tilespmem:$0xD80] =	vst v41;
	v41 =	vld [tilespmem:$0x1FC60];
	v62 =	vmax.f32 v42, v52;
	vm3 =	veq.s32 v60, $0x2;
	vm6 =	veq.s32 v60, $0x3  }
0x1ed: {  	vm5 =	veq.f32 v8, v59;
	v9 =	vsel vm3, v42, v62;
	v33 =	vsel vm6, $0xFFFFFFFF, v33;
	v42 =	vld [tilespmem:$0x1FC30]  }
0x1ee: {  	v57 =	vsel vm2, $0x7, v34;
	vm2 =	veq.f32 v6, v59;
	v9 =	vmax.f32 v9, v55;
	[tilespmem:$0x1FF80] =	vst v33;
	v33 =	vld [tilespmem:$0x1FC50]  }
0x1ef: {  	[tilespmem:$0xC80] =	vst v48;
	v48 =	vsel vm6, v62, v9;
	vm6 =	vmand vm0, vm5;
	v62 =	vld [tilespmem:$0x1FC40];
	vm0 =	vne.s32 v7, $0x5  }
0x1f0: {  	[tilespmem:$0xD00] =	vst v40;
	v40 =	vsel vm6, $0x6, v57;
	vm0 =	vmand vm0, vm2;
	v57 =	vld [tilespmem:$0x1FC70]  }
0x1f1: {  	[tilespmem:$0xF80] =	vst v41;
	vm5 =	veq.s32 v60, $0x4;
	v48 =	vmax.f32 v48, v54;
	v6 =	vsel vm0, $0x5, v40;
	v40 =	vld [tilespmem:$0x1FC80]  }
0x1f2: {  	[tilespmem:$0xE00] =	vst v42;
	v42 =	vsel vm5, v9, v48  }
0x1f3: {  	v41 =	vimm.s32 $0x0;
	vm4 =	veq.s32 v60, $0x5;
	[tilespmem:$0xF00] =	vst v33;
	v8 =	vmax.f32 v42, v56;
	v42 =	vld [tilespmem:$0x1FC90]  }
0x1f4: {  	vm0 =	veq.f32 v5, v59;
	v5 =	vsel vm4, $0xFFFFFFFF, v41;
	v41 =	vld [tilespmem:$0x1FCD0];
	[tilespmem:$0xE80] =	vst v62;
	v62 =	vpop (erf)  }
0x1f5: {  	v36 =	vimm.s32 $0x0;
	vm2 =	vne.s32 v7, $0x4;
	[tilespmem:$0x810] =	vst v57;
	v33 =	vadd.f32 $1.000000000e+00, v62;
	v57 =	vld [tilespmem:$0x1FCA0]  }
0x1f6: {  	vm6 =	vne.s32 v7, $0x3;
	vm0 =	vmand vm2, vm0;
	vm2 =	veq.f32 v4, v59;
	[tilespmem:$0x890] =	vst v40;
	v40 =	vld [tilespmem:$0x1FCC0]  }
0x1f7: {  	[tilespmem:$0x1FF90] =	vst v5;
	v6 =	vsel vm0, $0x4, v6;
	v48 =	vsel vm4, v48, v8;
	(erf) = vrcp.f32 v33;
	v33 =	vld [tilespmem:$0x1FCB0]  }
0x1f8: {  	vm0 =	veq.s32 v45, $0x5;
	vm4 =	veq.s32 v60, $0x6;
	v5 =	vmax.f32 v48, v50;
	[tilespmem:$0x910] =	vst v42;
	v42 =	vld [tilespmem:$0x1FCE0]  }
0x1f9: {  	v4 =	vsel vm4, $0xFFFFFFFF, v36;
	v8 =	vsel vm4, v8, v5;
	vm4 =	vnez.u8 v41;
	v41 =	vld [tilespmem:$0x1FD20]  }
0x1fa: {  	vm2 =	vmand vm6, vm2;
	v37 =	vnsel vm0, $0x0, v49;
	vm0 =	veq.f32 v3, v59;
	[tilespmem:$0x990] =	vst v57;
	v57 =	vld [tilespmem:$0x1FCF0]  }
0x1fb: {  	[tilespmem:$0x1FFA0] =	vst v4;
	v4 =	vsel vm2, $0x3, v6;
	vm2 =	vne.s32 v7, $0x2;
	v9 =	vsel vm4, v31, v37;
	v37 =	vld [tilespmem:$0x1FD10]  }
0x1fc: {  	vm6 =	veq.s32 v45, $0x6;
	vm0 =	vmand vm2, vm0;
	vm2 =	veq.s32 v45, $0x7;
	[tilespmem:$0xA10] =	vst v33;
	v33 =	vld [tilespmem:$0x1FD00]  }
0x1fd: {  	v36 =	vnsel vm6, $0x0, v49;
	[tilespmem:$0xB10] =	vst v42;
	v42 =	vnsel vm2, $0x0, v49;
	v49 =	vld [tilespmem:$0x1FD50]  }
0x1fe: {  	v48 =	vmax.f32 v8, v58;
	vm4 =	veq.s32 v60, $0x7;
	v45 =	vld [tilespmem:$0x1FD30]  }
0x1ff: {  	vm6 =	veq.f32 v1, v59;
	v4 =	vsel vm0, $0x2, v4;
	[tilespmem:$0xB90] =	vst v57;
	v57 =	vsel vm4, v5, v48;
	v48 =	vld [tilespmem:$0x1FD40]  }
0x200: {  	vm0 =	vmand vm11, vm7;
	vm7 =	vne.f32 v2, v59;
	v59 =	vld [tilespmem:$0x1FD60];
	[tilespmem:$0xA90] =	vst v40;
	v40 =	vsub.f32 v57, v61  }
0x201: {  	vm6 =	vmand vm11, vm6;
	v8 =	vimm.s32 $0x0;
	vm2 =	vmor vm0, vm7;
	v61 =	vpop (erf);
	[tilespmem:$0xC10] =	vst v33;
	v33 =	vld [tilespmem:$0x1FD70]  }
0x202: {  	v5 =	vmul.f32 $1.442695020e+00, v40;
	[tilespmem:$0xE10] =	vst v49;
	v49 =	vmul.f32 v61, v62;
	v62 =	vnsel vm2, $0x1, v4;
	v40 =	vld [tilespmem:$0x1FD90]  }
0x203: {  	v3 =	vsel vm4, $0xFFFFFFFF, v8;
	vm4 =	vnez.u8 v41;
	v1 =	vsel vm6, $0x0, v62;
	v62 =	vld [tilespmem:$0x1FDC0]  }
0x204: {  	v8 =	vsel vm4, v31, v36;
	vm2 =	vmor vm6, vm2;
	[tilespmem:$0xD90] =	vst v48;
	v48 =	vld [tilespmem:$0x1FDB0]  }
0x205: {  	[tilespmem:$0xC90] =	vst v37;
	v37 =	vnsel vm6, $0x0, v49;
	v41 =	vsel vm2, $0x0, v49;
	vm6 =	veq.f32 v54, v57;
	v54 =	vld [tilespmem:$0x2F0]  }
0x206: {  	[tilespmem:$0x1FFB0] =	vst v3;
	(erf) = vpow2.f32 v5;
	v3 =	vsel vm0, v61, v41;
	v41 =	vld [tilespmem:$0x1FDD0];
	vm4 =	vnez.u8 v33  }
0x207: {  	v5 =	vsel vm11, v37, v61;
	vm11 =	veq.s32 v1, $0x2;
	v7 =	vsel vm4, v31, v42;
	v42 =	vld [tilespmem:$0x1FDA0]  }
0x208: {  	[tilespmem:$0xD10] =	vst v45;
	v45 =	vnsel vm11, $0x0, v49;
	vm11 =	veq.s32 v1, $0x3;
	v31 =	vld [tilespmem:$0x70]  }
0x209: {  	[tilespmem:$0xE90] =	vst v59;
	v6 =	vsel vm9, v61, v45;
	v59 =	vnsel vm11, $0x0, v49;
	v45 =	vld [tilespmem:$0xF0]  }
0x20a: {  	[tilespmem:$0x920] =	vst v35;
	v35 =	vsel vm12, v61, v59;
	v59 =	vld [tilespmem:$0x1FDE0]  }
0x20b: {  	vm9 =	veq.s32 v1, $0x6;
	[tilespmem:$0x9A0] =	vst v62;
	v62 =	vld [tilespmem:$0x1FDF0]  }
0x20c: {  	[tilespmem:$0xF90] =	vst v40;
	v40 =	vnsel vm9, $0x0, v49;
	vm9 =	veq.f32 v56, v57;
	v56 =	vld [tilespmem:$0x370]  }
0x20d: {  	vm0 =	veq.s32 v1, $0x4;
	vm11 =	veq.s32 v1, $0x7;
	vm12 =	veq.s32 v1, $0x5;
	[tilespmem:$0x8A0] =	vst v48;
	v48 =	vld [tilespmem:$0x170]  }
0x20e: {  	v4 =	vnsel vm0, $0x0, v49;
	v33 =	vnsel vm12, $0x0, v49;
	[tilespmem:$0x820] =	vst v42;
	v42 =	vnsel vm11, $0x0, v49;
	v49 =	vld [tilespmem:$0x1F0]  }
0x20f: {  	v1 =	vsel vm13, v61, v33;
	vm13 =	veq.f32 v50, v57;
	v50 =	vld [tilespmem:$0x270]  }
0x210: {  	v2 =	vsel vm10, v61, v4;
	[tilespmem:$0xAA0] =	vst v41;
	v41 =	vld [tilespmem:$0x1FE10]  }
0x211: {  	[tilespmem:$0xB20] =	vst v59;
	v4 =	vsel vm1, v61, v42;
	vm1 =	veq.f32 v52, v57;
	v52 =	vmax.f32 v31, v45;
	v59 =	vld [tilespmem:$0x3F0]  }
0x212: {  	[tilespmem:$0xBA0] =	vst v62;
	v62 =	vld [tilespmem:$0x1FE30];
	v42 =	vmax.f32 v52, v48  }
0x213: {  	vm2 =	veq.f32 v55, v57;
	v55 =	vmax.f32 v42, v49  }
0x214: {  	[tilespmem:$0xA20] =	vst v39;
	vm4 =	vne.s32 v60, $0x6;
	vm12 =	veq.f32 v58, v57;
	v58 =	vld [tilespmem:$0x1FE20];
	v55 =	vmax.f32 v55, v50  }
0x215: {  	vm10 =	vne.s32 v60, $0x4;
	v39 =	vsel vm15, v61, v40;
	v61 =	vpop (erf);
	[tilespmem:$0xCA0] =	vst v41;
	v41 =	vld [tilespmem:$0x1FE50];
	v55 =	vmax.f32 v55, v54  }
0x216: {  	vm15 =	vne.s32 v60, $0x7;
	v33 =	vadd.f32 $1.000000000e+00, v61;
	v55 =	vmax.f32 v55, v56  }
0x217: {  	vm0 =	vmand vm15, vm12;
	vm7 =	vmand vm4, vm13;
	[tilespmem:$0xDA0] =	vst v62;
	v62 =	vmax.f32 v55, v59  }
0x218: {  	(erf) = vrcp.f32 v33;
	v33 =	vsel vm0, $0x7, v34;
	v55 =	vld [tilespmem:$0x1FE70];
	vm13 =	veq.f32 v59, v62  }
0x219: {  	[tilespmem:$0xD20] =	vst v58;
	v58 =	vsel vm7, $0x6, v33;
	vm15 =	veq.f32 v56, v62;
	v33 =	vsel vm13, $0x7, v34  }
0x21a: {  	vm6 =	vmand vm10, vm6;
	vm7 =	vne.s32 v60, $0x5;
	[tilespmem:$0xEA0] =	vst v41;
	v41 =	vsel vm15, $0x6, v33;
	v33 =	vld [tilespmem:$0x1FEA0]  }
0x21b: {  	vm12 =	vne.s32 v60, $0x2;
	vm11 =	vne.s32 v60, $0x3;
	vm0 =	vmand vm7, vm9  }
0x21c: {  	vm7 =	veq.f32 v46, v57;
	v60 =	vsel vm0, $0x5, v58;
	vm4 =	veq.f32 v54, v62  }
0x21d: {  	v46 =	vsel vm6, $0x4, v60;
	v60 =	vld [tilespmem:$0x1FE90];
	vm10 =	veq.f32 v50, v62;
	[tilespmem:$0xFA0] =	vst v55;
	v55 =	vsel vm4, $0x5, v41  }
0x21e: {  	vm13 =	veq.f32 v49, v62;
	v55 =	vsel vm10, $0x4, v55  }
0x21f: {  	vm0 =	vmand vm8, vm14;
	vm14 =	veq.f32 v48, v62;
	v55 =	vsel vm13, $0x3, v55;
	[tilespmem:$0xBB0] =	vst v33;
	v33 =	vld [tilespmem:$0x1FEB0]  }
0x220: {  	v55 =	vsel vm14, $0x2, v55;
	vm14 =	veq.f32 v45, v62  }
0x221: {  	vm9 =	vne.f32 v31, v62;
	v55 =	vsel vm14, $0x1, v55  }
0x222: {  	[tilespmem:$0xAB0] =	vst v60;
	v60 =	vnsel vm9, $0x0, v55  }
0x223: {  	[tilespmem:$0xC30] =	vst v63;
	v63 =	vimm.s32 $0x0;
	vm15 =	veq.s32 v60, $0x2  }
0x224: {  	[tilespmem:$0xCB0] =	vst v33;
	v33 =	vsel vm15, $0xFFFFFFFF, v63  }
0x225: {  	[tilespmem:$0x1FFC0] =	vst v33;
	v33 =	vld [tilespmem:$0x1FEC0];
	_ =	sdelay $0x3  }
0x226: {  	v40 =	vld [tilespmem:$0x1FE00]  }
0x227: {  	[tilespmem:$0xD30] =	vst v33;
	v33 =	vld [tilespmem:$0x1FED0]  }
0x228: {  	[tilespmem:$0x830] =	vst v38;
	v38 =	vld [tilespmem:$0x470]  }
0x229: {  	[tilespmem:$0x930] =	vst v44;
	v44 =	vld [tilespmem:$0x4F0]  }
0x22a: {  	[tilespmem:$0x9B0] =	vst v47;
	v47 =	vld [tilespmem:$0x570]  }
0x22b: {  	[tilespmem:$0xC20] =	vst v40;
	v40 =	vld [tilespmem:$0x1FE40]  }
0x22c: {  	[tilespmem:$0xE30] =	vst v33;
	v33 =	vld [tilespmem:$0x1FEF0]  }
0x22d: {  	v42 =	vld [tilespmem:$0x1FE60]  }
0x22e: {  	[tilespmem:$0xA30] =	vst v51;
	v51 =	vld [tilespmem:$0x670]  }
0x22f: {  	v36 =	vld [tilespmem:$0x1FD80]  }
0x230: {  	[tilespmem:$0xE20] =	vst v40;
	v40 =	vld [tilespmem:$0x1FE80]  }
0x231: {  	vm2 =	vmand vm11, vm2;
	[tilespmem:$0xF30] =	vst v33;
	v33 =	vld [tilespmem:$0x1FF00]  }
0x232: {  	[tilespmem:$0xF20] =	vst v42;
	v42 =	vsel vm2, $0x3, v46;
	v46 =	vld [tilespmem:$0x5F0]  }
0x233: {  	[tilespmem:$0xB30] =	vst v53;
	v53 =	vld [tilespmem:$0x6F0];
	v41 =	vmax.f32 v38, v44  }
0x234: {  	v58 =	vmax.f32 v41, v47;
	v37 =	vsel vm14, v31, v52;
	v52 =	vld [tilespmem:$0x770]  }
0x235: {  	vm1 =	vmand vm12, vm1;
	[tilespmem:$0x8B0] =	vst v40;
	v55 =	vld [tilespmem:$0x7F0]  }
0x236: {  	v42 =	vsel vm1, $0x2, v42;
	v40 =	vsel vm9, v37, v45;
	[tilespmem:$0xFB0] =	vst v33;
	v33 =	vld [tilespmem:$0x1FF10]  }
0x237: {  	[tilespmem:$0xF10] =	vst v36;
	vm10 =	vne.f32 v0, v57;
	v37 =	vmax.f32 v58, v46;
	v58 =	vpop (erf);
	v36 =	vmax.f32 v40, v48  }
0x238: {  	v37 =	vmax.f32 v37, v51;
	v40 =	vsel vm15, v40, v36;
	v63 =	vmul.f32 v58, v61;
	v61 =	vld [tilespmem:$0x1FEE0]  }
0x239: {  	v57 =	vld [tilespmem:$0x1FF30];
	vm13 =	veq.s32 v60, $0x3;
	v37 =	vmax.f32 v37, v53;
	v40 =	vmax.f32 v40, v49  }
0x23a: {  	vm1 =	vmand vm8, vm7;
	v36 =	vsel vm13, v36, v40;
	v37 =	vmax.f32 v37, v52  }
0x23b: {  	vm7 =	veq.s32 v60, $0x4;
	v36 =	vmax.f32 v36, v50;
	v37 =	vmax.f32 v37, v55;
	[tilespmem:$0x840] =	vst v33;
	v33 =	vld [tilespmem:$0x1FF20]  }
0x23c: {  	vm12 =	veq.s32 v60, $0x5;
	v40 =	vsel vm7, v40, v36;
	vm2 =	veq.f32 v55, v37  }
0x23d: {  	vm15 =	veq.f32 v52, v37;
	v40 =	vmax.f32 v40, v54;
	[tilespmem:$0xEB0] =	vst v61;
	v61 =	vsel vm2, $0x7, v34  }
0x23e: {  	[tilespmem:$0x940] =	vst v57;
	v57 =	vld [tilespmem:$0x1FF40];
	vm2 =	veq.f32 v53, v37;
	v0 =	vsel vm12, v36, v40;
	v61 =	vsel vm15, $0x6, v61  }
0x23f: {  	v36 =	vsel vm2, $0x5, v61;
	vm2 =	veq.s32 v60, $0x6;
	v61 =	vimm.s32 $0x0  }
0x240: {  	[tilespmem:$0x8C0] =	vst v33;
	v33 =	vsel vm2, $0xFFFFFFFF, v61;
	v61 =	vld [tilespmem:$0x1FF50]  }
0x241: {  	[tilespmem:$0xC40] =	vst v32;
	v32 =	vimm.s32 $0x0;
	vm10 =	vmor vm0, vm10  }
0x242: {  	[tilespmem:$0xDB0] =	vst v43;
	v42 =	vnsel vm10, $0x1, v42;
	vm6 =	veq.s32 v60, $0x7;
	v43 =	vnsel vm1, $0x0, v63  }
0x243: {  	v43 =	vsel vm8, v43, v58;
	[tilespmem:$0x9C0] =	vst v57;
	v57 =	vimm.s32 $0x0;
	v0 =	vmax.f32 v0, v56  }
0x244: {  	vm4 =	veq.f32 v47, v37;
	vm15 =	veq.f32 v51, v37;
	v40 =	vsel vm2, v40, v0  }
0x245: {  	v36 =	vsel vm15, $0x4, v36;
	vm15 =	veq.f32 v46, v37;
	v40 =	vmax.f32 v40, v59;
	[tilespmem:$0xA40] =	vst v61;
	v61 =	vld [tilespmem:$0x1FF60]  }
0x246: {  	[tilespmem:$0xBC0] =	vst v30;
	v36 =	vsel vm15, $0x3, v36;
	vm15 =	veq.f32 v44, v37;
	v40 =	vsel vm6, v0, v40  }
0x247: {  	v36 =	vsel vm4, $0x2, v36;
	vm8 =	veq.f32 v56, v40;
	[tilespmem:$0x1FFD0] =	vst v33;
	v33 =	vsel vm6, $0xFFFFFFFF, v57;
	v57 =	vld [tilespmem:$0x1FF70]  }
0x248: {  	vm2 =	vne.s32 v60, $0x5;
	[tilespmem:$0x1FFE0] =	vst v33;
	v33 =	vsel vm1, $0x0, v42;
	vm1 =	vmor vm1, vm10  }
0x249: {  	[tilespmem:$0xCC0] =	vst v23;
	v42 =	vsel vm15, $0x1, v36;
	vm10 =	vne.f32 v38, v37;
	v30 =	vsel vm1, $0x0, v63  }
0x24a: {  	vm6 =	veq.s32 v33, $0x2;
	v0 =	vnsel vm10, $0x0, v42;
	[tilespmem:$0xAC0] =	vst v61;
	v61 =	vsub.f32 v40, v62  }
0x24b: {  	[tilespmem:$0xD40] =	vst v29;
	v42 =	vld [tilespmem:$0x1FF80];
	vm1 =	vne.s32 v60, $0x7;
	vm4 =	veq.s32 v0, $0x2;
	vm11 =	veq.s32 v0, $0x3  }
0x24c: {  	v29 =	vsel vm4, $0xFFFFFFFF, v32;
	[tilespmem:$0xB40] =	vst v57;
	v57 =	vsel vm15, v38, v41;
	v62 =	vmul.f32 $1.442695020e+00, v61  }
0x24d: {  	[tilespmem:$0x1FFF0] =	vst v29;
	v29 =	vsel vm0, v58, v30;
	vm0 =	veq.f32 v59, v40;
	v23 =	vsel vm10, v57, v44  }
0x24e: {  	vm0 =	vmand vm1, vm0;
	v61 =	vnsel vm6, $0x0, v63;
	(erf) = vpow2.f32 v62  }
0x24f: {  	[tilespmem:$0xDC0] =	vst v28;
	vm1 =	veq.s32 v33, $0x6;
	vm6 =	veq.s32 v33, $0x3;
	v30 =	vsel vm3, v58, v61  }
0x250: {  	[tilespmem:$0xEC0] =	vst v24;
	v36 =	vnsel vm6, $0x0, v63;
	vm6 =	vnez.u8 v42;
	v62 =	vmax.f32 v23, v47  }
0x251: {  	[tilespmem:$0xF40] =	vst v25;
	v61 =	vsel vm0, $0x7, v34;
	vm3 =	veq.s32 v0, $0x7;
	v23 =	vsel vm4, v23, v62  }
0x252: {  	[tilespmem:$0xE40] =	vst v26;
	v24 =	vsel vm6, v58, v36;
	vm6 =	veq.s32 v0, $0x4;
	v23 =	vmax.f32 v23, v46  }
0x253: {  	[tilespmem:$0xFC0] =	vst v27;
	v36 =	vnsel vm1, $0x0, v63;
	vm4 =	veq.s32 v33, $0x4;
	v41 =	vsel vm11, v62, v23  }
0x254: {  	[tilespmem:$0x850] =	vst v22;
	v42 =	vld [tilespmem:$0x1FF90];
	vm1 =	veq.f32 v49, v40;
	v57 =	vnsel vm4, $0x0, v63;
	v25 =	vmax.f32 v41, v51  }
0x255: {  	[tilespmem:$0x8D0] =	vst v21;
	vm4 =	vne.s32 v60, $0x6;
	v22 =	vsel vm5, v58, v57;
	v59 =	vsel vm6, v23, v25  }
0x256: {  	[tilespmem:$0x950] =	vst v20;
	vm5 =	veq.s32 v0, $0x5;
	vm0 =	vmand vm4, vm8;
	v62 =	vmax.f32 v59, v53  }
0x257: {  	[tilespmem:$0x9D0] =	vst v16;
	vm4 =	veq.s32 v0, $0x6;
	vm8 =	veq.s32 v33, $0x5;
	v21 =	vsel vm5, v25, v62;
	v25 =	vpop (erf)  }
0x258: {  	[tilespmem:$0xA50] =	vst v19;
	v26 =	vsel vm0, $0x6, v61;
	vm0 =	veq.f32 v54, v40;
	v54 =	vld [tilespmem:$0x1FFA0];
	v27 =	vadd.f32 $1.000000000e+00, v25  }
0x259: {  	[tilespmem:$0xAD0] =	vst v18;
	v32 =	vnsel vm8, $0x0, v63;
	vm8 =	vnez.u8 v42;
	v16 =	vmax.f32 v21, v52  }
0x25a: {  	[tilespmem:$0xB50] =	vst v17;
	vm0 =	vmand vm2, vm0;
	v20 =	vsel vm4, v62, v16;
	(erf) = vrcp.f32 v27  }
0x25b: {  	[tilespmem:$0xBD0] =	vst v15;
	vm2 =	vne.s32 v60, $0x3;
	v56 =	vsel vm0, $0x5, v26;
	v28 =	vmax.f32 v20, v55  }
0x25c: {  	[tilespmem:$0xC50] =	vst v13;
	vm0 =	veq.f32 v50, v40;
	vm2 =	vmand vm2, vm1;
	v15 =	vsel vm3, v16, v28  }
0x25d: {  	[tilespmem:$0xCD0] =	vst v14;
	v16 =	vsel vm8, v58, v32;
	vm8 =	vnez.u8 v54;
	v41 =	vsub.f32 v15, v37  }
0x25e: {  	[tilespmem:$0xD50] =	vst v12;
	vm1 =	veq.s32 v33, $0x7;
	v13 =	vsel vm8, v58, v36;
	vm8 =	vne.s32 v60, $0x4  }
0x25f: {  	[tilespmem:$0xDD0] =	vst v11;
	v17 =	vld [tilespmem:$0x1FFB0];
	vm0 =	vmand vm8, vm0;
	vm8 =	veq.f32 v48, v40;
	v57 =	vmul.f32 $1.442695020e+00, v41  }
0x260: {  	[tilespmem:$0xE50] =	vst v10;
	v59 =	vsel vm0, $0x4, v56;
	vm0 =	vne.s32 v60, $0x2;
	v60 =	vnsel vm1, $0x0, v63  }
0x261: {  	[tilespmem:$0xED0] =	vst v9;
	vm1 =	vmand vm9, vm14;
	vm14 =	veq.f32 v31, v40;
	(erf) = vpow2.f32 v57  }
0x262: {  	[tilespmem:$0xF50] =	vst v8;
	v61 =	vsel vm2, $0x3, v59;
	vm0 =	vmand vm0, vm8;
	vm2 =	vne.f32 v45, v40  }
0x263: {  	[tilespmem:$0x860] =	vst v5;
	vm8 =	vmand vm9, vm14;
	vm2 =	vmor vm1, vm2;
	v18 =	vsel vm0, $0x2, v61;
	v62 =	vpop (erf)  }
0x264: {  	[tilespmem:$0x8E0] =	vst v3;
	v28 =	vld [tilespmem:$0x1FFC0];
	vm14 =	vnez.u8 v17;
	v19 =	vnsel vm2, $0x1, v18;
	v63 =	vmul.f32 v62, v25  }
0x265: {  	[tilespmem:$0x960] =	vst v6;
	v5 =	vsel vm14, v58, v60;
	vm14 =	vmor vm8, vm2;
	v6 =	vsel vm8, $0x0, v19  }
0x266: {  	[tilespmem:$0xFD0] =	vst v7;
	vm2 =	veq.s32 v6, $0x7;
	v20 =	vsel vm14, $0x0, v63;
	v21 =	vnsel vm8, $0x0, v63  }
0x267: {  	[tilespmem:$0xA60] =	vst v2;
	vm14 =	veq.s32 v6, $0x2;
	vm8 =	veq.s32 v6, $0x3;
	v42 =	vnsel vm2, $0x0, v63  }
0x268: {  	[tilespmem:$0x9E0] =	vst v35;
	v23 =	vsel vm9, v21, v62;
	v8 =	vsel vm1, v62, v20;
	vm9 =	veq.s32 v6, $0x4  }
0x269: {  	[tilespmem:$0xB60] =	vst v39;
	v25 =	vnsel vm14, $0x0, v63;
	v26 =	vnsel vm8, $0x0, v63;
	vm14 =	vnez.u8 v28  }
0x26a: {  	[tilespmem:$0xAE0] =	vst v1;
	v33 =	vpop (erf);
	vm8 =	veq.s32 v6, $0x5;
	v27 =	vnsel vm9, $0x0, v63;
	v1 =	vsel vm14, v62, v25  }
0x26b: {  	[tilespmem:$0xBE0] =	vst v4;
	v31 =	vsel vm13, v62, v26;
	vm9 =	veq.f32 v55, v15;
	v35 =	vadd.f32 $1.000000000e+00, v33  }
0x26c: {  	[tilespmem:$0xC60] =	vst v43;
	vm13 =	veq.f32 v52, v15;
	v36 =	vnsel vm8, $0x0, v63;
	vm14 =	vne.s32 v0, $0x7  }
0x26d: {  	[tilespmem:$0xCE0] =	vst v29;
	v40 =	vld [tilespmem:$0x1FFD0];
	vm8 =	veq.f32 v53, v15;
	v32 =	vsel vm7, v62, v27;
	vm0 =	vmand vm14, vm9  }
0x26e: {  	[tilespmem:$0xD60] =	vst v30;
	vm7 =	vne.s32 v0, $0x6;
	v12 =	vsel vm12, v62, v36;
	(erf) = vrcp.f32 v35  }
0x26f: {  	[tilespmem:$0xDE0] =	vst v24;
	vm9 =	vne.s32 v0, $0x5;
	vm12 =	veq.f32 v51, v15;
	vm1 =	vmand vm7, vm13  }
0x270: {  	[tilespmem:$0xE60] =	vst v22;
	v37 =	vsel vm0, $0x7, v34;
	vm0 =	vmand vm9, vm8;
	vm13 =	vne.s32 v0, $0x4  }
0x271: {  	[tilespmem:$0xEE0] =	vst v16;
	v48 =	vld [tilespmem:$0x1FFE0];
	vm8 =	veq.s32 v6, $0x6;
	vm9 =	veq.f32 v46, v15;
	v11 =	vsel vm1, $0x6, v37  }
0x272: {  	[tilespmem:$0xF60] =	vst v13;
	vm14 =	vmand vm13, vm12;
	v39 =	vnsel vm8, $0x0, v63;
	vm12 =	vnez.u8 v40  }
0x273: {  	[tilespmem:$0xFE0] =	vst v5;
	vm13 =	vne.s32 v0, $0x3;
	vm8 =	vne.s32 v0, $0x2;
	v11 =	vsel vm0, $0x5, v11  }
0x274: {  	[tilespmem:$0x870] =	vst v23;
	v2 =	vsel vm12, v62, v39;
	vm0 =	vmand vm13, vm9;
	vm12 =	vmand vm10, vm15  }
0x275: {  	[tilespmem:$0x8F0] =	vst v8;
	vm13 =	vne.f32 v44, v15;
	v41 =	vsel vm14, $0x4, v11;
	vm14 =	veq.f32 v47, v15  }
0x276: {  	[tilespmem:$0x970] =	vst v1;
	vm15 =	vnez.u8 v48;
	v43 =	vsel vm0, $0x3, v41;
	vm9 =	vmand vm8, vm14  }
0x277: {  	[tilespmem:$0x9F0] =	vst v31;
	vm0 =	vmor vm12, vm13;
	vm14 =	veq.f32 v38, v15;
	v45 =	vsel vm9, $0x2, v43;
	v46 =	vpop (erf)  }
0x278: {  	[tilespmem:$0xA70] =	vst v32;
	vm2 =	vmand vm10, vm14;
	v1 =	vnsel vm0, $0x1, v45;
	v47 =	vmul.f32 v46, v33  }
0x279: {  	[tilespmem:$0xAF0] =	vst v12;
	v0 =	vsel vm15, v62, v42;
	v1 =	vsel vm2, $0x0, v1  }
0x27a: {  	v54 =	vld [tilespmem:$0x1FFF0];
	[tilespmem:$0xB70] =	vst v2;
	vm0 =	vmor vm2, vm0;
	vm8 =	veq.s32 v1, $0x2;
	v49 =	vnsel vm2, $0x0, v47  }
0x27b: {  	[tilespmem:$0xBF0] =	vst v0;
	vm9 =	veq.s32 v1, $0x3;
	v51 =	vsel vm0, $0x0, v47;
	v50 =	vsel vm10, v49, v46  }
0x27c: {  	vm13 =	veq.s32 v1, $0x5;
	v55 =	vnsel vm9, $0x0, v47;
	v52 =	vsel vm12, v46, v51;
	[tilespmem:$0xC70] =	vst v50  }
0x27d: {  	vm14 =	veq.s32 v1, $0x6;
	v59 =	vnsel vm13, $0x0, v47;
	v56 =	vsel vm11, v46, v55;
	[tilespmem:$0xCF0] =	vst v52  }
0x27e: {  	vm15 =	veq.s32 v1, $0x7;
	v61 =	vnsel vm14, $0x0, v47;
	v60 =	vsel vm5, v46, v59;
	[tilespmem:$0xDF0] =	vst v56  }
0x27f: {  	v53 =	vnsel vm8, $0x0, v47;
	vm10 =	vnez.u8 v54;
	v62 =	vsel vm4, v46, v61;
	[tilespmem:$0xEF0] =	vst v60  }
0x280: {  	vm12 =	veq.s32 v1, $0x4;
	v1 =	vnsel vm15, $0x0, v47;
	v0 =	vsel vm10, v46, v53;
	[tilespmem:$0xF70] =	vst v62  }
0x281: {  	v57 =	vnsel vm12, $0x0, v47;
	v63 =	vsel vm3, v46, v1;
	[tilespmem:$0xD70] =	vst v0  }
0x282: {  	p0 =	sne.s32 s5, $0x1;
	v58 =	vsel vm6, v46, v57;
	[tilespmem:$0xFF0] =	vst v63  }
.Ltmp1:
0x283: {  	[tilespmem:$0xE70] =	vst v58;
	(pc) =	sbr.rel @p0 .LBB2_2-.Ltmp1, $4  }
0x284: {  	[hbm4b:s3+s6] =	stream.strided.scatter [tilespmem:s9], [sflag:$0x1], $0x800, s7, s6, $0x38;
	[tilespmem:$0x1000] =	vst v63  }
0x285: {  	_ =	swait.ge [sflag:s8], $0x800  }
0x286: {  	[sflag:s8] =	ssyncset.done $0x0  }
0x287: {  	s5 =	sadd.s32 $0xFFFFFFFF, s5;
	[sflag:s8] =	ssyncadd.s32 $0xFFFFF800  }
.LBB2_3:
0x288: {  	_ =	sfence.sel $0x180000  }
0x289: {  	[bflag:$0x0] =	sbarrier.arrive $0xFFFF  }
0x28a: {  	p0 =	sne.s32 s1, $0x0;
	_ =	strace $0x90000047  }
0x28b: {  	s0 =	sadd.s32 @!p0 $0x100000, s0;
	[bflag:$0x2] =	sbarrier.arrive $0xFFFF  }
0x28c: {  	[sflag:s0] =	ssyncadd.tile.s32 @!p0 $0x1;
	_ =	shalt  }
.Lfunc_end2:
_tile_overlayer_lowered:
.L_overlay_start_2:
0x28d: {  	(tag) =	ssettag $0x2  }
0x28e: {  	s0 =	rddreg [dreg:$0x0];
	s2 =	stileid.u32  }
0x28f: {  	s1 =	rddreg [dreg:$0x1];
	p0 =	sne.s32 s2, $0x0  }
0x290: {  	s3 =	rddreg [dreg:$0x2];
	[bflag:$0x3] =	sbarrier.arrive $0xFFFF;
	s2 =	simm.s32 @!p0 $0x1C01  }
0x291: {  	[timem:s3], [sflag:s2] =	dma.local @!p0 [hbm:s0], s1  }
0x292: {  	s0 =	simm.s32 @!p0 $0x1  }
0x293: {  	_ =	swait.ge @!p0 [sflag:s0], s1  }
0x294: {  	s1 =	ssub.s32 @!p0 $0x0, s1;
	[sflag:s0] =	ssyncset.done @!p0 $0x0  }
0x295: {  	[sflag:s0] =	ssyncadd.s32 @!p0 s1  }
0x296: {  	[bflag:$0x3] =	sbarrier.arrive $0xFFFF  }
0x297: {  	_ =	shalt  }

</sc_bundles>
